<compile_context>
chip_gen: v7x
topology: tpu7x:2x2x1
jax: 0.10.2.dev20260603
libtpu: 0.0.44.dev20260713+nightly
codegen_flags: <defaults>
</compile_context>

<pallas_src>
import functools

import jax
import jax.numpy as jnp
from jax import lax
from jax.experimental import pallas as pl
from jax.experimental.pallas import tpu as pltpu
from jax.experimental.pallas import tpu_sc as plsc

N = 50000
E = 800000
G = 64
NF = 64
EF = 32
GF = 16
NB = 3

NC = 2
NS = 16
TILES = NC * NS
CHUNK = 1000
CPT = E // (TILES * CHUNK)
NPT = N // NS

NBLK = 2000
EBLK = 4000
NGB = N // NBLK
CEF = 16
SCHUNK = 250
SCPT = E // (TILES * SCHUNK)
GCH = 500
GCPT = E // (TILES * GCH)

EP = E // 4
BP = EBLK // 4


def _silu(v):
    return v * jax.nn.sigmoid(v)


def _sc_mesh():
    return plsc.VectorSubcoreMesh(core_axis_name="c", subcore_axis_name="s")


def _sc_gather(a, b, row2d, col2d):

    @functools.partial(
        pl.kernel,
        out_type=(jax.ShapeDtypeStruct((E, EF), jnp.float32),
                  jax.ShapeDtypeStruct((E, EF), jnp.float32)),
        mesh=_sc_mesh(),
        compiler_params=pltpu.CompilerParams(use_tc_tiling_on_sc=False),
        scratch_types=[
            [pltpu.VMEM((GCH,), jnp.int32)] * 2,
            [pltpu.VMEM((GCH,), jnp.int32)] * 2,
            [pltpu.VMEM((GCH, EF), jnp.float32)] * 2,
            [pltpu.VMEM((GCH, EF), jnp.float32)] * 2,
            [pltpu.SemaphoreType.DMA] * 2,
            [pltpu.SemaphoreType.DMA] * 2,
        ],
    )
    def k(a_hbm, b_hbm, row_hbm, col_hbm, ga_hbm, gb_hbm,
          rv, cv, bufa, bufb, sema, semb):
        wid = lax.axis_index("s") * NC + lax.axis_index("c")

        def start(c, b):
            g = wid * GCPT + c
            pltpu.sync_copy(row_hbm.at[g], rv[b])
            pltpu.async_copy(a_hbm.at[rv[b]], bufa[b], sema[b])
            pltpu.sync_copy(col_hbm.at[g], cv[b])
            pltpu.async_copy(b_hbm.at[cv[b]], bufb[b], semb[b])

        for b in (0, 1):
            start(b, b)

        @pl.loop(0, GCPT // 2)
        def _(p):
            for b in (0, 1):
                c = p * 2 + b
                base = (wid * GCPT + c) * GCH
                pltpu.make_async_copy(a_hbm.at[rv[b]], bufa[b], sema[b]).wait()
                pltpu.sync_copy(bufa[b], ga_hbm.at[pl.ds(base, GCH)])
                pltpu.make_async_copy(b_hbm.at[cv[b]], bufb[b], semb[b]).wait()
                pltpu.sync_copy(bufb[b], gb_hbm.at[pl.ds(base, GCH)])

                @pl.when(p < GCPT // 2 - 1)
                def _():
                    start(c + 2, b)

    ga, gb = k(a, b, row2d, col2d)
    return ga.reshape(EP, 128), gb.reshape(EP, 128)


def _sc_scatter(ef, col2d, zeros32):

    @functools.partial(
        pl.kernel,
        out_type=jax.ShapeDtypeStruct((NC, N, EF), jnp.float32),
        mesh=_sc_mesh(),
        compiler_params=pltpu.CompilerParams(use_tc_tiling_on_sc=False),
        scratch_types=[
            [pltpu.VMEM((SCHUNK,), jnp.int32)] * 2,
            [pltpu.VMEM((SCHUNK, EF), jnp.float32)] * 2,
            pltpu.VMEM_SHARED((N, EF), jnp.float32),
            [pltpu.SemaphoreType.DMA] * 2,
            [pltpu.SemaphoreType.DMA] * 2,
        ],
    )
    def k(ef_hbm, col_hbm, z_hbm, out_hbm, col_v, ef_v, acc, sc, se):
        cid = lax.axis_index("c")
        sid = lax.axis_index("s")
        wid = sid * NC + cid
        pltpu.sync_copy(z_hbm, acc.at[pl.ds(sid * NPT, NPT)])
        plsc.subcore_barrier()

        def start(c, b):
            g = wid * SCPT + c
            pltpu.async_copy(col_hbm.at[g], col_v[b], sc[b])
            pltpu.async_copy(ef_hbm.at[pl.ds(g * SCHUNK, SCHUNK)], ef_v[b],
                             se[b])

        def finish(c, b):
            g = wid * SCPT + c
            pltpu.make_async_copy(col_hbm.at[g], col_v[b], sc[b]).wait()
            pltpu.make_async_copy(
                ef_hbm.at[pl.ds(g * SCHUNK, SCHUNK)], ef_v[b], se[b]).wait()
            pltpu.sync_copy(ef_v[b], acc.at[col_v[b]], add=True)

        for b in (0, 1):
            start(b, b)

        @pl.loop(0, SCPT // 2)
        def _(p):
            for b in (0, 1):
                c = p * 2 + b
                finish(c, b)

                @pl.when(c + 2 < SCPT)
                def _():
                    start(c + 2, b)

        if SCPT % 2 == 1:
            finish(SCPT - 1, 0)

        plsc.subcore_barrier()
        pltpu.sync_copy(acc.at[pl.ds(sid * NPT, NPT)],
                        out_hbm.at[cid, pl.ds(sid * NPT, NPT)])

    return k(ef.reshape(E, EF), col2d, zeros32)


def _sc_count(col2d, ones16, zeros16):

    @functools.partial(
        pl.kernel,
        out_type=jax.ShapeDtypeStruct((NC, N, CEF), jnp.float32),
        mesh=_sc_mesh(),
        compiler_params=pltpu.CompilerParams(use_tc_tiling_on_sc=False),
        scratch_types=[
            pltpu.VMEM((CHUNK,), jnp.int32),
            pltpu.VMEM((CHUNK, CEF), jnp.float32),
            pltpu.VMEM_SHARED((N, CEF), jnp.float32),
        ],
    )
    def k(col_hbm, ones_hbm, z_hbm, out_hbm, col_v, ones_v, acc):
        cid = lax.axis_index("c")
        sid = lax.axis_index("s")
        wid = sid * NC + cid
        pltpu.sync_copy(z_hbm, acc.at[pl.ds(sid * NPT, NPT)])
        pltpu.sync_copy(ones_hbm, ones_v)
        plsc.subcore_barrier()

        @pl.loop(0, CPT)
        def _(c):
            g = wid * CPT + c
            pltpu.sync_copy(col_hbm.at[g], col_v)
            pltpu.sync_copy(ones_v, acc.at[col_v], add=True)

        plsc.subcore_barrier()
        pltpu.sync_copy(acc.at[pl.ds(sid * NPT, NPT)],
                        out_hbm.at[cid, pl.ds(sid * NPT, NPT)])

    return k(col2d, ones16, zeros16)


def _tc_init(x, emb_pad, wr, wc):

    def body(x_ref, emb_ref, wr_ref, wc_ref, h_ref, a_ref, b_ref):
        io = lax.broadcasted_iota(jnp.int32, (NBLK, 128), 1)
        oh = (x_ref[...] == io).astype(jnp.float32)
        h = jnp.dot(oh, emb_ref[...], preferred_element_type=jnp.float32)
        h_ref[...] = h
        a_ref[...] = jnp.dot(h, wr_ref[...], preferred_element_type=jnp.float32)
        b_ref[...] = jnp.dot(h, wc_ref[...], preferred_element_type=jnp.float32)

    full = lambda s: pl.BlockSpec(s, lambda n: (0,) * len(s))
    return pl.pallas_call(
        body,
        grid=(NGB,),
        in_specs=[
            pl.BlockSpec((NBLK, 1), lambda n: (n, 0)),
            full((128, NF)),
            full((NF, EF)),
            full((NF, EF)),
        ],
        out_specs=[
            pl.BlockSpec((NBLK, NF), lambda n: (n, 0)),
            pl.BlockSpec((NBLK, EF), lambda n: (n, 0)),
            pl.BlockSpec((NBLK, EF), lambda n: (n, 0)),
        ],
        out_shape=[
            jax.ShapeDtypeStruct((N, NF), jnp.float32),
            jax.ShapeDtypeStruct((N, EF), jnp.float32),
            jax.ShapeDtypeStruct((N, EF), jnp.float32),
        ],
    )(x, emb_pad, wr, wc)


def _tc_edge(ga, gb, ef_in, we, b1, w2, b2, first, e1w, e1b, e2w, e2b):

    def body(ga_ref, gb_ref, ef_ref, we_ref, b1_ref, w2_ref, b2_ref,
             e1w_ref, e1b_ref, e2w_ref, e2b_ref, out_ref):
        if first:
            ea = ef_ref[...]
            ef = jnp.dot(_silu(ea * e1w_ref[...] + e1b_ref[...]), e2w_ref[...],
                         preferred_element_type=jnp.float32) + e2b_ref[...]
        else:
            ef = ef_ref[...]
        u = (ga_ref[...] + gb_ref[...]
             + jnp.dot(ef, we_ref[...], preferred_element_type=jnp.float32)
             + b1_ref[...])
        out_ref[...] = ef + jnp.dot(_silu(u), w2_ref[...],
                                    preferred_element_type=jnp.float32) + b2_ref[...]

    full = lambda s: pl.BlockSpec(s, lambda e: (0,) * len(s))
    return pl.pallas_call(
        body,
        grid=(EP // BP,),
        in_specs=[
            pl.BlockSpec((BP, 128), lambda e: (e, 0)),
            pl.BlockSpec((BP, 128), lambda e: (e, 0)),
            pl.BlockSpec((BP, 128), lambda e: (e, 0)),
            full((128, 128)),
            full((1, 128)),
            full((128, 128)),
            full((1, 128)),
            full((1, 128)),
            full((1, 128)),
            full((128, 128)),
            full((1, 128)),
        ],
        out_specs=pl.BlockSpec((BP, 128), lambda e: (e, 0)),
        out_shape=jax.ShapeDtypeStruct((EP, 128), jnp.float32),
    )(ga, gb, ef_in, we, b1, w2, b2, e1w, e1b, e2w, e2b)


def _tc_node(h, part, cnt_in, wnh, wna, b1, w2, b2, first, wr, wc):
    has_next = wr is not None

    def body(*refs):
        it = iter(refs)
        h_ref, p_ref, cnt_ref = next(it), next(it), next(it)
        wnh_ref, wna_ref, b1_ref, w2_ref, b2_ref = (next(it) for _ in range(5))
        wr_ref = next(it) if has_next else None
        wc_ref = next(it) if has_next else None
        hout_ref = next(it)
        cntout_ref = next(it) if first else None
        aout_ref = next(it) if has_next else None
        bout_ref = next(it) if has_next else None

        h_v = h_ref[...]
        p = p_ref[0] + p_ref[1]
        if first:
            cnt = cnt_ref[0, :, 0] + cnt_ref[1, :, 0]
            cntout_ref[...] = cnt[:, None]
        else:
            cnt = cnt_ref[...][:, 0]
        r = 1.0 / jnp.maximum(cnt, 1.0)
        agg = p * r[:, None]
        pre = (jnp.dot(h_v, wnh_ref[...], preferred_element_type=jnp.float32)
               + jnp.dot(agg, wna_ref[...], preferred_element_type=jnp.float32)
               + b1_ref[...])
        hn = h_v + jnp.dot(_silu(pre), w2_ref[...],
                           preferred_element_type=jnp.float32) + b2_ref[...]
        hout_ref[...] = hn
        if has_next:
            aout_ref[...] = jnp.dot(hn, wr_ref[...],
                                    preferred_element_type=jnp.float32)
            bout_ref[...] = jnp.dot(hn, wc_ref[...],
                                    preferred_element_type=jnp.float32)

    full = lambda s: pl.BlockSpec(s, lambda n: (0,) * len(s))
    in_specs = [
        pl.BlockSpec((NBLK, NF), lambda n: (n, 0)),
        pl.BlockSpec((NC, NBLK, EF), lambda n: (0, n, 0)),
        (pl.BlockSpec((NC, NBLK, CEF), lambda n: (0, n, 0)) if first
         else pl.BlockSpec((NBLK, 1), lambda n: (n, 0))),
        full((NF, NF)),
        full((EF, NF)),
        full((1, NF)),
        full((NF, NF)),
        full((1, NF)),
    ]
    inputs = [h, part, cnt_in, wnh, wna, b1, w2, b2]
    if has_next:
        in_specs += [full((NF, EF)), full((NF, EF))]
        inputs += [wr, wc]
    out_specs = [pl.BlockSpec((NBLK, NF), lambda n: (n, 0))]
    out_shape = [jax.ShapeDtypeStruct((N, NF), jnp.float32)]
    if first:
        out_specs.append(pl.BlockSpec((NBLK, 1), lambda n: (n, 0)))
        out_shape.append(jax.ShapeDtypeStruct((N, 1), jnp.float32))
    if has_next:
        out_specs += [pl.BlockSpec((NBLK, EF), lambda n: (n, 0))] * 2
        out_shape += [jax.ShapeDtypeStruct((N, EF), jnp.float32)] * 2
    return pl.pallas_call(
        body,
        grid=(NGB,),
        in_specs=in_specs,
        out_specs=out_specs,
        out_shape=out_shape,
    )(*inputs)


def _tc_pool(h, batch3, o1w, o1b, o2w, o2b):

    def body(b_ref, h_ref, o1w_ref, o1b_ref, o2w_ref, o2b_ref, out_ref,
             gsum, gcnt):
        nb = pl.program_id(0)

        @pl.when(nb == 0)
        def _():
            gsum[...] = jnp.zeros_like(gsum)
            gcnt[...] = jnp.zeros_like(gcnt)

        bt = b_ref[0, 0, :]
        oh = (bt[:, None] == lax.broadcasted_iota(jnp.int32, (NBLK, G), 1)
              ).astype(jnp.float32)
        gsum[...] += lax.dot_general(oh, h_ref[...], (((0,), (0,)), ((), ())),
                                     preferred_element_type=jnp.float32)
        gcnt[...] += jnp.sum(oh, axis=0)[:, None]

        @pl.when(nb == NGB - 1)
        def _():
            gm = gsum[...] / jnp.maximum(gcnt[...], 1.0)
            z = _silu(jnp.dot(gm, o1w_ref[...],
                              preferred_element_type=jnp.float32) + o1b_ref[...])
            out_ref[...] = jnp.dot(z, o2w_ref[...],
                                   preferred_element_type=jnp.float32) + o2b_ref[...]

    full = lambda s: pl.BlockSpec(s, lambda n: (0,) * len(s))
    return pl.pallas_call(
        body,
        grid=(NGB,),
        in_specs=[
            pl.BlockSpec((1, 1, NBLK), lambda n: (n, 0, 0)),
            pl.BlockSpec((NBLK, NF), lambda n: (n, 0)),
            full((NF, GF)),
            full((1, GF)),
            full((GF, 1)),
            full((1, 1)),
        ],
        out_specs=pl.BlockSpec((G, 1), lambda n: (0, 0)),
        out_shape=jax.ShapeDtypeStruct((G, 1), jnp.float32),
        scratch_shapes=[
            pltpu.VMEM((G, NF), jnp.float32),
            pltpu.VMEM((G, 1), jnp.float32),
        ],
    )(batch3, h, o1w, o1b, o2w, o2b)


def kernel(x, edge_index, edge_attr, batch, emb, e1w, e1b, e2w, e2b,
           eu1w, eu1b, eu2w, eu2b, nu1w, nu1b, nu2w, nu2b,
           o1w, o1b, o2w, o2b):
    f32 = jnp.float32
    row2d = edge_index[0].astype(jnp.int32).reshape(E // GCH, GCH)
    col2d = edge_index[1].astype(jnp.int32).reshape(E // GCH, GCH)
    col2dc = edge_index[1].astype(jnp.int32).reshape(E // CHUNK, CHUNK)
    col2ds = edge_index[1].astype(jnp.int32).reshape(E // SCHUNK, SCHUNK)
    ea_p = jnp.repeat(edge_attr.astype(f32).reshape(-1), EF).reshape(EP, 128)
    eye4 = jnp.eye(4, dtype=f32)
    bd = lambda w: jnp.kron(eye4, w.astype(f32))
    t4 = lambda v: jnp.tile(v.astype(f32).reshape(1, -1), (1, 4))
    emb_pad = jnp.zeros((128, NF), f32).at[:100].set(emb.astype(f32))
    batch3 = batch.astype(jnp.int32).reshape(NGB, 1, NBLK)

    zeros32 = jnp.zeros((NPT, EF), f32)
    zeros16 = jnp.zeros((NPT, CEF), f32)
    ones16 = jnp.ones((CHUNK, CEF), f32)

    wr = eu1w[:, :NF, :]
    wc = eu1w[:, NF:2 * NF, :]
    we = eu1w[:, 2 * NF:, :]
    wnh = nu1w[:, :NF, :]
    wna = nu1w[:, NF:, :]

    r2 = lambda v: v.reshape(1, -1)

    cntp = _sc_count(col2dc, ones16, zeros16)

    h, a, b = _tc_init(x.astype(jnp.int32), emb_pad, wr[0], wc[0])
    ef = ea_p
    cnt = None
    for i in range(NB):
        ga, gb = _sc_gather(a, b, row2d, col2d)
        ef = _tc_edge(ga, gb, ef, bd(we[i]), t4(eu1b[i]), bd(eu2w[i]),
                      t4(eu2b[i]), first=(i == 0), e1w=t4(e1w), e1b=t4(e1b),
                      e2w=bd(e2w), e2b=t4(e2b))
        part = _sc_scatter(ef, col2ds, zeros32)
        has_next = i + 1 < NB
        res = _tc_node(h, part, cntp if i == 0 else cnt,
                       wnh[i], wna[i], r2(nu1b[i]), nu2w[i], r2(nu2b[i]),
                       first=(i == 0),
                       wr=wr[i + 1] if has_next else None,
                       wc=wc[i + 1] if has_next else None)
        if i == 0:
            h, cnt, a, b = res
        elif has_next:
            h, a, b = res
        else:
            h = res[0] if isinstance(res, (tuple, list)) else res

    return _tc_pool(h, batch3, o1w, r2(o1b), o2w, r2(o2b))

# --- scband reference (transcript-rebuilt; emitter-appended) ---
"""Pipeline reference for scband-simple-megnet-7292854469260 (READ-ONLY COPY).

The authoritative reference and input builder live on the scoring server;
editing this copy changes nothing except your own understanding.
"""

import jax, jax.numpy as jnp
import numpy as np

N = 50000
E = 800000
G = 64
NF = 64
EF = 32
GF = 16
NB = 3

def silu(v):
    return v * jax.nn.sigmoid(v)

def setup_inputs(seed: int = 0) -> dict:
    key = jax.random.key(seed)
    ks = jax.random.split(key, 24)
    inp = {}
    inp['x'] = jax.random.randint(ks[0], (N, 1), 0, 100)
    inp['edge_index'] = jax.random.randint(ks[1], (2, E), 0, N)
    inp['edge_attr'] = jax.random.uniform(ks[2], (E, 1), dtype=jnp.float32)
    inp['batch'] = jnp.sort(jax.random.randint(ks[3], (N,), 0, G))
    s = 0.1
    inp['emb'] = jax.random.normal(ks[4], (100, NF), dtype=jnp.float32) * s
    inp['e1w'] = jax.random.normal(ks[5], (1, EF), dtype=jnp.float32) * s
    inp['e1b'] = jnp.zeros((EF,), dtype=jnp.float32)
    inp['e2w'] = jax.random.normal(ks[6], (EF, EF), dtype=jnp.float32) * s
    inp['e2b'] = jnp.zeros((EF,), dtype=jnp.float32)
    inp['eu1w'] = jax.random.normal(ks[7], (NB, EF + 2 * NF, EF), dtype=jnp.float32) * s
    inp['eu1b'] = jnp.zeros((NB, EF), dtype=jnp.float32)
    inp['eu2w'] = jax.random.normal(ks[8], (NB, EF, EF), dtype=jnp.float32) * s
    inp['eu2b'] = jnp.zeros((NB, EF), dtype=jnp.float32)
    inp['nu1w'] = jax.random.normal(ks[9], (NB, NF + EF, NF), dtype=jnp.float32) * s
    inp['nu1b'] = jnp.zeros((NB, NF), dtype=jnp.float32)
    inp['nu2w'] = jax.random.normal(ks[10], (NB, NF, NF), dtype=jnp.float32) * s
    inp['nu2b'] = jnp.zeros((NB, NF), dtype=jnp.float32)
    inp['o1w'] = jax.random.normal(ks[11], (NF, GF), dtype=jnp.float32) * s
    inp['o1b'] = jnp.zeros((GF,), dtype=jnp.float32)
    inp['o2w'] = jax.random.normal(ks[12], (GF, 1), dtype=jnp.float32) * s
    inp['o2b'] = jnp.zeros((1,), dtype=jnp.float32)
    return inp

def reference(x, edge_index, edge_attr, batch, emb, e1w, e1b, e2w, e2b, eu1w, eu1b, eu2w, eu2b, nu1w, nu1b, nu2w, nu2b, o1w, o1b, o2w, o2b):
    h = jnp.take(emb, x.squeeze(-1), axis=0)
    ef = silu(edge_attr @ e1w + e1b) @ e2w + e2b
    row = edge_index[0]
    col = edge_index[1]
    ones_e = jnp.ones((E, 1), dtype=jnp.float32)
    for i in range(NB):
        ei = jnp.concatenate([h[row], h[col], ef], axis=-1)
        ef = ef + (silu(ei @ eu1w[i] + eu1b[i]) @ eu2w[i] + eu2b[i])
        agg_sum = jax.ops.segment_sum(ef, col, num_segments=N)
        cnt = jax.ops.segment_sum(ones_e, col, num_segments=N)
        agg = agg_sum / jnp.maximum(cnt, 1.0)
        ni = jnp.concatenate([h, agg], axis=-1)
        h = h + (silu(ni @ nu1w[i] + nu1b[i]) @ nu2w[i] + nu2b[i])
    gsum = jax.ops.segment_sum(h, batch, num_segments=G)
    gcnt = jax.ops.segment_sum(jnp.ones((N, 1), dtype=jnp.float32), batch, num_segments=G)
    gm = gsum / jnp.maximum(gcnt, 1.0)
    return silu(gm @ o1w + o1b) @ o2w + o2b

if __name__ == "__main__":
    import jax
    _d = setup_inputs()
    print(jax.jit(kernel)(*tuple(_d.values())))

</pallas_src>

<mosaic_0001>
#map = affine_map<(d0, d1) -> (0, 0)>
#map1 = affine_map<(d0, d1) -> (0, 0, 0)>
module attributes {stable_mosaic.version = 14 : i64} {
  func.func @k(%arg0: i32, %arg1: i32, %arg2: memref<800x1000xi32, #tpu.memory_space<hbm>>, %arg3: memref<1000x16xf32, #tpu.memory_space<hbm>>, %arg4: memref<3125x16xf32, #tpu.memory_space<hbm>>, %arg5: memref<2x50000x16xf32, #tpu.memory_space<hbm>>, %arg6: memref<1000xi32, #tpu.memory_space<vmem>>, %arg7: memref<1000x16xf32, #tpu.memory_space<vmem>>, %arg8: memref<50000x16xf32, #tpu.memory_space<vmem_shared>>) attributes {dimension_semantics = [#tpu.dimension_semantics<core_parallel>, #tpu.dimension_semantics<subcore_parallel>], iteration_bounds = array<i64: 2, 16>, scalar_prefetch = 0 : i64, scratch_operands = 3 : i64, tpu.core_type = #tpu.core_type<sc_vector_subcore>, window_params = [{transform_indices = #map}, {transform_indices = #map}, {transform_indices = #map}, {transform_indices = #map1}]} {
    %mul3A = arith.constant 2 : i32
    %mul3A_0 = arith.muli %arg1, %mul3A : i32
    %add3A = arith.addi %mul3A_0, %arg0 : i32
    %mul3A_1 = arith.constant 3125 : i32
    %mul3A_2 = arith.muli %arg1, %mul3A_1 : i32
    "tpu.region"() ({
      %run_scoped3A = tpu.sem_alloc : memref<!tpu.dma_semaphore, #tpu.memory_space<semaphore_mem>>
      %dma_start3A = arith.constant 0 : i32
      %dma_start3A_12 = tpu.memref_slice %arg8[%mul3A_2, %dma_start3A] : memref<50000x16xf32, #tpu.memory_space<vmem_shared>> -> memref<3125x16xf32, #tpu.memory_space<vmem_shared>>
      tpu.enqueue_dma source(%arg4 : memref<3125x16xf32, #tpu.memory_space<hbm>>) target(%dma_start3A_12 : memref<3125x16xf32, #tpu.memory_space<vmem_shared>>) target_semaphore(%run_scoped3A : memref<!tpu.dma_semaphore, #tpu.memory_space<semaphore_mem>>)
      %dma_wait3A = arith.constant 0 : i32
      %dma_wait3A_13 = tpu.memref_slice %arg8[%mul3A_2, %dma_wait3A] : memref<50000x16xf32, #tpu.memory_space<vmem_shared>> -> memref<3125x16xf32, #tpu.memory_space<vmem_shared>>
      tpu.wait_dma2 semaphore(%run_scoped3A : memref<!tpu.dma_semaphore, #tpu.memory_space<semaphore_mem>>) src(%arg4 : memref<3125x16xf32, #tpu.memory_space<hbm>>) dst(%dma_wait3A_13 : memref<3125x16xf32, #tpu.memory_space<vmem_shared>>)
      tpu.yield
    }) : () -> ()
    "tpu.region"() ({
      %run_scoped3A = tpu.sem_alloc : memref<!tpu.dma_semaphore, #tpu.memory_space<semaphore_mem>>
      tpu.enqueue_dma source(%arg3 : memref<1000x16xf32, #tpu.memory_space<hbm>>) target(%arg7 : memref<1000x16xf32, #tpu.memory_space<vmem>>) target_semaphore(%run_scoped3A : memref<!tpu.dma_semaphore, #tpu.memory_space<semaphore_mem>>)
      tpu.wait_dma2 semaphore(%run_scoped3A : memref<!tpu.dma_semaphore, #tpu.memory_space<semaphore_mem>>) src(%arg3 : memref<1000x16xf32, #tpu.memory_space<hbm>>) dst(%arg7 : memref<1000x16xf32, #tpu.memory_space<vmem>>)
      tpu.yield
    }) : () -> ()
    %barrier3A = arith.constant 0 : index
    tpu.barrier barrier_id(%barrier3A)
    %scan3A = arith.constant 0 : i32
    %scan3A_3 = arith.constant 25 : i32
    %scan3A_4 = arith.addi %scan3A, %scan3A_3 : i32
    %scan3A_5 = arith.constant 1 : i32
    scf.for %scan3A_12 = %scan3A to %scan3A_4 step %scan3A_5  : i32 {
      %mul3A_13 = arith.constant 1 : i32
      %mul3A_14 = arith.muli %scan3A_12, %mul3A_13 : i32
      %add3A_15 = arith.constant 0 : i32
      %add3A_16 = arith.addi %add3A_15, %mul3A_14 : i32
      %mul3A_17 = arith.constant 25 : i32
      %mul3A_18 = arith.muli %add3A, %mul3A_17 : i32
      %add3A_19 = arith.addi %mul3A_18, %add3A_16 : i32
      "tpu.region"() ({
        %run_scoped3A = tpu.sem_alloc : memref<!tpu.dma_semaphore, #tpu.memory_space<semaphore_mem>>
        %dma_start3A = arith.constant 0 : i32
        %dma_start3A_20 = tpu.memref_slice %arg2[%add3A_19, %dma_start3A] : memref<800x1000xi32, #tpu.memory_space<hbm>> -> memref<1x1000xi32, #tpu.memory_space<hbm>>
        %dma_start3A_21 = tpu.memref_squeeze %dma_start3A_20 : memref<1x1000xi32, #tpu.memory_space<hbm>> -> memref<1000xi32, #tpu.memory_space<hbm>>
        %dma_start3A_22 = arith.constant 0 : i32
        %dma_start3A_23 = tpu.memref_slice %arg2[%add3A_19, %dma_start3A_22] : memref<800x1000xi32, #tpu.memory_space<hbm>> -> memref<1x1000xi32, #tpu.memory_space<hbm>>
        %dma_start3A_24 = tpu.memref_squeeze %dma_start3A_23 : memref<1x1000xi32, #tpu.memory_space<hbm>> -> memref<1000xi32, #tpu.memory_space<hbm>>
        tpu.enqueue_dma source(%dma_start3A_24 : memref<1000xi32, #tpu.memory_space<hbm>>) target(%arg6 : memref<1000xi32, #tpu.memory_space<vmem>>) target_semaphore(%run_scoped3A : memref<!tpu.dma_semaphore, #tpu.memory_space<semaphore_mem>>)
        %dma_wait3A = arith.constant 0 : i32
        %dma_wait3A_25 = tpu.memref_slice %arg2[%add3A_19, %dma_wait3A] : memref<800x1000xi32, #tpu.memory_space<hbm>> -> memref<1x1000xi32, #tpu.memory_space<hbm>>
        %dma_wait3A_26 = tpu.memref_squeeze %dma_wait3A_25 : memref<1x1000xi32, #tpu.memory_space<hbm>> -> memref<1000xi32, #tpu.memory_space<hbm>>
        %dma_wait3A_27 = arith.constant 0 : i32
        %dma_wait3A_28 = tpu.memref_slice %arg2[%add3A_19, %dma_wait3A_27] : memref<800x1000xi32, #tpu.memory_space<hbm>> -> memref<1x1000xi32, #tpu.memory_space<hbm>>
        %dma_wait3A_29 = tpu.memref_squeeze %dma_wait3A_28 : memref<1x1000xi32, #tpu.memory_space<hbm>> -> memref<1000xi32, #tpu.memory_space<hbm>>
        tpu.wait_dma2 semaphore(%run_scoped3A : memref<!tpu.dma_semaphore, #tpu.memory_space<semaphore_mem>>) src(%dma_wait3A_29 : memref<1000xi32, #tpu.memory_space<hbm>>) dst(%arg6 : memref<1000xi32, #tpu.memory_space<vmem>>)
        tpu.yield
      }) : () -> ()
      "tpu.region"() ({
        %run_scoped3A = tpu.sem_alloc : memref<!tpu.dma_semaphore, #tpu.memory_space<semaphore_mem>>
        %dma_start3A = arith.constant 0 : i32
        %dma_start3A_20 = arith.constant 0 : i32
        %dma_start3A_21 = tpu.memref_slice %arg8[%dma_start3A, %dma_start3A_20] : memref<50000x16xf32, #tpu.memory_space<vmem_shared>> -> memref<50000x16xf32, #tpu.memory_space<vmem_shared>>
        tpu.enqueue_indirect_dma source(%arg7 : memref<1000x16xf32, #tpu.memory_space<vmem>>) target(%dma_start3A_21 : memref<50000x16xf32, #tpu.memory_space<vmem_shared>>) offsets(%arg6 : memref<1000xi32, #tpu.memory_space<vmem>>) semaphore(%run_scoped3A : memref<!tpu.dma_semaphore, #tpu.memory_space<semaphore_mem>>) {add = true}
        %dma_wait3A = arith.constant 0 : i32
        %dma_wait3A_22 = arith.constant 0 : i32
        %dma_wait3A_23 = tpu.memref_slice %arg8[%dma_wait3A, %dma_wait3A_22] : memref<50000x16xf32, #tpu.memory_space<vmem_shared>> -> memref<50000x16xf32, #tpu.memory_space<vmem_shared>>
        tpu.wait_indirect_dma semaphore(%run_scoped3A : memref<!tpu.dma_semaphore, #tpu.memory_space<semaphore_mem>>) src(%arg7 : memref<1000x16xf32, #tpu.memory_space<vmem>>) dst(%dma_wait3A_23 : memref<50000x16xf32, #tpu.memory_space<vmem_shared>>)
        tpu.yield
      }) : () -> ()
    }
    %scan3A_6 = arith.constant 25 : i32
    %barrier3A_7 = arith.constant 0 : index
    tpu.barrier barrier_id(%barrier3A_7)
    %mul3A_8 = arith.constant 3125 : i32
    %mul3A_9 = arith.muli %arg1, %mul3A_8 : i32
    %mul3A_10 = arith.constant 3125 : i32
    %mul3A_11 = arith.muli %arg1, %mul3A_10 : i32
    "tpu.region"() ({
      %run_scoped3A = tpu.sem_alloc : memref<!tpu.dma_semaphore, #tpu.memory_space<semaphore_mem>>
      %dma_start3A = arith.constant 0 : i32
      %dma_start3A_12 = tpu.memref_slice %arg5[%arg0, %mul3A_11, %dma_start3A] : memref<2x50000x16xf32, #tpu.memory_space<hbm>> -> memref<1x3125x16xf32, #tpu.memory_space<hbm>>
      %dma_start3A_13 = tpu.memref_squeeze %dma_start3A_12 : memref<1x3125x16xf32, #tpu.memory_space<hbm>> -> memref<3125x16xf32, #tpu.memory_space<hbm>>
      %dma_start3A_14 = arith.constant 0 : i32
      %dma_start3A_15 = tpu.memref_slice %arg8[%mul3A_9, %dma_start3A_14] : memref<50000x16xf32, #tpu.memory_space<vmem_shared>> -> memref<3125x16xf32, #tpu.memory_space<vmem_shared>>
      tpu.enqueue_dma source(%dma_start3A_15 : memref<3125x16xf32, #tpu.memory_space<vmem_shared>>) target(%dma_start3A_13 : memref<3125x16xf32, #tpu.memory_space<hbm>>) target_semaphore(%run_scoped3A : memref<!tpu.dma_semaphore, #tpu.memory_space<semaphore_mem>>)
      %dma_wait3A = arith.constant 0 : i32
      %dma_wait3A_16 = tpu.memref_slice %arg5[%arg0, %mul3A_11, %dma_wait3A] : memref<2x50000x16xf32, #tpu.memory_space<hbm>> -> memref<1x3125x16xf32, #tpu.memory_space<hbm>>
      %dma_wait3A_17 = tpu.memref_squeeze %dma_wait3A_16 : memref<1x3125x16xf32, #tpu.memory_space<hbm>> -> memref<3125x16xf32, #tpu.memory_space<hbm>>
      %dma_wait3A_18 = arith.constant 0 : i32
      %dma_wait3A_19 = tpu.memref_slice %arg8[%mul3A_9, %dma_wait3A_18] : memref<50000x16xf32, #tpu.memory_space<vmem_shared>> -> memref<3125x16xf32, #tpu.memory_space<vmem_shared>>
      tpu.wait_dma2 semaphore(%run_scoped3A : memref<!tpu.dma_semaphore, #tpu.memory_space<semaphore_mem>>) src(%dma_wait3A_19 : memref<3125x16xf32, #tpu.memory_space<vmem_shared>>) dst(%dma_wait3A_17 : memref<3125x16xf32, #tpu.memory_space<hbm>>)
      tpu.yield
    }) : () -> ()
    return
  }
}

#map = affine_map<(d0, d1) -> (0, 0)>
module attributes {stable_mosaic.version = 14 : i64} {
  func.func @k(%arg0: i32, %arg1: i32, %arg2: memref<50000x32xf32, #tpu.memory_space<hbm>>, %arg3: memref<50000x32xf32, #tpu.memory_space<hbm>>, %arg4: memref<1600x500xi32, #tpu.memory_space<hbm>>, %arg5: memref<1600x500xi32, #tpu.memory_space<hbm>>, %arg6: memref<800000x32xf32, #tpu.memory_space<hbm>>, %arg7: memref<800000x32xf32, #tpu.memory_space<hbm>>, %arg8: memref<500xi32, #tpu.memory_space<vmem>>, %arg9: memref<500xi32, #tpu.memory_space<vmem>>, %arg10: memref<500xi32, #tpu.memory_space<vmem>>, %arg11: memref<500xi32, #tpu.memory_space<vmem>>, %arg12: memref<500x32xf32, #tpu.memory_space<vmem>>, %arg13: memref<500x32xf32, #tpu.memory_space<vmem>>, %arg14: memref<500x32xf32, #tpu.memory_space<vmem>>, %arg15: memref<500x32xf32, #tpu.memory_space<vmem>>, %arg16: memref<!tpu.dma_semaphore, #tpu.memory_space<semaphore_mem>>, %arg17: memref<!tpu.dma_semaphore, #tpu.memory_space<semaphore_mem>>, %arg18: memref<!tpu.dma_semaphore, #tpu.memory_space<semaphore_mem>>, %arg19: memref<!tpu.dma_semaphore, #tpu.memory_space<semaphore_mem>>) attributes {dimension_semantics = [#tpu.dimension_semantics<core_parallel>, #tpu.dimension_semantics<subcore_parallel>], iteration_bounds = array<i64: 2, 16>, scalar_prefetch = 0 : i64, scratch_operands = 12 : i64, tpu.core_type = #tpu.core_type<sc_vector_subcore>, window_params = [{transform_indices = #map}, {transform_indices = #map}, {transform_indices = #map}, {transform_indices = #map}, {transform_indices = #map}, {transform_indices = #map}]} {
    %mul3A = arith.constant 2 : i32
    %mul3A_0 = arith.muli %arg1, %mul3A : i32
    %add3A = arith.addi %mul3A_0, %arg0 : i32
    %mul3A_1 = arith.constant 50 : i32
    %mul3A_2 = arith.muli %add3A, %mul3A_1 : i32
    %add3A_3 = arith.constant 0 : i32
    %add3A_4 = arith.addi %mul3A_2, %add3A_3 : i32
    "tpu.region"() ({
      %run_scoped3A = tpu.sem_alloc : memref<!tpu.dma_semaphore, #tpu.memory_space<semaphore_mem>>
      %dma_start3A_24 = arith.constant 0 : i32
      %dma_start3A_25 = tpu.memref_slice %arg4[%add3A_4, %dma_start3A_24] : memref<1600x500xi32, #tpu.memory_space<hbm>> -> memref<1x500xi32, #tpu.memory_space<hbm>>
      %dma_start3A_26 = tpu.memref_squeeze %dma_start3A_25 : memref<1x500xi32, #tpu.memory_space<hbm>> -> memref<500xi32, #tpu.memory_space<hbm>>
      %dma_start3A_27 = arith.constant 0 : i32
      %dma_start3A_28 = tpu.memref_slice %arg4[%add3A_4, %dma_start3A_27] : memref<1600x500xi32, #tpu.memory_space<hbm>> -> memref<1x500xi32, #tpu.memory_space<hbm>>
      %dma_start3A_29 = tpu.memref_squeeze %dma_start3A_28 : memref<1x500xi32, #tpu.memory_space<hbm>> -> memref<500xi32, #tpu.memory_space<hbm>>
      tpu.enqueue_dma source(%dma_start3A_29 : memref<500xi32, #tpu.memory_space<hbm>>) target(%arg8 : memref<500xi32, #tpu.memory_space<vmem>>) target_semaphore(%run_scoped3A : memref<!tpu.dma_semaphore, #tpu.memory_space<semaphore_mem>>)
      %dma_wait3A = arith.constant 0 : i32
      %dma_wait3A_30 = tpu.memref_slice %arg4[%add3A_4, %dma_wait3A] : memref<1600x500xi32, #tpu.memory_space<hbm>> -> memref<1x500xi32, #tpu.memory_space<hbm>>
      %dma_wait3A_31 = tpu.memref_squeeze %dma_wait3A_30 : memref<1x500xi32, #tpu.memory_space<hbm>> -> memref<500xi32, #tpu.memory_space<hbm>>
      %dma_wait3A_32 = arith.constant 0 : i32
      %dma_wait3A_33 = tpu.memref_slice %arg4[%add3A_4, %dma_wait3A_32] : memref<1600x500xi32, #tpu.memory_space<hbm>> -> memref<1x500xi32, #tpu.memory_space<hbm>>
      %dma_wait3A_34 = tpu.memref_squeeze %dma_wait3A_33 : memref<1x500xi32, #tpu.memory_space<hbm>> -> memref<500xi32, #tpu.memory_space<hbm>>
      tpu.wait_dma2 semaphore(%run_scoped3A : memref<!tpu.dma_semaphore, #tpu.memory_space<semaphore_mem>>) src(%dma_wait3A_34 : memref<500xi32, #tpu.memory_space<hbm>>) dst(%arg8 : memref<500xi32, #tpu.memory_space<vmem>>)
      tpu.yield
    }) : () -> ()
    %dma_start3A = arith.constant 0 : i32
    %dma_start3A_5 = arith.constant 0 : i32
    %dma_start3A_6 = tpu.memref_slice %arg2[%dma_start3A, %dma_start3A_5] : memref<50000x32xf32, #tpu.memory_space<hbm>> -> memref<50000x32xf32, #tpu.memory_space<hbm>>
    tpu.enqueue_indirect_dma source(%dma_start3A_6 : memref<50000x32xf32, #tpu.memory_space<hbm>>) target(%arg12 : memref<500x32xf32, #tpu.memory_space<vmem>>) offsets(%arg8 : memref<500xi32, #tpu.memory_space<vmem>>) semaphore(%arg16 : memref<!tpu.dma_semaphore, #tpu.memory_space<semaphore_mem>>)
    "tpu.region"() ({
      %run_scoped3A = tpu.sem_alloc : memref<!tpu.dma_semaphore, #tpu.memory_space<semaphore_mem>>
      %dma_start3A_24 = arith.constant 0 : i32
      %dma_start3A_25 = tpu.memref_slice %arg5[%add3A_4, %dma_start3A_24] : memref<1600x500xi32, #tpu.memory_space<hbm>> -> memref<1x500xi32, #tpu.memory_space<hbm>>
      %dma_start3A_26 = tpu.memref_squeeze %dma_start3A_25 : memref<1x500xi32, #tpu.memory_space<hbm>> -> memref<500xi32, #tpu.memory_space<hbm>>
      %dma_start3A_27 = arith.constant 0 : i32
      %dma_start3A_28 = tpu.memref_slice %arg5[%add3A_4, %dma_start3A_27] : memref<1600x500xi32, #tpu.memory_space<hbm>> -> memref<1x500xi32, #tpu.memory_space<hbm>>
      %dma_start3A_29 = tpu.memref_squeeze %dma_start3A_28 : memref<1x500xi32, #tpu.memory_space<hbm>> -> memref<500xi32, #tpu.memory_space<hbm>>
      tpu.enqueue_dma source(%dma_start3A_29 : memref<500xi32, #tpu.memory_space<hbm>>) target(%arg10 : memref<500xi32, #tpu.memory_space<vmem>>) target_semaphore(%run_scoped3A : memref<!tpu.dma_semaphore, #tpu.memory_space<semaphore_mem>>)
      %dma_wait3A = arith.constant 0 : i32
      %dma_wait3A_30 = tpu.memref_slice %arg5[%add3A_4, %dma_wait3A] : memref<1600x500xi32, #tpu.memory_space<hbm>> -> memref<1x500xi32, #tpu.memory_space<hbm>>
      %dma_wait3A_31 = tpu.memref_squeeze %dma_wait3A_30 : memref<1x500xi32, #tpu.memory_space<hbm>> -> memref<500xi32, #tpu.memory_space<hbm>>
      %dma_wait3A_32 = arith.constant 0 : i32
      %dma_wait3A_33 = tpu.memref_slice %arg5[%add3A_4, %dma_wait3A_32] : memref<1600x500xi32, #tpu.memory_space<hbm>> -> memref<1x500xi32, #tpu.memory_space<hbm>>
      %dma_wait3A_34 = tpu.memref_squeeze %dma_wait3A_33 : memref<1x500xi32, #tpu.memory_space<hbm>> -> memref<500xi32, #tpu.memory_space<hbm>>
      tpu.wait_dma2 semaphore(%run_scoped3A : memref<!tpu.dma_semaphore, #tpu.memory_space<semaphore_mem>>) src(%dma_wait3A_34 : memref<500xi32, #tpu.memory_space<hbm>>) dst(%arg10 : memref<500xi32, #tpu.memory_space<vmem>>)
      tpu.yield
    }) : () -> ()
    %dma_start3A_7 = arith.constant 0 : i32
    %dma_start3A_8 = arith.constant 0 : i32
    %dma_start3A_9 = tpu.memref_slice %arg3[%dma_start3A_7, %dma_start3A_8] : memref<50000x32xf32, #tpu.memory_space<hbm>> -> memref<50000x32xf32, #tpu.memory_space<hbm>>
    tpu.enqueue_indirect_dma source(%dma_start3A_9 : memref<50000x32xf32, #tpu.memory_space<hbm>>) target(%arg14 : memref<500x32xf32, #tpu.memory_space<vmem>>) offsets(%arg10 : memref<500xi32, #tpu.memory_space<vmem>>) semaphore(%arg18 : memref<!tpu.dma_semaphore, #tpu.memory_space<semaphore_mem>>)
    %mul3A_10 = arith.constant 50 : i32
    %mul3A_11 = arith.muli %add3A, %mul3A_10 : i32
    %add3A_12 = arith.constant 1 : i32
    %add3A_13 = arith.addi %mul3A_11, %add3A_12 : i32
    "tpu.region"() ({
      %run_scoped3A = tpu.sem_alloc : memref<!tpu.dma_semaphore, #tpu.memory_space<semaphore_mem>>
      %dma_start3A_24 = arith.constant 0 : i32
      %dma_start3A_25 = tpu.memref_slice %arg4[%add3A_13, %dma_start3A_24] : memref<1600x500xi32, #tpu.memory_space<hbm>> -> memref<1x500xi32, #tpu.memory_space<hbm>>
      %dma_start3A_26 = tpu.memref_squeeze %dma_start3A_25 : memref<1x500xi32, #tpu.memory_space<hbm>> -> memref<500xi32, #tpu.memory_space<hbm>>
      %dma_start3A_27 = arith.constant 0 : i32
      %dma_start3A_28 = tpu.memref_slice %arg4[%add3A_13, %dma_start3A_27] : memref<1600x500xi32, #tpu.memory_space<hbm>> -> memref<1x500xi32, #tpu.memory_space<hbm>>
      %dma_start3A_29 = tpu.memref_squeeze %dma_start3A_28 : memref<1x500xi32, #tpu.memory_space<hbm>> -> memref<500xi32, #tpu.memory_space<hbm>>
      tpu.enqueue_dma source(%dma_start3A_29 : memref<500xi32, #tpu.memory_space<hbm>>) target(%arg9 : memref<500xi32, #tpu.memory_space<vmem>>) target_semaphore(%run_scoped3A : memref<!tpu.dma_semaphore, #tpu.memory_space<semaphore_mem>>)
      %dma_wait3A = arith.constant 0 : i32
      %dma_wait3A_30 = tpu.memref_slice %arg4[%add3A_13, %dma_wait3A] : memref<1600x500xi32, #tpu.memory_space<hbm>> -> memref<1x500xi32, #tpu.memory_space<hbm>>
      %dma_wait3A_31 = tpu.memref_squeeze %dma_wait3A_30 : memref<1x500xi32, #tpu.memory_space<hbm>> -> memref<500xi32, #tpu.memory_space<hbm>>
      %dma_wait3A_32 = arith.constant 0 : i32
      %dma_wait3A_33 = tpu.memref_slice %arg4[%add3A_13, %dma_wait3A_32] : memref<1600x500xi32, #tpu.memory_space<hbm>> -> memref<1x500xi32, #tpu.memory_space<hbm>>
      %dma_wait3A_34 = tpu.memref_squeeze %dma_wait3A_33 : memref<1x500xi32, #tpu.memory_space<hbm>> -> memref<500xi32, #tpu.memory_space<hbm>>
      tpu.wait_dma2 semaphore(%run_scoped3A : memref<!tpu.dma_semaphore, #tpu.memory_space<semaphore_mem>>) src(%dma_wait3A_34 : memref<500xi32, #tpu.memory_space<hbm>>) dst(%arg9 : memref<500xi32, #tpu.memory_space<vmem>>)
      tpu.yield
    }) : () -> ()
    %dma_start3A_14 = arith.constant 0 : i32
    %dma_start3A_15 = arith.constant 0 : i32
    %dma_start3A_16 = tpu.memref_slice %arg2[%dma_start3A_14, %dma_start3A_15] : memref<50000x32xf32, #tpu.memory_space<hbm>> -> memref<50000x32xf32, #tpu.memory_space<hbm>>
    tpu.enqueue_indirect_dma source(%dma_start3A_16 : memref<50000x32xf32, #tpu.memory_space<hbm>>) target(%arg13 : memref<500x32xf32, #tpu.memory_space<vmem>>) offsets(%arg9 : memref<500xi32, #tpu.memory_space<vmem>>) semaphore(%arg17 : memref<!tpu.dma_semaphore, #tpu.memory_space<semaphore_mem>>)
    "tpu.region"() ({
      %run_scoped3A = tpu.sem_alloc : memref<!tpu.dma_semaphore, #tpu.memory_space<semaphore_mem>>
      %dma_start3A_24 = arith.constant 0 : i32
      %dma_start3A_25 = tpu.memref_slice %arg5[%add3A_13, %dma_start3A_24] : memref<1600x500xi32, #tpu.memory_space<hbm>> -> memref<1x500xi32, #tpu.memory_space<hbm>>
      %dma_start3A_26 = tpu.memref_squeeze %dma_start3A_25 : memref<1x500xi32, #tpu.memory_space<hbm>> -> memref<500xi32, #tpu.memory_space<hbm>>
      %dma_start3A_27 = arith.constant 0 : i32
      %dma_start3A_28 = tpu.memref_slice %arg5[%add3A_13, %dma_start3A_27] : memref<1600x500xi32, #tpu.memory_space<hbm>> -> memref<1x500xi32, #tpu.memory_space<hbm>>
      %dma_start3A_29 = tpu.memref_squeeze %dma_start3A_28 : memref<1x500xi32, #tpu.memory_space<hbm>> -> memref<500xi32, #tpu.memory_space<hbm>>
      tpu.enqueue_dma source(%dma_start3A_29 : memref<500xi32, #tpu.memory_space<hbm>>) target(%arg11 : memref<500xi32, #tpu.memory_space<vmem>>) target_semaphore(%run_scoped3A : memref<!tpu.dma_semaphore, #tpu.memory_space<semaphore_mem>>)
      %dma_wait3A = arith.constant 0 : i32
      %dma_wait3A_30 = tpu.memref_slice %arg5[%add3A_13, %dma_wait3A] : memref<1600x500xi32, #tpu.memory_space<hbm>> -> memref<1x500xi32, #tpu.memory_space<hbm>>
      %dma_wait3A_31 = tpu.memref_squeeze %dma_wait3A_30 : memref<1x500xi32, #tpu.memory_space<hbm>> -> memref<500xi32, #tpu.memory_space<hbm>>
      %dma_wait3A_32 = arith.constant 0 : i32
      %dma_wait3A_33 = tpu.memref_slice %arg5[%add3A_13, %dma_wait3A_32] : memref<1600x500xi32, #tpu.memory_space<hbm>> -> memref<1x500xi32, #tpu.memory_space<hbm>>
      %dma_wait3A_34 = tpu.memref_squeeze %dma_wait3A_33 : memref<1x500xi32, #tpu.memory_space<hbm>> -> memref<500xi32, #tpu.memory_space<hbm>>
      tpu.wait_dma2 semaphore(%run_scoped3A : memref<!tpu.dma_semaphore, #tpu.memory_space<semaphore_mem>>) src(%dma_wait3A_34 : memref<500xi32, #tpu.memory_space<hbm>>) dst(%arg11 : memref<500xi32, #tpu.memory_space<vmem>>)
      tpu.yield
    }) : () -> ()
    %dma_start3A_17 = arith.constant 0 : i32
    %dma_start3A_18 = arith.constant 0 : i32
    %dma_start3A_19 = tpu.memref_slice %arg3[%dma_start3A_17, %dma_start3A_18] : memref<50000x32xf32, #tpu.memory_space<hbm>> -> memref<50000x32xf32, #tpu.memory_space<hbm>>
    tpu.enqueue_indirect_dma source(%dma_start3A_19 : memref<50000x32xf32, #tpu.memory_space<hbm>>) target(%arg15 : memref<500x32xf32, #tpu.memory_space<vmem>>) offsets(%arg11 : memref<500xi32, #tpu.memory_space<vmem>>) semaphore(%arg19 : memref<!tpu.dma_semaphore, #tpu.memory_space<semaphore_mem>>)
    %scan3A = arith.constant 0 : i32
    %scan3A_20 = arith.constant 25 : i32
    %scan3A_21 = arith.addi %scan3A, %scan3A_20 : i32
    %scan3A_22 = arith.constant 1 : i32
    scf.for %scan3A_24 = %scan3A to %scan3A_21 step %scan3A_22  : i32 {
      %mul3A_25 = arith.constant 1 : i32
      %mul3A_26 = arith.muli %scan3A_24, %mul3A_25 : i32
      %add3A_27 = arith.constant 0 : i32
      %add3A_28 = arith.addi %add3A_27, %mul3A_26 : i32
      %mul3A_29 = arith.constant 2 : i32
      %mul3A_30 = arith.muli %add3A_28, %mul3A_29 : i32
      %add3A_31 = arith.constant 0 : i32
      %add3A_32 = arith.addi %mul3A_30, %add3A_31 : i32
      %mul3A_33 = arith.constant 50 : i32
      %mul3A_34 = arith.muli %add3A, %mul3A_33 : i32
      %add3A_35 = arith.addi %mul3A_34, %add3A_32 : i32
      %mul3A_36 = arith.constant 500 : i32
      %mul3A_37 = arith.muli %add3A_35, %mul3A_36 : i32
      %dma_wait3A = arith.constant 0 : i32
      %dma_wait3A_38 = arith.constant 0 : i32
      %dma_wait3A_39 = tpu.memref_slice %arg2[%dma_wait3A, %dma_wait3A_38] : memref<50000x32xf32, #tpu.memory_space<hbm>> -> memref<50000x32xf32, #tpu.memory_space<hbm>>
      tpu.wait_indirect_dma semaphore(%arg16 : memref<!tpu.dma_semaphore, #tpu.memory_space<semaphore_mem>>) src(%dma_wait3A_39 : memref<50000x32xf32, #tpu.memory_space<hbm>>) dst(%arg12 : memref<500x32xf32, #tpu.memory_space<vmem>>)
      "tpu.region"() ({
        %run_scoped3A = tpu.sem_alloc : memref<!tpu.dma_semaphore, #tpu.memory_space<semaphore_mem>>
        %dma_start3A_65 = arith.constant 0 : i32
        %dma_start3A_66 = tpu.memref_slice %arg6[%mul3A_37, %dma_start3A_65] : memref<800000x32xf32, #tpu.memory_space<hbm>> -> memref<500x32xf32, #tpu.memory_space<hbm>>
        %dma_start3A_67 = arith.constant 0 : i32
        %dma_start3A_68 = tpu.memref_slice %arg6[%mul3A_37, %dma_start3A_67] : memref<800000x32xf32, #tpu.memory_space<hbm>> -> memref<500x32xf32, #tpu.memory_space<hbm>>
        tpu.enqueue_dma source(%arg12 : memref<500x32xf32, #tpu.memory_space<vmem>>) target(%dma_start3A_68 : memref<500x32xf32, #tpu.memory_space<hbm>>) target_semaphore(%run_scoped3A : memref<!tpu.dma_semaphore, #tpu.memory_space<semaphore_mem>>)
        %dma_wait3A_69 = arith.constant 0 : i32
        %dma_wait3A_70 = tpu.memref_slice %arg6[%mul3A_37, %dma_wait3A_69] : memref<800000x32xf32, #tpu.memory_space<hbm>> -> memref<500x32xf32, #tpu.memory_space<hbm>>
        %dma_wait3A_71 = arith.constant 0 : i32
        %dma_wait3A_72 = tpu.memref_slice %arg6[%mul3A_37, %dma_wait3A_71] : memref<800000x32xf32, #tpu.memory_space<hbm>> -> memref<500x32xf32, #tpu.memory_space<hbm>>
        tpu.wait_dma2 semaphore(%run_scoped3A : memref<!tpu.dma_semaphore, #tpu.memory_space<semaphore_mem>>) src(%arg12 : memref<500x32xf32, #tpu.memory_space<vmem>>) dst(%dma_wait3A_72 : memref<500x32xf32, #tpu.memory_space<hbm>>)
        tpu.yield
      }) : () -> ()
      %dma_wait3A_40 = arith.constant 0 : i32
      %dma_wait3A_41 = arith.constant 0 : i32
      %dma_wait3A_42 = tpu.memref_slice %arg3[%dma_wait3A_40, %dma_wait3A_41] : memref<50000x32xf32, #tpu.memory_space<hbm>> -> memref<50000x32xf32, #tpu.memory_space<hbm>>
      tpu.wait_indirect_dma semaphore(%arg18 : memref<!tpu.dma_semaphore, #tpu.memory_space<semaphore_mem>>) src(%dma_wait3A_42 : memref<50000x32xf32, #tpu.memory_space<hbm>>) dst(%arg14 : memref<500x32xf32, #tpu.memory_space<vmem>>)
      "tpu.region"() ({
        %run_scoped3A = tpu.sem_alloc : memref<!tpu.dma_semaphore, #tpu.memory_space<semaphore_mem>>
        %dma_start3A_65 = arith.constant 0 : i32
        %dma_start3A_66 = tpu.memref_slice %arg7[%mul3A_37, %dma_start3A_65] : memref<800000x32xf32, #tpu.memory_space<hbm>> -> memref<500x32xf32, #tpu.memory_space<hbm>>
        %dma_start3A_67 = arith.constant 0 : i32
        %dma_start3A_68 = tpu.memref_slice %arg7[%mul3A_37, %dma_start3A_67] : memref<800000x32xf32, #tpu.memory_space<hbm>> -> memref<500x32xf32, #tpu.memory_space<hbm>>
        tpu.enqueue_dma source(%arg14 : memref<500x32xf32, #tpu.memory_space<vmem>>) target(%dma_start3A_68 : memref<500x32xf32, #tpu.memory_space<hbm>>) target_semaphore(%run_scoped3A : memref<!tpu.dma_semaphore, #tpu.memory_space<semaphore_mem>>)
        %dma_wait3A_69 = arith.constant 0 : i32
        %dma_wait3A_70 = tpu.memref_slice %arg7[%mul3A_37, %dma_wait3A_69] : memref<800000x32xf32, #tpu.memory_space<hbm>> -> memref<500x32xf32, #tpu.memory_space<hbm>>
        %dma_wait3A_71 = arith.constant 0 : i32
        %dma_wait3A_72 = tpu.memref_slice %arg7[%mul3A_37, %dma_wait3A_71] : memref<800000x32xf32, #tpu.memory_space<hbm>> -> memref<500x32xf32, #tpu.memory_space<hbm>>
        tpu.wait_dma2 semaphore(%run_scoped3A : memref<!tpu.dma_semaphore, #tpu.memory_space<semaphore_mem>>) src(%arg14 : memref<500x32xf32, #tpu.memory_space<vmem>>) dst(%dma_wait3A_72 : memref<500x32xf32, #tpu.memory_space<hbm>>)
        tpu.yield
      }) : () -> ()
      %lt3A = arith.constant 24 : i32
      %lt3A_43 = arith.cmpi slt, %add3A_28, %lt3A : i32
      %convert_element_type3A = arith.extui %lt3A_43 : i1 to i32
      %cond3A = arith.constant 0 : i32
      %cond3A_44 = arith.cmpi ne, %convert_element_type3A, %cond3A : i32
      scf.if %cond3A_44 {
        %add3A_65 = arith.constant 2 : i32
        %add3A_66 = arith.addi %add3A_32, %add3A_65 : i32
        %mul3A_67 = arith.constant 50 : i32
        %mul3A_68 = arith.muli %add3A, %mul3A_67 : i32
        %add3A_69 = arith.addi %mul3A_68, %add3A_66 : i32
        "tpu.region"() ({
          %run_scoped3A = tpu.sem_alloc : memref<!tpu.dma_semaphore, #tpu.memory_space<semaphore_mem>>
          %dma_start3A_76 = arith.constant 0 : i32
          %dma_start3A_77 = tpu.memref_slice %arg4[%add3A_69, %dma_start3A_76] : memref<1600x500xi32, #tpu.memory_space<hbm>> -> memref<1x500xi32, #tpu.memory_space<hbm>>
          %dma_start3A_78 = tpu.memref_squeeze %dma_start3A_77 : memref<1x500xi32, #tpu.memory_space<hbm>> -> memref<500xi32, #tpu.memory_space<hbm>>
          %dma_start3A_79 = arith.constant 0 : i32
          %dma_start3A_80 = tpu.memref_slice %arg4[%add3A_69, %dma_start3A_79] : memref<1600x500xi32, #tpu.memory_space<hbm>> -> memref<1x500xi32, #tpu.memory_space<hbm>>
          %dma_start3A_81 = tpu.memref_squeeze %dma_start3A_80 : memref<1x500xi32, #tpu.memory_space<hbm>> -> memref<500xi32, #tpu.memory_space<hbm>>
          tpu.enqueue_dma source(%dma_start3A_81 : memref<500xi32, #tpu.memory_space<hbm>>) target(%arg8 : memref<500xi32, #tpu.memory_space<vmem>>) target_semaphore(%run_scoped3A : memref<!tpu.dma_semaphore, #tpu.memory_space<semaphore_mem>>)
          %dma_wait3A_82 = arith.constant 0 : i32
          %dma_wait3A_83 = tpu.memref_slice %arg4[%add3A_69, %dma_wait3A_82] : memref<1600x500xi32, #tpu.memory_space<hbm>> -> memref<1x500xi32, #tpu.memory_space<hbm>>
          %dma_wait3A_84 = tpu.memref_squeeze %dma_wait3A_83 : memref<1x500xi32, #tpu.memory_space<hbm>> -> memref<500xi32, #tpu.memory_space<hbm>>
          %dma_wait3A_85 = arith.constant 0 : i32
          %dma_wait3A_86 = tpu.memref_slice %arg4[%add3A_69, %dma_wait3A_85] : memref<1600x500xi32, #tpu.memory_space<hbm>> -> memref<1x500xi32, #tpu.memory_space<hbm>>
          %dma_wait3A_87 = tpu.memref_squeeze %dma_wait3A_86 : memref<1x500xi32, #tpu.memory_space<hbm>> -> memref<500xi32, #tpu.memory_space<hbm>>
          tpu.wait_dma2 semaphore(%run_scoped3A : memref<!tpu.dma_semaphore, #tpu.memory_space<semaphore_mem>>) src(%dma_wait3A_87 : memref<500xi32, #tpu.memory_space<hbm>>) dst(%arg8 : memref<500xi32, #tpu.memory_space<vmem>>)
          tpu.yield
        }) : () -> ()
        %dma_start3A_70 = arith.constant 0 : i32
        %dma_start3A_71 = arith.constant 0 : i32
        %dma_start3A_72 = tpu.memref_slice %arg2[%dma_start3A_70, %dma_start3A_71] : memref<50000x32xf32, #tpu.memory_space<hbm>> -> memref<50000x32xf32, #tpu.memory_space<hbm>>
        tpu.enqueue_indirect_dma source(%dma_start3A_72 : memref<50000x32xf32, #tpu.memory_space<hbm>>) target(%arg12 : memref<500x32xf32, #tpu.memory_space<vmem>>) offsets(%arg8 : memref<500xi32, #tpu.memory_space<vmem>>) semaphore(%arg16 : memref<!tpu.dma_semaphore, #tpu.memory_space<semaphore_mem>>)
        "tpu.region"() ({
          %run_scoped3A = tpu.sem_alloc : memref<!tpu.dma_semaphore, #tpu.memory_space<semaphore_mem>>
          %dma_start3A_76 = arith.constant 0 : i32
          %dma_start3A_77 = tpu.memref_slice %arg5[%add3A_69, %dma_start3A_76] : memref<1600x500xi32, #tpu.memory_space<hbm>> -> memref<1x500xi32, #tpu.memory_space<hbm>>
          %dma_start3A_78 = tpu.memref_squeeze %dma_start3A_77 : memref<1x500xi32, #tpu.memory_space<hbm>> -> memref<500xi32, #tpu.memory_space<hbm>>
          %dma_start3A_79 = arith.constant 0 : i32
          %dma_start3A_80 = tpu.memref_slice %arg5[%add3A_69, %dma_start3A_79] : memref<1600x500xi32, #tpu.memory_space<hbm>> -> memref<1x500xi32, #tpu.memory_space<hbm>>
          %dma_start3A_81 = tpu.memref_squeeze %dma_start3A_80 : memref<1x500xi32, #tpu.memory_space<hbm>> -> memref<500xi32, #tpu.memory_space<hbm>>
          tpu.enqueue_dma source(%dma_start3A_81 : memref<500xi32, #tpu.memory_space<hbm>>) target(%arg10 : memref<500xi32, #tpu.memory_space<vmem>>) target_semaphore(%run_scoped3A : memref<!tpu.dma_semaphore, #tpu.memory_space<semaphore_mem>>)
          %dma_wait3A_82 = arith.constant 0 : i32
          %dma_wait3A_83 = tpu.memref_slice %arg5[%add3A_69, %dma_wait3A_82] : memref<1600x500xi32, #tpu.memory_space<hbm>> -> memref<1x500xi32, #tpu.memory_space<hbm>>
          %dma_wait3A_84 = tpu.memref_squeeze %dma_wait3A_83 : memref<1x500xi32, #tpu.memory_space<hbm>> -> memref<500xi32, #tpu.memory_space<hbm>>
          %dma_wait3A_85 = arith.constant 0 : i32
          %dma_wait3A_86 = tpu.memref_slice %arg5[%add3A_69, %dma_wait3A_85] : memref<1600x500xi32, #tpu.memory_space<hbm>> -> memref<1x500xi32, #tpu.memory_space<hbm>>
          %dma_wait3A_87 = tpu.memref_squeeze %dma_wait3A_86 : memref<1x500xi32, #tpu.memory_space<hbm>> -> memref<500xi32, #tpu.memory_space<hbm>>
          tpu.wait_dma2 semaphore(%run_scoped3A : memref<!tpu.dma_semaphore, #tpu.memory_space<semaphore_mem>>) src(%dma_wait3A_87 : memref<500xi32, #tpu.memory_space<hbm>>) dst(%arg10 : memref<500xi32, #tpu.memory_space<vmem>>)
          tpu.yield
        }) : () -> ()
        %dma_start3A_73 = arith.constant 0 : i32
        %dma_start3A_74 = arith.constant 0 : i32
        %dma_start3A_75 = tpu.memref_slice %arg3[%dma_start3A_73, %dma_start3A_74] : memref<50000x32xf32, #tpu.memory_space<hbm>> -> memref<50000x32xf32, #tpu.memory_space<hbm>>
        tpu.enqueue_indirect_dma source(%dma_start3A_75 : memref<50000x32xf32, #tpu.memory_space<hbm>>) target(%arg14 : memref<500x32xf32, #tpu.memory_space<vmem>>) offsets(%arg10 : memref<500xi32, #tpu.memory_space<vmem>>) semaphore(%arg18 : memref<!tpu.dma_semaphore, #tpu.memory_space<semaphore_mem>>)
      } else {
      }
      %mul3A_45 = arith.constant 2 : i32
      %mul3A_46 = arith.muli %add3A_28, %mul3A_45 : i32
      %add3A_47 = arith.constant 1 : i32
      %add3A_48 = arith.addi %mul3A_46, %add3A_47 : i32
      %mul3A_49 = arith.constant 50 : i32
      %mul3A_50 = arith.muli %add3A, %mul3A_49 : i32
      %add3A_51 = arith.addi %mul3A_50, %add3A_48 : i32
      %mul3A_52 = arith.constant 500 : i32
      %mul3A_53 = arith.muli %add3A_51, %mul3A_52 : i32
      %dma_wait3A_54 = arith.constant 0 : i32
      %dma_wait3A_55 = arith.constant 0 : i32
      %dma_wait3A_56 = tpu.memref_slice %arg2[%dma_wait3A_54, %dma_wait3A_55] : memref<50000x32xf32, #tpu.memory_space<hbm>> -> memref<50000x32xf32, #tpu.memory_space<hbm>>
      tpu.wait_indirect_dma semaphore(%arg17 : memref<!tpu.dma_semaphore, #tpu.memory_space<semaphore_mem>>) src(%dma_wait3A_56 : memref<50000x32xf32, #tpu.memory_space<hbm>>) dst(%arg13 : memref<500x32xf32, #tpu.memory_space<vmem>>)
      "tpu.region"() ({
        %run_scoped3A = tpu.sem_alloc : memref<!tpu.dma_semaphore, #tpu.memory_space<semaphore_mem>>
        %dma_start3A_65 = arith.constant 0 : i32
        %dma_start3A_66 = tpu.memref_slice %arg6[%mul3A_53, %dma_start3A_65] : memref<800000x32xf32, #tpu.memory_space<hbm>> -> memref<500x32xf32, #tpu.memory_space<hbm>>
        %dma_start3A_67 = arith.constant 0 : i32
        %dma_start3A_68 = tpu.memref_slice %arg6[%mul3A_53, %dma_start3A_67] : memref<800000x32xf32, #tpu.memory_space<hbm>> -> memref<500x32xf32, #tpu.memory_space<hbm>>
        tpu.enqueue_dma source(%arg13 : memref<500x32xf32, #tpu.memory_space<vmem>>) target(%dma_start3A_68 : memref<500x32xf32, #tpu.memory_space<hbm>>) target_semaphore(%run_scoped3A : memref<!tpu.dma_semaphore, #tpu.memory_space<semaphore_mem>>)
        %dma_wait3A_69 = arith.constant 0 : i32
        %dma_wait3A_70 = tpu.memref_slice %arg6[%mul3A_53, %dma_wait3A_69] : memref<800000x32xf32, #tpu.memory_space<hbm>> -> memref<500x32xf32, #tpu.memory_space<hbm>>
        %dma_wait3A_71 = arith.constant 0 : i32
        %dma_wait3A_72 = tpu.memref_slice %arg6[%mul3A_53, %dma_wait3A_71] : memref<800000x32xf32, #tpu.memory_space<hbm>> -> memref<500x32xf32, #tpu.memory_space<hbm>>
        tpu.wait_dma2 semaphore(%run_scoped3A : memref<!tpu.dma_semaphore, #tpu.memory_space<semaphore_mem>>) src(%arg13 : memref<500x32xf32, #tpu.memory_space<vmem>>) dst(%dma_wait3A_72 : memref<500x32xf32, #tpu.memory_space<hbm>>)
        tpu.yield
      }) : () -> ()
      %dma_wait3A_57 = arith.constant 0 : i32
      %dma_wait3A_58 = arith.constant 0 : i32
      %dma_wait3A_59 = tpu.memref_slice %arg3[%dma_wait3A_57, %dma_wait3A_58] : memref<50000x32xf32, #tpu.memory_space<hbm>> -> memref<50000x32xf32, #tpu.memory_space<hbm>>
      tpu.wait_indirect_dma semaphore(%arg19 : memref<!tpu.dma_semaphore, #tpu.memory_space<semaphore_mem>>) src(%dma_wait3A_59 : memref<50000x32xf32, #tpu.memory_space<hbm>>) dst(%arg15 : memref<500x32xf32, #tpu.memory_space<vmem>>)
      "tpu.region"() ({
        %run_scoped3A = tpu.sem_alloc : memref<!tpu.dma_semaphore, #tpu.memory_space<semaphore_mem>>
        %dma_start3A_65 = arith.constant 0 : i32
        %dma_start3A_66 = tpu.memref_slice %arg7[%mul3A_53, %dma_start3A_65] : memref<800000x32xf32, #tpu.memory_space<hbm>> -> memref<500x32xf32, #tpu.memory_space<hbm>>
        %dma_start3A_67 = arith.constant 0 : i32
        %dma_start3A_68 = tpu.memref_slice %arg7[%mul3A_53, %dma_start3A_67] : memref<800000x32xf32, #tpu.memory_space<hbm>> -> memref<500x32xf32, #tpu.memory_space<hbm>>
        tpu.enqueue_dma source(%arg15 : memref<500x32xf32, #tpu.memory_space<vmem>>) target(%dma_start3A_68 : memref<500x32xf32, #tpu.memory_space<hbm>>) target_semaphore(%run_scoped3A : memref<!tpu.dma_semaphore, #tpu.memory_space<semaphore_mem>>)
        %dma_wait3A_69 = arith.constant 0 : i32
        %dma_wait3A_70 = tpu.memref_slice %arg7[%mul3A_53, %dma_wait3A_69] : memref<800000x32xf32, #tpu.memory_space<hbm>> -> memref<500x32xf32, #tpu.memory_space<hbm>>
        %dma_wait3A_71 = arith.constant 0 : i32
        %dma_wait3A_72 = tpu.memref_slice %arg7[%mul3A_53, %dma_wait3A_71] : memref<800000x32xf32, #tpu.memory_space<hbm>> -> memref<500x32xf32, #tpu.memory_space<hbm>>
        tpu.wait_dma2 semaphore(%run_scoped3A : memref<!tpu.dma_semaphore, #tpu.memory_space<semaphore_mem>>) src(%arg15 : memref<500x32xf32, #tpu.memory_space<vmem>>) dst(%dma_wait3A_72 : memref<500x32xf32, #tpu.memory_space<hbm>>)
        tpu.yield
      }) : () -> ()
      %lt3A_60 = arith.constant 24 : i32
      %lt3A_61 = arith.cmpi slt, %add3A_28, %lt3A_60 : i32
      %convert_element_type3A_62 = arith.extui %lt3A_61 : i1 to i32
      %cond3A_63 = arith.constant 0 : i32
      %cond3A_64 = arith.cmpi ne, %convert_element_type3A_62, %cond3A_63 : i32
      scf.if %cond3A_64 {
        %add3A_65 = arith.constant 2 : i32
        %add3A_66 = arith.addi %add3A_48, %add3A_65 : i32
        %mul3A_67 = arith.constant 50 : i32
        %mul3A_68 = arith.muli %add3A, %mul3A_67 : i32
        %add3A_69 = arith.addi %mul3A_68, %add3A_66 : i32
        "tpu.region"() ({
          %run_scoped3A = tpu.sem_alloc : memref<!tpu.dma_semaphore, #tpu.memory_space<semaphore_mem>>
          %dma_start3A_76 = arith.constant 0 : i32
          %dma_start3A_77 = tpu.memref_slice %arg4[%add3A_69, %dma_start3A_76] : memref<1600x500xi32, #tpu.memory_space<hbm>> -> memref<1x500xi32, #tpu.memory_space<hbm>>
          %dma_start3A_78 = tpu.memref_squeeze %dma_start3A_77 : memref<1x500xi32, #tpu.memory_space<hbm>> -> memref<500xi32, #tpu.memory_space<hbm>>
          %dma_start3A_79 = arith.constant 0 : i32
          %dma_start3A_80 = tpu.memref_slice %arg4[%add3A_69, %dma_start3A_79] : memref<1600x500xi32, #tpu.memory_space<hbm>> -> memref<1x500xi32, #tpu.memory_space<hbm>>
          %dma_start3A_81 = tpu.memref_squeeze %dma_start3A_80 : memref<1x500xi32, #tpu.memory_space<hbm>> -> memref<500xi32, #tpu.memory_space<hbm>>
          tpu.enqueue_dma source(%dma_start3A_81 : memref<500xi32, #tpu.memory_space<hbm>>) target(%arg9 : memref<500xi32, #tpu.memory_space<vmem>>) target_semaphore(%run_scoped3A : memref<!tpu.dma_semaphore, #tpu.memory_space<semaphore_mem>>)
          %dma_wait3A_82 = arith.constant 0 : i32
          %dma_wait3A_83 = tpu.memref_slice %arg4[%add3A_69, %dma_wait3A_82] : memref<1600x500xi32, #tpu.memory_space<hbm>> -> memref<1x500xi32, #tpu.memory_space<hbm>>
          %dma_wait3A_84 = tpu.memref_squeeze %dma_wait3A_83 : memref<1x500xi32, #tpu.memory_space<hbm>> -> memref<500xi32, #tpu.memory_space<hbm>>
          %dma_wait3A_85 = arith.constant 0 : i32
          %dma_wait3A_86 = tpu.memref_slice %arg4[%add3A_69, %dma_wait3A_85] : memref<1600x500xi32, #tpu.memory_space<hbm>> -> memref<1x500xi32, #tpu.memory_space<hbm>>
          %dma_wait3A_87 = tpu.memref_squeeze %dma_wait3A_86 : memref<1x500xi32, #tpu.memory_space<hbm>> -> memref<500xi32, #tpu.memory_space<hbm>>
          tpu.wait_dma2 semaphore(%run_scoped3A : memref<!tpu.dma_semaphore, #tpu.memory_space<semaphore_mem>>) src(%dma_wait3A_87 : memref<500xi32, #tpu.memory_space<hbm>>) dst(%arg9 : memref<500xi32, #tpu.memory_space<vmem>>)
          tpu.yield
        }) : () -> ()
        %dma_start3A_70 = arith.constant 0 : i32
        %dma_start3A_71 = arith.constant 0 : i32
        %dma_start3A_72 = tpu.memref_slice %arg2[%dma_start3A_70, %dma_start3A_71] : memref<50000x32xf32, #tpu.memory_space<hbm>> -> memref<50000x32xf32, #tpu.memory_space<hbm>>
        tpu.enqueue_indirect_dma source(%dma_start3A_72 : memref<50000x32xf32, #tpu.memory_space<hbm>>) target(%arg13 : memref<500x32xf32, #tpu.memory_space<vmem>>) offsets(%arg9 : memref<500xi32, #tpu.memory_space<vmem>>) semaphore(%arg17 : memref<!tpu.dma_semaphore, #tpu.memory_space<semaphore_mem>>)
        "tpu.region"() ({
          %run_scoped3A = tpu.sem_alloc : memref<!tpu.dma_semaphore, #tpu.memory_space<semaphore_mem>>
          %dma_start3A_76 = arith.constant 0 : i32
          %dma_start3A_77 = tpu.memref_slice %arg5[%add3A_69, %dma_start3A_76] : memref<1600x500xi32, #tpu.memory_space<hbm>> -> memref<1x500xi32, #tpu.memory_space<hbm>>
          %dma_start3A_78 = tpu.memref_squeeze %dma_start3A_77 : memref<1x500xi32, #tpu.memory_space<hbm>> -> memref<500xi32, #tpu.memory_space<hbm>>
          %dma_start3A_79 = arith.constant 0 : i32
          %dma_start3A_80 = tpu.memref_slice %arg5[%add3A_69, %dma_start3A_79] : memref<1600x500xi32, #tpu.memory_space<hbm>> -> memref<1x500xi32, #tpu.memory_space<hbm>>
          %dma_start3A_81 = tpu.memref_squeeze %dma_start3A_80 : memref<1x500xi32, #tpu.memory_space<hbm>> -> memref<500xi32, #tpu.memory_space<hbm>>
          tpu.enqueue_dma source(%dma_start3A_81 : memref<500xi32, #tpu.memory_space<hbm>>) target(%arg11 : memref<500xi32, #tpu.memory_space<vmem>>) target_semaphore(%run_scoped3A : memref<!tpu.dma_semaphore, #tpu.memory_space<semaphore_mem>>)
          %dma_wait3A_82 = arith.constant 0 : i32
          %dma_wait3A_83 = tpu.memref_slice %arg5[%add3A_69, %dma_wait3A_82] : memref<1600x500xi32, #tpu.memory_space<hbm>> -> memref<1x500xi32, #tpu.memory_space<hbm>>
          %dma_wait3A_84 = tpu.memref_squeeze %dma_wait3A_83 : memref<1x500xi32, #tpu.memory_space<hbm>> -> memref<500xi32, #tpu.memory_space<hbm>>
          %dma_wait3A_85 = arith.constant 0 : i32
          %dma_wait3A_86 = tpu.memref_slice %arg5[%add3A_69, %dma_wait3A_85] : memref<1600x500xi32, #tpu.memory_space<hbm>> -> memref<1x500xi32, #tpu.memory_space<hbm>>
          %dma_wait3A_87 = tpu.memref_squeeze %dma_wait3A_86 : memref<1x500xi32, #tpu.memory_space<hbm>> -> memref<500xi32, #tpu.memory_space<hbm>>
          tpu.wait_dma2 semaphore(%run_scoped3A : memref<!tpu.dma_semaphore, #tpu.memory_space<semaphore_mem>>) src(%dma_wait3A_87 : memref<500xi32, #tpu.memory_space<hbm>>) dst(%arg11 : memref<500xi32, #tpu.memory_space<vmem>>)
          tpu.yield
        }) : () -> ()
        %dma_start3A_73 = arith.constant 0 : i32
        %dma_start3A_74 = arith.constant 0 : i32
        %dma_start3A_75 = tpu.memref_slice %arg3[%dma_start3A_73, %dma_start3A_74] : memref<50000x32xf32, #tpu.memory_space<hbm>> -> memref<50000x32xf32, #tpu.memory_space<hbm>>
        tpu.enqueue_indirect_dma source(%dma_start3A_75 : memref<50000x32xf32, #tpu.memory_space<hbm>>) target(%arg15 : memref<500x32xf32, #tpu.memory_space<vmem>>) offsets(%arg11 : memref<500xi32, #tpu.memory_space<vmem>>) semaphore(%arg19 : memref<!tpu.dma_semaphore, #tpu.memory_space<semaphore_mem>>)
      } else {
      }
    }
    %scan3A_23 = arith.constant 25 : i32
    return
  }
}

#map = affine_map<(d0, d1) -> (0, 0)>
module attributes {stable_mosaic.version = 14 : i64} {
  func.func @k(%arg0: i32, %arg1: i32, %arg2: memref<50000x32xf32, #tpu.memory_space<hbm>>, %arg3: memref<50000x32xf32, #tpu.memory_space<hbm>>, %arg4: memref<1600x500xi32, #tpu.memory_space<hbm>>, %arg5: memref<1600x500xi32, #tpu.memory_space<hbm>>, %arg6: memref<800000x32xf32, #tpu.memory_space<hbm>>, %arg7: memref<800000x32xf32, #tpu.memory_space<hbm>>, %arg8: memref<500xi32, #tpu.memory_space<vmem>>, %arg9: memref<500xi32, #tpu.memory_space<vmem>>, %arg10: memref<500xi32, #tpu.memory_space<vmem>>, %arg11: memref<500xi32, #tpu.memory_space<vmem>>, %arg12: memref<500x32xf32, #tpu.memory_space<vmem>>, %arg13: memref<500x32xf32, #tpu.memory_space<vmem>>, %arg14: memref<500x32xf32, #tpu.memory_space<vmem>>, %arg15: memref<500x32xf32, #tpu.memory_space<vmem>>, %arg16: memref<!tpu.dma_semaphore, #tpu.memory_space<semaphore_mem>>, %arg17: memref<!tpu.dma_semaphore, #tpu.memory_space<semaphore_mem>>, %arg18: memref<!tpu.dma_semaphore, #tpu.memory_space<semaphore_mem>>, %arg19: memref<!tpu.dma_semaphore, #tpu.memory_space<semaphore_mem>>) attributes {dimension_semantics = [#tpu.dimension_semantics<core_parallel>, #tpu.dimension_semantics<subcore_parallel>], iteration_bounds = array<i64: 2, 16>, scalar_prefetch = 0 : i64, scratch_operands = 12 : i64, tpu.core_type = #tpu.core_type<sc_vector_subcore>, window_params = [{transform_indices = #map}, {transform_indices = #map}, {transform_indices = #map}, {transform_indices = #map}, {transform_indices = #map}, {transform_indices = #map}]} {
    %mul3A = arith.constant 2 : i32
    %mul3A_0 = arith.muli %arg1, %mul3A : i32
    %add3A = arith.addi %mul3A_0, %arg0 : i32
    %mul3A_1 = arith.constant 50 : i32
    %mul3A_2 = arith.muli %add3A, %mul3A_1 : i32
    %add3A_3 = arith.constant 0 : i32
    %add3A_4 = arith.addi %mul3A_2, %add3A_3 : i32
    "tpu.region"() ({
      %run_scoped3A = tpu.sem_alloc : memref<!tpu.dma_semaphore, #tpu.memory_space<semaphore_mem>>
      %dma_start3A_24 = arith.constant 0 : i32
      %dma_start3A_25 = tpu.memref_slice %arg4[%add3A_4, %dma_start3A_24] : memref<1600x500xi32, #tpu.memory_space<hbm>> -> memref<1x500xi32, #tpu.memory_space<hbm>>
      %dma_start3A_26 = tpu.memref_squeeze %dma_start3A_25 : memref<1x500xi32, #tpu.memory_space<hbm>> -> memref<500xi32, #tpu.memory_space<hbm>>
      %dma_start3A_27 = arith.constant 0 : i32
      %dma_start3A_28 = tpu.memref_slice %arg4[%add3A_4, %dma_start3A_27] : memref<1600x500xi32, #tpu.memory_space<hbm>> -> memref<1x500xi32, #tpu.memory_space<hbm>>
      %dma_start3A_29 = tpu.memref_squeeze %dma_start3A_28 : memref<1x500xi32, #tpu.memory_space<hbm>> -> memref<500xi32, #tpu.memory_space<hbm>>
      tpu.enqueue_dma source(%dma_start3A_29 : memref<500xi32, #tpu.memory_space<hbm>>) target(%arg8 : memref<500xi32, #tpu.memory_space<vmem>>) target_semaphore(%run_scoped3A : memref<!tpu.dma_semaphore, #tpu.memory_space<semaphore_mem>>)
      %dma_wait3A = arith.constant 0 : i32
      %dma_wait3A_30 = tpu.memref_slice %arg4[%add3A_4, %dma_wait3A] : memref<1600x500xi32, #tpu.memory_space<hbm>> -> memref<1x500xi32, #tpu.memory_space<hbm>>
      %dma_wait3A_31 = tpu.memref_squeeze %dma_wait3A_30 : memref<1x500xi32, #tpu.memory_space<hbm>> -> memref<500xi32, #tpu.memory_space<hbm>>
      %dma_wait3A_32 = arith.constant 0 : i32
      %dma_wait3A_33 = tpu.memref_slice %arg4[%add3A_4, %dma_wait3A_32] : memref<1600x500xi32, #tpu.memory_space<hbm>> -> memref<1x500xi32, #tpu.memory_space<hbm>>
      %dma_wait3A_34 = tpu.memref_squeeze %dma_wait3A_33 : memref<1x500xi32, #tpu.memory_space<hbm>> -> memref<500xi32, #tpu.memory_space<hbm>>
      tpu.wait_dma2 semaphore(%run_scoped3A : memref<!tpu.dma_semaphore, #tpu.memory_space<semaphore_mem>>) src(%dma_wait3A_34 : memref<500xi32, #tpu.memory_space<hbm>>) dst(%arg8 : memref<500xi32, #tpu.memory_space<vmem>>)
      tpu.yield
    }) : () -> ()
    %dma_start3A = arith.constant 0 : i32
    %dma_start3A_5 = arith.constant 0 : i32
    %dma_start3A_6 = tpu.memref_slice %arg2[%dma_start3A, %dma_start3A_5] : memref<50000x32xf32, #tpu.memory_space<hbm>> -> memref<50000x32xf32, #tpu.memory_space<hbm>>
    tpu.enqueue_indirect_dma source(%dma_start3A_6 : memref<50000x32xf32, #tpu.memory_space<hbm>>) target(%arg12 : memref<500x32xf32, #tpu.memory_space<vmem>>) offsets(%arg8 : memref<500xi32, #tpu.memory_space<vmem>>) semaphore(%arg16 : memref<!tpu.dma_semaphore, #tpu.memory_space<semaphore_mem>>)
    "tpu.region"() ({
      %run_scoped3A = tpu.sem_alloc : memref<!tpu.dma_semaphore, #tpu.memory_space<semaphore_mem>>
      %dma_start3A_24 = arith.constant 0 : i32
      %dma_start3A_25 = tpu.memref_slice %arg5[%add3A_4, %dma_start3A_24] : memref<1600x500xi32, #tpu.memory_space<hbm>> -> memref<1x500xi32, #tpu.memory_space<hbm>>
      %dma_start3A_26 = tpu.memref_squeeze %dma_start3A_25 : memref<1x500xi32, #tpu.memory_space<hbm>> -> memref<500xi32, #tpu.memory_space<hbm>>
      %dma_start3A_27 = arith.constant 0 : i32
      %dma_start3A_28 = tpu.memref_slice %arg5[%add3A_4, %dma_start3A_27] : memref<1600x500xi32, #tpu.memory_space<hbm>> -> memref<1x500xi32, #tpu.memory_space<hbm>>
      %dma_start3A_29 = tpu.memref_squeeze %dma_start3A_28 : memref<1x500xi32, #tpu.memory_space<hbm>> -> memref<500xi32, #tpu.memory_space<hbm>>
      tpu.enqueue_dma source(%dma_start3A_29 : memref<500xi32, #tpu.memory_space<hbm>>) target(%arg10 : memref<500xi32, #tpu.memory_space<vmem>>) target_semaphore(%run_scoped3A : memref<!tpu.dma_semaphore, #tpu.memory_space<semaphore_mem>>)
      %dma_wait3A = arith.constant 0 : i32
      %dma_wait3A_30 = tpu.memref_slice %arg5[%add3A_4, %dma_wait3A] : memref<1600x500xi32, #tpu.memory_space<hbm>> -> memref<1x500xi32, #tpu.memory_space<hbm>>
      %dma_wait3A_31 = tpu.memref_squeeze %dma_wait3A_30 : memref<1x500xi32, #tpu.memory_space<hbm>> -> memref<500xi32, #tpu.memory_space<hbm>>
      %dma_wait3A_32 = arith.constant 0 : i32
      %dma_wait3A_33 = tpu.memref_slice %arg5[%add3A_4, %dma_wait3A_32] : memref<1600x500xi32, #tpu.memory_space<hbm>> -> memref<1x500xi32, #tpu.memory_space<hbm>>
      %dma_wait3A_34 = tpu.memref_squeeze %dma_wait3A_33 : memref<1x500xi32, #tpu.memory_space<hbm>> -> memref<500xi32, #tpu.memory_space<hbm>>
      tpu.wait_dma2 semaphore(%run_scoped3A : memref<!tpu.dma_semaphore, #tpu.memory_space<semaphore_mem>>) src(%dma_wait3A_34 : memref<500xi32, #tpu.memory_space<hbm>>) dst(%arg10 : memref<500xi32, #tpu.memory_space<vmem>>)
      tpu.yield
    }) : () -> ()
    %dma_start3A_7 = arith.constant 0 : i32
    %dma_start3A_8 = arith.constant 0 : i32
    %dma_start3A_9 = tpu.memref_slice %arg3[%dma_start3A_7, %dma_start3A_8] : memref<50000x32xf32, #tpu.memory_space<hbm>> -> memref<50000x32xf32, #tpu.memory_space<hbm>>
    tpu.enqueue_indirect_dma source(%dma_start3A_9 : memref<50000x32xf32, #tpu.memory_space<hbm>>) target(%arg14 : memref<500x32xf32, #tpu.memory_space<vmem>>) offsets(%arg10 : memref<500xi32, #tpu.memory_space<vmem>>) semaphore(%arg18 : memref<!tpu.dma_semaphore, #tpu.memory_space<semaphore_mem>>)
    %mul3A_10 = arith.constant 50 : i32
    %mul3A_11 = arith.muli %add3A, %mul3A_10 : i32
    %add3A_12 = arith.constant 1 : i32
    %add3A_13 = arith.addi %mul3A_11, %add3A_12 : i32
    "tpu.region"() ({
      %run_scoped3A = tpu.sem_alloc : memref<!tpu.dma_semaphore, #tpu.memory_space<semaphore_mem>>
      %dma_start3A_24 = arith.constant 0 : i32
      %dma_start3A_25 = tpu.memref_slice %arg4[%add3A_13, %dma_start3A_24] : memref<1600x500xi32, #tpu.memory_space<hbm>> -> memref<1x500xi32, #tpu.memory_space<hbm>>
      %dma_start3A_26 = tpu.memref_squeeze %dma_start3A_25 : memref<1x500xi32, #tpu.memory_space<hbm>> -> memref<500xi32, #tpu.memory_space<hbm>>
      %dma_start3A_27 = arith.constant 0 : i32
      %dma_start3A_28 = tpu.memref_slice %arg4[%add3A_13, %dma_start3A_27] : memref<1600x500xi32, #tpu.memory_space<hbm>> -> memref<1x500xi32, #tpu.memory_space<hbm>>
      %dma_start3A_29 = tpu.memref_squeeze %dma_start3A_28 : memref<1x500xi32, #tpu.memory_space<hbm>> -> memref<500xi32, #tpu.memory_space<hbm>>
      tpu.enqueue_dma source(%dma_start3A_29 : memref<500xi32, #tpu.memory_space<hbm>>) target(%arg9 : memref<500xi32, #tpu.memory_space<vmem>>) target_semaphore(%run_scoped3A : memref<!tpu.dma_semaphore, #tpu.memory_space<semaphore_mem>>)
      %dma_wait3A = arith.constant 0 : i32
      %dma_wait3A_30 = tpu.memref_slice %arg4[%add3A_13, %dma_wait3A] : memref<1600x500xi32, #tpu.memory_space<hbm>> -> memref<1x500xi32, #tpu.memory_space<hbm>>
      %dma_wait3A_31 = tpu.memref_squeeze %dma_wait3A_30 : memref<1x500xi32, #tpu.memory_space<hbm>> -> memref<500xi32, #tpu.memory_space<hbm>>
      %dma_wait3A_32 = arith.constant 0 : i32
      %dma_wait3A_33 = tpu.memref_slice %arg4[%add3A_13, %dma_wait3A_32] : memref<1600x500xi32, #tpu.memory_space<hbm>> -> memref<1x500xi32, #tpu.memory_space<hbm>>
      %dma_wait3A_34 = tpu.memref_squeeze %dma_wait3A_33 : memref<1x500xi32, #tpu.memory_space<hbm>> -> memref<500xi32, #tpu.memory_space<hbm>>
      tpu.wait_dma2 semaphore(%run_scoped3A : memref<!tpu.dma_semaphore, #tpu.memory_space<semaphore_mem>>) src(%dma_wait3A_34 : memref<500xi32, #tpu.memory_space<hbm>>) dst(%arg9 : memref<500xi32, #tpu.memory_space<vmem>>)
      tpu.yield
    }) : () -> ()
    %dma_start3A_14 = arith.constant 0 : i32
    %dma_start3A_15 = arith.constant 0 : i32
    %dma_start3A_16 = tpu.memref_slice %arg2[%dma_start3A_14, %dma_start3A_15] : memref<50000x32xf32, #tpu.memory_space<hbm>> -> memref<50000x32xf32, #tpu.memory_space<hbm>>
    tpu.enqueue_indirect_dma source(%dma_start3A_16 : memref<50000x32xf32, #tpu.memory_space<hbm>>) target(%arg13 : memref<500x32xf32, #tpu.memory_space<vmem>>) offsets(%arg9 : memref<500xi32, #tpu.memory_space<vmem>>) semaphore(%arg17 : memref<!tpu.dma_semaphore, #tpu.memory_space<semaphore_mem>>)
    "tpu.region"() ({
      %run_scoped3A = tpu.sem_alloc : memref<!tpu.dma_semaphore, #tpu.memory_space<semaphore_mem>>
      %dma_start3A_24 = arith.constant 0 : i32
      %dma_start3A_25 = tpu.memref_slice %arg5[%add3A_13, %dma_start3A_24] : memref<1600x500xi32, #tpu.memory_space<hbm>> -> memref<1x500xi32, #tpu.memory_space<hbm>>
      %dma_start3A_26 = tpu.memref_squeeze %dma_start3A_25 : memref<1x500xi32, #tpu.memory_space<hbm>> -> memref<500xi32, #tpu.memory_space<hbm>>
      %dma_start3A_27 = arith.constant 0 : i32
      %dma_start3A_28 = tpu.memref_slice %arg5[%add3A_13, %dma_start3A_27] : memref<1600x500xi32, #tpu.memory_space<hbm>> -> memref<1x500xi32, #tpu.memory_space<hbm>>
      %dma_start3A_29 = tpu.memref_squeeze %dma_start3A_28 : memref<1x500xi32, #tpu.memory_space<hbm>> -> memref<500xi32, #tpu.memory_space<hbm>>
      tpu.enqueue_dma source(%dma_start3A_29 : memref<500xi32, #tpu.memory_space<hbm>>) target(%arg11 : memref<500xi32, #tpu.memory_space<vmem>>) target_semaphore(%run_scoped3A : memref<!tpu.dma_semaphore, #tpu.memory_space<semaphore_mem>>)
      %dma_wait3A = arith.constant 0 : i32
      %dma_wait3A_30 = tpu.memref_slice %arg5[%add3A_13, %dma_wait3A] : memref<1600x500xi32, #tpu.memory_space<hbm>> -> memref<1x500xi32, #tpu.memory_space<hbm>>
      %dma_wait3A_31 = tpu.memref_squeeze %dma_wait3A_30 : memref<1x500xi32, #tpu.memory_space<hbm>> -> memref<500xi32, #tpu.memory_space<hbm>>
      %dma_wait3A_32 = arith.constant 0 : i32
      %dma_wait3A_33 = tpu.memref_slice %arg5[%add3A_13, %dma_wait3A_32] : memref<1600x500xi32, #tpu.memory_space<hbm>> -> memref<1x500xi32, #tpu.memory_space<hbm>>
      %dma_wait3A_34 = tpu.memref_squeeze %dma_wait3A_33 : memref<1x500xi32, #tpu.memory_space<hbm>> -> memref<500xi32, #tpu.memory_space<hbm>>
      tpu.wait_dma2 semaphore(%run_scoped3A : memref<!tpu.dma_semaphore, #tpu.memory_space<semaphore_mem>>) src(%dma_wait3A_34 : memref<500xi32, #tpu.memory_space<hbm>>) dst(%arg11 : memref<500xi32, #tpu.memory_space<vmem>>)
      tpu.yield
    }) : () -> ()
    %dma_start3A_17 = arith.constant 0 : i32
    %dma_start3A_18 = arith.constant 0 : i32
    %dma_start3A_19 = tpu.memref_slice %arg3[%dma_start3A_17, %dma_start3A_18] : memref<50000x32xf32, #tpu.memory_space<hbm>> -> memref<50000x32xf32, #tpu.memory_space<hbm>>
    tpu.enqueue_indirect_dma source(%dma_start3A_19 : memref<50000x32xf32, #tpu.memory_space<hbm>>) target(%arg15 : memref<500x32xf32, #tpu.memory_space<vmem>>) offsets(%arg11 : memref<500xi32, #tpu.memory_space<vmem>>) semaphore(%arg19 : memref<!tpu.dma_semaphore, #tpu.memory_space<semaphore_mem>>)
    %scan3A = arith.constant 0 : i32
    %scan3A_20 = arith.constant 25 : i32
    %scan3A_21 = arith.addi %scan3A, %scan3A_20 : i32
    %scan3A_22 = arith.constant 1 : i32
    scf.for %scan3A_24 = %scan3A to %scan3A_21 step %scan3A_22  : i32 {
      %mul3A_25 = arith.constant 1 : i32
      %mul3A_26 = arith.muli %scan3A_24, %mul3A_25 : i32
      %add3A_27 = arith.constant 0 : i32
      %add3A_28 = arith.addi %add3A_27, %mul3A_26 : i32
      %mul3A_29 = arith.constant 2 : i32
      %mul3A_30 = arith.muli %add3A_28, %mul3A_29 : i32
      %add3A_31 = arith.constant 0 : i32
      %add3A_32 = arith.addi %mul3A_30, %add3A_31 : i32
      %mul3A_33 = arith.constant 50 : i32
      %mul3A_34 = arith.muli %add3A, %mul3A_33 : i32
      %add3A_35 = arith.addi %mul3A_34, %add3A_32 : i32
      %mul3A_36 = arith.constant 500 : i32
      %mul3A_37 = arith.muli %add3A_35, %mul3A_36 : i32
      %dma_wait3A = arith.constant 0 : i32
      %dma_wait3A_38 = arith.constant 0 : i32
      %dma_wait3A_39 = tpu.memref_slice %arg2[%dma_wait3A, %dma_wait3A_38] : memref<50000x32xf32, #tpu.memory_space<hbm>> -> memref<50000x32xf32, #tpu.memory_space<hbm>>
      tpu.wait_indirect_dma semaphore(%arg16 : memref<!tpu.dma_semaphore, #tpu.memory_space<semaphore_mem>>) src(%dma_wait3A_39 : memref<50000x32xf32, #tpu.memory_space<hbm>>) dst(%arg12 : memref<500x32xf32, #tpu.memory_space<vmem>>)
      "tpu.region"() ({
        %run_scoped3A = tpu.sem_alloc : memref<!tpu.dma_semaphore, #tpu.memory_space<semaphore_mem>>
        %dma_start3A_65 = arith.constant 0 : i32
        %dma_start3A_66 = tpu.memref_slice %arg6[%mul3A_37, %dma_start3A_65] : memref<800000x32xf32, #tpu.memory_space<hbm>> -> memref<500x32xf32, #tpu.memory_space<hbm>>
        %dma_start3A_67 = arith.constant 0 : i32
        %dma_start3A_68 = tpu.memref_slice %arg6[%mul3A_37, %dma_start3A_67] : memref<800000x32xf32, #tpu.memory_space<hbm>> -> memref<500x32xf32, #tpu.memory_space<hbm>>
        tpu.enqueue_dma source(%arg12 : memref<500x32xf32, #tpu.memory_space<vmem>>) target(%dma_start3A_68 : memref<500x32xf32, #tpu.memory_space<hbm>>) target_semaphore(%run_scoped3A : memref<!tpu.dma_semaphore, #tpu.memory_space<semaphore_mem>>)
        %dma_wait3A_69 = arith.constant 0 : i32
        %dma_wait3A_70 = tpu.memref_slice %arg6[%mul3A_37, %dma_wait3A_69] : memref<800000x32xf32, #tpu.memory_space<hbm>> -> memref<500x32xf32, #tpu.memory_space<hbm>>
        %dma_wait3A_71 = arith.constant 0 : i32
        %dma_wait3A_72 = tpu.memref_slice %arg6[%mul3A_37, %dma_wait3A_71] : memref<800000x32xf32, #tpu.memory_space<hbm>> -> memref<500x32xf32, #tpu.memory_space<hbm>>
        tpu.wait_dma2 semaphore(%run_scoped3A : memref<!tpu.dma_semaphore, #tpu.memory_space<semaphore_mem>>) src(%arg12 : memref<500x32xf32, #tpu.memory_space<vmem>>) dst(%dma_wait3A_72 : memref<500x32xf32, #tpu.memory_space<hbm>>)
        tpu.yield
      }) : () -> ()
      %dma_wait3A_40 = arith.constant 0 : i32
      %dma_wait3A_41 = arith.constant 0 : i32
      %dma_wait3A_42 = tpu.memref_slice %arg3[%dma_wait3A_40, %dma_wait3A_41] : memref<50000x32xf32, #tpu.memory_space<hbm>> -> memref<50000x32xf32, #tpu.memory_space<hbm>>
      tpu.wait_indirect_dma semaphore(%arg18 : memref<!tpu.dma_semaphore, #tpu.memory_space<semaphore_mem>>) src(%dma_wait3A_42 : memref<50000x32xf32, #tpu.memory_space<hbm>>) dst(%arg14 : memref<500x32xf32, #tpu.memory_space<vmem>>)
      "tpu.region"() ({
        %run_scoped3A = tpu.sem_alloc : memref<!tpu.dma_semaphore, #tpu.memory_space<semaphore_mem>>
        %dma_start3A_65 = arith.constant 0 : i32
        %dma_start3A_66 = tpu.memref_slice %arg7[%mul3A_37, %dma_start3A_65] : memref<800000x32xf32, #tpu.memory_space<hbm>> -> memref<500x32xf32, #tpu.memory_space<hbm>>
        %dma_start3A_67 = arith.constant 0 : i32
        %dma_start3A_68 = tpu.memref_slice %arg7[%mul3A_37, %dma_start3A_67] : memref<800000x32xf32, #tpu.memory_space<hbm>> -> memref<500x32xf32, #tpu.memory_space<hbm>>
        tpu.enqueue_dma source(%arg14 : memref<500x32xf32, #tpu.memory_space<vmem>>) target(%dma_start3A_68 : memref<500x32xf32, #tpu.memory_space<hbm>>) target_semaphore(%run_scoped3A : memref<!tpu.dma_semaphore, #tpu.memory_space<semaphore_mem>>)
        %dma_wait3A_69 = arith.constant 0 : i32
        %dma_wait3A_70 = tpu.memref_slice %arg7[%mul3A_37, %dma_wait3A_69] : memref<800000x32xf32, #tpu.memory_space<hbm>> -> memref<500x32xf32, #tpu.memory_space<hbm>>
        %dma_wait3A_71 = arith.constant 0 : i32
        %dma_wait3A_72 = tpu.memref_slice %arg7[%mul3A_37, %dma_wait3A_71] : memref<800000x32xf32, #tpu.memory_space<hbm>> -> memref<500x32xf32, #tpu.memory_space<hbm>>
        tpu.wait_dma2 semaphore(%run_scoped3A : memref<!tpu.dma_semaphore, #tpu.memory_space<semaphore_mem>>) src(%arg14 : memref<500x32xf32, #tpu.memory_space<vmem>>) dst(%dma_wait3A_72 : memref<500x32xf32, #tpu.memory_space<hbm>>)
        tpu.yield
      }) : () -> ()
      %lt3A = arith.constant 24 : i32
      %lt3A_43 = arith.cmpi slt, %add3A_28, %lt3A : i32
      %convert_element_type3A = arith.extui %lt3A_43 : i1 to i32
      %cond3A = arith.constant 0 : i32
      %cond3A_44 = arith.cmpi ne, %convert_element_type3A, %cond3A : i32
      scf.if %cond3A_44 {
        %add3A_65 = arith.constant 2 : i32
        %add3A_66 = arith.addi %add3A_32, %add3A_65 : i32
        %mul3A_67 = arith.constant 50 : i32
        %mul3A_68 = arith.muli %add3A, %mul3A_67 : i32
        %add3A_69 = arith.addi %mul3A_68, %add3A_66 : i32
        "tpu.region"() ({
          %run_scoped3A = tpu.sem_alloc : memref<!tpu.dma_semaphore, #tpu.memory_space<semaphore_mem>>
          %dma_start3A_76 = arith.constant 0 : i32
          %dma_start3A_77 = tpu.memref_slice %arg4[%add3A_69, %dma_start3A_76] : memref<1600x500xi32, #tpu.memory_space<hbm>> -> memref<1x500xi32, #tpu.memory_space<hbm>>
          %dma_start3A_78 = tpu.memref_squeeze %dma_start3A_77 : memref<1x500xi32, #tpu.memory_space<hbm>> -> memref<500xi32, #tpu.memory_space<hbm>>
          %dma_start3A_79 = arith.constant 0 : i32
          %dma_start3A_80 = tpu.memref_slice %arg4[%add3A_69, %dma_start3A_79] : memref<1600x500xi32, #tpu.memory_space<hbm>> -> memref<1x500xi32, #tpu.memory_space<hbm>>
          %dma_start3A_81 = tpu.memref_squeeze %dma_start3A_80 : memref<1x500xi32, #tpu.memory_space<hbm>> -> memref<500xi32, #tpu.memory_space<hbm>>
          tpu.enqueue_dma source(%dma_start3A_81 : memref<500xi32, #tpu.memory_space<hbm>>) target(%arg8 : memref<500xi32, #tpu.memory_space<vmem>>) target_semaphore(%run_scoped3A : memref<!tpu.dma_semaphore, #tpu.memory_space<semaphore_mem>>)
          %dma_wait3A_82 = arith.constant 0 : i32
          %dma_wait3A_83 = tpu.memref_slice %arg4[%add3A_69, %dma_wait3A_82] : memref<1600x500xi32, #tpu.memory_space<hbm>> -> memref<1x500xi32, #tpu.memory_space<hbm>>
          %dma_wait3A_84 = tpu.memref_squeeze %dma_wait3A_83 : memref<1x500xi32, #tpu.memory_space<hbm>> -> memref<500xi32, #tpu.memory_space<hbm>>
          %dma_wait3A_85 = arith.constant 0 : i32
          %dma_wait3A_86 = tpu.memref_slice %arg4[%add3A_69, %dma_wait3A_85] : memref<1600x500xi32, #tpu.memory_space<hbm>> -> memref<1x500xi32, #tpu.memory_space<hbm>>
          %dma_wait3A_87 = tpu.memref_squeeze %dma_wait3A_86 : memref<1x500xi32, #tpu.memory_space<hbm>> -> memref<500xi32, #tpu.memory_space<hbm>>
          tpu.wait_dma2 semaphore(%run_scoped3A : memref<!tpu.dma_semaphore, #tpu.memory_space<semaphore_mem>>) src(%dma_wait3A_87 : memref<500xi32, #tpu.memory_space<hbm>>) dst(%arg8 : memref<500xi32, #tpu.memory_space<vmem>>)
          tpu.yield
        }) : () -> ()
        %dma_start3A_70 = arith.constant 0 : i32
        %dma_start3A_71 = arith.constant 0 : i32
        %dma_start3A_72 = tpu.memref_slice %arg2[%dma_start3A_70, %dma_start3A_71] : memref<50000x32xf32, #tpu.memory_space<hbm>> -> memref<50000x32xf32, #tpu.memory_space<hbm>>
        tpu.enqueue_indirect_dma source(%dma_start3A_72 : memref<50000x32xf32, #tpu.memory_space<hbm>>) target(%arg12 : memref<500x32xf32, #tpu.memory_space<vmem>>) offsets(%arg8 : memref<500xi32, #tpu.memory_space<vmem>>) semaphore(%arg16 : memref<!tpu.dma_semaphore, #tpu.memory_space<semaphore_mem>>)
        "tpu.region"() ({
          %run_scoped3A = tpu.sem_alloc : memref<!tpu.dma_semaphore, #tpu.memory_space<semaphore_mem>>
          %dma_start3A_76 = arith.constant 0 : i32
          %dma_start3A_77 = tpu.memref_slice %arg5[%add3A_69, %dma_start3A_76] : memref<1600x500xi32, #tpu.memory_space<hbm>> -> memref<1x500xi32, #tpu.memory_space<hbm>>
          %dma_start3A_78 = tpu.memref_squeeze %dma_start3A_77 : memref<1x500xi32, #tpu.memory_space<hbm>> -> memref<500xi32, #tpu.memory_space<hbm>>
          %dma_start3A_79 = arith.constant 0 : i32
          %dma_start3A_80 = tpu.memref_slice %arg5[%add3A_69, %dma_start3A_79] : memref<1600x500xi32, #tpu.memory_space<hbm>> -> memref<1x500xi32, #tpu.memory_space<hbm>>
          %dma_start3A_81 = tpu.memref_squeeze %dma_start3A_80 : memref<1x500xi32, #tpu.memory_space<hbm>> -> memref<500xi32, #tpu.memory_space<hbm>>
          tpu.enqueue_dma source(%dma_start3A_81 : memref<500xi32, #tpu.memory_space<hbm>>) target(%arg10 : memref<500xi32, #tpu.memory_space<vmem>>) target_semaphore(%run_scoped3A : memref<!tpu.dma_semaphore, #tpu.memory_space<semaphore_mem>>)
          %dma_wait3A_82 = arith.constant 0 : i32
          %dma_wait3A_83 = tpu.memref_slice %arg5[%add3A_69, %dma_wait3A_82] : memref<1600x500xi32, #tpu.memory_space<hbm>> -> memref<1x500xi32, #tpu.memory_space<hbm>>
          %dma_wait3A_84 = tpu.memref_squeeze %dma_wait3A_83 : memref<1x500xi32, #tpu.memory_space<hbm>> -> memref<500xi32, #tpu.memory_space<hbm>>
          %dma_wait3A_85 = arith.constant 0 : i32
          %dma_wait3A_86 = tpu.memref_slice %arg5[%add3A_69, %dma_wait3A_85] : memref<1600x500xi32, #tpu.memory_space<hbm>> -> memref<1x500xi32, #tpu.memory_space<hbm>>
          %dma_wait3A_87 = tpu.memref_squeeze %dma_wait3A_86 : memref<1x500xi32, #tpu.memory_space<hbm>> -> memref<500xi32, #tpu.memory_space<hbm>>
          tpu.wait_dma2 semaphore(%run_scoped3A : memref<!tpu.dma_semaphore, #tpu.memory_space<semaphore_mem>>) src(%dma_wait3A_87 : memref<500xi32, #tpu.memory_space<hbm>>) dst(%arg10 : memref<500xi32, #tpu.memory_space<vmem>>)
          tpu.yield
        }) : () -> ()
        %dma_start3A_73 = arith.constant 0 : i32
        %dma_start3A_74 = arith.constant 0 : i32
        %dma_start3A_75 = tpu.memref_slice %arg3[%dma_start3A_73, %dma_start3A_74] : memref<50000x32xf32, #tpu.memory_space<hbm>> -> memref<50000x32xf32, #tpu.memory_space<hbm>>
        tpu.enqueue_indirect_dma source(%dma_start3A_75 : memref<50000x32xf32, #tpu.memory_space<hbm>>) target(%arg14 : memref<500x32xf32, #tpu.memory_space<vmem>>) offsets(%arg10 : memref<500xi32, #tpu.memory_space<vmem>>) semaphore(%arg18 : memref<!tpu.dma_semaphore, #tpu.memory_space<semaphore_mem>>)
      } else {
      }
      %mul3A_45 = arith.constant 2 : i32
      %mul3A_46 = arith.muli %add3A_28, %mul3A_45 : i32
      %add3A_47 = arith.constant 1 : i32
      %add3A_48 = arith.addi %mul3A_46, %add3A_47 : i32
      %mul3A_49 = arith.constant 50 : i32
      %mul3A_50 = arith.muli %add3A, %mul3A_49 : i32
      %add3A_51 = arith.addi %mul3A_50, %add3A_48 : i32
      %mul3A_52 = arith.constant 500 : i32
      %mul3A_53 = arith.muli %add3A_51, %mul3A_52 : i32
      %dma_wait3A_54 = arith.constant 0 : i32
      %dma_wait3A_55 = arith.constant 0 : i32
      %dma_wait3A_56 = tpu.memref_slice %arg2[%dma_wait3A_54, %dma_wait3A_55] : memref<50000x32xf32, #tpu.memory_space<hbm>> -> memref<50000x32xf32, #tpu.memory_space<hbm>>
      tpu.wait_indirect_dma semaphore(%arg17 : memref<!tpu.dma_semaphore, #tpu.memory_space<semaphore_mem>>) src(%dma_wait3A_56 : memref<50000x32xf32, #tpu.memory_space<hbm>>) dst(%arg13 : memref<500x32xf32, #tpu.memory_space<vmem>>)
      "tpu.region"() ({
        %run_scoped3A = tpu.sem_alloc : memref<!tpu.dma_semaphore, #tpu.memory_space<semaphore_mem>>
        %dma_start3A_65 = arith.constant 0 : i32
        %dma_start3A_66 = tpu.memref_slice %arg6[%mul3A_53, %dma_start3A_65] : memref<800000x32xf32, #tpu.memory_space<hbm>> -> memref<500x32xf32, #tpu.memory_space<hbm>>
        %dma_start3A_67 = arith.constant 0 : i32
        %dma_start3A_68 = tpu.memref_slice %arg6[%mul3A_53, %dma_start3A_67] : memref<800000x32xf32, #tpu.memory_space<hbm>> -> memref<500x32xf32, #tpu.memory_space<hbm>>
        tpu.enqueue_dma source(%arg13 : memref<500x32xf32, #tpu.memory_space<vmem>>) target(%dma_start3A_68 : memref<500x32xf32, #tpu.memory_space<hbm>>) target_semaphore(%run_scoped3A : memref<!tpu.dma_semaphore, #tpu.memory_space<semaphore_mem>>)
        %dma_wait3A_69 = arith.constant 0 : i32
        %dma_wait3A_70 = tpu.memref_slice %arg6[%mul3A_53, %dma_wait3A_69] : memref<800000x32xf32, #tpu.memory_space<hbm>> -> memref<500x32xf32, #tpu.memory_space<hbm>>
        %dma_wait3A_71 = arith.constant 0 : i32
        %dma_wait3A_72 = tpu.memref_slice %arg6[%mul3A_53, %dma_wait3A_71] : memref<800000x32xf32, #tpu.memory_space<hbm>> -> memref<500x32xf32, #tpu.memory_space<hbm>>
        tpu.wait_dma2 semaphore(%run_scoped3A : memref<!tpu.dma_semaphore, #tpu.memory_space<semaphore_mem>>) src(%arg13 : memref<500x32xf32, #tpu.memory_space<vmem>>) dst(%dma_wait3A_72 : memref<500x32xf32, #tpu.memory_space<hbm>>)
        tpu.yield
      }) : () -> ()
      %dma_wait3A_57 = arith.constant 0 : i32
      %dma_wait3A_58 = arith.constant 0 : i32
      %dma_wait3A_59 = tpu.memref_slice %arg3[%dma_wait3A_57, %dma_wait3A_58] : memref<50000x32xf32, #tpu.memory_space<hbm>> -> memref<50000x32xf32, #tpu.memory_space<hbm>>
      tpu.wait_indirect_dma semaphore(%arg19 : memref<!tpu.dma_semaphore, #tpu.memory_space<semaphore_mem>>) src(%dma_wait3A_59 : memref<50000x32xf32, #tpu.memory_space<hbm>>) dst(%arg15 : memref<500x32xf32, #tpu.memory_space<vmem>>)
      "tpu.region"() ({
        %run_scoped3A = tpu.sem_alloc : memref<!tpu.dma_semaphore, #tpu.memory_space<semaphore_mem>>
        %dma_start3A_65 = arith.constant 0 : i32
        %dma_start3A_66 = tpu.memref_slice %arg7[%mul3A_53, %dma_start3A_65] : memref<800000x32xf32, #tpu.memory_space<hbm>> -> memref<500x32xf32, #tpu.memory_space<hbm>>
        %dma_start3A_67 = arith.constant 0 : i32
        %dma_start3A_68 = tpu.memref_slice %arg7[%mul3A_53, %dma_start3A_67] : memref<800000x32xf32, #tpu.memory_space<hbm>> -> memref<500x32xf32, #tpu.memory_space<hbm>>
        tpu.enqueue_dma source(%arg15 : memref<500x32xf32, #tpu.memory_space<vmem>>) target(%dma_start3A_68 : memref<500x32xf32, #tpu.memory_space<hbm>>) target_semaphore(%run_scoped3A : memref<!tpu.dma_semaphore, #tpu.memory_space<semaphore_mem>>)
        %dma_wait3A_69 = arith.constant 0 : i32
        %dma_wait3A_70 = tpu.memref_slice %arg7[%mul3A_53, %dma_wait3A_69] : memref<800000x32xf32, #tpu.memory_space<hbm>> -> memref<500x32xf32, #tpu.memory_space<hbm>>
        %dma_wait3A_71 = arith.constant 0 : i32
        %dma_wait3A_72 = tpu.memref_slice %arg7[%mul3A_53, %dma_wait3A_71] : memref<800000x32xf32, #tpu.memory_space<hbm>> -> memref<500x32xf32, #tpu.memory_space<hbm>>
        tpu.wait_dma2 semaphore(%run_scoped3A : memref<!tpu.dma_semaphore, #tpu.memory_space<semaphore_mem>>) src(%arg15 : memref<500x32xf32, #tpu.memory_space<vmem>>) dst(%dma_wait3A_72 : memref<500x32xf32, #tpu.memory_space<hbm>>)
        tpu.yield
      }) : () -> ()
      %lt3A_60 = arith.constant 24 : i32
      %lt3A_61 = arith.cmpi slt, %add3A_28, %lt3A_60 : i32
      %convert_element_type3A_62 = arith.extui %lt3A_61 : i1 to i32
      %cond3A_63 = arith.constant 0 : i32
      %cond3A_64 = arith.cmpi ne, %convert_element_type3A_62, %cond3A_63 : i32
      scf.if %cond3A_64 {
        %add3A_65 = arith.constant 2 : i32
        %add3A_66 = arith.addi %add3A_48, %add3A_65 : i32
        %mul3A_67 = arith.constant 50 : i32
        %mul3A_68 = arith.muli %add3A, %mul3A_67 : i32
        %add3A_69 = arith.addi %mul3A_68, %add3A_66 : i32
        "tpu.region"() ({
          %run_scoped3A = tpu.sem_alloc : memref<!tpu.dma_semaphore, #tpu.memory_space<semaphore_mem>>
          %dma_start3A_76 = arith.constant 0 : i32
          %dma_start3A_77 = tpu.memref_slice %arg4[%add3A_69, %dma_start3A_76] : memref<1600x500xi32, #tpu.memory_space<hbm>> -> memref<1x500xi32, #tpu.memory_space<hbm>>
          %dma_start3A_78 = tpu.memref_squeeze %dma_start3A_77 : memref<1x500xi32, #tpu.memory_space<hbm>> -> memref<500xi32, #tpu.memory_space<hbm>>
          %dma_start3A_79 = arith.constant 0 : i32
          %dma_start3A_80 = tpu.memref_slice %arg4[%add3A_69, %dma_start3A_79] : memref<1600x500xi32, #tpu.memory_space<hbm>> -> memref<1x500xi32, #tpu.memory_space<hbm>>
          %dma_start3A_81 = tpu.memref_squeeze %dma_start3A_80 : memref<1x500xi32, #tpu.memory_space<hbm>> -> memref<500xi32, #tpu.memory_space<hbm>>
          tpu.enqueue_dma source(%dma_start3A_81 : memref<500xi32, #tpu.memory_space<hbm>>) target(%arg9 : memref<500xi32, #tpu.memory_space<vmem>>) target_semaphore(%run_scoped3A : memref<!tpu.dma_semaphore, #tpu.memory_space<semaphore_mem>>)
          %dma_wait3A_82 = arith.constant 0 : i32
          %dma_wait3A_83 = tpu.memref_slice %arg4[%add3A_69, %dma_wait3A_82] : memref<1600x500xi32, #tpu.memory_space<hbm>> -> memref<1x500xi32, #tpu.memory_space<hbm>>
          %dma_wait3A_84 = tpu.memref_squeeze %dma_wait3A_83 : memref<1x500xi32, #tpu.memory_space<hbm>> -> memref<500xi32, #tpu.memory_space<hbm>>
          %dma_wait3A_85 = arith.constant 0 : i32
          %dma_wait3A_86 = tpu.memref_slice %arg4[%add3A_69, %dma_wait3A_85] : memref<1600x500xi32, #tpu.memory_space<hbm>> -> memref<1x500xi32, #tpu.memory_space<hbm>>
          %dma_wait3A_87 = tpu.memref_squeeze %dma_wait3A_86 : memref<1x500xi32, #tpu.memory_space<hbm>> -> memref<500xi32, #tpu.memory_space<hbm>>
          tpu.wait_dma2 semaphore(%run_scoped3A : memref<!tpu.dma_semaphore, #tpu.memory_space<semaphore_mem>>) src(%dma_wait3A_87 : memref<500xi32, #tpu.memory_space<hbm>>) dst(%arg9 : memref<500xi32, #tpu.memory_space<vmem>>)
          tpu.yield
        }) : () -> ()
        %dma_start3A_70 = arith.constant 0 : i32
        %dma_start3A_71 = arith.constant 0 : i32
        %dma_start3A_72 = tpu.memref_slice %arg2[%dma_start3A_70, %dma_start3A_71] : memref<50000x32xf32, #tpu.memory_space<hbm>> -> memref<50000x32xf32, #tpu.memory_space<hbm>>
        tpu.enqueue_indirect_dma source(%dma_start3A_72 : memref<50000x32xf32, #tpu.memory_space<hbm>>) target(%arg13 : memref<500x32xf32, #tpu.memory_space<vmem>>) offsets(%arg9 : memref<500xi32, #tpu.memory_space<vmem>>) semaphore(%arg17 : memref<!tpu.dma_semaphore, #tpu.memory_space<semaphore_mem>>)
        "tpu.region"() ({
          %run_scoped3A = tpu.sem_alloc : memref<!tpu.dma_semaphore, #tpu.memory_space<semaphore_mem>>
          %dma_start3A_76 = arith.constant 0 : i32
          %dma_start3A_77 = tpu.memref_slice %arg5[%add3A_69, %dma_start3A_76] : memref<1600x500xi32, #tpu.memory_space<hbm>> -> memref<1x500xi32, #tpu.memory_space<hbm>>
          %dma_start3A_78 = tpu.memref_squeeze %dma_start3A_77 : memref<1x500xi32, #tpu.memory_space<hbm>> -> memref<500xi32, #tpu.memory_space<hbm>>
          %dma_start3A_79 = arith.constant 0 : i32
          %dma_start3A_80 = tpu.memref_slice %arg5[%add3A_69, %dma_start3A_79] : memref<1600x500xi32, #tpu.memory_space<hbm>> -> memref<1x500xi32, #tpu.memory_space<hbm>>
          %dma_start3A_81 = tpu.memref_squeeze %dma_start3A_80 : memref<1x500xi32, #tpu.memory_space<hbm>> -> memref<500xi32, #tpu.memory_space<hbm>>
          tpu.enqueue_dma source(%dma_start3A_81 : memref<500xi32, #tpu.memory_space<hbm>>) target(%arg11 : memref<500xi32, #tpu.memory_space<vmem>>) target_semaphore(%run_scoped3A : memref<!tpu.dma_semaphore, #tpu.memory_space<semaphore_mem>>)
          %dma_wait3A_82 = arith.constant 0 : i32
          %dma_wait3A_83 = tpu.memref_slice %arg5[%add3A_69, %dma_wait3A_82] : memref<1600x500xi32, #tpu.memory_space<hbm>> -> memref<1x500xi32, #tpu.memory_space<hbm>>
          %dma_wait3A_84 = tpu.memref_squeeze %dma_wait3A_83 : memref<1x500xi32, #tpu.memory_space<hbm>> -> memref<500xi32, #tpu.memory_space<hbm>>
          %dma_wait3A_85 = arith.constant 0 : i32
          %dma_wait3A_86 = tpu.memref_slice %arg5[%add3A_69, %dma_wait3A_85] : memref<1600x500xi32, #tpu.memory_space<hbm>> -> memref<1x500xi32, #tpu.memory_space<hbm>>
          %dma_wait3A_87 = tpu.memref_squeeze %dma_wait3A_86 : memref<1x500xi32, #tpu.memory_space<hbm>> -> memref<500xi32, #tpu.memory_space<hbm>>
          tpu.wait_dma2 semaphore(%run_scoped3A : memref<!tpu.dma_semaphore, #tpu.memory_space<semaphore_mem>>) src(%dma_wait3A_87 : memref<500xi32, #tpu.memory_space<hbm>>) dst(%arg11 : memref<500xi32, #tpu.memory_space<vmem>>)
          tpu.yield
        }) : () -> ()
        %dma_start3A_73 = arith.constant 0 : i32
        %dma_start3A_74 = arith.constant 0 : i32
        %dma_start3A_75 = tpu.memref_slice %arg3[%dma_start3A_73, %dma_start3A_74] : memref<50000x32xf32, #tpu.memory_space<hbm>> -> memref<50000x32xf32, #tpu.memory_space<hbm>>
        tpu.enqueue_indirect_dma source(%dma_start3A_75 : memref<50000x32xf32, #tpu.memory_space<hbm>>) target(%arg15 : memref<500x32xf32, #tpu.memory_space<vmem>>) offsets(%arg11 : memref<500xi32, #tpu.memory_space<vmem>>) semaphore(%arg19 : memref<!tpu.dma_semaphore, #tpu.memory_space<semaphore_mem>>)
      } else {
      }
    }
    %scan3A_23 = arith.constant 25 : i32
    return
  }
}

#map = affine_map<(d0, d1) -> (0, 0)>
#map1 = affine_map<(d0, d1) -> (0, 0, 0)>
module attributes {stable_mosaic.version = 14 : i64} {
  func.func @k(%arg0: i32, %arg1: i32, %arg2: memref<800000x32xf32, #tpu.memory_space<hbm>>, %arg3: memref<3200x250xi32, #tpu.memory_space<hbm>>, %arg4: memref<3125x32xf32, #tpu.memory_space<hbm>>, %arg5: memref<2x50000x32xf32, #tpu.memory_space<hbm>>, %arg6: memref<250xi32, #tpu.memory_space<vmem>>, %arg7: memref<250xi32, #tpu.memory_space<vmem>>, %arg8: memref<250x32xf32, #tpu.memory_space<vmem>>, %arg9: memref<250x32xf32, #tpu.memory_space<vmem>>, %arg10: memref<50000x32xf32, #tpu.memory_space<vmem_shared>>, %arg11: memref<!tpu.dma_semaphore, #tpu.memory_space<semaphore_mem>>, %arg12: memref<!tpu.dma_semaphore, #tpu.memory_space<semaphore_mem>>, %arg13: memref<!tpu.dma_semaphore, #tpu.memory_space<semaphore_mem>>, %arg14: memref<!tpu.dma_semaphore, #tpu.memory_space<semaphore_mem>>) attributes {dimension_semantics = [#tpu.dimension_semantics<core_parallel>, #tpu.dimension_semantics<subcore_parallel>], iteration_bounds = array<i64: 2, 16>, scalar_prefetch = 0 : i64, scratch_operands = 9 : i64, tpu.core_type = #tpu.core_type<sc_vector_subcore>, window_params = [{transform_indices = #map}, {transform_indices = #map}, {transform_indices = #map}, {transform_indices = #map1}]} {
    %mul3A = arith.constant 2 : i32
    %mul3A_0 = arith.muli %arg1, %mul3A : i32
    %add3A = arith.addi %mul3A_0, %arg0 : i32
    %mul3A_1 = arith.constant 3125 : i32
    %mul3A_2 = arith.muli %arg1, %mul3A_1 : i32
    "tpu.region"() ({
      %run_scoped3A = tpu.sem_alloc : memref<!tpu.dma_semaphore, #tpu.memory_space<semaphore_mem>>
      %dma_start3A_43 = arith.constant 0 : i32
      %dma_start3A_44 = tpu.memref_slice %arg10[%mul3A_2, %dma_start3A_43] : memref<50000x32xf32, #tpu.memory_space<vmem_shared>> -> memref<3125x32xf32, #tpu.memory_space<vmem_shared>>
      tpu.enqueue_dma source(%arg4 : memref<3125x32xf32, #tpu.memory_space<hbm>>) target(%dma_start3A_44 : memref<3125x32xf32, #tpu.memory_space<vmem_shared>>) target_semaphore(%run_scoped3A : memref<!tpu.dma_semaphore, #tpu.memory_space<semaphore_mem>>)
      %dma_wait3A = arith.constant 0 : i32
      %dma_wait3A_45 = tpu.memref_slice %arg10[%mul3A_2, %dma_wait3A] : memref<50000x32xf32, #tpu.memory_space<vmem_shared>> -> memref<3125x32xf32, #tpu.memory_space<vmem_shared>>
      tpu.wait_dma2 semaphore(%run_scoped3A : memref<!tpu.dma_semaphore, #tpu.memory_space<semaphore_mem>>) src(%arg4 : memref<3125x32xf32, #tpu.memory_space<hbm>>) dst(%dma_wait3A_45 : memref<3125x32xf32, #tpu.memory_space<vmem_shared>>)
      tpu.yield
    }) : () -> ()
    %barrier3A = arith.constant 0 : index
    tpu.barrier barrier_id(%barrier3A)
    %mul3A_3 = arith.constant 100 : i32
    %mul3A_4 = arith.muli %add3A, %mul3A_3 : i32
    %add3A_5 = arith.constant 0 : i32
    %add3A_6 = arith.addi %mul3A_4, %add3A_5 : i32
    %dma_start3A = arith.constant 0 : i32
    %dma_start3A_7 = tpu.memref_slice %arg3[%add3A_6, %dma_start3A] : memref<3200x250xi32, #tpu.memory_space<hbm>> -> memref<1x250xi32, #tpu.memory_space<hbm>>
    %dma_start3A_8 = tpu.memref_squeeze %dma_start3A_7 : memref<1x250xi32, #tpu.memory_space<hbm>> -> memref<250xi32, #tpu.memory_space<hbm>>
    %dma_start3A_9 = arith.constant 0 : i32
    %dma_start3A_10 = tpu.memref_slice %arg3[%add3A_6, %dma_start3A_9] : memref<3200x250xi32, #tpu.memory_space<hbm>> -> memref<1x250xi32, #tpu.memory_space<hbm>>
    %dma_start3A_11 = tpu.memref_squeeze %dma_start3A_10 : memref<1x250xi32, #tpu.memory_space<hbm>> -> memref<250xi32, #tpu.memory_space<hbm>>
    tpu.enqueue_dma source(%dma_start3A_11 : memref<250xi32, #tpu.memory_space<hbm>>) target(%arg6 : memref<250xi32, #tpu.memory_space<vmem>>) target_semaphore(%arg11 : memref<!tpu.dma_semaphore, #tpu.memory_space<semaphore_mem>>)
    %mul3A_12 = arith.constant 250 : i32
    %mul3A_13 = arith.muli %add3A_6, %mul3A_12 : i32
    %dma_start3A_14 = arith.constant 0 : i32
    %dma_start3A_15 = tpu.memref_slice %arg2[%mul3A_13, %dma_start3A_14] : memref<800000x32xf32, #tpu.memory_space<hbm>> -> memref<250x32xf32, #tpu.memory_space<hbm>>
    %dma_start3A_16 = arith.constant 0 : i32
    %dma_start3A_17 = tpu.memref_slice %arg2[%mul3A_13, %dma_start3A_16] : memref<800000x32xf32, #tpu.memory_space<hbm>> -> memref<250x32xf32, #tpu.memory_space<hbm>>
    tpu.enqueue_dma source(%dma_start3A_17 : memref<250x32xf32, #tpu.memory_space<hbm>>) target(%arg8 : memref<250x32xf32, #tpu.memory_space<vmem>>) target_semaphore(%arg13 : memref<!tpu.dma_semaphore, #tpu.memory_space<semaphore_mem>>)
    %mul3A_18 = arith.constant 100 : i32
    %mul3A_19 = arith.muli %add3A, %mul3A_18 : i32
    %add3A_20 = arith.constant 1 : i32
    %add3A_21 = arith.addi %mul3A_19, %add3A_20 : i32
    %dma_start3A_22 = arith.constant 0 : i32
    %dma_start3A_23 = tpu.memref_slice %arg3[%add3A_21, %dma_start3A_22] : memref<3200x250xi32, #tpu.memory_space<hbm>> -> memref<1x250xi32, #tpu.memory_space<hbm>>
    %dma_start3A_24 = tpu.memref_squeeze %dma_start3A_23 : memref<1x250xi32, #tpu.memory_space<hbm>> -> memref<250xi32, #tpu.memory_space<hbm>>
    %dma_start3A_25 = arith.constant 0 : i32
    %dma_start3A_26 = tpu.memref_slice %arg3[%add3A_21, %dma_start3A_25] : memref<3200x250xi32, #tpu.memory_space<hbm>> -> memref<1x250xi32, #tpu.memory_space<hbm>>
    %dma_start3A_27 = tpu.memref_squeeze %dma_start3A_26 : memref<1x250xi32, #tpu.memory_space<hbm>> -> memref<250xi32, #tpu.memory_space<hbm>>
    tpu.enqueue_dma source(%dma_start3A_27 : memref<250xi32, #tpu.memory_space<hbm>>) target(%arg7 : memref<250xi32, #tpu.memory_space<vmem>>) target_semaphore(%arg12 : memref<!tpu.dma_semaphore, #tpu.memory_space<semaphore_mem>>)
    %mul3A_28 = arith.constant 250 : i32
    %mul3A_29 = arith.muli %add3A_21, %mul3A_28 : i32
    %dma_start3A_30 = arith.constant 0 : i32
    %dma_start3A_31 = tpu.memref_slice %arg2[%mul3A_29, %dma_start3A_30] : memref<800000x32xf32, #tpu.memory_space<hbm>> -> memref<250x32xf32, #tpu.memory_space<hbm>>
    %dma_start3A_32 = arith.constant 0 : i32
    %dma_start3A_33 = tpu.memref_slice %arg2[%mul3A_29, %dma_start3A_32] : memref<800000x32xf32, #tpu.memory_space<hbm>> -> memref<250x32xf32, #tpu.memory_space<hbm>>
    tpu.enqueue_dma source(%dma_start3A_33 : memref<250x32xf32, #tpu.memory_space<hbm>>) target(%arg9 : memref<250x32xf32, #tpu.memory_space<vmem>>) target_semaphore(%arg14 : memref<!tpu.dma_semaphore, #tpu.memory_space<semaphore_mem>>)
    %scan3A = arith.constant 0 : i32
    %scan3A_34 = arith.constant 50 : i32
    %scan3A_35 = arith.addi %scan3A, %scan3A_34 : i32
    %scan3A_36 = arith.constant 1 : i32
    scf.for %scan3A_43 = %scan3A to %scan3A_35 step %scan3A_36  : i32 {
      %mul3A_44 = arith.constant 1 : i32
      %mul3A_45 = arith.muli %scan3A_43, %mul3A_44 : i32
      %add3A_46 = arith.constant 0 : i32
      %add3A_47 = arith.addi %add3A_46, %mul3A_45 : i32
      %mul3A_48 = arith.constant 2 : i32
      %mul3A_49 = arith.muli %add3A_47, %mul3A_48 : i32
      %add3A_50 = arith.constant 0 : i32
      %add3A_51 = arith.addi %mul3A_49, %add3A_50 : i32
      %mul3A_52 = arith.constant 100 : i32
      %mul3A_53 = arith.muli %add3A, %mul3A_52 : i32
      %add3A_54 = arith.addi %mul3A_53, %add3A_51 : i32
      %dma_wait3A = arith.constant 0 : i32
      %dma_wait3A_55 = tpu.memref_slice %arg3[%add3A_54, %dma_wait3A] : memref<3200x250xi32, #tpu.memory_space<hbm>> -> memref<1x250xi32, #tpu.memory_space<hbm>>
      %dma_wait3A_56 = tpu.memref_squeeze %dma_wait3A_55 : memref<1x250xi32, #tpu.memory_space<hbm>> -> memref<250xi32, #tpu.memory_space<hbm>>
      %dma_wait3A_57 = arith.constant 0 : i32
      %dma_wait3A_58 = tpu.memref_slice %arg3[%add3A_54, %dma_wait3A_57] : memref<3200x250xi32, #tpu.memory_space<hbm>> -> memref<1x250xi32, #tpu.memory_space<hbm>>
      %dma_wait3A_59 = tpu.memref_squeeze %dma_wait3A_58 : memref<1x250xi32, #tpu.memory_space<hbm>> -> memref<250xi32, #tpu.memory_space<hbm>>
      tpu.wait_dma2 semaphore(%arg11 : memref<!tpu.dma_semaphore, #tpu.memory_space<semaphore_mem>>) src(%dma_wait3A_59 : memref<250xi32, #tpu.memory_space<hbm>>) dst(%arg6 : memref<250xi32, #tpu.memory_space<vmem>>)
      %mul3A_60 = arith.constant 250 : i32
      %mul3A_61 = arith.muli %add3A_54, %mul3A_60 : i32
      %dma_wait3A_62 = arith.constant 0 : i32
      %dma_wait3A_63 = tpu.memref_slice %arg2[%mul3A_61, %dma_wait3A_62] : memref<800000x32xf32, #tpu.memory_space<hbm>> -> memref<250x32xf32, #tpu.memory_space<hbm>>
      %dma_wait3A_64 = arith.constant 0 : i32
      %dma_wait3A_65 = tpu.memref_slice %arg2[%mul3A_61, %dma_wait3A_64] : memref<800000x32xf32, #tpu.memory_space<hbm>> -> memref<250x32xf32, #tpu.memory_space<hbm>>
      tpu.wait_dma2 semaphore(%arg13 : memref<!tpu.dma_semaphore, #tpu.memory_space<semaphore_mem>>) src(%dma_wait3A_65 : memref<250x32xf32, #tpu.memory_space<hbm>>) dst(%arg8 : memref<250x32xf32, #tpu.memory_space<vmem>>)
      "tpu.region"() ({
        %run_scoped3A = tpu.sem_alloc : memref<!tpu.dma_semaphore, #tpu.memory_space<semaphore_mem>>
        %dma_start3A_96 = arith.constant 0 : i32
        %dma_start3A_97 = arith.constant 0 : i32
        %dma_start3A_98 = tpu.memref_slice %arg10[%dma_start3A_96, %dma_start3A_97] : memref<50000x32xf32, #tpu.memory_space<vmem_shared>> -> memref<50000x32xf32, #tpu.memory_space<vmem_shared>>
        tpu.enqueue_indirect_dma source(%arg8 : memref<250x32xf32, #tpu.memory_space<vmem>>) target(%dma_start3A_98 : memref<50000x32xf32, #tpu.memory_space<vmem_shared>>) offsets(%arg6 : memref<250xi32, #tpu.memory_space<vmem>>) semaphore(%run_scoped3A : memref<!tpu.dma_semaphore, #tpu.memory_space<semaphore_mem>>) {add = true}
        %dma_wait3A_99 = arith.constant 0 : i32
        %dma_wait3A_100 = arith.constant 0 : i32
        %dma_wait3A_101 = tpu.memref_slice %arg10[%dma_wait3A_99, %dma_wait3A_100] : memref<50000x32xf32, #tpu.memory_space<vmem_shared>> -> memref<50000x32xf32, #tpu.memory_space<vmem_shared>>
        tpu.wait_indirect_dma semaphore(%run_scoped3A : memref<!tpu.dma_semaphore, #tpu.memory_space<semaphore_mem>>) src(%arg8 : memref<250x32xf32, #tpu.memory_space<vmem>>) dst(%dma_wait3A_101 : memref<50000x32xf32, #tpu.memory_space<vmem_shared>>)
        tpu.yield
      }) : () -> ()
      %add3A_66 = arith.constant 2 : i32
      %add3A_67 = arith.addi %add3A_51, %add3A_66 : i32
      %lt3A = arith.constant 100 : i32
      %lt3A_68 = arith.cmpi slt, %add3A_67, %lt3A : i32
      %convert_element_type3A = arith.extui %lt3A_68 : i1 to i32
      %cond3A = arith.constant 0 : i32
      %cond3A_69 = arith.cmpi ne, %convert_element_type3A, %cond3A : i32
      scf.if %cond3A_69 {
        %add3A_96 = arith.constant 2 : i32
        %add3A_97 = arith.addi %add3A_51, %add3A_96 : i32
        %mul3A_98 = arith.constant 100 : i32
        %mul3A_99 = arith.muli %add3A, %mul3A_98 : i32
        %add3A_100 = arith.addi %mul3A_99, %add3A_97 : i32
        %dma_start3A_101 = arith.constant 0 : i32
        %dma_start3A_102 = tpu.memref_slice %arg3[%add3A_100, %dma_start3A_101] : memref<3200x250xi32, #tpu.memory_space<hbm>> -> memref<1x250xi32, #tpu.memory_space<hbm>>
        %dma_start3A_103 = tpu.memref_squeeze %dma_start3A_102 : memref<1x250xi32, #tpu.memory_space<hbm>> -> memref<250xi32, #tpu.memory_space<hbm>>
        %dma_start3A_104 = arith.constant 0 : i32
        %dma_start3A_105 = tpu.memref_slice %arg3[%add3A_100, %dma_start3A_104] : memref<3200x250xi32, #tpu.memory_space<hbm>> -> memref<1x250xi32, #tpu.memory_space<hbm>>
        %dma_start3A_106 = tpu.memref_squeeze %dma_start3A_105 : memref<1x250xi32, #tpu.memory_space<hbm>> -> memref<250xi32, #tpu.memory_space<hbm>>
        tpu.enqueue_dma source(%dma_start3A_106 : memref<250xi32, #tpu.memory_space<hbm>>) target(%arg6 : memref<250xi32, #tpu.memory_space<vmem>>) target_semaphore(%arg11 : memref<!tpu.dma_semaphore, #tpu.memory_space<semaphore_mem>>)
        %mul3A_107 = arith.constant 250 : i32
        %mul3A_108 = arith.muli %add3A_100, %mul3A_107 : i32
        %dma_start3A_109 = arith.constant 0 : i32
        %dma_start3A_110 = tpu.memref_slice %arg2[%mul3A_108, %dma_start3A_109] : memref<800000x32xf32, #tpu.memory_space<hbm>> -> memref<250x32xf32, #tpu.memory_space<hbm>>
        %dma_start3A_111 = arith.constant 0 : i32
        %dma_start3A_112 = tpu.memref_slice %arg2[%mul3A_108, %dma_start3A_111] : memref<800000x32xf32, #tpu.memory_space<hbm>> -> memref<250x32xf32, #tpu.memory_space<hbm>>
        tpu.enqueue_dma source(%dma_start3A_112 : memref<250x32xf32, #tpu.memory_space<hbm>>) target(%arg8 : memref<250x32xf32, #tpu.memory_space<vmem>>) target_semaphore(%arg13 : memref<!tpu.dma_semaphore, #tpu.memory_space<semaphore_mem>>)
      } else {
      }
      %mul3A_70 = arith.constant 2 : i32
      %mul3A_71 = arith.muli %add3A_47, %mul3A_70 : i32
      %add3A_72 = arith.constant 1 : i32
      %add3A_73 = arith.addi %mul3A_71, %add3A_72 : i32
      %mul3A_74 = arith.constant 100 : i32
      %mul3A_75 = arith.muli %add3A, %mul3A_74 : i32
      %add3A_76 = arith.addi %mul3A_75, %add3A_73 : i32
      %dma_wait3A_77 = arith.constant 0 : i32
      %dma_wait3A_78 = tpu.memref_slice %arg3[%add3A_76, %dma_wait3A_77] : memref<3200x250xi32, #tpu.memory_space<hbm>> -> memref<1x250xi32, #tpu.memory_space<hbm>>
      %dma_wait3A_79 = tpu.memref_squeeze %dma_wait3A_78 : memref<1x250xi32, #tpu.memory_space<hbm>> -> memref<250xi32, #tpu.memory_space<hbm>>
      %dma_wait3A_80 = arith.constant 0 : i32
      %dma_wait3A_81 = tpu.memref_slice %arg3[%add3A_76, %dma_wait3A_80] : memref<3200x250xi32, #tpu.memory_space<hbm>> -> memref<1x250xi32, #tpu.memory_space<hbm>>
      %dma_wait3A_82 = tpu.memref_squeeze %dma_wait3A_81 : memref<1x250xi32, #tpu.memory_space<hbm>> -> memref<250xi32, #tpu.memory_space<hbm>>
      tpu.wait_dma2 semaphore(%arg12 : memref<!tpu.dma_semaphore, #tpu.memory_space<semaphore_mem>>) src(%dma_wait3A_82 : memref<250xi32, #tpu.memory_space<hbm>>) dst(%arg7 : memref<250xi32, #tpu.memory_space<vmem>>)
      %mul3A_83 = arith.constant 250 : i32
      %mul3A_84 = arith.muli %add3A_76, %mul3A_83 : i32
      %dma_wait3A_85 = arith.constant 0 : i32
      %dma_wait3A_86 = tpu.memref_slice %arg2[%mul3A_84, %dma_wait3A_85] : memref<800000x32xf32, #tpu.memory_space<hbm>> -> memref<250x32xf32, #tpu.memory_space<hbm>>
      %dma_wait3A_87 = arith.constant 0 : i32
      %dma_wait3A_88 = tpu.memref_slice %arg2[%mul3A_84, %dma_wait3A_87] : memref<800000x32xf32, #tpu.memory_space<hbm>> -> memref<250x32xf32, #tpu.memory_space<hbm>>
      tpu.wait_dma2 semaphore(%arg14 : memref<!tpu.dma_semaphore, #tpu.memory_space<semaphore_mem>>) src(%dma_wait3A_88 : memref<250x32xf32, #tpu.memory_space<hbm>>) dst(%arg9 : memref<250x32xf32, #tpu.memory_space<vmem>>)
      "tpu.region"() ({
        %run_scoped3A = tpu.sem_alloc : memref<!tpu.dma_semaphore, #tpu.memory_space<semaphore_mem>>
        %dma_start3A_96 = arith.constant 0 : i32
        %dma_start3A_97 = arith.constant 0 : i32
        %dma_start3A_98 = tpu.memref_slice %arg10[%dma_start3A_96, %dma_start3A_97] : memref<50000x32xf32, #tpu.memory_space<vmem_shared>> -> memref<50000x32xf32, #tpu.memory_space<vmem_shared>>
        tpu.enqueue_indirect_dma source(%arg9 : memref<250x32xf32, #tpu.memory_space<vmem>>) target(%dma_start3A_98 : memref<50000x32xf32, #tpu.memory_space<vmem_shared>>) offsets(%arg7 : memref<250xi32, #tpu.memory_space<vmem>>) semaphore(%run_scoped3A : memref<!tpu.dma_semaphore, #tpu.memory_space<semaphore_mem>>) {add = true}
        %dma_wait3A_99 = arith.constant 0 : i32
        %dma_wait3A_100 = arith.constant 0 : i32
        %dma_wait3A_101 = tpu.memref_slice %arg10[%dma_wait3A_99, %dma_wait3A_100] : memref<50000x32xf32, #tpu.memory_space<vmem_shared>> -> memref<50000x32xf32, #tpu.memory_space<vmem_shared>>
        tpu.wait_indirect_dma semaphore(%run_scoped3A : memref<!tpu.dma_semaphore, #tpu.memory_space<semaphore_mem>>) src(%arg9 : memref<250x32xf32, #tpu.memory_space<vmem>>) dst(%dma_wait3A_101 : memref<50000x32xf32, #tpu.memory_space<vmem_shared>>)
        tpu.yield
      }) : () -> ()
      %add3A_89 = arith.constant 2 : i32
      %add3A_90 = arith.addi %add3A_73, %add3A_89 : i32
      %lt3A_91 = arith.constant 100 : i32
      %lt3A_92 = arith.cmpi slt, %add3A_90, %lt3A_91 : i32
      %convert_element_type3A_93 = arith.extui %lt3A_92 : i1 to i32
      %cond3A_94 = arith.constant 0 : i32
      %cond3A_95 = arith.cmpi ne, %convert_element_type3A_93, %cond3A_94 : i32
      scf.if %cond3A_95 {
        %add3A_96 = arith.constant 2 : i32
        %add3A_97 = arith.addi %add3A_73, %add3A_96 : i32
        %mul3A_98 = arith.constant 100 : i32
        %mul3A_99 = arith.muli %add3A, %mul3A_98 : i32
        %add3A_100 = arith.addi %mul3A_99, %add3A_97 : i32
        %dma_start3A_101 = arith.constant 0 : i32
        %dma_start3A_102 = tpu.memref_slice %arg3[%add3A_100, %dma_start3A_101] : memref<3200x250xi32, #tpu.memory_space<hbm>> -> memref<1x250xi32, #tpu.memory_space<hbm>>
        %dma_start3A_103 = tpu.memref_squeeze %dma_start3A_102 : memref<1x250xi32, #tpu.memory_space<hbm>> -> memref<250xi32, #tpu.memory_space<hbm>>
        %dma_start3A_104 = arith.constant 0 : i32
        %dma_start3A_105 = tpu.memref_slice %arg3[%add3A_100, %dma_start3A_104] : memref<3200x250xi32, #tpu.memory_space<hbm>> -> memref<1x250xi32, #tpu.memory_space<hbm>>
        %dma_start3A_106 = tpu.memref_squeeze %dma_start3A_105 : memref<1x250xi32, #tpu.memory_space<hbm>> -> memref<250xi32, #tpu.memory_space<hbm>>
        tpu.enqueue_dma source(%dma_start3A_106 : memref<250xi32, #tpu.memory_space<hbm>>) target(%arg7 : memref<250xi32, #tpu.memory_space<vmem>>) target_semaphore(%arg12 : memref<!tpu.dma_semaphore, #tpu.memory_space<semaphore_mem>>)
        %mul3A_107 = arith.constant 250 : i32
        %mul3A_108 = arith.muli %add3A_100, %mul3A_107 : i32
        %dma_start3A_109 = arith.constant 0 : i32
        %dma_start3A_110 = tpu.memref_slice %arg2[%mul3A_108, %dma_start3A_109] : memref<800000x32xf32, #tpu.memory_space<hbm>> -> memref<250x32xf32, #tpu.memory_space<hbm>>
        %dma_start3A_111 = arith.constant 0 : i32
        %dma_start3A_112 = tpu.memref_slice %arg2[%mul3A_108, %dma_start3A_111] : memref<800000x32xf32, #tpu.memory_space<hbm>> -> memref<250x32xf32, #tpu.memory_space<hbm>>
        tpu.enqueue_dma source(%dma_start3A_112 : memref<250x32xf32, #tpu.memory_space<hbm>>) target(%arg9 : memref<250x32xf32, #tpu.memory_space<vmem>>) target_semaphore(%arg14 : memref<!tpu.dma_semaphore, #tpu.memory_space<semaphore_mem>>)
      } else {
      }
    }
    %scan3A_37 = arith.constant 50 : i32
    %barrier3A_38 = arith.constant 0 : index
    tpu.barrier barrier_id(%barrier3A_38)
    %mul3A_39 = arith.constant 3125 : i32
    %mul3A_40 = arith.muli %arg1, %mul3A_39 : i32
    %mul3A_41 = arith.constant 3125 : i32
    %mul3A_42 = arith.muli %arg1, %mul3A_41 : i32
    "tpu.region"() ({
      %run_scoped3A = tpu.sem_alloc : memref<!tpu.dma_semaphore, #tpu.memory_space<semaphore_mem>>
      %dma_start3A_43 = arith.constant 0 : i32
      %dma_start3A_44 = tpu.memref_slice %arg5[%arg0, %mul3A_42, %dma_start3A_43] : memref<2x50000x32xf32, #tpu.memory_space<hbm>> -> memref<1x3125x32xf32, #tpu.memory_space<hbm>>
      %dma_start3A_45 = tpu.memref_squeeze %dma_start3A_44 : memref<1x3125x32xf32, #tpu.memory_space<hbm>> -> memref<3125x32xf32, #tpu.memory_space<hbm>>
      %dma_start3A_46 = arith.constant 0 : i32
      %dma_start3A_47 = tpu.memref_slice %arg10[%mul3A_40, %dma_start3A_46] : memref<50000x32xf32, #tpu.memory_space<vmem_shared>> -> memref<3125x32xf32, #tpu.memory_space<vmem_shared>>
      tpu.enqueue_dma source(%dma_start3A_47 : memref<3125x32xf32, #tpu.memory_space<vmem_shared>>) target(%dma_start3A_45 : memref<3125x32xf32, #tpu.memory_space<hbm>>) target_semaphore(%run_scoped3A : memref<!tpu.dma_semaphore, #tpu.memory_space<semaphore_mem>>)
      %dma_wait3A = arith.constant 0 : i32
      %dma_wait3A_48 = tpu.memref_slice %arg5[%arg0, %mul3A_42, %dma_wait3A] : memref<2x50000x32xf32, #tpu.memory_space<hbm>> -> memref<1x3125x32xf32, #tpu.memory_space<hbm>>
      %dma_wait3A_49 = tpu.memref_squeeze %dma_wait3A_48 : memref<1x3125x32xf32, #tpu.memory_space<hbm>> -> memref<3125x32xf32, #tpu.memory_space<hbm>>
      %dma_wait3A_50 = arith.constant 0 : i32
      %dma_wait3A_51 = tpu.memref_slice %arg10[%mul3A_40, %dma_wait3A_50] : memref<50000x32xf32, #tpu.memory_space<vmem_shared>> -> memref<3125x32xf32, #tpu.memory_space<vmem_shared>>
      tpu.wait_dma2 semaphore(%run_scoped3A : memref<!tpu.dma_semaphore, #tpu.memory_space<semaphore_mem>>) src(%dma_wait3A_51 : memref<3125x32xf32, #tpu.memory_space<vmem_shared>>) dst(%dma_wait3A_49 : memref<3125x32xf32, #tpu.memory_space<hbm>>)
      tpu.yield
    }) : () -> ()
    return
  }
}

#map = affine_map<(d0, d1) -> (0, 0)>
#map1 = affine_map<(d0, d1) -> (0, 0, 0)>
module attributes {stable_mosaic.version = 14 : i64} {
  func.func @k(%arg0: i32, %arg1: i32, %arg2: memref<800000x32xf32, #tpu.memory_space<hbm>>, %arg3: memref<3200x250xi32, #tpu.memory_space<hbm>>, %arg4: memref<3125x32xf32, #tpu.memory_space<hbm>>, %arg5: memref<2x50000x32xf32, #tpu.memory_space<hbm>>, %arg6: memref<250xi32, #tpu.memory_space<vmem>>, %arg7: memref<250xi32, #tpu.memory_space<vmem>>, %arg8: memref<250x32xf32, #tpu.memory_space<vmem>>, %arg9: memref<250x32xf32, #tpu.memory_space<vmem>>, %arg10: memref<50000x32xf32, #tpu.memory_space<vmem_shared>>, %arg11: memref<!tpu.dma_semaphore, #tpu.memory_space<semaphore_mem>>, %arg12: memref<!tpu.dma_semaphore, #tpu.memory_space<semaphore_mem>>, %arg13: memref<!tpu.dma_semaphore, #tpu.memory_space<semaphore_mem>>, %arg14: memref<!tpu.dma_semaphore, #tpu.memory_space<semaphore_mem>>) attributes {dimension_semantics = [#tpu.dimension_semantics<core_parallel>, #tpu.dimension_semantics<subcore_parallel>], iteration_bounds = array<i64: 2, 16>, scalar_prefetch = 0 : i64, scratch_operands = 9 : i64, tpu.core_type = #tpu.core_type<sc_vector_subcore>, window_params = [{transform_indices = #map}, {transform_indices = #map}, {transform_indices = #map}, {transform_indices = #map1}]} {
    %mul3A = arith.constant 2 : i32
    %mul3A_0 = arith.muli %arg1, %mul3A : i32
    %add3A = arith.addi %mul3A_0, %arg0 : i32
    %mul3A_1 = arith.constant 3125 : i32
    %mul3A_2 = arith.muli %arg1, %mul3A_1 : i32
    "tpu.region"() ({
      %run_scoped3A = tpu.sem_alloc : memref<!tpu.dma_semaphore, #tpu.memory_space<semaphore_mem>>
      %dma_start3A_43 = arith.constant 0 : i32
      %dma_start3A_44 = tpu.memref_slice %arg10[%mul3A_2, %dma_start3A_43] : memref<50000x32xf32, #tpu.memory_space<vmem_shared>> -> memref<3125x32xf32, #tpu.memory_space<vmem_shared>>
      tpu.enqueue_dma source(%arg4 : memref<3125x32xf32, #tpu.memory_space<hbm>>) target(%dma_start3A_44 : memref<3125x32xf32, #tpu.memory_space<vmem_shared>>) target_semaphore(%run_scoped3A : memref<!tpu.dma_semaphore, #tpu.memory_space<semaphore_mem>>)
      %dma_wait3A = arith.constant 0 : i32
      %dma_wait3A_45 = tpu.memref_slice %arg10[%mul3A_2, %dma_wait3A] : memref<50000x32xf32, #tpu.memory_space<vmem_shared>> -> memref<3125x32xf32, #tpu.memory_space<vmem_shared>>
      tpu.wait_dma2 semaphore(%run_scoped3A : memref<!tpu.dma_semaphore, #tpu.memory_space<semaphore_mem>>) src(%arg4 : memref<3125x32xf32, #tpu.memory_space<hbm>>) dst(%dma_wait3A_45 : memref<3125x32xf32, #tpu.memory_space<vmem_shared>>)
      tpu.yield
    }) : () -> ()
    %barrier3A = arith.constant 0 : index
    tpu.barrier barrier_id(%barrier3A)
    %mul3A_3 = arith.constant 100 : i32
    %mul3A_4 = arith.muli %add3A, %mul3A_3 : i32
    %add3A_5 = arith.constant 0 : i32
    %add3A_6 = arith.addi %mul3A_4, %add3A_5 : i32
    %dma_start3A = arith.constant 0 : i32
    %dma_start3A_7 = tpu.memref_slice %arg3[%add3A_6, %dma_start3A] : memref<3200x250xi32, #tpu.memory_space<hbm>> -> memref<1x250xi32, #tpu.memory_space<hbm>>
    %dma_start3A_8 = tpu.memref_squeeze %dma_start3A_7 : memref<1x250xi32, #tpu.memory_space<hbm>> -> memref<250xi32, #tpu.memory_space<hbm>>
    %dma_start3A_9 = arith.constant 0 : i32
    %dma_start3A_10 = tpu.memref_slice %arg3[%add3A_6, %dma_start3A_9] : memref<3200x250xi32, #tpu.memory_space<hbm>> -> memref<1x250xi32, #tpu.memory_space<hbm>>
    %dma_start3A_11 = tpu.memref_squeeze %dma_start3A_10 : memref<1x250xi32, #tpu.memory_space<hbm>> -> memref<250xi32, #tpu.memory_space<hbm>>
    tpu.enqueue_dma source(%dma_start3A_11 : memref<250xi32, #tpu.memory_space<hbm>>) target(%arg6 : memref<250xi32, #tpu.memory_space<vmem>>) target_semaphore(%arg11 : memref<!tpu.dma_semaphore, #tpu.memory_space<semaphore_mem>>)
    %mul3A_12 = arith.constant 250 : i32
    %mul3A_13 = arith.muli %add3A_6, %mul3A_12 : i32
    %dma_start3A_14 = arith.constant 0 : i32
    %dma_start3A_15 = tpu.memref_slice %arg2[%mul3A_13, %dma_start3A_14] : memref<800000x32xf32, #tpu.memory_space<hbm>> -> memref<250x32xf32, #tpu.memory_space<hbm>>
    %dma_start3A_16 = arith.constant 0 : i32
    %dma_start3A_17 = tpu.memref_slice %arg2[%mul3A_13, %dma_start3A_16] : memref<800000x32xf32, #tpu.memory_space<hbm>> -> memref<250x32xf32, #tpu.memory_space<hbm>>
    tpu.enqueue_dma source(%dma_start3A_17 : memref<250x32xf32, #tpu.memory_space<hbm>>) target(%arg8 : memref<250x32xf32, #tpu.memory_space<vmem>>) target_semaphore(%arg13 : memref<!tpu.dma_semaphore, #tpu.memory_space<semaphore_mem>>)
    %mul3A_18 = arith.constant 100 : i32
    %mul3A_19 = arith.muli %add3A, %mul3A_18 : i32
    %add3A_20 = arith.constant 1 : i32
    %add3A_21 = arith.addi %mul3A_19, %add3A_20 : i32
    %dma_start3A_22 = arith.constant 0 : i32
    %dma_start3A_23 = tpu.memref_slice %arg3[%add3A_21, %dma_start3A_22] : memref<3200x250xi32, #tpu.memory_space<hbm>> -> memref<1x250xi32, #tpu.memory_space<hbm>>
    %dma_start3A_24 = tpu.memref_squeeze %dma_start3A_23 : memref<1x250xi32, #tpu.memory_space<hbm>> -> memref<250xi32, #tpu.memory_space<hbm>>
    %dma_start3A_25 = arith.constant 0 : i32
    %dma_start3A_26 = tpu.memref_slice %arg3[%add3A_21, %dma_start3A_25] : memref<3200x250xi32, #tpu.memory_space<hbm>> -> memref<1x250xi32, #tpu.memory_space<hbm>>
    %dma_start3A_27 = tpu.memref_squeeze %dma_start3A_26 : memref<1x250xi32, #tpu.memory_space<hbm>> -> memref<250xi32, #tpu.memory_space<hbm>>
    tpu.enqueue_dma source(%dma_start3A_27 : memref<250xi32, #tpu.memory_space<hbm>>) target(%arg7 : memref<250xi32, #tpu.memory_space<vmem>>) target_semaphore(%arg12 : memref<!tpu.dma_semaphore, #tpu.memory_space<semaphore_mem>>)
    %mul3A_28 = arith.constant 250 : i32
    %mul3A_29 = arith.muli %add3A_21, %mul3A_28 : i32
    %dma_start3A_30 = arith.constant 0 : i32
    %dma_start3A_31 = tpu.memref_slice %arg2[%mul3A_29, %dma_start3A_30] : memref<800000x32xf32, #tpu.memory_space<hbm>> -> memref<250x32xf32, #tpu.memory_space<hbm>>
    %dma_start3A_32 = arith.constant 0 : i32
    %dma_start3A_33 = tpu.memref_slice %arg2[%mul3A_29, %dma_start3A_32] : memref<800000x32xf32, #tpu.memory_space<hbm>> -> memref<250x32xf32, #tpu.memory_space<hbm>>
    tpu.enqueue_dma source(%dma_start3A_33 : memref<250x32xf32, #tpu.memory_space<hbm>>) target(%arg9 : memref<250x32xf32, #tpu.memory_space<vmem>>) target_semaphore(%arg14 : memref<!tpu.dma_semaphore, #tpu.memory_space<semaphore_mem>>)
    %scan3A = arith.constant 0 : i32
    %scan3A_34 = arith.constant 50 : i32
    %scan3A_35 = arith.addi %scan3A, %scan3A_34 : i32
    %scan3A_36 = arith.constant 1 : i32
    scf.for %scan3A_43 = %scan3A to %scan3A_35 step %scan3A_36  : i32 {
      %mul3A_44 = arith.constant 1 : i32
      %mul3A_45 = arith.muli %scan3A_43, %mul3A_44 : i32
      %add3A_46 = arith.constant 0 : i32
      %add3A_47 = arith.addi %add3A_46, %mul3A_45 : i32
      %mul3A_48 = arith.constant 2 : i32
      %mul3A_49 = arith.muli %add3A_47, %mul3A_48 : i32
      %add3A_50 = arith.constant 0 : i32
      %add3A_51 = arith.addi %mul3A_49, %add3A_50 : i32
      %mul3A_52 = arith.constant 100 : i32
      %mul3A_53 = arith.muli %add3A, %mul3A_52 : i32
      %add3A_54 = arith.addi %mul3A_53, %add3A_51 : i32
      %dma_wait3A = arith.constant 0 : i32
      %dma_wait3A_55 = tpu.memref_slice %arg3[%add3A_54, %dma_wait3A] : memref<3200x250xi32, #tpu.memory_space<hbm>> -> memref<1x250xi32, #tpu.memory_space<hbm>>
      %dma_wait3A_56 = tpu.memref_squeeze %dma_wait3A_55 : memref<1x250xi32, #tpu.memory_space<hbm>> -> memref<250xi32, #tpu.memory_space<hbm>>
      %dma_wait3A_57 = arith.constant 0 : i32
      %dma_wait3A_58 = tpu.memref_slice %arg3[%add3A_54, %dma_wait3A_57] : memref<3200x250xi32, #tpu.memory_space<hbm>> -> memref<1x250xi32, #tpu.memory_space<hbm>>
      %dma_wait3A_59 = tpu.memref_squeeze %dma_wait3A_58 : memref<1x250xi32, #tpu.memory_space<hbm>> -> memref<250xi32, #tpu.memory_space<hbm>>
      tpu.wait_dma2 semaphore(%arg11 : memref<!tpu.dma_semaphore, #tpu.memory_space<semaphore_mem>>) src(%dma_wait3A_59 : memref<250xi32, #tpu.memory_space<hbm>>) dst(%arg6 : memref<250xi32, #tpu.memory_space<vmem>>)
      %mul3A_60 = arith.constant 250 : i32
      %mul3A_61 = arith.muli %add3A_54, %mul3A_60 : i32
      %dma_wait3A_62 = arith.constant 0 : i32
      %dma_wait3A_63 = tpu.memref_slice %arg2[%mul3A_61, %dma_wait3A_62] : memref<800000x32xf32, #tpu.memory_space<hbm>> -> memref<250x32xf32, #tpu.memory_space<hbm>>
      %dma_wait3A_64 = arith.constant 0 : i32
      %dma_wait3A_65 = tpu.memref_slice %arg2[%mul3A_61, %dma_wait3A_64] : memref<800000x32xf32, #tpu.memory_space<hbm>> -> memref<250x32xf32, #tpu.memory_space<hbm>>
      tpu.wait_dma2 semaphore(%arg13 : memref<!tpu.dma_semaphore, #tpu.memory_space<semaphore_mem>>) src(%dma_wait3A_65 : memref<250x32xf32, #tpu.memory_space<hbm>>) dst(%arg8 : memref<250x32xf32, #tpu.memory_space<vmem>>)
      "tpu.region"() ({
        %run_scoped3A = tpu.sem_alloc : memref<!tpu.dma_semaphore, #tpu.memory_space<semaphore_mem>>
        %dma_start3A_96 = arith.constant 0 : i32
        %dma_start3A_97 = arith.constant 0 : i32
        %dma_start3A_98 = tpu.memref_slice %arg10[%dma_start3A_96, %dma_start3A_97] : memref<50000x32xf32, #tpu.memory_space<vmem_shared>> -> memref<50000x32xf32, #tpu.memory_space<vmem_shared>>
        tpu.enqueue_indirect_dma source(%arg8 : memref<250x32xf32, #tpu.memory_space<vmem>>) target(%dma_start3A_98 : memref<50000x32xf32, #tpu.memory_space<vmem_shared>>) offsets(%arg6 : memref<250xi32, #tpu.memory_space<vmem>>) semaphore(%run_scoped3A : memref<!tpu.dma_semaphore, #tpu.memory_space<semaphore_mem>>) {add = true}
        %dma_wait3A_99 = arith.constant 0 : i32
        %dma_wait3A_100 = arith.constant 0 : i32
        %dma_wait3A_101 = tpu.memref_slice %arg10[%dma_wait3A_99, %dma_wait3A_100] : memref<50000x32xf32, #tpu.memory_space<vmem_shared>> -> memref<50000x32xf32, #tpu.memory_space<vmem_shared>>
        tpu.wait_indirect_dma semaphore(%run_scoped3A : memref<!tpu.dma_semaphore, #tpu.memory_space<semaphore_mem>>) src(%arg8 : memref<250x32xf32, #tpu.memory_space<vmem>>) dst(%dma_wait3A_101 : memref<50000x32xf32, #tpu.memory_space<vmem_shared>>)
        tpu.yield
      }) : () -> ()
      %add3A_66 = arith.constant 2 : i32
      %add3A_67 = arith.addi %add3A_51, %add3A_66 : i32
      %lt3A = arith.constant 100 : i32
      %lt3A_68 = arith.cmpi slt, %add3A_67, %lt3A : i32
      %convert_element_type3A = arith.extui %lt3A_68 : i1 to i32
      %cond3A = arith.constant 0 : i32
      %cond3A_69 = arith.cmpi ne, %convert_element_type3A, %cond3A : i32
      scf.if %cond3A_69 {
        %add3A_96 = arith.constant 2 : i32
        %add3A_97 = arith.addi %add3A_51, %add3A_96 : i32
        %mul3A_98 = arith.constant 100 : i32
        %mul3A_99 = arith.muli %add3A, %mul3A_98 : i32
        %add3A_100 = arith.addi %mul3A_99, %add3A_97 : i32
        %dma_start3A_101 = arith.constant 0 : i32
        %dma_start3A_102 = tpu.memref_slice %arg3[%add3A_100, %dma_start3A_101] : memref<3200x250xi32, #tpu.memory_space<hbm>> -> memref<1x250xi32, #tpu.memory_space<hbm>>
        %dma_start3A_103 = tpu.memref_squeeze %dma_start3A_102 : memref<1x250xi32, #tpu.memory_space<hbm>> -> memref<250xi32, #tpu.memory_space<hbm>>
        %dma_start3A_104 = arith.constant 0 : i32
        %dma_start3A_105 = tpu.memref_slice %arg3[%add3A_100, %dma_start3A_104] : memref<3200x250xi32, #tpu.memory_space<hbm>> -> memref<1x250xi32, #tpu.memory_space<hbm>>
        %dma_start3A_106 = tpu.memref_squeeze %dma_start3A_105 : memref<1x250xi32, #tpu.memory_space<hbm>> -> memref<250xi32, #tpu.memory_space<hbm>>
        tpu.enqueue_dma source(%dma_start3A_106 : memref<250xi32, #tpu.memory_space<hbm>>) target(%arg6 : memref<250xi32, #tpu.memory_space<vmem>>) target_semaphore(%arg11 : memref<!tpu.dma_semaphore, #tpu.memory_space<semaphore_mem>>)
        %mul3A_107 = arith.constant 250 : i32
        %mul3A_108 = arith.muli %add3A_100, %mul3A_107 : i32
        %dma_start3A_109 = arith.constant 0 : i32
        %dma_start3A_110 = tpu.memref_slice %arg2[%mul3A_108, %dma_start3A_109] : memref<800000x32xf32, #tpu.memory_space<hbm>> -> memref<250x32xf32, #tpu.memory_space<hbm>>
        %dma_start3A_111 = arith.constant 0 : i32
        %dma_start3A_112 = tpu.memref_slice %arg2[%mul3A_108, %dma_start3A_111] : memref<800000x32xf32, #tpu.memory_space<hbm>> -> memref<250x32xf32, #tpu.memory_space<hbm>>
        tpu.enqueue_dma source(%dma_start3A_112 : memref<250x32xf32, #tpu.memory_space<hbm>>) target(%arg8 : memref<250x32xf32, #tpu.memory_space<vmem>>) target_semaphore(%arg13 : memref<!tpu.dma_semaphore, #tpu.memory_space<semaphore_mem>>)
      } else {
      }
      %mul3A_70 = arith.constant 2 : i32
      %mul3A_71 = arith.muli %add3A_47, %mul3A_70 : i32
      %add3A_72 = arith.constant 1 : i32
      %add3A_73 = arith.addi %mul3A_71, %add3A_72 : i32
      %mul3A_74 = arith.constant 100 : i32
      %mul3A_75 = arith.muli %add3A, %mul3A_74 : i32
      %add3A_76 = arith.addi %mul3A_75, %add3A_73 : i32
      %dma_wait3A_77 = arith.constant 0 : i32
      %dma_wait3A_78 = tpu.memref_slice %arg3[%add3A_76, %dma_wait3A_77] : memref<3200x250xi32, #tpu.memory_space<hbm>> -> memref<1x250xi32, #tpu.memory_space<hbm>>
      %dma_wait3A_79 = tpu.memref_squeeze %dma_wait3A_78 : memref<1x250xi32, #tpu.memory_space<hbm>> -> memref<250xi32, #tpu.memory_space<hbm>>
      %dma_wait3A_80 = arith.constant 0 : i32
      %dma_wait3A_81 = tpu.memref_slice %arg3[%add3A_76, %dma_wait3A_80] : memref<3200x250xi32, #tpu.memory_space<hbm>> -> memref<1x250xi32, #tpu.memory_space<hbm>>
      %dma_wait3A_82 = tpu.memref_squeeze %dma_wait3A_81 : memref<1x250xi32, #tpu.memory_space<hbm>> -> memref<250xi32, #tpu.memory_space<hbm>>
      tpu.wait_dma2 semaphore(%arg12 : memref<!tpu.dma_semaphore, #tpu.memory_space<semaphore_mem>>) src(%dma_wait3A_82 : memref<250xi32, #tpu.memory_space<hbm>>) dst(%arg7 : memref<250xi32, #tpu.memory_space<vmem>>)
      %mul3A_83 = arith.constant 250 : i32
      %mul3A_84 = arith.muli %add3A_76, %mul3A_83 : i32
      %dma_wait3A_85 = arith.constant 0 : i32
      %dma_wait3A_86 = tpu.memref_slice %arg2[%mul3A_84, %dma_wait3A_85] : memref<800000x32xf32, #tpu.memory_space<hbm>> -> memref<250x32xf32, #tpu.memory_space<hbm>>
      %dma_wait3A_87 = arith.constant 0 : i32
      %dma_wait3A_88 = tpu.memref_slice %arg2[%mul3A_84, %dma_wait3A_87] : memref<800000x32xf32, #tpu.memory_space<hbm>> -> memref<250x32xf32, #tpu.memory_space<hbm>>
      tpu.wait_dma2 semaphore(%arg14 : memref<!tpu.dma_semaphore, #tpu.memory_space<semaphore_mem>>) src(%dma_wait3A_88 : memref<250x32xf32, #tpu.memory_space<hbm>>) dst(%arg9 : memref<250x32xf32, #tpu.memory_space<vmem>>)
      "tpu.region"() ({
        %run_scoped3A = tpu.sem_alloc : memref<!tpu.dma_semaphore, #tpu.memory_space<semaphore_mem>>
        %dma_start3A_96 = arith.constant 0 : i32
        %dma_start3A_97 = arith.constant 0 : i32
        %dma_start3A_98 = tpu.memref_slice %arg10[%dma_start3A_96, %dma_start3A_97] : memref<50000x32xf32, #tpu.memory_space<vmem_shared>> -> memref<50000x32xf32, #tpu.memory_space<vmem_shared>>
        tpu.enqueue_indirect_dma source(%arg9 : memref<250x32xf32, #tpu.memory_space<vmem>>) target(%dma_start3A_98 : memref<50000x32xf32, #tpu.memory_space<vmem_shared>>) offsets(%arg7 : memref<250xi32, #tpu.memory_space<vmem>>) semaphore(%run_scoped3A : memref<!tpu.dma_semaphore, #tpu.memory_space<semaphore_mem>>) {add = true}
        %dma_wait3A_99 = arith.constant 0 : i32
        %dma_wait3A_100 = arith.constant 0 : i32
        %dma_wait3A_101 = tpu.memref_slice %arg10[%dma_wait3A_99, %dma_wait3A_100] : memref<50000x32xf32, #tpu.memory_space<vmem_shared>> -> memref<50000x32xf32, #tpu.memory_space<vmem_shared>>
        tpu.wait_indirect_dma semaphore(%run_scoped3A : memref<!tpu.dma_semaphore, #tpu.memory_space<semaphore_mem>>) src(%arg9 : memref<250x32xf32, #tpu.memory_space<vmem>>) dst(%dma_wait3A_101 : memref<50000x32xf32, #tpu.memory_space<vmem_shared>>)
        tpu.yield
      }) : () -> ()
      %add3A_89 = arith.constant 2 : i32
      %add3A_90 = arith.addi %add3A_73, %add3A_89 : i32
      %lt3A_91 = arith.constant 100 : i32
      %lt3A_92 = arith.cmpi slt, %add3A_90, %lt3A_91 : i32
      %convert_element_type3A_93 = arith.extui %lt3A_92 : i1 to i32
      %cond3A_94 = arith.constant 0 : i32
      %cond3A_95 = arith.cmpi ne, %convert_element_type3A_93, %cond3A_94 : i32
      scf.if %cond3A_95 {
        %add3A_96 = arith.constant 2 : i32
        %add3A_97 = arith.addi %add3A_73, %add3A_96 : i32
        %mul3A_98 = arith.constant 100 : i32
        %mul3A_99 = arith.muli %add3A, %mul3A_98 : i32
        %add3A_100 = arith.addi %mul3A_99, %add3A_97 : i32
        %dma_start3A_101 = arith.constant 0 : i32
        %dma_start3A_102 = tpu.memref_slice %arg3[%add3A_100, %dma_start3A_101] : memref<3200x250xi32, #tpu.memory_space<hbm>> -> memref<1x250xi32, #tpu.memory_space<hbm>>
        %dma_start3A_103 = tpu.memref_squeeze %dma_start3A_102 : memref<1x250xi32, #tpu.memory_space<hbm>> -> memref<250xi32, #tpu.memory_space<hbm>>
        %dma_start3A_104 = arith.constant 0 : i32
        %dma_start3A_105 = tpu.memref_slice %arg3[%add3A_100, %dma_start3A_104] : memref<3200x250xi32, #tpu.memory_space<hbm>> -> memref<1x250xi32, #tpu.memory_space<hbm>>
        %dma_start3A_106 = tpu.memref_squeeze %dma_start3A_105 : memref<1x250xi32, #tpu.memory_space<hbm>> -> memref<250xi32, #tpu.memory_space<hbm>>
        tpu.enqueue_dma source(%dma_start3A_106 : memref<250xi32, #tpu.memory_space<hbm>>) target(%arg7 : memref<250xi32, #tpu.memory_space<vmem>>) target_semaphore(%arg12 : memref<!tpu.dma_semaphore, #tpu.memory_space<semaphore_mem>>)
        %mul3A_107 = arith.constant 250 : i32
        %mul3A_108 = arith.muli %add3A_100, %mul3A_107 : i32
        %dma_start3A_109 = arith.constant 0 : i32
        %dma_start3A_110 = tpu.memref_slice %arg2[%mul3A_108, %dma_start3A_109] : memref<800000x32xf32, #tpu.memory_space<hbm>> -> memref<250x32xf32, #tpu.memory_space<hbm>>
        %dma_start3A_111 = arith.constant 0 : i32
        %dma_start3A_112 = tpu.memref_slice %arg2[%mul3A_108, %dma_start3A_111] : memref<800000x32xf32, #tpu.memory_space<hbm>> -> memref<250x32xf32, #tpu.memory_space<hbm>>
        tpu.enqueue_dma source(%dma_start3A_112 : memref<250x32xf32, #tpu.memory_space<hbm>>) target(%arg9 : memref<250x32xf32, #tpu.memory_space<vmem>>) target_semaphore(%arg14 : memref<!tpu.dma_semaphore, #tpu.memory_space<semaphore_mem>>)
      } else {
      }
    }
    %scan3A_37 = arith.constant 50 : i32
    %barrier3A_38 = arith.constant 0 : index
    tpu.barrier barrier_id(%barrier3A_38)
    %mul3A_39 = arith.constant 3125 : i32
    %mul3A_40 = arith.muli %arg1, %mul3A_39 : i32
    %mul3A_41 = arith.constant 3125 : i32
    %mul3A_42 = arith.muli %arg1, %mul3A_41 : i32
    "tpu.region"() ({
      %run_scoped3A = tpu.sem_alloc : memref<!tpu.dma_semaphore, #tpu.memory_space<semaphore_mem>>
      %dma_start3A_43 = arith.constant 0 : i32
      %dma_start3A_44 = tpu.memref_slice %arg5[%arg0, %mul3A_42, %dma_start3A_43] : memref<2x50000x32xf32, #tpu.memory_space<hbm>> -> memref<1x3125x32xf32, #tpu.memory_space<hbm>>
      %dma_start3A_45 = tpu.memref_squeeze %dma_start3A_44 : memref<1x3125x32xf32, #tpu.memory_space<hbm>> -> memref<3125x32xf32, #tpu.memory_space<hbm>>
      %dma_start3A_46 = arith.constant 0 : i32
      %dma_start3A_47 = tpu.memref_slice %arg10[%mul3A_40, %dma_start3A_46] : memref<50000x32xf32, #tpu.memory_space<vmem_shared>> -> memref<3125x32xf32, #tpu.memory_space<vmem_shared>>
      tpu.enqueue_dma source(%dma_start3A_47 : memref<3125x32xf32, #tpu.memory_space<vmem_shared>>) target(%dma_start3A_45 : memref<3125x32xf32, #tpu.memory_space<hbm>>) target_semaphore(%run_scoped3A : memref<!tpu.dma_semaphore, #tpu.memory_space<semaphore_mem>>)
      %dma_wait3A = arith.constant 0 : i32
      %dma_wait3A_48 = tpu.memref_slice %arg5[%arg0, %mul3A_42, %dma_wait3A] : memref<2x50000x32xf32, #tpu.memory_space<hbm>> -> memref<1x3125x32xf32, #tpu.memory_space<hbm>>
      %dma_wait3A_49 = tpu.memref_squeeze %dma_wait3A_48 : memref<1x3125x32xf32, #tpu.memory_space<hbm>> -> memref<3125x32xf32, #tpu.memory_space<hbm>>
      %dma_wait3A_50 = arith.constant 0 : i32
      %dma_wait3A_51 = tpu.memref_slice %arg10[%mul3A_40, %dma_wait3A_50] : memref<50000x32xf32, #tpu.memory_space<vmem_shared>> -> memref<3125x32xf32, #tpu.memory_space<vmem_shared>>
      tpu.wait_dma2 semaphore(%run_scoped3A : memref<!tpu.dma_semaphore, #tpu.memory_space<semaphore_mem>>) src(%dma_wait3A_51 : memref<3125x32xf32, #tpu.memory_space<vmem_shared>>) dst(%dma_wait3A_49 : memref<3125x32xf32, #tpu.memory_space<hbm>>)
      tpu.yield
    }) : () -> ()
    return
  }
}

#map = affine_map<(d0, d1) -> (0, 0)>
module attributes {stable_mosaic.version = 14 : i64} {
  func.func @k(%arg0: i32, %arg1: i32, %arg2: memref<50000x32xf32, #tpu.memory_space<hbm>>, %arg3: memref<50000x32xf32, #tpu.memory_space<hbm>>, %arg4: memref<1600x500xi32, #tpu.memory_space<hbm>>, %arg5: memref<1600x500xi32, #tpu.memory_space<hbm>>, %arg6: memref<800000x32xf32, #tpu.memory_space<hbm>>, %arg7: memref<800000x32xf32, #tpu.memory_space<hbm>>, %arg8: memref<500xi32, #tpu.memory_space<vmem>>, %arg9: memref<500xi32, #tpu.memory_space<vmem>>, %arg10: memref<500xi32, #tpu.memory_space<vmem>>, %arg11: memref<500xi32, #tpu.memory_space<vmem>>, %arg12: memref<500x32xf32, #tpu.memory_space<vmem>>, %arg13: memref<500x32xf32, #tpu.memory_space<vmem>>, %arg14: memref<500x32xf32, #tpu.memory_space<vmem>>, %arg15: memref<500x32xf32, #tpu.memory_space<vmem>>, %arg16: memref<!tpu.dma_semaphore, #tpu.memory_space<semaphore_mem>>, %arg17: memref<!tpu.dma_semaphore, #tpu.memory_space<semaphore_mem>>, %arg18: memref<!tpu.dma_semaphore, #tpu.memory_space<semaphore_mem>>, %arg19: memref<!tpu.dma_semaphore, #tpu.memory_space<semaphore_mem>>) attributes {dimension_semantics = [#tpu.dimension_semantics<core_parallel>, #tpu.dimension_semantics<subcore_parallel>], iteration_bounds = array<i64: 2, 16>, scalar_prefetch = 0 : i64, scratch_operands = 12 : i64, tpu.core_type = #tpu.core_type<sc_vector_subcore>, window_params = [{transform_indices = #map}, {transform_indices = #map}, {transform_indices = #map}, {transform_indices = #map}, {transform_indices = #map}, {transform_indices = #map}]} {
    %mul3A = arith.constant 2 : i32
    %mul3A_0 = arith.muli %arg1, %mul3A : i32
    %add3A = arith.addi %mul3A_0, %arg0 : i32
    %mul3A_1 = arith.constant 50 : i32
    %mul3A_2 = arith.muli %add3A, %mul3A_1 : i32
    %add3A_3 = arith.constant 0 : i32
    %add3A_4 = arith.addi %mul3A_2, %add3A_3 : i32
    "tpu.region"() ({
      %run_scoped3A = tpu.sem_alloc : memref<!tpu.dma_semaphore, #tpu.memory_space<semaphore_mem>>
      %dma_start3A_24 = arith.constant 0 : i32
      %dma_start3A_25 = tpu.memref_slice %arg4[%add3A_4, %dma_start3A_24] : memref<1600x500xi32, #tpu.memory_space<hbm>> -> memref<1x500xi32, #tpu.memory_space<hbm>>
      %dma_start3A_26 = tpu.memref_squeeze %dma_start3A_25 : memref<1x500xi32, #tpu.memory_space<hbm>> -> memref<500xi32, #tpu.memory_space<hbm>>
      %dma_start3A_27 = arith.constant 0 : i32
      %dma_start3A_28 = tpu.memref_slice %arg4[%add3A_4, %dma_start3A_27] : memref<1600x500xi32, #tpu.memory_space<hbm>> -> memref<1x500xi32, #tpu.memory_space<hbm>>
      %dma_start3A_29 = tpu.memref_squeeze %dma_start3A_28 : memref<1x500xi32, #tpu.memory_space<hbm>> -> memref<500xi32, #tpu.memory_space<hbm>>
      tpu.enqueue_dma source(%dma_start3A_29 : memref<500xi32, #tpu.memory_space<hbm>>) target(%arg8 : memref<500xi32, #tpu.memory_space<vmem>>) target_semaphore(%run_scoped3A : memref<!tpu.dma_semaphore, #tpu.memory_space<semaphore_mem>>)
      %dma_wait3A = arith.constant 0 : i32
      %dma_wait3A_30 = tpu.memref_slice %arg4[%add3A_4, %dma_wait3A] : memref<1600x500xi32, #tpu.memory_space<hbm>> -> memref<1x500xi32, #tpu.memory_space<hbm>>
      %dma_wait3A_31 = tpu.memref_squeeze %dma_wait3A_30 : memref<1x500xi32, #tpu.memory_space<hbm>> -> memref<500xi32, #tpu.memory_space<hbm>>
      %dma_wait3A_32 = arith.constant 0 : i32
      %dma_wait3A_33 = tpu.memref_slice %arg4[%add3A_4, %dma_wait3A_32] : memref<1600x500xi32, #tpu.memory_space<hbm>> -> memref<1x500xi32, #tpu.memory_space<hbm>>
      %dma_wait3A_34 = tpu.memref_squeeze %dma_wait3A_33 : memref<1x500xi32, #tpu.memory_space<hbm>> -> memref<500xi32, #tpu.memory_space<hbm>>
      tpu.wait_dma2 semaphore(%run_scoped3A : memref<!tpu.dma_semaphore, #tpu.memory_space<semaphore_mem>>) src(%dma_wait3A_34 : memref<500xi32, #tpu.memory_space<hbm>>) dst(%arg8 : memref<500xi32, #tpu.memory_space<vmem>>)
      tpu.yield
    }) : () -> ()
    %dma_start3A = arith.constant 0 : i32
    %dma_start3A_5 = arith.constant 0 : i32
    %dma_start3A_6 = tpu.memref_slice %arg2[%dma_start3A, %dma_start3A_5] : memref<50000x32xf32, #tpu.memory_space<hbm>> -> memref<50000x32xf32, #tpu.memory_space<hbm>>
    tpu.enqueue_indirect_dma source(%dma_start3A_6 : memref<50000x32xf32, #tpu.memory_space<hbm>>) target(%arg12 : memref<500x32xf32, #tpu.memory_space<vmem>>) offsets(%arg8 : memref<500xi32, #tpu.memory_space<vmem>>) semaphore(%arg16 : memref<!tpu.dma_semaphore, #tpu.memory_space<semaphore_mem>>)
    "tpu.region"() ({
      %run_scoped3A = tpu.sem_alloc : memref<!tpu.dma_semaphore, #tpu.memory_space<semaphore_mem>>
      %dma_start3A_24 = arith.constant 0 : i32
      %dma_start3A_25 = tpu.memref_slice %arg5[%add3A_4, %dma_start3A_24] : memref<1600x500xi32, #tpu.memory_space<hbm>> -> memref<1x500xi32, #tpu.memory_space<hbm>>
      %dma_start3A_26 = tpu.memref_squeeze %dma_start3A_25 : memref<1x500xi32, #tpu.memory_space<hbm>> -> memref<500xi32, #tpu.memory_space<hbm>>
      %dma_start3A_27 = arith.constant 0 : i32
      %dma_start3A_28 = tpu.memref_slice %arg5[%add3A_4, %dma_start3A_27] : memref<1600x500xi32, #tpu.memory_space<hbm>> -> memref<1x500xi32, #tpu.memory_space<hbm>>
      %dma_start3A_29 = tpu.memref_squeeze %dma_start3A_28 : memref<1x500xi32, #tpu.memory_space<hbm>> -> memref<500xi32, #tpu.memory_space<hbm>>
      tpu.enqueue_dma source(%dma_start3A_29 : memref<500xi32, #tpu.memory_space<hbm>>) target(%arg10 : memref<500xi32, #tpu.memory_space<vmem>>) target_semaphore(%run_scoped3A : memref<!tpu.dma_semaphore, #tpu.memory_space<semaphore_mem>>)
      %dma_wait3A = arith.constant 0 : i32
      %dma_wait3A_30 = tpu.memref_slice %arg5[%add3A_4, %dma_wait3A] : memref<1600x500xi32, #tpu.memory_space<hbm>> -> memref<1x500xi32, #tpu.memory_space<hbm>>
      %dma_wait3A_31 = tpu.memref_squeeze %dma_wait3A_30 : memref<1x500xi32, #tpu.memory_space<hbm>> -> memref<500xi32, #tpu.memory_space<hbm>>
      %dma_wait3A_32 = arith.constant 0 : i32
      %dma_wait3A_33 = tpu.memref_slice %arg5[%add3A_4, %dma_wait3A_32] : memref<1600x500xi32, #tpu.memory_space<hbm>> -> memref<1x500xi32, #tpu.memory_space<hbm>>
      %dma_wait3A_34 = tpu.memref_squeeze %dma_wait3A_33 : memref<1x500xi32, #tpu.memory_space<hbm>> -> memref<500xi32, #tpu.memory_space<hbm>>
      tpu.wait_dma2 semaphore(%run_scoped3A : memref<!tpu.dma_semaphore, #tpu.memory_space<semaphore_mem>>) src(%dma_wait3A_34 : memref<500xi32, #tpu.memory_space<hbm>>) dst(%arg10 : memref<500xi32, #tpu.memory_space<vmem>>)
      tpu.yield
    }) : () -> ()
    %dma_start3A_7 = arith.constant 0 : i32
    %dma_start3A_8 = arith.constant 0 : i32
    %dma_start3A_9 = tpu.memref_slice %arg3[%dma_start3A_7, %dma_start3A_8] : memref<50000x32xf32, #tpu.memory_space<hbm>> -> memref<50000x32xf32, #tpu.memory_space<hbm>>
    tpu.enqueue_indirect_dma source(%dma_start3A_9 : memref<50000x32xf32, #tpu.memory_space<hbm>>) target(%arg14 : memref<500x32xf32, #tpu.memory_space<vmem>>) offsets(%arg10 : memref<500xi32, #tpu.memory_space<vmem>>) semaphore(%arg18 : memref<!tpu.dma_semaphore, #tpu.memory_space<semaphore_mem>>)
    %mul3A_10 = arith.constant 50 : i32
    %mul3A_11 = arith.muli %add3A, %mul3A_10 : i32
    %add3A_12 = arith.constant 1 : i32
    %add3A_13 = arith.addi %mul3A_11, %add3A_12 : i32
    "tpu.region"() ({
      %run_scoped3A = tpu.sem_alloc : memref<!tpu.dma_semaphore, #tpu.memory_space<semaphore_mem>>
      %dma_start3A_24 = arith.constant 0 : i32
      %dma_start3A_25 = tpu.memref_slice %arg4[%add3A_13, %dma_start3A_24] : memref<1600x500xi32, #tpu.memory_space<hbm>> -> memref<1x500xi32, #tpu.memory_space<hbm>>
      %dma_start3A_26 = tpu.memref_squeeze %dma_start3A_25 : memref<1x500xi32, #tpu.memory_space<hbm>> -> memref<500xi32, #tpu.memory_space<hbm>>
      %dma_start3A_27 = arith.constant 0 : i32
      %dma_start3A_28 = tpu.memref_slice %arg4[%add3A_13, %dma_start3A_27] : memref<1600x500xi32, #tpu.memory_space<hbm>> -> memref<1x500xi32, #tpu.memory_space<hbm>>
      %dma_start3A_29 = tpu.memref_squeeze %dma_start3A_28 : memref<1x500xi32, #tpu.memory_space<hbm>> -> memref<500xi32, #tpu.memory_space<hbm>>
      tpu.enqueue_dma source(%dma_start3A_29 : memref<500xi32, #tpu.memory_space<hbm>>) target(%arg9 : memref<500xi32, #tpu.memory_space<vmem>>) target_semaphore(%run_scoped3A : memref<!tpu.dma_semaphore, #tpu.memory_space<semaphore_mem>>)
      %dma_wait3A = arith.constant 0 : i32
      %dma_wait3A_30 = tpu.memref_slice %arg4[%add3A_13, %dma_wait3A] : memref<1600x500xi32, #tpu.memory_space<hbm>> -> memref<1x500xi32, #tpu.memory_space<hbm>>
      %dma_wait3A_31 = tpu.memref_squeeze %dma_wait3A_30 : memref<1x500xi32, #tpu.memory_space<hbm>> -> memref<500xi32, #tpu.memory_space<hbm>>
      %dma_wait3A_32 = arith.constant 0 : i32
      %dma_wait3A_33 = tpu.memref_slice %arg4[%add3A_13, %dma_wait3A_32] : memref<1600x500xi32, #tpu.memory_space<hbm>> -> memref<1x500xi32, #tpu.memory_space<hbm>>
      %dma_wait3A_34 = tpu.memref_squeeze %dma_wait3A_33 : memref<1x500xi32, #tpu.memory_space<hbm>> -> memref<500xi32, #tpu.memory_space<hbm>>
      tpu.wait_dma2 semaphore(%run_scoped3A : memref<!tpu.dma_semaphore, #tpu.memory_space<semaphore_mem>>) src(%dma_wait3A_34 : memref<500xi32, #tpu.memory_space<hbm>>) dst(%arg9 : memref<500xi32, #tpu.memory_space<vmem>>)
      tpu.yield
    }) : () -> ()
    %dma_start3A_14 = arith.constant 0 : i32
    %dma_start3A_15 = arith.constant 0 : i32
    %dma_start3A_16 = tpu.memref_slice %arg2[%dma_start3A_14, %dma_start3A_15] : memref<50000x32xf32, #tpu.memory_space<hbm>> -> memref<50000x32xf32, #tpu.memory_space<hbm>>
    tpu.enqueue_indirect_dma source(%dma_start3A_16 : memref<50000x32xf32, #tpu.memory_space<hbm>>) target(%arg13 : memref<500x32xf32, #tpu.memory_space<vmem>>) offsets(%arg9 : memref<500xi32, #tpu.memory_space<vmem>>) semaphore(%arg17 : memref<!tpu.dma_semaphore, #tpu.memory_space<semaphore_mem>>)
    "tpu.region"() ({
      %run_scoped3A = tpu.sem_alloc : memref<!tpu.dma_semaphore, #tpu.memory_space<semaphore_mem>>
      %dma_start3A_24 = arith.constant 0 : i32
      %dma_start3A_25 = tpu.memref_slice %arg5[%add3A_13, %dma_start3A_24] : memref<1600x500xi32, #tpu.memory_space<hbm>> -> memref<1x500xi32, #tpu.memory_space<hbm>>
      %dma_start3A_26 = tpu.memref_squeeze %dma_start3A_25 : memref<1x500xi32, #tpu.memory_space<hbm>> -> memref<500xi32, #tpu.memory_space<hbm>>
      %dma_start3A_27 = arith.constant 0 : i32
      %dma_start3A_28 = tpu.memref_slice %arg5[%add3A_13, %dma_start3A_27] : memref<1600x500xi32, #tpu.memory_space<hbm>> -> memref<1x500xi32, #tpu.memory_space<hbm>>
      %dma_start3A_29 = tpu.memref_squeeze %dma_start3A_28 : memref<1x500xi32, #tpu.memory_space<hbm>> -> memref<500xi32, #tpu.memory_space<hbm>>
      tpu.enqueue_dma source(%dma_start3A_29 : memref<500xi32, #tpu.memory_space<hbm>>) target(%arg11 : memref<500xi32, #tpu.memory_space<vmem>>) target_semaphore(%run_scoped3A : memref<!tpu.dma_semaphore, #tpu.memory_space<semaphore_mem>>)
      %dma_wait3A = arith.constant 0 : i32
      %dma_wait3A_30 = tpu.memref_slice %arg5[%add3A_13, %dma_wait3A] : memref<1600x500xi32, #tpu.memory_space<hbm>> -> memref<1x500xi32, #tpu.memory_space<hbm>>
      %dma_wait3A_31 = tpu.memref_squeeze %dma_wait3A_30 : memref<1x500xi32, #tpu.memory_space<hbm>> -> memref<500xi32, #tpu.memory_space<hbm>>
      %dma_wait3A_32 = arith.constant 0 : i32
      %dma_wait3A_33 = tpu.memref_slice %arg5[%add3A_13, %dma_wait3A_32] : memref<1600x500xi32, #tpu.memory_space<hbm>> -> memref<1x500xi32, #tpu.memory_space<hbm>>
      %dma_wait3A_34 = tpu.memref_squeeze %dma_wait3A_33 : memref<1x500xi32, #tpu.memory_space<hbm>> -> memref<500xi32, #tpu.memory_space<hbm>>
      tpu.wait_dma2 semaphore(%run_scoped3A : memref<!tpu.dma_semaphore, #tpu.memory_space<semaphore_mem>>) src(%dma_wait3A_34 : memref<500xi32, #tpu.memory_space<hbm>>) dst(%arg11 : memref<500xi32, #tpu.memory_space<vmem>>)
      tpu.yield
    }) : () -> ()
    %dma_start3A_17 = arith.constant 0 : i32
    %dma_start3A_18 = arith.constant 0 : i32
    %dma_start3A_19 = tpu.memref_slice %arg3[%dma_start3A_17, %dma_start3A_18] : memref<50000x32xf32, #tpu.memory_space<hbm>> -> memref<50000x32xf32, #tpu.memory_space<hbm>>
    tpu.enqueue_indirect_dma source(%dma_start3A_19 : memref<50000x32xf32, #tpu.memory_space<hbm>>) target(%arg15 : memref<500x32xf32, #tpu.memory_space<vmem>>) offsets(%arg11 : memref<500xi32, #tpu.memory_space<vmem>>) semaphore(%arg19 : memref<!tpu.dma_semaphore, #tpu.memory_space<semaphore_mem>>)
    %scan3A = arith.constant 0 : i32
    %scan3A_20 = arith.constant 25 : i32
    %scan3A_21 = arith.addi %scan3A, %scan3A_20 : i32
    %scan3A_22 = arith.constant 1 : i32
    scf.for %scan3A_24 = %scan3A to %scan3A_21 step %scan3A_22  : i32 {
      %mul3A_25 = arith.constant 1 : i32
      %mul3A_26 = arith.muli %scan3A_24, %mul3A_25 : i32
      %add3A_27 = arith.constant 0 : i32
      %add3A_28 = arith.addi %add3A_27, %mul3A_26 : i32
      %mul3A_29 = arith.constant 2 : i32
      %mul3A_30 = arith.muli %add3A_28, %mul3A_29 : i32
      %add3A_31 = arith.constant 0 : i32
      %add3A_32 = arith.addi %mul3A_30, %add3A_31 : i32
      %mul3A_33 = arith.constant 50 : i32
      %mul3A_34 = arith.muli %add3A, %mul3A_33 : i32
      %add3A_35 = arith.addi %mul3A_34, %add3A_32 : i32
      %mul3A_36 = arith.constant 500 : i32
      %mul3A_37 = arith.muli %add3A_35, %mul3A_36 : i32
      %dma_wait3A = arith.constant 0 : i32
      %dma_wait3A_38 = arith.constant 0 : i32
      %dma_wait3A_39 = tpu.memref_slice %arg2[%dma_wait3A, %dma_wait3A_38] : memref<50000x32xf32, #tpu.memory_space<hbm>> -> memref<50000x32xf32, #tpu.memory_space<hbm>>
      tpu.wait_indirect_dma semaphore(%arg16 : memref<!tpu.dma_semaphore, #tpu.memory_space<semaphore_mem>>) src(%dma_wait3A_39 : memref<50000x32xf32, #tpu.memory_space<hbm>>) dst(%arg12 : memref<500x32xf32, #tpu.memory_space<vmem>>)
      "tpu.region"() ({
        %run_scoped3A = tpu.sem_alloc : memref<!tpu.dma_semaphore, #tpu.memory_space<semaphore_mem>>
        %dma_start3A_65 = arith.constant 0 : i32
        %dma_start3A_66 = tpu.memref_slice %arg6[%mul3A_37, %dma_start3A_65] : memref<800000x32xf32, #tpu.memory_space<hbm>> -> memref<500x32xf32, #tpu.memory_space<hbm>>
        %dma_start3A_67 = arith.constant 0 : i32
        %dma_start3A_68 = tpu.memref_slice %arg6[%mul3A_37, %dma_start3A_67] : memref<800000x32xf32, #tpu.memory_space<hbm>> -> memref<500x32xf32, #tpu.memory_space<hbm>>
        tpu.enqueue_dma source(%arg12 : memref<500x32xf32, #tpu.memory_space<vmem>>) target(%dma_start3A_68 : memref<500x32xf32, #tpu.memory_space<hbm>>) target_semaphore(%run_scoped3A : memref<!tpu.dma_semaphore, #tpu.memory_space<semaphore_mem>>)
        %dma_wait3A_69 = arith.constant 0 : i32
        %dma_wait3A_70 = tpu.memref_slice %arg6[%mul3A_37, %dma_wait3A_69] : memref<800000x32xf32, #tpu.memory_space<hbm>> -> memref<500x32xf32, #tpu.memory_space<hbm>>
        %dma_wait3A_71 = arith.constant 0 : i32
        %dma_wait3A_72 = tpu.memref_slice %arg6[%mul3A_37, %dma_wait3A_71] : memref<800000x32xf32, #tpu.memory_space<hbm>> -> memref<500x32xf32, #tpu.memory_space<hbm>>
        tpu.wait_dma2 semaphore(%run_scoped3A : memref<!tpu.dma_semaphore, #tpu.memory_space<semaphore_mem>>) src(%arg12 : memref<500x32xf32, #tpu.memory_space<vmem>>) dst(%dma_wait3A_72 : memref<500x32xf32, #tpu.memory_space<hbm>>)
        tpu.yield
      }) : () -> ()
      %dma_wait3A_40 = arith.constant 0 : i32
      %dma_wait3A_41 = arith.constant 0 : i32
      %dma_wait3A_42 = tpu.memref_slice %arg3[%dma_wait3A_40, %dma_wait3A_41] : memref<50000x32xf32, #tpu.memory_space<hbm>> -> memref<50000x32xf32, #tpu.memory_space<hbm>>
      tpu.wait_indirect_dma semaphore(%arg18 : memref<!tpu.dma_semaphore, #tpu.memory_space<semaphore_mem>>) src(%dma_wait3A_42 : memref<50000x32xf32, #tpu.memory_space<hbm>>) dst(%arg14 : memref<500x32xf32, #tpu.memory_space<vmem>>)
      "tpu.region"() ({
        %run_scoped3A = tpu.sem_alloc : memref<!tpu.dma_semaphore, #tpu.memory_space<semaphore_mem>>
        %dma_start3A_65 = arith.constant 0 : i32
        %dma_start3A_66 = tpu.memref_slice %arg7[%mul3A_37, %dma_start3A_65] : memref<800000x32xf32, #tpu.memory_space<hbm>> -> memref<500x32xf32, #tpu.memory_space<hbm>>
        %dma_start3A_67 = arith.constant 0 : i32
        %dma_start3A_68 = tpu.memref_slice %arg7[%mul3A_37, %dma_start3A_67] : memref<800000x32xf32, #tpu.memory_space<hbm>> -> memref<500x32xf32, #tpu.memory_space<hbm>>
        tpu.enqueue_dma source(%arg14 : memref<500x32xf32, #tpu.memory_space<vmem>>) target(%dma_start3A_68 : memref<500x32xf32, #tpu.memory_space<hbm>>) target_semaphore(%run_scoped3A : memref<!tpu.dma_semaphore, #tpu.memory_space<semaphore_mem>>)
        %dma_wait3A_69 = arith.constant 0 : i32
        %dma_wait3A_70 = tpu.memref_slice %arg7[%mul3A_37, %dma_wait3A_69] : memref<800000x32xf32, #tpu.memory_space<hbm>> -> memref<500x32xf32, #tpu.memory_space<hbm>>
        %dma_wait3A_71 = arith.constant 0 : i32
        %dma_wait3A_72 = tpu.memref_slice %arg7[%mul3A_37, %dma_wait3A_71] : memref<800000x32xf32, #tpu.memory_space<hbm>> -> memref<500x32xf32, #tpu.memory_space<hbm>>
        tpu.wait_dma2 semaphore(%run_scoped3A : memref<!tpu.dma_semaphore, #tpu.memory_space<semaphore_mem>>) src(%arg14 : memref<500x32xf32, #tpu.memory_space<vmem>>) dst(%dma_wait3A_72 : memref<500x32xf32, #tpu.memory_space<hbm>>)
        tpu.yield
      }) : () -> ()
      %lt3A = arith.constant 24 : i32
      %lt3A_43 = arith.cmpi slt, %add3A_28, %lt3A : i32
      %convert_element_type3A = arith.extui %lt3A_43 : i1 to i32
      %cond3A = arith.constant 0 : i32
      %cond3A_44 = arith.cmpi ne, %convert_element_type3A, %cond3A : i32
      scf.if %cond3A_44 {
        %add3A_65 = arith.constant 2 : i32
        %add3A_66 = arith.addi %add3A_32, %add3A_65 : i32
        %mul3A_67 = arith.constant 50 : i32
        %mul3A_68 = arith.muli %add3A, %mul3A_67 : i32
        %add3A_69 = arith.addi %mul3A_68, %add3A_66 : i32
        "tpu.region"() ({
          %run_scoped3A = tpu.sem_alloc : memref<!tpu.dma_semaphore, #tpu.memory_space<semaphore_mem>>
          %dma_start3A_76 = arith.constant 0 : i32
          %dma_start3A_77 = tpu.memref_slice %arg4[%add3A_69, %dma_start3A_76] : memref<1600x500xi32, #tpu.memory_space<hbm>> -> memref<1x500xi32, #tpu.memory_space<hbm>>
          %dma_start3A_78 = tpu.memref_squeeze %dma_start3A_77 : memref<1x500xi32, #tpu.memory_space<hbm>> -> memref<500xi32, #tpu.memory_space<hbm>>
          %dma_start3A_79 = arith.constant 0 : i32
          %dma_start3A_80 = tpu.memref_slice %arg4[%add3A_69, %dma_start3A_79] : memref<1600x500xi32, #tpu.memory_space<hbm>> -> memref<1x500xi32, #tpu.memory_space<hbm>>
          %dma_start3A_81 = tpu.memref_squeeze %dma_start3A_80 : memref<1x500xi32, #tpu.memory_space<hbm>> -> memref<500xi32, #tpu.memory_space<hbm>>
          tpu.enqueue_dma source(%dma_start3A_81 : memref<500xi32, #tpu.memory_space<hbm>>) target(%arg8 : memref<500xi32, #tpu.memory_space<vmem>>) target_semaphore(%run_scoped3A : memref<!tpu.dma_semaphore, #tpu.memory_space<semaphore_mem>>)
          %dma_wait3A_82 = arith.constant 0 : i32
          %dma_wait3A_83 = tpu.memref_slice %arg4[%add3A_69, %dma_wait3A_82] : memref<1600x500xi32, #tpu.memory_space<hbm>> -> memref<1x500xi32, #tpu.memory_space<hbm>>
          %dma_wait3A_84 = tpu.memref_squeeze %dma_wait3A_83 : memref<1x500xi32, #tpu.memory_space<hbm>> -> memref<500xi32, #tpu.memory_space<hbm>>
          %dma_wait3A_85 = arith.constant 0 : i32
          %dma_wait3A_86 = tpu.memref_slice %arg4[%add3A_69, %dma_wait3A_85] : memref<1600x500xi32, #tpu.memory_space<hbm>> -> memref<1x500xi32, #tpu.memory_space<hbm>>
          %dma_wait3A_87 = tpu.memref_squeeze %dma_wait3A_86 : memref<1x500xi32, #tpu.memory_space<hbm>> -> memref<500xi32, #tpu.memory_space<hbm>>
          tpu.wait_dma2 semaphore(%run_scoped3A : memref<!tpu.dma_semaphore, #tpu.memory_space<semaphore_mem>>) src(%dma_wait3A_87 : memref<500xi32, #tpu.memory_space<hbm>>) dst(%arg8 : memref<500xi32, #tpu.memory_space<vmem>>)
          tpu.yield
        }) : () -> ()
        %dma_start3A_70 = arith.constant 0 : i32
        %dma_start3A_71 = arith.constant 0 : i32
        %dma_start3A_72 = tpu.memref_slice %arg2[%dma_start3A_70, %dma_start3A_71] : memref<50000x32xf32, #tpu.memory_space<hbm>> -> memref<50000x32xf32, #tpu.memory_space<hbm>>
        tpu.enqueue_indirect_dma source(%dma_start3A_72 : memref<50000x32xf32, #tpu.memory_space<hbm>>) target(%arg12 : memref<500x32xf32, #tpu.memory_space<vmem>>) offsets(%arg8 : memref<500xi32, #tpu.memory_space<vmem>>) semaphore(%arg16 : memref<!tpu.dma_semaphore, #tpu.memory_space<semaphore_mem>>)
        "tpu.region"() ({
          %run_scoped3A = tpu.sem_alloc : memref<!tpu.dma_semaphore, #tpu.memory_space<semaphore_mem>>
          %dma_start3A_76 = arith.constant 0 : i32
          %dma_start3A_77 = tpu.memref_slice %arg5[%add3A_69, %dma_start3A_76] : memref<1600x500xi32, #tpu.memory_space<hbm>> -> memref<1x500xi32, #tpu.memory_space<hbm>>
          %dma_start3A_78 = tpu.memref_squeeze %dma_start3A_77 : memref<1x500xi32, #tpu.memory_space<hbm>> -> memref<500xi32, #tpu.memory_space<hbm>>
          %dma_start3A_79 = arith.constant 0 : i32
          %dma_start3A_80 = tpu.memref_slice %arg5[%add3A_69, %dma_start3A_79] : memref<1600x500xi32, #tpu.memory_space<hbm>> -> memref<1x500xi32, #tpu.memory_space<hbm>>
          %dma_start3A_81 = tpu.memref_squeeze %dma_start3A_80 : memref<1x500xi32, #tpu.memory_space<hbm>> -> memref<500xi32, #tpu.memory_space<hbm>>
          tpu.enqueue_dma source(%dma_start3A_81 : memref<500xi32, #tpu.memory_space<hbm>>) target(%arg10 : memref<500xi32, #tpu.memory_space<vmem>>) target_semaphore(%run_scoped3A : memref<!tpu.dma_semaphore, #tpu.memory_space<semaphore_mem>>)
          %dma_wait3A_82 = arith.constant 0 : i32
          %dma_wait3A_83 = tpu.memref_slice %arg5[%add3A_69, %dma_wait3A_82] : memref<1600x500xi32, #tpu.memory_space<hbm>> -> memref<1x500xi32, #tpu.memory_space<hbm>>
          %dma_wait3A_84 = tpu.memref_squeeze %dma_wait3A_83 : memref<1x500xi32, #tpu.memory_space<hbm>> -> memref<500xi32, #tpu.memory_space<hbm>>
          %dma_wait3A_85 = arith.constant 0 : i32
          %dma_wait3A_86 = tpu.memref_slice %arg5[%add3A_69, %dma_wait3A_85] : memref<1600x500xi32, #tpu.memory_space<hbm>> -> memref<1x500xi32, #tpu.memory_space<hbm>>
          %dma_wait3A_87 = tpu.memref_squeeze %dma_wait3A_86 : memref<1x500xi32, #tpu.memory_space<hbm>> -> memref<500xi32, #tpu.memory_space<hbm>>
          tpu.wait_dma2 semaphore(%run_scoped3A : memref<!tpu.dma_semaphore, #tpu.memory_space<semaphore_mem>>) src(%dma_wait3A_87 : memref<500xi32, #tpu.memory_space<hbm>>) dst(%arg10 : memref<500xi32, #tpu.memory_space<vmem>>)
          tpu.yield
        }) : () -> ()
        %dma_start3A_73 = arith.constant 0 : i32
        %dma_start3A_74 = arith.constant 0 : i32
        %dma_start3A_75 = tpu.memref_slice %arg3[%dma_start3A_73, %dma_start3A_74] : memref<50000x32xf32, #tpu.memory_space<hbm>> -> memref<50000x32xf32, #tpu.memory_space<hbm>>
        tpu.enqueue_indirect_dma source(%dma_start3A_75 : memref<50000x32xf32, #tpu.memory_space<hbm>>) target(%arg14 : memref<500x32xf32, #tpu.memory_space<vmem>>) offsets(%arg10 : memref<500xi32, #tpu.memory_space<vmem>>) semaphore(%arg18 : memref<!tpu.dma_semaphore, #tpu.memory_space<semaphore_mem>>)
      } else {
      }
      %mul3A_45 = arith.constant 2 : i32
      %mul3A_46 = arith.muli %add3A_28, %mul3A_45 : i32
      %add3A_47 = arith.constant 1 : i32
      %add3A_48 = arith.addi %mul3A_46, %add3A_47 : i32
      %mul3A_49 = arith.constant 50 : i32
      %mul3A_50 = arith.muli %add3A, %mul3A_49 : i32
      %add3A_51 = arith.addi %mul3A_50, %add3A_48 : i32
      %mul3A_52 = arith.constant 500 : i32
      %mul3A_53 = arith.muli %add3A_51, %mul3A_52 : i32
      %dma_wait3A_54 = arith.constant 0 : i32
      %dma_wait3A_55 = arith.constant 0 : i32
      %dma_wait3A_56 = tpu.memref_slice %arg2[%dma_wait3A_54, %dma_wait3A_55] : memref<50000x32xf32, #tpu.memory_space<hbm>> -> memref<50000x32xf32, #tpu.memory_space<hbm>>
      tpu.wait_indirect_dma semaphore(%arg17 : memref<!tpu.dma_semaphore, #tpu.memory_space<semaphore_mem>>) src(%dma_wait3A_56 : memref<50000x32xf32, #tpu.memory_space<hbm>>) dst(%arg13 : memref<500x32xf32, #tpu.memory_space<vmem>>)
      "tpu.region"() ({
        %run_scoped3A = tpu.sem_alloc : memref<!tpu.dma_semaphore, #tpu.memory_space<semaphore_mem>>
        %dma_start3A_65 = arith.constant 0 : i32
        %dma_start3A_66 = tpu.memref_slice %arg6[%mul3A_53, %dma_start3A_65] : memref<800000x32xf32, #tpu.memory_space<hbm>> -> memref<500x32xf32, #tpu.memory_space<hbm>>
        %dma_start3A_67 = arith.constant 0 : i32
        %dma_start3A_68 = tpu.memref_slice %arg6[%mul3A_53, %dma_start3A_67] : memref<800000x32xf32, #tpu.memory_space<hbm>> -> memref<500x32xf32, #tpu.memory_space<hbm>>
        tpu.enqueue_dma source(%arg13 : memref<500x32xf32, #tpu.memory_space<vmem>>) target(%dma_start3A_68 : memref<500x32xf32, #tpu.memory_space<hbm>>) target_semaphore(%run_scoped3A : memref<!tpu.dma_semaphore, #tpu.memory_space<semaphore_mem>>)
        %dma_wait3A_69 = arith.constant 0 : i32
        %dma_wait3A_70 = tpu.memref_slice %arg6[%mul3A_53, %dma_wait3A_69] : memref<800000x32xf32, #tpu.memory_space<hbm>> -> memref<500x32xf32, #tpu.memory_space<hbm>>
        %dma_wait3A_71 = arith.constant 0 : i32
        %dma_wait3A_72 = tpu.memref_slice %arg6[%mul3A_53, %dma_wait3A_71] : memref<800000x32xf32, #tpu.memory_space<hbm>> -> memref<500x32xf32, #tpu.memory_space<hbm>>
        tpu.wait_dma2 semaphore(%run_scoped3A : memref<!tpu.dma_semaphore, #tpu.memory_space<semaphore_mem>>) src(%arg13 : memref<500x32xf32, #tpu.memory_space<vmem>>) dst(%dma_wait3A_72 : memref<500x32xf32, #tpu.memory_space<hbm>>)
        tpu.yield
      }) : () -> ()
      %dma_wait3A_57 = arith.constant 0 : i32
      %dma_wait3A_58 = arith.constant 0 : i32
      %dma_wait3A_59 = tpu.memref_slice %arg3[%dma_wait3A_57, %dma_wait3A_58] : memref<50000x32xf32, #tpu.memory_space<hbm>> -> memref<50000x32xf32, #tpu.memory_space<hbm>>
      tpu.wait_indirect_dma semaphore(%arg19 : memref<!tpu.dma_semaphore, #tpu.memory_space<semaphore_mem>>) src(%dma_wait3A_59 : memref<50000x32xf32, #tpu.memory_space<hbm>>) dst(%arg15 : memref<500x32xf32, #tpu.memory_space<vmem>>)
      "tpu.region"() ({
        %run_scoped3A = tpu.sem_alloc : memref<!tpu.dma_semaphore, #tpu.memory_space<semaphore_mem>>
        %dma_start3A_65 = arith.constant 0 : i32
        %dma_start3A_66 = tpu.memref_slice %arg7[%mul3A_53, %dma_start3A_65] : memref<800000x32xf32, #tpu.memory_space<hbm>> -> memref<500x32xf32, #tpu.memory_space<hbm>>
        %dma_start3A_67 = arith.constant 0 : i32
        %dma_start3A_68 = tpu.memref_slice %arg7[%mul3A_53, %dma_start3A_67] : memref<800000x32xf32, #tpu.memory_space<hbm>> -> memref<500x32xf32, #tpu.memory_space<hbm>>
        tpu.enqueue_dma source(%arg15 : memref<500x32xf32, #tpu.memory_space<vmem>>) target(%dma_start3A_68 : memref<500x32xf32, #tpu.memory_space<hbm>>) target_semaphore(%run_scoped3A : memref<!tpu.dma_semaphore, #tpu.memory_space<semaphore_mem>>)
        %dma_wait3A_69 = arith.constant 0 : i32
        %dma_wait3A_70 = tpu.memref_slice %arg7[%mul3A_53, %dma_wait3A_69] : memref<800000x32xf32, #tpu.memory_space<hbm>> -> memref<500x32xf32, #tpu.memory_space<hbm>>
        %dma_wait3A_71 = arith.constant 0 : i32
        %dma_wait3A_72 = tpu.memref_slice %arg7[%mul3A_53, %dma_wait3A_71] : memref<800000x32xf32, #tpu.memory_space<hbm>> -> memref<500x32xf32, #tpu.memory_space<hbm>>
        tpu.wait_dma2 semaphore(%run_scoped3A : memref<!tpu.dma_semaphore, #tpu.memory_space<semaphore_mem>>) src(%arg15 : memref<500x32xf32, #tpu.memory_space<vmem>>) dst(%dma_wait3A_72 : memref<500x32xf32, #tpu.memory_space<hbm>>)
        tpu.yield
      }) : () -> ()
      %lt3A_60 = arith.constant 24 : i32
      %lt3A_61 = arith.cmpi slt, %add3A_28, %lt3A_60 : i32
      %convert_element_type3A_62 = arith.extui %lt3A_61 : i1 to i32
      %cond3A_63 = arith.constant 0 : i32
      %cond3A_64 = arith.cmpi ne, %convert_element_type3A_62, %cond3A_63 : i32
      scf.if %cond3A_64 {
        %add3A_65 = arith.constant 2 : i32
        %add3A_66 = arith.addi %add3A_48, %add3A_65 : i32
        %mul3A_67 = arith.constant 50 : i32
        %mul3A_68 = arith.muli %add3A, %mul3A_67 : i32
        %add3A_69 = arith.addi %mul3A_68, %add3A_66 : i32
        "tpu.region"() ({
          %run_scoped3A = tpu.sem_alloc : memref<!tpu.dma_semaphore, #tpu.memory_space<semaphore_mem>>
          %dma_start3A_76 = arith.constant 0 : i32
          %dma_start3A_77 = tpu.memref_slice %arg4[%add3A_69, %dma_start3A_76] : memref<1600x500xi32, #tpu.memory_space<hbm>> -> memref<1x500xi32, #tpu.memory_space<hbm>>
          %dma_start3A_78 = tpu.memref_squeeze %dma_start3A_77 : memref<1x500xi32, #tpu.memory_space<hbm>> -> memref<500xi32, #tpu.memory_space<hbm>>
          %dma_start3A_79 = arith.constant 0 : i32
          %dma_start3A_80 = tpu.memref_slice %arg4[%add3A_69, %dma_start3A_79] : memref<1600x500xi32, #tpu.memory_space<hbm>> -> memref<1x500xi32, #tpu.memory_space<hbm>>
          %dma_start3A_81 = tpu.memref_squeeze %dma_start3A_80 : memref<1x500xi32, #tpu.memory_space<hbm>> -> memref<500xi32, #tpu.memory_space<hbm>>
          tpu.enqueue_dma source(%dma_start3A_81 : memref<500xi32, #tpu.memory_space<hbm>>) target(%arg9 : memref<500xi32, #tpu.memory_space<vmem>>) target_semaphore(%run_scoped3A : memref<!tpu.dma_semaphore, #tpu.memory_space<semaphore_mem>>)
          %dma_wait3A_82 = arith.constant 0 : i32
          %dma_wait3A_83 = tpu.memref_slice %arg4[%add3A_69, %dma_wait3A_82] : memref<1600x500xi32, #tpu.memory_space<hbm>> -> memref<1x500xi32, #tpu.memory_space<hbm>>
          %dma_wait3A_84 = tpu.memref_squeeze %dma_wait3A_83 : memref<1x500xi32, #tpu.memory_space<hbm>> -> memref<500xi32, #tpu.memory_space<hbm>>
          %dma_wait3A_85 = arith.constant 0 : i32
          %dma_wait3A_86 = tpu.memref_slice %arg4[%add3A_69, %dma_wait3A_85] : memref<1600x500xi32, #tpu.memory_space<hbm>> -> memref<1x500xi32, #tpu.memory_space<hbm>>
          %dma_wait3A_87 = tpu.memref_squeeze %dma_wait3A_86 : memref<1x500xi32, #tpu.memory_space<hbm>> -> memref<500xi32, #tpu.memory_space<hbm>>
          tpu.wait_dma2 semaphore(%run_scoped3A : memref<!tpu.dma_semaphore, #tpu.memory_space<semaphore_mem>>) src(%dma_wait3A_87 : memref<500xi32, #tpu.memory_space<hbm>>) dst(%arg9 : memref<500xi32, #tpu.memory_space<vmem>>)
          tpu.yield
        }) : () -> ()
        %dma_start3A_70 = arith.constant 0 : i32
        %dma_start3A_71 = arith.constant 0 : i32
        %dma_start3A_72 = tpu.memref_slice %arg2[%dma_start3A_70, %dma_start3A_71] : memref<50000x32xf32, #tpu.memory_space<hbm>> -> memref<50000x32xf32, #tpu.memory_space<hbm>>
        tpu.enqueue_indirect_dma source(%dma_start3A_72 : memref<50000x32xf32, #tpu.memory_space<hbm>>) target(%arg13 : memref<500x32xf32, #tpu.memory_space<vmem>>) offsets(%arg9 : memref<500xi32, #tpu.memory_space<vmem>>) semaphore(%arg17 : memref<!tpu.dma_semaphore, #tpu.memory_space<semaphore_mem>>)
        "tpu.region"() ({
          %run_scoped3A = tpu.sem_alloc : memref<!tpu.dma_semaphore, #tpu.memory_space<semaphore_mem>>
          %dma_start3A_76 = arith.constant 0 : i32
          %dma_start3A_77 = tpu.memref_slice %arg5[%add3A_69, %dma_start3A_76] : memref<1600x500xi32, #tpu.memory_space<hbm>> -> memref<1x500xi32, #tpu.memory_space<hbm>>
          %dma_start3A_78 = tpu.memref_squeeze %dma_start3A_77 : memref<1x500xi32, #tpu.memory_space<hbm>> -> memref<500xi32, #tpu.memory_space<hbm>>
          %dma_start3A_79 = arith.constant 0 : i32
          %dma_start3A_80 = tpu.memref_slice %arg5[%add3A_69, %dma_start3A_79] : memref<1600x500xi32, #tpu.memory_space<hbm>> -> memref<1x500xi32, #tpu.memory_space<hbm>>
          %dma_start3A_81 = tpu.memref_squeeze %dma_start3A_80 : memref<1x500xi32, #tpu.memory_space<hbm>> -> memref<500xi32, #tpu.memory_space<hbm>>
          tpu.enqueue_dma source(%dma_start3A_81 : memref<500xi32, #tpu.memory_space<hbm>>) target(%arg11 : memref<500xi32, #tpu.memory_space<vmem>>) target_semaphore(%run_scoped3A : memref<!tpu.dma_semaphore, #tpu.memory_space<semaphore_mem>>)
          %dma_wait3A_82 = arith.constant 0 : i32
          %dma_wait3A_83 = tpu.memref_slice %arg5[%add3A_69, %dma_wait3A_82] : memref<1600x500xi32, #tpu.memory_space<hbm>> -> memref<1x500xi32, #tpu.memory_space<hbm>>
          %dma_wait3A_84 = tpu.memref_squeeze %dma_wait3A_83 : memref<1x500xi32, #tpu.memory_space<hbm>> -> memref<500xi32, #tpu.memory_space<hbm>>
          %dma_wait3A_85 = arith.constant 0 : i32
          %dma_wait3A_86 = tpu.memref_slice %arg5[%add3A_69, %dma_wait3A_85] : memref<1600x500xi32, #tpu.memory_space<hbm>> -> memref<1x500xi32, #tpu.memory_space<hbm>>
          %dma_wait3A_87 = tpu.memref_squeeze %dma_wait3A_86 : memref<1x500xi32, #tpu.memory_space<hbm>> -> memref<500xi32, #tpu.memory_space<hbm>>
          tpu.wait_dma2 semaphore(%run_scoped3A : memref<!tpu.dma_semaphore, #tpu.memory_space<semaphore_mem>>) src(%dma_wait3A_87 : memref<500xi32, #tpu.memory_space<hbm>>) dst(%arg11 : memref<500xi32, #tpu.memory_space<vmem>>)
          tpu.yield
        }) : () -> ()
        %dma_start3A_73 = arith.constant 0 : i32
        %dma_start3A_74 = arith.constant 0 : i32
        %dma_start3A_75 = tpu.memref_slice %arg3[%dma_start3A_73, %dma_start3A_74] : memref<50000x32xf32, #tpu.memory_space<hbm>> -> memref<50000x32xf32, #tpu.memory_space<hbm>>
        tpu.enqueue_indirect_dma source(%dma_start3A_75 : memref<50000x32xf32, #tpu.memory_space<hbm>>) target(%arg15 : memref<500x32xf32, #tpu.memory_space<vmem>>) offsets(%arg11 : memref<500xi32, #tpu.memory_space<vmem>>) semaphore(%arg19 : memref<!tpu.dma_semaphore, #tpu.memory_space<semaphore_mem>>)
      } else {
      }
    }
    %scan3A_23 = arith.constant 25 : i32
    return
  }
}

#map = affine_map<(d0, d1) -> (0, 0)>
#map1 = affine_map<(d0, d1) -> (0, 0, 0)>
module attributes {stable_mosaic.version = 14 : i64} {
  func.func @k(%arg0: i32, %arg1: i32, %arg2: memref<800000x32xf32, #tpu.memory_space<hbm>>, %arg3: memref<3200x250xi32, #tpu.memory_space<hbm>>, %arg4: memref<3125x32xf32, #tpu.memory_space<hbm>>, %arg5: memref<2x50000x32xf32, #tpu.memory_space<hbm>>, %arg6: memref<250xi32, #tpu.memory_space<vmem>>, %arg7: memref<250xi32, #tpu.memory_space<vmem>>, %arg8: memref<250x32xf32, #tpu.memory_space<vmem>>, %arg9: memref<250x32xf32, #tpu.memory_space<vmem>>, %arg10: memref<50000x32xf32, #tpu.memory_space<vmem_shared>>, %arg11: memref<!tpu.dma_semaphore, #tpu.memory_space<semaphore_mem>>, %arg12: memref<!tpu.dma_semaphore, #tpu.memory_space<semaphore_mem>>, %arg13: memref<!tpu.dma_semaphore, #tpu.memory_space<semaphore_mem>>, %arg14: memref<!tpu.dma_semaphore, #tpu.memory_space<semaphore_mem>>) attributes {dimension_semantics = [#tpu.dimension_semantics<core_parallel>, #tpu.dimension_semantics<subcore_parallel>], iteration_bounds = array<i64: 2, 16>, scalar_prefetch = 0 : i64, scratch_operands = 9 : i64, tpu.core_type = #tpu.core_type<sc_vector_subcore>, window_params = [{transform_indices = #map}, {transform_indices = #map}, {transform_indices = #map}, {transform_indices = #map1}]} {
    %mul3A = arith.constant 2 : i32
    %mul3A_0 = arith.muli %arg1, %mul3A : i32
    %add3A = arith.addi %mul3A_0, %arg0 : i32
    %mul3A_1 = arith.constant 3125 : i32
    %mul3A_2 = arith.muli %arg1, %mul3A_1 : i32
    "tpu.region"() ({
      %run_scoped3A = tpu.sem_alloc : memref<!tpu.dma_semaphore, #tpu.memory_space<semaphore_mem>>
      %dma_start3A_43 = arith.constant 0 : i32
      %dma_start3A_44 = tpu.memref_slice %arg10[%mul3A_2, %dma_start3A_43] : memref<50000x32xf32, #tpu.memory_space<vmem_shared>> -> memref<3125x32xf32, #tpu.memory_space<vmem_shared>>
      tpu.enqueue_dma source(%arg4 : memref<3125x32xf32, #tpu.memory_space<hbm>>) target(%dma_start3A_44 : memref<3125x32xf32, #tpu.memory_space<vmem_shared>>) target_semaphore(%run_scoped3A : memref<!tpu.dma_semaphore, #tpu.memory_space<semaphore_mem>>)
      %dma_wait3A = arith.constant 0 : i32
      %dma_wait3A_45 = tpu.memref_slice %arg10[%mul3A_2, %dma_wait3A] : memref<50000x32xf32, #tpu.memory_space<vmem_shared>> -> memref<3125x32xf32, #tpu.memory_space<vmem_shared>>
      tpu.wait_dma2 semaphore(%run_scoped3A : memref<!tpu.dma_semaphore, #tpu.memory_space<semaphore_mem>>) src(%arg4 : memref<3125x32xf32, #tpu.memory_space<hbm>>) dst(%dma_wait3A_45 : memref<3125x32xf32, #tpu.memory_space<vmem_shared>>)
      tpu.yield
    }) : () -> ()
    %barrier3A = arith.constant 0 : index
    tpu.barrier barrier_id(%barrier3A)
    %mul3A_3 = arith.constant 100 : i32
    %mul3A_4 = arith.muli %add3A, %mul3A_3 : i32
    %add3A_5 = arith.constant 0 : i32
    %add3A_6 = arith.addi %mul3A_4, %add3A_5 : i32
    %dma_start3A = arith.constant 0 : i32
    %dma_start3A_7 = tpu.memref_slice %arg3[%add3A_6, %dma_start3A] : memref<3200x250xi32, #tpu.memory_space<hbm>> -> memref<1x250xi32, #tpu.memory_space<hbm>>
    %dma_start3A_8 = tpu.memref_squeeze %dma_start3A_7 : memref<1x250xi32, #tpu.memory_space<hbm>> -> memref<250xi32, #tpu.memory_space<hbm>>
    %dma_start3A_9 = arith.constant 0 : i32
    %dma_start3A_10 = tpu.memref_slice %arg3[%add3A_6, %dma_start3A_9] : memref<3200x250xi32, #tpu.memory_space<hbm>> -> memref<1x250xi32, #tpu.memory_space<hbm>>
    %dma_start3A_11 = tpu.memref_squeeze %dma_start3A_10 : memref<1x250xi32, #tpu.memory_space<hbm>> -> memref<250xi32, #tpu.memory_space<hbm>>
    tpu.enqueue_dma source(%dma_start3A_11 : memref<250xi32, #tpu.memory_space<hbm>>) target(%arg6 : memref<250xi32, #tpu.memory_space<vmem>>) target_semaphore(%arg11 : memref<!tpu.dma_semaphore, #tpu.memory_space<semaphore_mem>>)
    %mul3A_12 = arith.constant 250 : i32
    %mul3A_13 = arith.muli %add3A_6, %mul3A_12 : i32
    %dma_start3A_14 = arith.constant 0 : i32
    %dma_start3A_15 = tpu.memref_slice %arg2[%mul3A_13, %dma_start3A_14] : memref<800000x32xf32, #tpu.memory_space<hbm>> -> memref<250x32xf32, #tpu.memory_space<hbm>>
    %dma_start3A_16 = arith.constant 0 : i32
    %dma_start3A_17 = tpu.memref_slice %arg2[%mul3A_13, %dma_start3A_16] : memref<800000x32xf32, #tpu.memory_space<hbm>> -> memref<250x32xf32, #tpu.memory_space<hbm>>
    tpu.enqueue_dma source(%dma_start3A_17 : memref<250x32xf32, #tpu.memory_space<hbm>>) target(%arg8 : memref<250x32xf32, #tpu.memory_space<vmem>>) target_semaphore(%arg13 : memref<!tpu.dma_semaphore, #tpu.memory_space<semaphore_mem>>)
    %mul3A_18 = arith.constant 100 : i32
    %mul3A_19 = arith.muli %add3A, %mul3A_18 : i32
    %add3A_20 = arith.constant 1 : i32
    %add3A_21 = arith.addi %mul3A_19, %add3A_20 : i32
    %dma_start3A_22 = arith.constant 0 : i32
    %dma_start3A_23 = tpu.memref_slice %arg3[%add3A_21, %dma_start3A_22] : memref<3200x250xi32, #tpu.memory_space<hbm>> -> memref<1x250xi32, #tpu.memory_space<hbm>>
    %dma_start3A_24 = tpu.memref_squeeze %dma_start3A_23 : memref<1x250xi32, #tpu.memory_space<hbm>> -> memref<250xi32, #tpu.memory_space<hbm>>
    %dma_start3A_25 = arith.constant 0 : i32
    %dma_start3A_26 = tpu.memref_slice %arg3[%add3A_21, %dma_start3A_25] : memref<3200x250xi32, #tpu.memory_space<hbm>> -> memref<1x250xi32, #tpu.memory_space<hbm>>
    %dma_start3A_27 = tpu.memref_squeeze %dma_start3A_26 : memref<1x250xi32, #tpu.memory_space<hbm>> -> memref<250xi32, #tpu.memory_space<hbm>>
    tpu.enqueue_dma source(%dma_start3A_27 : memref<250xi32, #tpu.memory_space<hbm>>) target(%arg7 : memref<250xi32, #tpu.memory_space<vmem>>) target_semaphore(%arg12 : memref<!tpu.dma_semaphore, #tpu.memory_space<semaphore_mem>>)
    %mul3A_28 = arith.constant 250 : i32
    %mul3A_29 = arith.muli %add3A_21, %mul3A_28 : i32
    %dma_start3A_30 = arith.constant 0 : i32
    %dma_start3A_31 = tpu.memref_slice %arg2[%mul3A_29, %dma_start3A_30] : memref<800000x32xf32, #tpu.memory_space<hbm>> -> memref<250x32xf32, #tpu.memory_space<hbm>>
    %dma_start3A_32 = arith.constant 0 : i32
    %dma_start3A_33 = tpu.memref_slice %arg2[%mul3A_29, %dma_start3A_32] : memref<800000x32xf32, #tpu.memory_space<hbm>> -> memref<250x32xf32, #tpu.memory_space<hbm>>
    tpu.enqueue_dma source(%dma_start3A_33 : memref<250x32xf32, #tpu.memory_space<hbm>>) target(%arg9 : memref<250x32xf32, #tpu.memory_space<vmem>>) target_semaphore(%arg14 : memref<!tpu.dma_semaphore, #tpu.memory_space<semaphore_mem>>)
    %scan3A = arith.constant 0 : i32
    %scan3A_34 = arith.constant 50 : i32
    %scan3A_35 = arith.addi %scan3A, %scan3A_34 : i32
    %scan3A_36 = arith.constant 1 : i32
    scf.for %scan3A_43 = %scan3A to %scan3A_35 step %scan3A_36  : i32 {
      %mul3A_44 = arith.constant 1 : i32
      %mul3A_45 = arith.muli %scan3A_43, %mul3A_44 : i32
      %add3A_46 = arith.constant 0 : i32
      %add3A_47 = arith.addi %add3A_46, %mul3A_45 : i32
      %mul3A_48 = arith.constant 2 : i32
      %mul3A_49 = arith.muli %add3A_47, %mul3A_48 : i32
      %add3A_50 = arith.constant 0 : i32
      %add3A_51 = arith.addi %mul3A_49, %add3A_50 : i32
      %mul3A_52 = arith.constant 100 : i32
      %mul3A_53 = arith.muli %add3A, %mul3A_52 : i32
      %add3A_54 = arith.addi %mul3A_53, %add3A_51 : i32
      %dma_wait3A = arith.constant 0 : i32
      %dma_wait3A_55 = tpu.memref_slice %arg3[%add3A_54, %dma_wait3A] : memref<3200x250xi32, #tpu.memory_space<hbm>> -> memref<1x250xi32, #tpu.memory_space<hbm>>
      %dma_wait3A_56 = tpu.memref_squeeze %dma_wait3A_55 : memref<1x250xi32, #tpu.memory_space<hbm>> -> memref<250xi32, #tpu.memory_space<hbm>>
      %dma_wait3A_57 = arith.constant 0 : i32
      %dma_wait3A_58 = tpu.memref_slice %arg3[%add3A_54, %dma_wait3A_57] : memref<3200x250xi32, #tpu.memory_space<hbm>> -> memref<1x250xi32, #tpu.memory_space<hbm>>
      %dma_wait3A_59 = tpu.memref_squeeze %dma_wait3A_58 : memref<1x250xi32, #tpu.memory_space<hbm>> -> memref<250xi32, #tpu.memory_space<hbm>>
      tpu.wait_dma2 semaphore(%arg11 : memref<!tpu.dma_semaphore, #tpu.memory_space<semaphore_mem>>) src(%dma_wait3A_59 : memref<250xi32, #tpu.memory_space<hbm>>) dst(%arg6 : memref<250xi32, #tpu.memory_space<vmem>>)
      %mul3A_60 = arith.constant 250 : i32
      %mul3A_61 = arith.muli %add3A_54, %mul3A_60 : i32
      %dma_wait3A_62 = arith.constant 0 : i32
      %dma_wait3A_63 = tpu.memref_slice %arg2[%mul3A_61, %dma_wait3A_62] : memref<800000x32xf32, #tpu.memory_space<hbm>> -> memref<250x32xf32, #tpu.memory_space<hbm>>
      %dma_wait3A_64 = arith.constant 0 : i32
      %dma_wait3A_65 = tpu.memref_slice %arg2[%mul3A_61, %dma_wait3A_64] : memref<800000x32xf32, #tpu.memory_space<hbm>> -> memref<250x32xf32, #tpu.memory_space<hbm>>
      tpu.wait_dma2 semaphore(%arg13 : memref<!tpu.dma_semaphore, #tpu.memory_space<semaphore_mem>>) src(%dma_wait3A_65 : memref<250x32xf32, #tpu.memory_space<hbm>>) dst(%arg8 : memref<250x32xf32, #tpu.memory_space<vmem>>)
      "tpu.region"() ({
        %run_scoped3A = tpu.sem_alloc : memref<!tpu.dma_semaphore, #tpu.memory_space<semaphore_mem>>
        %dma_start3A_96 = arith.constant 0 : i32
        %dma_start3A_97 = arith.constant 0 : i32
        %dma_start3A_98 = tpu.memref_slice %arg10[%dma_start3A_96, %dma_start3A_97] : memref<50000x32xf32, #tpu.memory_space<vmem_shared>> -> memref<50000x32xf32, #tpu.memory_space<vmem_shared>>
        tpu.enqueue_indirect_dma source(%arg8 : memref<250x32xf32, #tpu.memory_space<vmem>>) target(%dma_start3A_98 : memref<50000x32xf32, #tpu.memory_space<vmem_shared>>) offsets(%arg6 : memref<250xi32, #tpu.memory_space<vmem>>) semaphore(%run_scoped3A : memref<!tpu.dma_semaphore, #tpu.memory_space<semaphore_mem>>) {add = true}
        %dma_wait3A_99 = arith.constant 0 : i32
        %dma_wait3A_100 = arith.constant 0 : i32
        %dma_wait3A_101 = tpu.memref_slice %arg10[%dma_wait3A_99, %dma_wait3A_100] : memref<50000x32xf32, #tpu.memory_space<vmem_shared>> -> memref<50000x32xf32, #tpu.memory_space<vmem_shared>>
        tpu.wait_indirect_dma semaphore(%run_scoped3A : memref<!tpu.dma_semaphore, #tpu.memory_space<semaphore_mem>>) src(%arg8 : memref<250x32xf32, #tpu.memory_space<vmem>>) dst(%dma_wait3A_101 : memref<50000x32xf32, #tpu.memory_space<vmem_shared>>)
        tpu.yield
      }) : () -> ()
      %add3A_66 = arith.constant 2 : i32
      %add3A_67 = arith.addi %add3A_51, %add3A_66 : i32
      %lt3A = arith.constant 100 : i32
      %lt3A_68 = arith.cmpi slt, %add3A_67, %lt3A : i32
      %convert_element_type3A = arith.extui %lt3A_68 : i1 to i32
      %cond3A = arith.constant 0 : i32
      %cond3A_69 = arith.cmpi ne, %convert_element_type3A, %cond3A : i32
      scf.if %cond3A_69 {
        %add3A_96 = arith.constant 2 : i32
        %add3A_97 = arith.addi %add3A_51, %add3A_96 : i32
        %mul3A_98 = arith.constant 100 : i32
        %mul3A_99 = arith.muli %add3A, %mul3A_98 : i32
        %add3A_100 = arith.addi %mul3A_99, %add3A_97 : i32
        %dma_start3A_101 = arith.constant 0 : i32
        %dma_start3A_102 = tpu.memref_slice %arg3[%add3A_100, %dma_start3A_101] : memref<3200x250xi32, #tpu.memory_space<hbm>> -> memref<1x250xi32, #tpu.memory_space<hbm>>
        %dma_start3A_103 = tpu.memref_squeeze %dma_start3A_102 : memref<1x250xi32, #tpu.memory_space<hbm>> -> memref<250xi32, #tpu.memory_space<hbm>>
        %dma_start3A_104 = arith.constant 0 : i32
        %dma_start3A_105 = tpu.memref_slice %arg3[%add3A_100, %dma_start3A_104] : memref<3200x250xi32, #tpu.memory_space<hbm>> -> memref<1x250xi32, #tpu.memory_space<hbm>>
        %dma_start3A_106 = tpu.memref_squeeze %dma_start3A_105 : memref<1x250xi32, #tpu.memory_space<hbm>> -> memref<250xi32, #tpu.memory_space<hbm>>
        tpu.enqueue_dma source(%dma_start3A_106 : memref<250xi32, #tpu.memory_space<hbm>>) target(%arg6 : memref<250xi32, #tpu.memory_space<vmem>>) target_semaphore(%arg11 : memref<!tpu.dma_semaphore, #tpu.memory_space<semaphore_mem>>)
        %mul3A_107 = arith.constant 250 : i32
        %mul3A_108 = arith.muli %add3A_100, %mul3A_107 : i32
        %dma_start3A_109 = arith.constant 0 : i32
        %dma_start3A_110 = tpu.memref_slice %arg2[%mul3A_108, %dma_start3A_109] : memref<800000x32xf32, #tpu.memory_space<hbm>> -> memref<250x32xf32, #tpu.memory_space<hbm>>
        %dma_start3A_111 = arith.constant 0 : i32
        %dma_start3A_112 = tpu.memref_slice %arg2[%mul3A_108, %dma_start3A_111] : memref<800000x32xf32, #tpu.memory_space<hbm>> -> memref<250x32xf32, #tpu.memory_space<hbm>>
        tpu.enqueue_dma source(%dma_start3A_112 : memref<250x32xf32, #tpu.memory_space<hbm>>) target(%arg8 : memref<250x32xf32, #tpu.memory_space<vmem>>) target_semaphore(%arg13 : memref<!tpu.dma_semaphore, #tpu.memory_space<semaphore_mem>>)
      } else {
      }
      %mul3A_70 = arith.constant 2 : i32
      %mul3A_71 = arith.muli %add3A_47, %mul3A_70 : i32
      %add3A_72 = arith.constant 1 : i32
      %add3A_73 = arith.addi %mul3A_71, %add3A_72 : i32
      %mul3A_74 = arith.constant 100 : i32
      %mul3A_75 = arith.muli %add3A, %mul3A_74 : i32
      %add3A_76 = arith.addi %mul3A_75, %add3A_73 : i32
      %dma_wait3A_77 = arith.constant 0 : i32
      %dma_wait3A_78 = tpu.memref_slice %arg3[%add3A_76, %dma_wait3A_77] : memref<3200x250xi32, #tpu.memory_space<hbm>> -> memref<1x250xi32, #tpu.memory_space<hbm>>
      %dma_wait3A_79 = tpu.memref_squeeze %dma_wait3A_78 : memref<1x250xi32, #tpu.memory_space<hbm>> -> memref<250xi32, #tpu.memory_space<hbm>>
      %dma_wait3A_80 = arith.constant 0 : i32
      %dma_wait3A_81 = tpu.memref_slice %arg3[%add3A_76, %dma_wait3A_80] : memref<3200x250xi32, #tpu.memory_space<hbm>> -> memref<1x250xi32, #tpu.memory_space<hbm>>
      %dma_wait3A_82 = tpu.memref_squeeze %dma_wait3A_81 : memref<1x250xi32, #tpu.memory_space<hbm>> -> memref<250xi32, #tpu.memory_space<hbm>>
      tpu.wait_dma2 semaphore(%arg12 : memref<!tpu.dma_semaphore, #tpu.memory_space<semaphore_mem>>) src(%dma_wait3A_82 : memref<250xi32, #tpu.memory_space<hbm>>) dst(%arg7 : memref<250xi32, #tpu.memory_space<vmem>>)
      %mul3A_83 = arith.constant 250 : i32
      %mul3A_84 = arith.muli %add3A_76, %mul3A_83 : i32
      %dma_wait3A_85 = arith.constant 0 : i32
      %dma_wait3A_86 = tpu.memref_slice %arg2[%mul3A_84, %dma_wait3A_85] : memref<800000x32xf32, #tpu.memory_space<hbm>> -> memref<250x32xf32, #tpu.memory_space<hbm>>
      %dma_wait3A_87 = arith.constant 0 : i32
      %dma_wait3A_88 = tpu.memref_slice %arg2[%mul3A_84, %dma_wait3A_87] : memref<800000x32xf32, #tpu.memory_space<hbm>> -> memref<250x32xf32, #tpu.memory_space<hbm>>
      tpu.wait_dma2 semaphore(%arg14 : memref<!tpu.dma_semaphore, #tpu.memory_space<semaphore_mem>>) src(%dma_wait3A_88 : memref<250x32xf32, #tpu.memory_space<hbm>>) dst(%arg9 : memref<250x32xf32, #tpu.memory_space<vmem>>)
      "tpu.region"() ({
        %run_scoped3A = tpu.sem_alloc : memref<!tpu.dma_semaphore, #tpu.memory_space<semaphore_mem>>
        %dma_start3A_96 = arith.constant 0 : i32
        %dma_start3A_97 = arith.constant 0 : i32
        %dma_start3A_98 = tpu.memref_slice %arg10[%dma_start3A_96, %dma_start3A_97] : memref<50000x32xf32, #tpu.memory_space<vmem_shared>> -> memref<50000x32xf32, #tpu.memory_space<vmem_shared>>
        tpu.enqueue_indirect_dma source(%arg9 : memref<250x32xf32, #tpu.memory_space<vmem>>) target(%dma_start3A_98 : memref<50000x32xf32, #tpu.memory_space<vmem_shared>>) offsets(%arg7 : memref<250xi32, #tpu.memory_space<vmem>>) semaphore(%run_scoped3A : memref<!tpu.dma_semaphore, #tpu.memory_space<semaphore_mem>>) {add = true}
        %dma_wait3A_99 = arith.constant 0 : i32
        %dma_wait3A_100 = arith.constant 0 : i32
        %dma_wait3A_101 = tpu.memref_slice %arg10[%dma_wait3A_99, %dma_wait3A_100] : memref<50000x32xf32, #tpu.memory_space<vmem_shared>> -> memref<50000x32xf32, #tpu.memory_space<vmem_shared>>
        tpu.wait_indirect_dma semaphore(%run_scoped3A : memref<!tpu.dma_semaphore, #tpu.memory_space<semaphore_mem>>) src(%arg9 : memref<250x32xf32, #tpu.memory_space<vmem>>) dst(%dma_wait3A_101 : memref<50000x32xf32, #tpu.memory_space<vmem_shared>>)
        tpu.yield
      }) : () -> ()
      %add3A_89 = arith.constant 2 : i32
      %add3A_90 = arith.addi %add3A_73, %add3A_89 : i32
      %lt3A_91 = arith.constant 100 : i32
      %lt3A_92 = arith.cmpi slt, %add3A_90, %lt3A_91 : i32
      %convert_element_type3A_93 = arith.extui %lt3A_92 : i1 to i32
      %cond3A_94 = arith.constant 0 : i32
      %cond3A_95 = arith.cmpi ne, %convert_element_type3A_93, %cond3A_94 : i32
      scf.if %cond3A_95 {
        %add3A_96 = arith.constant 2 : i32
        %add3A_97 = arith.addi %add3A_73, %add3A_96 : i32
        %mul3A_98 = arith.constant 100 : i32
        %mul3A_99 = arith.muli %add3A, %mul3A_98 : i32
        %add3A_100 = arith.addi %mul3A_99, %add3A_97 : i32
        %dma_start3A_101 = arith.constant 0 : i32
        %dma_start3A_102 = tpu.memref_slice %arg3[%add3A_100, %dma_start3A_101] : memref<3200x250xi32, #tpu.memory_space<hbm>> -> memref<1x250xi32, #tpu.memory_space<hbm>>
        %dma_start3A_103 = tpu.memref_squeeze %dma_start3A_102 : memref<1x250xi32, #tpu.memory_space<hbm>> -> memref<250xi32, #tpu.memory_space<hbm>>
        %dma_start3A_104 = arith.constant 0 : i32
        %dma_start3A_105 = tpu.memref_slice %arg3[%add3A_100, %dma_start3A_104] : memref<3200x250xi32, #tpu.memory_space<hbm>> -> memref<1x250xi32, #tpu.memory_space<hbm>>
        %dma_start3A_106 = tpu.memref_squeeze %dma_start3A_105 : memref<1x250xi32, #tpu.memory_space<hbm>> -> memref<250xi32, #tpu.memory_space<hbm>>
        tpu.enqueue_dma source(%dma_start3A_106 : memref<250xi32, #tpu.memory_space<hbm>>) target(%arg7 : memref<250xi32, #tpu.memory_space<vmem>>) target_semaphore(%arg12 : memref<!tpu.dma_semaphore, #tpu.memory_space<semaphore_mem>>)
        %mul3A_107 = arith.constant 250 : i32
        %mul3A_108 = arith.muli %add3A_100, %mul3A_107 : i32
        %dma_start3A_109 = arith.constant 0 : i32
        %dma_start3A_110 = tpu.memref_slice %arg2[%mul3A_108, %dma_start3A_109] : memref<800000x32xf32, #tpu.memory_space<hbm>> -> memref<250x32xf32, #tpu.memory_space<hbm>>
        %dma_start3A_111 = arith.constant 0 : i32
        %dma_start3A_112 = tpu.memref_slice %arg2[%mul3A_108, %dma_start3A_111] : memref<800000x32xf32, #tpu.memory_space<hbm>> -> memref<250x32xf32, #tpu.memory_space<hbm>>
        tpu.enqueue_dma source(%dma_start3A_112 : memref<250x32xf32, #tpu.memory_space<hbm>>) target(%arg9 : memref<250x32xf32, #tpu.memory_space<vmem>>) target_semaphore(%arg14 : memref<!tpu.dma_semaphore, #tpu.memory_space<semaphore_mem>>)
      } else {
      }
    }
    %scan3A_37 = arith.constant 50 : i32
    %barrier3A_38 = arith.constant 0 : index
    tpu.barrier barrier_id(%barrier3A_38)
    %mul3A_39 = arith.constant 3125 : i32
    %mul3A_40 = arith.muli %arg1, %mul3A_39 : i32
    %mul3A_41 = arith.constant 3125 : i32
    %mul3A_42 = arith.muli %arg1, %mul3A_41 : i32
    "tpu.region"() ({
      %run_scoped3A = tpu.sem_alloc : memref<!tpu.dma_semaphore, #tpu.memory_space<semaphore_mem>>
      %dma_start3A_43 = arith.constant 0 : i32
      %dma_start3A_44 = tpu.memref_slice %arg5[%arg0, %mul3A_42, %dma_start3A_43] : memref<2x50000x32xf32, #tpu.memory_space<hbm>> -> memref<1x3125x32xf32, #tpu.memory_space<hbm>>
      %dma_start3A_45 = tpu.memref_squeeze %dma_start3A_44 : memref<1x3125x32xf32, #tpu.memory_space<hbm>> -> memref<3125x32xf32, #tpu.memory_space<hbm>>
      %dma_start3A_46 = arith.constant 0 : i32
      %dma_start3A_47 = tpu.memref_slice %arg10[%mul3A_40, %dma_start3A_46] : memref<50000x32xf32, #tpu.memory_space<vmem_shared>> -> memref<3125x32xf32, #tpu.memory_space<vmem_shared>>
      tpu.enqueue_dma source(%dma_start3A_47 : memref<3125x32xf32, #tpu.memory_space<vmem_shared>>) target(%dma_start3A_45 : memref<3125x32xf32, #tpu.memory_space<hbm>>) target_semaphore(%run_scoped3A : memref<!tpu.dma_semaphore, #tpu.memory_space<semaphore_mem>>)
      %dma_wait3A = arith.constant 0 : i32
      %dma_wait3A_48 = tpu.memref_slice %arg5[%arg0, %mul3A_42, %dma_wait3A] : memref<2x50000x32xf32, #tpu.memory_space<hbm>> -> memref<1x3125x32xf32, #tpu.memory_space<hbm>>
      %dma_wait3A_49 = tpu.memref_squeeze %dma_wait3A_48 : memref<1x3125x32xf32, #tpu.memory_space<hbm>> -> memref<3125x32xf32, #tpu.memory_space<hbm>>
      %dma_wait3A_50 = arith.constant 0 : i32
      %dma_wait3A_51 = tpu.memref_slice %arg10[%mul3A_40, %dma_wait3A_50] : memref<50000x32xf32, #tpu.memory_space<vmem_shared>> -> memref<3125x32xf32, #tpu.memory_space<vmem_shared>>
      tpu.wait_dma2 semaphore(%run_scoped3A : memref<!tpu.dma_semaphore, #tpu.memory_space<semaphore_mem>>) src(%dma_wait3A_51 : memref<3125x32xf32, #tpu.memory_space<vmem_shared>>) dst(%dma_wait3A_49 : memref<3125x32xf32, #tpu.memory_space<hbm>>)
      tpu.yield
    }) : () -> ()
    return
  }
}

module attributes {stable_mosaic.version = 14 : i64} {
  func.func @body(%arg0: i32, %arg1: memref<2000x1xi32, #tpu.memory_space<vmem>>, %arg2: memref<128x64xf32, #tpu.memory_space<vmem>>, %arg3: memref<64x32xf32, #tpu.memory_space<vmem>>, %arg4: memref<64x32xf32, #tpu.memory_space<vmem>>, %arg5: memref<2000x64xf32, #tpu.memory_space<vmem>>, %arg6: memref<2000x32xf32, #tpu.memory_space<vmem>>, %arg7: memref<2000x32xf32, #tpu.memory_space<vmem>>) attributes {dimension_semantics = [#tpu.dimension_semantics<arbitrary>], iteration_bounds = array<i64: 25>, scalar_prefetch = 0 : i64, scratch_operands = 0 : i64, tpu.core_type = #tpu.core_type<tc>, window_params = [{transform_indices = @transform_0, window_bounds = array<i64: 2000, 1>}, {pipeline_mode = #tpu.pipeline_mode<synchronous>, transform_indices = @transform_1, window_bounds = array<i64: 128, 64>}, {pipeline_mode = #tpu.pipeline_mode<synchronous>, transform_indices = @transform_2, window_bounds = array<i64: 64, 32>}, {pipeline_mode = #tpu.pipeline_mode<synchronous>, transform_indices = @transform_3, window_bounds = array<i64: 64, 32>}, {transform_indices = @transform_4, window_bounds = array<i64: 2000, 64>}, {transform_indices = @transform_5, window_bounds = array<i64: 2000, 32>}, {transform_indices = @transform_6, window_bounds = array<i64: 2000, 32>}]} {
    %iota3A = tpu.iota {dimensions = array<i32: 1>} : vector<2000x128xi32>
    %get3A = arith.constant 0 : index
    %get3A_0 = arith.constant 0 : index
    %get3A_1 = vector.load %arg1[%get3A, %get3A_0] : memref<2000x1xi32, #tpu.memory_space<vmem>>, vector<2000x1xi32>
    %eq3A = vector.broadcast %get3A_1 : vector<2000x1xi32> to vector<2000x128xi32>
    %eq3A_2 = arith.cmpi eq, %eq3A, %iota3A : vector<2000x128xi32>
    %convert_element_type3A = arith.extui %eq3A_2 : vector<2000x128xi1> to vector<2000x128xi32>
    %convert_element_type3A_3 = arith.sitofp %convert_element_type3A : vector<2000x128xi32> to vector<2000x128xf32>
    %get3A_4 = arith.constant 0 : index
    %get3A_5 = arith.constant 0 : index
    %get3A_6 = vector.load %arg2[%get3A_4, %get3A_5] : memref<128x64xf32, #tpu.memory_space<vmem>>, vector<128x64xf32>
    %dot_general3A = arith.constant dense<0.000000e+00> : vector<2000x64xf32>
    %dot_general3A_7 = tpu.matmul %convert_element_type3A_3, %get3A_6, %dot_general3A {dimension_numbers = #tpu.dot_dimension_numbers<[1], [0], [0], [1], [0, 0, 1, 1], [], []>, transpose_lhs_hint = false} : vector<2000x128xf32>, vector<128x64xf32>, vector<2000x64xf32> -> vector<2000x64xf32>
    %swap3A = arith.constant 0 : index
    %swap3A_8 = arith.constant 0 : index
    %swap3A_9 = vector.load %arg5[%swap3A, %swap3A_8] : memref<2000x64xf32, #tpu.memory_space<vmem>>, vector<2000x64xf32>
    tpu.vector_store %arg5[%swap3A, %swap3A_8], %dot_general3A_7 {strides = array<i32>} : memref<2000x64xf32, #tpu.memory_space<vmem>>, vector<2000x64xf32>,
    %get3A_10 = arith.constant 0 : index
    %get3A_11 = arith.constant 0 : index
    %get3A_12 = vector.load %arg3[%get3A_10, %get3A_11] : memref<64x32xf32, #tpu.memory_space<vmem>>, vector<64x32xf32>
    %dot_general3A_13 = arith.constant dense<0.000000e+00> : vector<2000x32xf32>
    %dot_general3A_14 = tpu.matmul %dot_general3A_7, %get3A_12, %dot_general3A_13 {dimension_numbers = #tpu.dot_dimension_numbers<[1], [0], [0], [1], [0, 0, 1, 1], [], []>, transpose_lhs_hint = false} : vector<2000x64xf32>, vector<64x32xf32>, vector<2000x32xf32> -> vector<2000x32xf32>
    %swap3A_15 = arith.constant 0 : index
    %swap3A_16 = arith.constant 0 : index
    %swap3A_17 = vector.load %arg6[%swap3A_15, %swap3A_16] : memref<2000x32xf32, #tpu.memory_space<vmem>>, vector<2000x32xf32>
    tpu.vector_store %arg6[%swap3A_15, %swap3A_16], %dot_general3A_14 {strides = array<i32>} : memref<2000x32xf32, #tpu.memory_space<vmem>>, vector<2000x32xf32>,
    %get3A_18 = arith.constant 0 : index
    %get3A_19 = arith.constant 0 : index
    %get3A_20 = vector.load %arg4[%get3A_18, %get3A_19] : memref<64x32xf32, #tpu.memory_space<vmem>>, vector<64x32xf32>
    %dot_general3A_21 = arith.constant dense<0.000000e+00> : vector<2000x32xf32>
    %dot_general3A_22 = tpu.matmul %dot_general3A_7, %get3A_20, %dot_general3A_21 {dimension_numbers = #tpu.dot_dimension_numbers<[1], [0], [0], [1], [0, 0, 1, 1], [], []>, transpose_lhs_hint = false} : vector<2000x64xf32>, vector<64x32xf32>, vector<2000x32xf32> -> vector<2000x32xf32>
    %swap3A_23 = arith.constant 0 : index
    %swap3A_24 = arith.constant 0 : index
    %swap3A_25 = vector.load %arg7[%swap3A_23, %swap3A_24] : memref<2000x32xf32, #tpu.memory_space<vmem>>, vector<2000x32xf32>
    tpu.vector_store %arg7[%swap3A_23, %swap3A_24], %dot_general3A_22 {strides = array<i32>} : memref<2000x32xf32, #tpu.memory_space<vmem>>, vector<2000x32xf32>,
    return
  }
  func.func @transform_0(%arg0: i32) -> (i32, i32) {
    %c0_i32 = arith.constant 0 : i32
    %c0_i32_0 = arith.constant 0 : i32
    return %arg0, %c0_i32 : i32, i32
  }
  func.func @transform_1(%arg0: i32) -> (i32, i32) {
    %c0_i32 = arith.constant 0 : i32
    %c0_i32_0 = arith.constant 0 : i32
    %c0_i32_1 = arith.constant 0 : i32
    return %c0_i32, %c0_i32_0 : i32, i32
  }
  func.func @transform_2(%arg0: i32) -> (i32, i32) {
    %c0_i32 = arith.constant 0 : i32
    %c0_i32_0 = arith.constant 0 : i32
    %c0_i32_1 = arith.constant 0 : i32
    return %c0_i32, %c0_i32_0 : i32, i32
  }
  func.func @transform_3(%arg0: i32) -> (i32, i32) {
    %c0_i32 = arith.constant 0 : i32
    %c0_i32_0 = arith.constant 0 : i32
    %c0_i32_1 = arith.constant 0 : i32
    return %c0_i32, %c0_i32_0 : i32, i32
  }
  func.func @transform_4(%arg0: i32) -> (i32, i32) {
    %c0_i32 = arith.constant 0 : i32
    %c0_i32_0 = arith.constant 0 : i32
    return %arg0, %c0_i32 : i32, i32
  }
  func.func @transform_5(%arg0: i32) -> (i32, i32) {
    %c0_i32 = arith.constant 0 : i32
    %c0_i32_0 = arith.constant 0 : i32
    return %arg0, %c0_i32 : i32, i32
  }
  func.func @transform_6(%arg0: i32) -> (i32, i32) {
    %c0_i32 = arith.constant 0 : i32
    %c0_i32_0 = arith.constant 0 : i32
    return %arg0, %c0_i32 : i32, i32
  }
}

module attributes {stable_mosaic.version = 14 : i64} {
  func.func @body(%arg0: i32, %arg1: memref<1000x128xf32, #tpu.memory_space<vmem>>, %arg2: memref<1000x128xf32, #tpu.memory_space<vmem>>, %arg3: memref<1000x128xf32, #tpu.memory_space<vmem>>, %arg4: memref<128x128xf32, #tpu.memory_space<vmem>>, %arg5: memref<1x128xf32, #tpu.memory_space<vmem>>, %arg6: memref<128x128xf32, #tpu.memory_space<vmem>>, %arg7: memref<1x128xf32, #tpu.memory_space<vmem>>, %arg8: memref<1x128xf32, #tpu.memory_space<vmem>>, %arg9: memref<1x128xf32, #tpu.memory_space<vmem>>, %arg10: memref<128x128xf32, #tpu.memory_space<vmem>>, %arg11: memref<1x128xf32, #tpu.memory_space<vmem>>, %arg12: memref<1000x128xf32, #tpu.memory_space<vmem>>) attributes {dimension_semantics = [#tpu.dimension_semantics<arbitrary>], iteration_bounds = array<i64: 200>, scalar_prefetch = 0 : i64, scratch_operands = 0 : i64, tpu.core_type = #tpu.core_type<tc>, window_params = [{transform_indices = @transform_0, window_bounds = array<i64: 1000, 128>}, {transform_indices = @transform_1, window_bounds = array<i64: 1000, 128>}, {transform_indices = @transform_2, window_bounds = array<i64: 1000, 128>}, {pipeline_mode = #tpu.pipeline_mode<synchronous>, transform_indices = @transform_3, window_bounds = array<i64: 128, 128>}, {pipeline_mode = #tpu.pipeline_mode<synchronous>, transform_indices = @transform_4, window_bounds = array<i64: 1, 128>}, {pipeline_mode = #tpu.pipeline_mode<synchronous>, transform_indices = @transform_5, window_bounds = array<i64: 128, 128>}, {pipeline_mode = #tpu.pipeline_mode<synchronous>, transform_indices = @transform_6, window_bounds = array<i64: 1, 128>}, {pipeline_mode = #tpu.pipeline_mode<synchronous>, transform_indices = @transform_7, window_bounds = array<i64: 1, 128>}, {pipeline_mode = #tpu.pipeline_mode<synchronous>, transform_indices = @transform_8, window_bounds = array<i64: 1, 128>}, {pipeline_mode = #tpu.pipeline_mode<synchronous>, transform_indices = @transform_9, window_bounds = array<i64: 128, 128>}, {pipeline_mode = #tpu.pipeline_mode<synchronous>, transform_indices = @transform_10, window_bounds = array<i64: 1, 128>}, {transform_indices = @transform_11, window_bounds = array<i64: 1000, 128>}]} {
    %get3A = arith.constant 0 : index
    %get3A_0 = arith.constant 0 : index
    %get3A_1 = vector.load %arg3[%get3A, %get3A_0] : memref<1000x128xf32, #tpu.memory_space<vmem>>, vector<1000x128xf32>
    %get3A_2 = arith.constant 0 : index
    %get3A_3 = arith.constant 0 : index
    %get3A_4 = vector.load %arg8[%get3A_2, %get3A_3] : memref<1x128xf32, #tpu.memory_space<vmem>>, vector<1x128xf32>
    %mul3A = vector.broadcast %get3A_4 : vector<1x128xf32> to vector<1000x128xf32>
    %mul3A_5 = arith.mulf %get3A_1, %mul3A : vector<1000x128xf32>
    %get3A_6 = arith.constant 0 : index
    %get3A_7 = arith.constant 0 : index
    %get3A_8 = vector.load %arg9[%get3A_6, %get3A_7] : memref<1x128xf32, #tpu.memory_space<vmem>>, vector<1x128xf32>
    %add3A = vector.broadcast %get3A_8 : vector<1x128xf32> to vector<1000x128xf32>
    %add3A_9 = arith.addf %mul3A_5, %add3A : vector<1000x128xf32>
    %logistic3A = arith.negf %add3A_9 : vector<1000x128xf32>
    %logistic3A_10 = math.exp %logistic3A : vector<1000x128xf32>
    %logistic3A_11 = arith.constant 1.000000e+00 : f32
    %logistic3A_12 = vector.broadcast %logistic3A_11 : f32 to vector<1000x128xf32>
    %logistic3A_13 = arith.addf %logistic3A_12, %logistic3A_10 : vector<1000x128xf32>
    %logistic3A_14 = arith.divf %logistic3A_12, %logistic3A_13 : vector<1000x128xf32>
    %mul3A_15 = arith.mulf %add3A_9, %logistic3A_14 : vector<1000x128xf32>
    %get3A_16 = arith.constant 0 : index
    %get3A_17 = arith.constant 0 : index
    %get3A_18 = vector.load %arg10[%get3A_16, %get3A_17] : memref<128x128xf32, #tpu.memory_space<vmem>>, vector<128x128xf32>
    %dot_general3A = arith.constant dense<0.000000e+00> : vector<1000x128xf32>
    %dot_general3A_19 = tpu.matmul %mul3A_15, %get3A_18, %dot_general3A {dimension_numbers = #tpu.dot_dimension_numbers<[1], [0], [0], [1], [0, 0, 1, 1], [], []>, transpose_lhs_hint = false} : vector<1000x128xf32>, vector<128x128xf32>, vector<1000x128xf32> -> vector<1000x128xf32>
    %get3A_20 = arith.constant 0 : index
    %get3A_21 = arith.constant 0 : index
    %get3A_22 = vector.load %arg11[%get3A_20, %get3A_21] : memref<1x128xf32, #tpu.memory_space<vmem>>, vector<1x128xf32>
    %add3A_23 = vector.broadcast %get3A_22 : vector<1x128xf32> to vector<1000x128xf32>
    %add3A_24 = arith.addf %dot_general3A_19, %add3A_23 : vector<1000x128xf32>
    %get3A_25 = arith.constant 0 : index
    %get3A_26 = arith.constant 0 : index
    %get3A_27 = vector.load %arg1[%get3A_25, %get3A_26] : memref<1000x128xf32, #tpu.memory_space<vmem>>, vector<1000x128xf32>
    %get3A_28 = arith.constant 0 : index
    %get3A_29 = arith.constant 0 : index
    %get3A_30 = vector.load %arg2[%get3A_28, %get3A_29] : memref<1000x128xf32, #tpu.memory_space<vmem>>, vector<1000x128xf32>
    %add3A_31 = arith.addf %get3A_27, %get3A_30 : vector<1000x128xf32>
    %get3A_32 = arith.constant 0 : index
    %get3A_33 = arith.constant 0 : index
    %get3A_34 = vector.load %arg4[%get3A_32, %get3A_33] : memref<128x128xf32, #tpu.memory_space<vmem>>, vector<128x128xf32>
    %dot_general3A_35 = arith.constant dense<0.000000e+00> : vector<1000x128xf32>
    %dot_general3A_36 = tpu.matmul %add3A_24, %get3A_34, %dot_general3A_35 {dimension_numbers = #tpu.dot_dimension_numbers<[1], [0], [0], [1], [0, 0, 1, 1], [], []>, transpose_lhs_hint = false} : vector<1000x128xf32>, vector<128x128xf32>, vector<1000x128xf32> -> vector<1000x128xf32>
    %add3A_37 = arith.addf %add3A_31, %dot_general3A_36 : vector<1000x128xf32>
    %get3A_38 = arith.constant 0 : index
    %get3A_39 = arith.constant 0 : index
    %get3A_40 = vector.load %arg5[%get3A_38, %get3A_39] : memref<1x128xf32, #tpu.memory_space<vmem>>, vector<1x128xf32>
    %add3A_41 = vector.broadcast %get3A_40 : vector<1x128xf32> to vector<1000x128xf32>
    %add3A_42 = arith.addf %add3A_37, %add3A_41 : vector<1000x128xf32>
    %logistic3A_43 = arith.negf %add3A_42 : vector<1000x128xf32>
    %logistic3A_44 = math.exp %logistic3A_43 : vector<1000x128xf32>
    %logistic3A_45 = arith.constant 1.000000e+00 : f32
    %logistic3A_46 = vector.broadcast %logistic3A_45 : f32 to vector<1000x128xf32>
    %logistic3A_47 = arith.addf %logistic3A_46, %logistic3A_44 : vector<1000x128xf32>
    %logistic3A_48 = arith.divf %logistic3A_46, %logistic3A_47 : vector<1000x128xf32>
    %mul3A_49 = arith.mulf %add3A_42, %logistic3A_48 : vector<1000x128xf32>
    %get3A_50 = arith.constant 0 : index
    %get3A_51 = arith.constant 0 : index
    %get3A_52 = vector.load %arg6[%get3A_50, %get3A_51] : memref<128x128xf32, #tpu.memory_space<vmem>>, vector<128x128xf32>
    %dot_general3A_53 = arith.constant dense<0.000000e+00> : vector<1000x128xf32>
    %dot_general3A_54 = tpu.matmul %mul3A_49, %get3A_52, %dot_general3A_53 {dimension_numbers = #tpu.dot_dimension_numbers<[1], [0], [0], [1], [0, 0, 1, 1], [], []>, transpose_lhs_hint = false} : vector<1000x128xf32>, vector<128x128xf32>, vector<1000x128xf32> -> vector<1000x128xf32>
    %add3A_55 = arith.addf %add3A_24, %dot_general3A_54 : vector<1000x128xf32>
    %get3A_56 = arith.constant 0 : index
    %get3A_57 = arith.constant 0 : index
    %get3A_58 = vector.load %arg7[%get3A_56, %get3A_57] : memref<1x128xf32, #tpu.memory_space<vmem>>, vector<1x128xf32>
    %add3A_59 = vector.broadcast %get3A_58 : vector<1x128xf32> to vector<1000x128xf32>
    %add3A_60 = arith.addf %add3A_55, %add3A_59 : vector<1000x128xf32>
    %swap3A = arith.constant 0 : index
    %swap3A_61 = arith.constant 0 : index
    %swap3A_62 = vector.load %arg12[%swap3A, %swap3A_61] : memref<1000x128xf32, #tpu.memory_space<vmem>>, vector<1000x128xf32>
    tpu.vector_store %arg12[%swap3A, %swap3A_61], %add3A_60 {strides = array<i32>} : memref<1000x128xf32, #tpu.memory_space<vmem>>, vector<1000x128xf32>,
    return
  }
  func.func @transform_0(%arg0: i32) -> (i32, i32) {
    %c0_i32 = arith.constant 0 : i32
    %c0_i32_0 = arith.constant 0 : i32
    return %arg0, %c0_i32 : i32, i32
  }
  func.func @transform_1(%arg0: i32) -> (i32, i32) {
    %c0_i32 = arith.constant 0 : i32
    %c0_i32_0 = arith.constant 0 : i32
    return %arg0, %c0_i32 : i32, i32
  }
  func.func @transform_2(%arg0: i32) -> (i32, i32) {
    %c0_i32 = arith.constant 0 : i32
    %c0_i32_0 = arith.constant 0 : i32
    return %arg0, %c0_i32 : i32, i32
  }
  func.func @transform_3(%arg0: i32) -> (i32, i32) {
    %c0_i32 = arith.constant 0 : i32
    %c0_i32_0 = arith.constant 0 : i32
    %c0_i32_1 = arith.constant 0 : i32
    return %c0_i32, %c0_i32_0 : i32, i32
  }
  func.func @transform_4(%arg0: i32) -> (i32, i32) {
    %c0_i32 = arith.constant 0 : i32
    %c0_i32_0 = arith.constant 0 : i32
    %c0_i32_1 = arith.constant 0 : i32
    return %c0_i32, %c0_i32_0 : i32, i32
  }
  func.func @transform_5(%arg0: i32) -> (i32, i32) {
    %c0_i32 = arith.constant 0 : i32
    %c0_i32_0 = arith.constant 0 : i32
    %c0_i32_1 = arith.constant 0 : i32
    return %c0_i32, %c0_i32_0 : i32, i32
  }
  func.func @transform_6(%arg0: i32) -> (i32, i32) {
    %c0_i32 = arith.constant 0 : i32
    %c0_i32_0 = arith.constant 0 : i32
    %c0_i32_1 = arith.constant 0 : i32
    return %c0_i32, %c0_i32_0 : i32, i32
  }
  func.func @transform_7(%arg0: i32) -> (i32, i32) {
    %c0_i32 = arith.constant 0 : i32
    %c0_i32_0 = arith.constant 0 : i32
    %c0_i32_1 = arith.constant 0 : i32
    return %c0_i32, %c0_i32_0 : i32, i32
  }
  func.func @transform_8(%arg0: i32) -> (i32, i32) {
    %c0_i32 = arith.constant 0 : i32
    %c0_i32_0 = arith.constant 0 : i32
    %c0_i32_1 = arith.constant 0 : i32
    return %c0_i32, %c0_i32_0 : i32, i32
  }
  func.func @transform_9(%arg0: i32) -> (i32, i32) {
    %c0_i32 = arith.constant 0 : i32
    %c0_i32_0 = arith.constant 0 : i32
    %c0_i32_1 = arith.constant 0 : i32
    return %c0_i32, %c0_i32_0 : i32, i32
  }
  func.func @transform_10(%arg0: i32) -> (i32, i32) {
    %c0_i32 = arith.constant 0 : i32
    %c0_i32_0 = arith.constant 0 : i32
    %c0_i32_1 = arith.constant 0 : i32
    return %c0_i32, %c0_i32_0 : i32, i32
  }
  func.func @transform_11(%arg0: i32) -> (i32, i32) {
    %c0_i32 = arith.constant 0 : i32
    %c0_i32_0 = arith.constant 0 : i32
    return %arg0, %c0_i32 : i32, i32
  }
}

module attributes {stable_mosaic.version = 14 : i64} {
  func.func @body(%arg0: i32, %arg1: memref<2000x64xf32, #tpu.memory_space<vmem>>, %arg2: memref<2x2000x32xf32, #tpu.memory_space<vmem>>, %arg3: memref<2x2000x16xf32, #tpu.memory_space<vmem>>, %arg4: memref<64x64xf32, #tpu.memory_space<vmem>>, %arg5: memref<32x64xf32, #tpu.memory_space<vmem>>, %arg6: memref<1x64xf32, #tpu.memory_space<vmem>>, %arg7: memref<64x64xf32, #tpu.memory_space<vmem>>, %arg8: memref<1x64xf32, #tpu.memory_space<vmem>>, %arg9: memref<64x32xf32, #tpu.memory_space<vmem>>, %arg10: memref<64x32xf32, #tpu.memory_space<vmem>>, %arg11: memref<2000x64xf32, #tpu.memory_space<vmem>>, %arg12: memref<2000x1xf32, #tpu.memory_space<vmem>>, %arg13: memref<2000x32xf32, #tpu.memory_space<vmem>>, %arg14: memref<2000x32xf32, #tpu.memory_space<vmem>>) attributes {dimension_semantics = [#tpu.dimension_semantics<arbitrary>], iteration_bounds = array<i64: 25>, scalar_prefetch = 0 : i64, scratch_operands = 0 : i64, tpu.core_type = #tpu.core_type<tc>, window_params = [{transform_indices = @transform_0, window_bounds = array<i64: 2000, 64>}, {transform_indices = @transform_1, window_bounds = array<i64: 2, 2000, 32>}, {transform_indices = @transform_2, window_bounds = array<i64: 2, 2000, 16>}, {pipeline_mode = #tpu.pipeline_mode<synchronous>, transform_indices = @transform_3, window_bounds = array<i64: 64, 64>}, {pipeline_mode = #tpu.pipeline_mode<synchronous>, transform_indices = @transform_4, window_bounds = array<i64: 32, 64>}, {pipeline_mode = #tpu.pipeline_mode<synchronous>, transform_indices = @transform_5, window_bounds = array<i64: 1, 64>}, {pipeline_mode = #tpu.pipeline_mode<synchronous>, transform_indices = @transform_6, window_bounds = array<i64: 64, 64>}, {pipeline_mode = #tpu.pipeline_mode<synchronous>, transform_indices = @transform_7, window_bounds = array<i64: 1, 64>}, {pipeline_mode = #tpu.pipeline_mode<synchronous>, transform_indices = @transform_8, window_bounds = array<i64: 64, 32>}, {pipeline_mode = #tpu.pipeline_mode<synchronous>, transform_indices = @transform_9, window_bounds = array<i64: 64, 32>}, {transform_indices = @transform_10, window_bounds = array<i64: 2000, 64>}, {transform_indices = @transform_11, window_bounds = array<i64: 2000, 1>}, {transform_indices = @transform_12, window_bounds = array<i64: 2000, 32>}, {transform_indices = @transform_13, window_bounds = array<i64: 2000, 32>}]} {
    %get3A = arith.constant 0 : index
    %get3A_0 = arith.constant 0 : index
    %get3A_1 = vector.load %arg1[%get3A, %get3A_0] : memref<2000x64xf32, #tpu.memory_space<vmem>>, vector<2000x64xf32>
    %get3A_2 = arith.constant 0 : index
    %get3A_3 = arith.constant 0 : index
    %get3A_4 = arith.constant 0 : index
    %get3A_5 = vector.load %arg2[%get3A_2, %get3A_3, %get3A_4] : memref<2x2000x32xf32, #tpu.memory_space<vmem>>, vector<1x2000x32xf32>
    %get3A_6 = vector.shape_cast %get3A_5 : vector<1x2000x32xf32> to vector<2000x32xf32>
    %get3A_7 = arith.constant 1 : index
    %get3A_8 = arith.constant 0 : index
    %get3A_9 = arith.constant 0 : index
    %get3A_10 = vector.load %arg2[%get3A_7, %get3A_8, %get3A_9] : memref<2x2000x32xf32, #tpu.memory_space<vmem>>, vector<1x2000x32xf32>
    %get3A_11 = vector.shape_cast %get3A_10 : vector<1x2000x32xf32> to vector<2000x32xf32>
    %add3A = arith.addf %get3A_6, %get3A_11 : vector<2000x32xf32>
    %get3A_12 = arith.constant 0 : index
    %get3A_13 = arith.constant 0 : index
    %get3A_14 = arith.constant 0 : index
    %get3A_15 = vector.load %arg3[%get3A_12, %get3A_13, %get3A_14] : memref<2x2000x16xf32, #tpu.memory_space<vmem>>, vector<1x2000x1xf32>
    %get3A_16 = vector.shape_cast %get3A_15 : vector<1x2000x1xf32> to vector<2000xf32>
    %get3A_17 = arith.constant 1 : index
    %get3A_18 = arith.constant 0 : index
    %get3A_19 = arith.constant 0 : index
    %get3A_20 = vector.load %arg3[%get3A_17, %get3A_18, %get3A_19] : memref<2x2000x16xf32, #tpu.memory_space<vmem>>, vector<1x2000x1xf32>
    %get3A_21 = vector.shape_cast %get3A_20 : vector<1x2000x1xf32> to vector<2000xf32>
    %add3A_22 = arith.addf %get3A_16, %get3A_21 : vector<2000xf32>
    %broadcast_in_dim3A = vector.shape_cast %add3A_22 : vector<2000xf32> to vector<2000x1xf32>
    %swap3A = arith.constant 0 : index
    %swap3A_23 = arith.constant 0 : index
    %swap3A_24 = vector.load %arg12[%swap3A, %swap3A_23] : memref<2000x1xf32, #tpu.memory_space<vmem>>, vector<2000x1xf32>
    tpu.vector_store %arg12[%swap3A, %swap3A_23], %broadcast_in_dim3A {strides = array<i32>} : memref<2000x1xf32, #tpu.memory_space<vmem>>, vector<2000x1xf32>,
    %max3A = arith.constant 1.000000e+00 : f32
    %max3A_25 = vector.broadcast %max3A : f32 to vector<2000xf32>
    %max3A_26 = arith.maximumf %add3A_22, %max3A_25 : vector<2000xf32>
    %div3A = arith.constant 1.000000e+00 : f32
    %div3A_27 = vector.broadcast %div3A : f32 to vector<2000xf32>
    %div3A_28 = arith.divf %div3A_27, %max3A_26 : vector<2000xf32>
    %broadcast_in_dim3A_29 = vector.shape_cast %div3A_28 : vector<2000xf32> to vector<2000x1xf32>
    %mul3A = vector.broadcast %broadcast_in_dim3A_29 : vector<2000x1xf32> to vector<2000x32xf32>
    %mul3A_30 = arith.mulf %add3A, %mul3A : vector<2000x32xf32>
    %get3A_31 = arith.constant 0 : index
    %get3A_32 = arith.constant 0 : index
    %get3A_33 = vector.load %arg4[%get3A_31, %get3A_32] : memref<64x64xf32, #tpu.memory_space<vmem>>, vector<64x64xf32>
    %dot_general3A = arith.constant dense<0.000000e+00> : vector<2000x64xf32>
    %dot_general3A_34 = tpu.matmul %get3A_1, %get3A_33, %dot_general3A {dimension_numbers = #tpu.dot_dimension_numbers<[1], [0], [0], [1], [0, 0, 1, 1], [], []>, transpose_lhs_hint = false} : vector<2000x64xf32>, vector<64x64xf32>, vector<2000x64xf32> -> vector<2000x64xf32>
    %get3A_35 = arith.constant 0 : index
    %get3A_36 = arith.constant 0 : index
    %get3A_37 = vector.load %arg5[%get3A_35, %get3A_36] : memref<32x64xf32, #tpu.memory_space<vmem>>, vector<32x64xf32>
    %dot_general3A_38 = arith.constant dense<0.000000e+00> : vector<2000x64xf32>
    %dot_general3A_39 = tpu.matmul %mul3A_30, %get3A_37, %dot_general3A_38 {dimension_numbers = #tpu.dot_dimension_numbers<[1], [0], [0], [1], [0, 0, 1, 1], [], []>, transpose_lhs_hint = false} : vector<2000x32xf32>, vector<32x64xf32>, vector<2000x64xf32> -> vector<2000x64xf32>
    %add3A_40 = arith.addf %dot_general3A_34, %dot_general3A_39 : vector<2000x64xf32>
    %get3A_41 = arith.constant 0 : index
    %get3A_42 = arith.constant 0 : index
    %get3A_43 = vector.load %arg6[%get3A_41, %get3A_42] : memref<1x64xf32, #tpu.memory_space<vmem>>, vector<1x64xf32>
    %add3A_44 = vector.broadcast %get3A_43 : vector<1x64xf32> to vector<2000x64xf32>
    %add3A_45 = arith.addf %add3A_40, %add3A_44 : vector<2000x64xf32>
    %logistic3A = arith.negf %add3A_45 : vector<2000x64xf32>
    %logistic3A_46 = math.exp %logistic3A : vector<2000x64xf32>
    %logistic3A_47 = arith.constant 1.000000e+00 : f32
    %logistic3A_48 = vector.broadcast %logistic3A_47 : f32 to vector<2000x64xf32>
    %logistic3A_49 = arith.addf %logistic3A_48, %logistic3A_46 : vector<2000x64xf32>
    %logistic3A_50 = arith.divf %logistic3A_48, %logistic3A_49 : vector<2000x64xf32>
    %mul3A_51 = arith.mulf %add3A_45, %logistic3A_50 : vector<2000x64xf32>
    %get3A_52 = arith.constant 0 : index
    %get3A_53 = arith.constant 0 : index
    %get3A_54 = vector.load %arg7[%get3A_52, %get3A_53] : memref<64x64xf32, #tpu.memory_space<vmem>>, vector<64x64xf32>
    %dot_general3A_55 = arith.constant dense<0.000000e+00> : vector<2000x64xf32>
    %dot_general3A_56 = tpu.matmul %mul3A_51, %get3A_54, %dot_general3A_55 {dimension_numbers = #tpu.dot_dimension_numbers<[1], [0], [0], [1], [0, 0, 1, 1], [], []>, transpose_lhs_hint = false} : vector<2000x64xf32>, vector<64x64xf32>, vector<2000x64xf32> -> vector<2000x64xf32>
    %add3A_57 = arith.addf %get3A_1, %dot_general3A_56 : vector<2000x64xf32>
    %get3A_58 = arith.constant 0 : index
    %get3A_59 = arith.constant 0 : index
    %get3A_60 = vector.load %arg8[%get3A_58, %get3A_59] : memref<1x64xf32, #tpu.memory_space<vmem>>, vector<1x64xf32>
    %add3A_61 = vector.broadcast %get3A_60 : vector<1x64xf32> to vector<2000x64xf32>
    %add3A_62 = arith.addf %add3A_57, %add3A_61 : vector<2000x64xf32>
    %swap3A_63 = arith.constant 0 : index
    %swap3A_64 = arith.constant 0 : index
    %swap3A_65 = vector.load %arg11[%swap3A_63, %swap3A_64] : memref<2000x64xf32, #tpu.memory_space<vmem>>, vector<2000x64xf32>
    tpu.vector_store %arg11[%swap3A_63, %swap3A_64], %add3A_62 {strides = array<i32>} : memref<2000x64xf32, #tpu.memory_space<vmem>>, vector<2000x64xf32>,
    %get3A_66 = arith.constant 0 : index
    %get3A_67 = arith.constant 0 : index
    %get3A_68 = vector.load %arg9[%get3A_66, %get3A_67] : memref<64x32xf32, #tpu.memory_space<vmem>>, vector<64x32xf32>
    %dot_general3A_69 = arith.constant dense<0.000000e+00> : vector<2000x32xf32>
    %dot_general3A_70 = tpu.matmul %add3A_62, %get3A_68, %dot_general3A_69 {dimension_numbers = #tpu.dot_dimension_numbers<[1], [0], [0], [1], [0, 0, 1, 1], [], []>, transpose_lhs_hint = false} : vector<2000x64xf32>, vector<64x32xf32>, vector<2000x32xf32> -> vector<2000x32xf32>
    %swap3A_71 = arith.constant 0 : index
    %swap3A_72 = arith.constant 0 : index
    %swap3A_73 = vector.load %arg13[%swap3A_71, %swap3A_72] : memref<2000x32xf32, #tpu.memory_space<vmem>>, vector<2000x32xf32>
    tpu.vector_store %arg13[%swap3A_71, %swap3A_72], %dot_general3A_70 {strides = array<i32>} : memref<2000x32xf32, #tpu.memory_space<vmem>>, vector<2000x32xf32>,
    %get3A_74 = arith.constant 0 : index
    %get3A_75 = arith.constant 0 : index
    %get3A_76 = vector.load %arg10[%get3A_74, %get3A_75] : memref<64x32xf32, #tpu.memory_space<vmem>>, vector<64x32xf32>
    %dot_general3A_77 = arith.constant dense<0.000000e+00> : vector<2000x32xf32>
    %dot_general3A_78 = tpu.matmul %add3A_62, %get3A_76, %dot_general3A_77 {dimension_numbers = #tpu.dot_dimension_numbers<[1], [0], [0], [1], [0, 0, 1, 1], [], []>, transpose_lhs_hint = false} : vector<2000x64xf32>, vector<64x32xf32>, vector<2000x32xf32> -> vector<2000x32xf32>
    %swap3A_79 = arith.constant 0 : index
    %swap3A_80 = arith.constant 0 : index
    %swap3A_81 = vector.load %arg14[%swap3A_79, %swap3A_80] : memref<2000x32xf32, #tpu.memory_space<vmem>>, vector<2000x32xf32>
    tpu.vector_store %arg14[%swap3A_79, %swap3A_80], %dot_general3A_78 {strides = array<i32>} : memref<2000x32xf32, #tpu.memory_space<vmem>>, vector<2000x32xf32>,
    return
  }
  func.func @transform_0(%arg0: i32) -> (i32, i32) {
    %c0_i32 = arith.constant 0 : i32
    %c0_i32_0 = arith.constant 0 : i32
    return %arg0, %c0_i32 : i32, i32
  }
  func.func @transform_1(%arg0: i32) -> (i32, i32, i32) {
    %c0_i32 = arith.constant 0 : i32
    %c0_i32_0 = arith.constant 0 : i32
    %c0_i32_1 = arith.constant 0 : i32
    return %c0_i32, %arg0, %c0_i32_0 : i32, i32, i32
  }
  func.func @transform_2(%arg0: i32) -> (i32, i32, i32) {
    %c0_i32 = arith.constant 0 : i32
    %c0_i32_0 = arith.constant 0 : i32
    %c0_i32_1 = arith.constant 0 : i32
    return %c0_i32, %arg0, %c0_i32_0 : i32, i32, i32
  }
  func.func @transform_3(%arg0: i32) -> (i32, i32) {
    %c0_i32 = arith.constant 0 : i32
    %c0_i32_0 = arith.constant 0 : i32
    %c0_i32_1 = arith.constant 0 : i32
    return %c0_i32, %c0_i32_0 : i32, i32
  }
  func.func @transform_4(%arg0: i32) -> (i32, i32) {
    %c0_i32 = arith.constant 0 : i32
    %c0_i32_0 = arith.constant 0 : i32
    %c0_i32_1 = arith.constant 0 : i32
    return %c0_i32, %c0_i32_0 : i32, i32
  }
  func.func @transform_5(%arg0: i32) -> (i32, i32) {
    %c0_i32 = arith.constant 0 : i32
    %c0_i32_0 = arith.constant 0 : i32
    %c0_i32_1 = arith.constant 0 : i32
    return %c0_i32, %c0_i32_0 : i32, i32
  }
  func.func @transform_6(%arg0: i32) -> (i32, i32) {
    %c0_i32 = arith.constant 0 : i32
    %c0_i32_0 = arith.constant 0 : i32
    %c0_i32_1 = arith.constant 0 : i32
    return %c0_i32, %c0_i32_0 : i32, i32
  }
  func.func @transform_7(%arg0: i32) -> (i32, i32) {
    %c0_i32 = arith.constant 0 : i32
    %c0_i32_0 = arith.constant 0 : i32
    %c0_i32_1 = arith.constant 0 : i32
    return %c0_i32, %c0_i32_0 : i32, i32
  }
  func.func @transform_8(%arg0: i32) -> (i32, i32) {
    %c0_i32 = arith.constant 0 : i32
    %c0_i32_0 = arith.constant 0 : i32
    %c0_i32_1 = arith.constant 0 : i32
    return %c0_i32, %c0_i32_0 : i32, i32
  }
  func.func @transform_9(%arg0: i32) -> (i32, i32) {
    %c0_i32 = arith.constant 0 : i32
    %c0_i32_0 = arith.constant 0 : i32
    %c0_i32_1 = arith.constant 0 : i32
    return %c0_i32, %c0_i32_0 : i32, i32
  }
  func.func @transform_10(%arg0: i32) -> (i32, i32) {
    %c0_i32 = arith.constant 0 : i32
    %c0_i32_0 = arith.constant 0 : i32
    return %arg0, %c0_i32 : i32, i32
  }
  func.func @transform_11(%arg0: i32) -> (i32, i32) {
    %c0_i32 = arith.constant 0 : i32
    %c0_i32_0 = arith.constant 0 : i32
    return %arg0, %c0_i32 : i32, i32
  }
  func.func @transform_12(%arg0: i32) -> (i32, i32) {
    %c0_i32 = arith.constant 0 : i32
    %c0_i32_0 = arith.constant 0 : i32
    return %arg0, %c0_i32 : i32, i32
  }
  func.func @transform_13(%arg0: i32) -> (i32, i32) {
    %c0_i32 = arith.constant 0 : i32
    %c0_i32_0 = arith.constant 0 : i32
    return %arg0, %c0_i32 : i32, i32
  }
}

module attributes {stable_mosaic.version = 14 : i64} {
  func.func @body(%arg0: i32, %arg1: memref<1000x128xf32, #tpu.memory_space<vmem>>, %arg2: memref<1000x128xf32, #tpu.memory_space<vmem>>, %arg3: memref<1000x128xf32, #tpu.memory_space<vmem>>, %arg4: memref<128x128xf32, #tpu.memory_space<vmem>>, %arg5: memref<1x128xf32, #tpu.memory_space<vmem>>, %arg6: memref<128x128xf32, #tpu.memory_space<vmem>>, %arg7: memref<1x128xf32, #tpu.memory_space<vmem>>, %arg8: memref<1x128xf32, #tpu.memory_space<vmem>>, %arg9: memref<1x128xf32, #tpu.memory_space<vmem>>, %arg10: memref<128x128xf32, #tpu.memory_space<vmem>>, %arg11: memref<1x128xf32, #tpu.memory_space<vmem>>, %arg12: memref<1000x128xf32, #tpu.memory_space<vmem>>) attributes {dimension_semantics = [#tpu.dimension_semantics<arbitrary>], iteration_bounds = array<i64: 200>, scalar_prefetch = 0 : i64, scratch_operands = 0 : i64, tpu.core_type = #tpu.core_type<tc>, window_params = [{transform_indices = @transform_0, window_bounds = array<i64: 1000, 128>}, {transform_indices = @transform_1, window_bounds = array<i64: 1000, 128>}, {transform_indices = @transform_2, window_bounds = array<i64: 1000, 128>}, {pipeline_mode = #tpu.pipeline_mode<synchronous>, transform_indices = @transform_3, window_bounds = array<i64: 128, 128>}, {pipeline_mode = #tpu.pipeline_mode<synchronous>, transform_indices = @transform_4, window_bounds = array<i64: 1, 128>}, {pipeline_mode = #tpu.pipeline_mode<synchronous>, transform_indices = @transform_5, window_bounds = array<i64: 128, 128>}, {pipeline_mode = #tpu.pipeline_mode<synchronous>, transform_indices = @transform_6, window_bounds = array<i64: 1, 128>}, {pipeline_mode = #tpu.pipeline_mode<synchronous>, transform_indices = @transform_7, window_bounds = array<i64: 1, 128>}, {pipeline_mode = #tpu.pipeline_mode<synchronous>, transform_indices = @transform_8, window_bounds = array<i64: 1, 128>}, {pipeline_mode = #tpu.pipeline_mode<synchronous>, transform_indices = @transform_9, window_bounds = array<i64: 128, 128>}, {pipeline_mode = #tpu.pipeline_mode<synchronous>, transform_indices = @transform_10, window_bounds = array<i64: 1, 128>}, {transform_indices = @transform_11, window_bounds = array<i64: 1000, 128>}]} {
    %get3A = arith.constant 0 : index
    %get3A_0 = arith.constant 0 : index
    %get3A_1 = vector.load %arg3[%get3A, %get3A_0] : memref<1000x128xf32, #tpu.memory_space<vmem>>, vector<1000x128xf32>
    %get3A_2 = arith.constant 0 : index
    %get3A_3 = arith.constant 0 : index
    %get3A_4 = vector.load %arg1[%get3A_2, %get3A_3] : memref<1000x128xf32, #tpu.memory_space<vmem>>, vector<1000x128xf32>
    %get3A_5 = arith.constant 0 : index
    %get3A_6 = arith.constant 0 : index
    %get3A_7 = vector.load %arg2[%get3A_5, %get3A_6] : memref<1000x128xf32, #tpu.memory_space<vmem>>, vector<1000x128xf32>
    %add3A = arith.addf %get3A_4, %get3A_7 : vector<1000x128xf32>
    %get3A_8 = arith.constant 0 : index
    %get3A_9 = arith.constant 0 : index
    %get3A_10 = vector.load %arg4[%get3A_8, %get3A_9] : memref<128x128xf32, #tpu.memory_space<vmem>>, vector<128x128xf32>
    %dot_general3A = arith.constant dense<0.000000e+00> : vector<1000x128xf32>
    %dot_general3A_11 = tpu.matmul %get3A_1, %get3A_10, %dot_general3A {dimension_numbers = #tpu.dot_dimension_numbers<[1], [0], [0], [1], [0, 0, 1, 1], [], []>, transpose_lhs_hint = false} : vector<1000x128xf32>, vector<128x128xf32>, vector<1000x128xf32> -> vector<1000x128xf32>
    %add3A_12 = arith.addf %add3A, %dot_general3A_11 : vector<1000x128xf32>
    %get3A_13 = arith.constant 0 : index
    %get3A_14 = arith.constant 0 : index
    %get3A_15 = vector.load %arg5[%get3A_13, %get3A_14] : memref<1x128xf32, #tpu.memory_space<vmem>>, vector<1x128xf32>
    %add3A_16 = vector.broadcast %get3A_15 : vector<1x128xf32> to vector<1000x128xf32>
    %add3A_17 = arith.addf %add3A_12, %add3A_16 : vector<1000x128xf32>
    %logistic3A = arith.negf %add3A_17 : vector<1000x128xf32>
    %logistic3A_18 = math.exp %logistic3A : vector<1000x128xf32>
    %logistic3A_19 = arith.constant 1.000000e+00 : f32
    %logistic3A_20 = vector.broadcast %logistic3A_19 : f32 to vector<1000x128xf32>
    %logistic3A_21 = arith.addf %logistic3A_20, %logistic3A_18 : vector<1000x128xf32>
    %logistic3A_22 = arith.divf %logistic3A_20, %logistic3A_21 : vector<1000x128xf32>
    %mul3A = arith.mulf %add3A_17, %logistic3A_22 : vector<1000x128xf32>
    %get3A_23 = arith.constant 0 : index
    %get3A_24 = arith.constant 0 : index
    %get3A_25 = vector.load %arg6[%get3A_23, %get3A_24] : memref<128x128xf32, #tpu.memory_space<vmem>>, vector<128x128xf32>
    %dot_general3A_26 = arith.constant dense<0.000000e+00> : vector<1000x128xf32>
    %dot_general3A_27 = tpu.matmul %mul3A, %get3A_25, %dot_general3A_26 {dimension_numbers = #tpu.dot_dimension_numbers<[1], [0], [0], [1], [0, 0, 1, 1], [], []>, transpose_lhs_hint = false} : vector<1000x128xf32>, vector<128x128xf32>, vector<1000x128xf32> -> vector<1000x128xf32>
    %add3A_28 = arith.addf %get3A_1, %dot_general3A_27 : vector<1000x128xf32>
    %get3A_29 = arith.constant 0 : index
    %get3A_30 = arith.constant 0 : index
    %get3A_31 = vector.load %arg7[%get3A_29, %get3A_30] : memref<1x128xf32, #tpu.memory_space<vmem>>, vector<1x128xf32>
    %add3A_32 = vector.broadcast %get3A_31 : vector<1x128xf32> to vector<1000x128xf32>
    %add3A_33 = arith.addf %add3A_28, %add3A_32 : vector<1000x128xf32>
    %swap3A = arith.constant 0 : index
    %swap3A_34 = arith.constant 0 : index
    %swap3A_35 = vector.load %arg12[%swap3A, %swap3A_34] : memref<1000x128xf32, #tpu.memory_space<vmem>>, vector<1000x128xf32>
    tpu.vector_store %arg12[%swap3A, %swap3A_34], %add3A_33 {strides = array<i32>} : memref<1000x128xf32, #tpu.memory_space<vmem>>, vector<1000x128xf32>,
    return
  }
  func.func @transform_0(%arg0: i32) -> (i32, i32) {
    %c0_i32 = arith.constant 0 : i32
    %c0_i32_0 = arith.constant 0 : i32
    return %arg0, %c0_i32 : i32, i32
  }
  func.func @transform_1(%arg0: i32) -> (i32, i32) {
    %c0_i32 = arith.constant 0 : i32
    %c0_i32_0 = arith.constant 0 : i32
    return %arg0, %c0_i32 : i32, i32
  }
  func.func @transform_2(%arg0: i32) -> (i32, i32) {
    %c0_i32 = arith.constant 0 : i32
    %c0_i32_0 = arith.constant 0 : i32
    return %arg0, %c0_i32 : i32, i32
  }
  func.func @transform_3(%arg0: i32) -> (i32, i32) {
    %c0_i32 = arith.constant 0 : i32
    %c0_i32_0 = arith.constant 0 : i32
    %c0_i32_1 = arith.constant 0 : i32
    return %c0_i32, %c0_i32_0 : i32, i32
  }
  func.func @transform_4(%arg0: i32) -> (i32, i32) {
    %c0_i32 = arith.constant 0 : i32
    %c0_i32_0 = arith.constant 0 : i32
    %c0_i32_1 = arith.constant 0 : i32
    return %c0_i32, %c0_i32_0 : i32, i32
  }
  func.func @transform_5(%arg0: i32) -> (i32, i32) {
    %c0_i32 = arith.constant 0 : i32
    %c0_i32_0 = arith.constant 0 : i32
    %c0_i32_1 = arith.constant 0 : i32
    return %c0_i32, %c0_i32_0 : i32, i32
  }
  func.func @transform_6(%arg0: i32) -> (i32, i32) {
    %c0_i32 = arith.constant 0 : i32
    %c0_i32_0 = arith.constant 0 : i32
    %c0_i32_1 = arith.constant 0 : i32
    return %c0_i32, %c0_i32_0 : i32, i32
  }
  func.func @transform_7(%arg0: i32) -> (i32, i32) {
    %c0_i32 = arith.constant 0 : i32
    %c0_i32_0 = arith.constant 0 : i32
    %c0_i32_1 = arith.constant 0 : i32
    return %c0_i32, %c0_i32_0 : i32, i32
  }
  func.func @transform_8(%arg0: i32) -> (i32, i32) {
    %c0_i32 = arith.constant 0 : i32
    %c0_i32_0 = arith.constant 0 : i32
    %c0_i32_1 = arith.constant 0 : i32
    return %c0_i32, %c0_i32_0 : i32, i32
  }
  func.func @transform_9(%arg0: i32) -> (i32, i32) {
    %c0_i32 = arith.constant 0 : i32
    %c0_i32_0 = arith.constant 0 : i32
    %c0_i32_1 = arith.constant 0 : i32
    return %c0_i32, %c0_i32_0 : i32, i32
  }
  func.func @transform_10(%arg0: i32) -> (i32, i32) {
    %c0_i32 = arith.constant 0 : i32
    %c0_i32_0 = arith.constant 0 : i32
    %c0_i32_1 = arith.constant 0 : i32
    return %c0_i32, %c0_i32_0 : i32, i32
  }
  func.func @transform_11(%arg0: i32) -> (i32, i32) {
    %c0_i32 = arith.constant 0 : i32
    %c0_i32_0 = arith.constant 0 : i32
    return %arg0, %c0_i32 : i32, i32
  }
}

module attributes {stable_mosaic.version = 14 : i64} {
  func.func @body(%arg0: i32, %arg1: memref<2000x64xf32, #tpu.memory_space<vmem>>, %arg2: memref<2x2000x32xf32, #tpu.memory_space<vmem>>, %arg3: memref<2000x1xf32, #tpu.memory_space<vmem>>, %arg4: memref<64x64xf32, #tpu.memory_space<vmem>>, %arg5: memref<32x64xf32, #tpu.memory_space<vmem>>, %arg6: memref<1x64xf32, #tpu.memory_space<vmem>>, %arg7: memref<64x64xf32, #tpu.memory_space<vmem>>, %arg8: memref<1x64xf32, #tpu.memory_space<vmem>>, %arg9: memref<64x32xf32, #tpu.memory_space<vmem>>, %arg10: memref<64x32xf32, #tpu.memory_space<vmem>>, %arg11: memref<2000x64xf32, #tpu.memory_space<vmem>>, %arg12: memref<2000x32xf32, #tpu.memory_space<vmem>>, %arg13: memref<2000x32xf32, #tpu.memory_space<vmem>>) attributes {dimension_semantics = [#tpu.dimension_semantics<arbitrary>], iteration_bounds = array<i64: 25>, scalar_prefetch = 0 : i64, scratch_operands = 0 : i64, tpu.core_type = #tpu.core_type<tc>, window_params = [{transform_indices = @transform_0, window_bounds = array<i64: 2000, 64>}, {transform_indices = @transform_1, window_bounds = array<i64: 2, 2000, 32>}, {transform_indices = @transform_2, window_bounds = array<i64: 2000, 1>}, {pipeline_mode = #tpu.pipeline_mode<synchronous>, transform_indices = @transform_3, window_bounds = array<i64: 64, 64>}, {pipeline_mode = #tpu.pipeline_mode<synchronous>, transform_indices = @transform_4, window_bounds = array<i64: 32, 64>}, {pipeline_mode = #tpu.pipeline_mode<synchronous>, transform_indices = @transform_5, window_bounds = array<i64: 1, 64>}, {pipeline_mode = #tpu.pipeline_mode<synchronous>, transform_indices = @transform_6, window_bounds = array<i64: 64, 64>}, {pipeline_mode = #tpu.pipeline_mode<synchronous>, transform_indices = @transform_7, window_bounds = array<i64: 1, 64>}, {pipeline_mode = #tpu.pipeline_mode<synchronous>, transform_indices = @transform_8, window_bounds = array<i64: 64, 32>}, {pipeline_mode = #tpu.pipeline_mode<synchronous>, transform_indices = @transform_9, window_bounds = array<i64: 64, 32>}, {transform_indices = @transform_10, window_bounds = array<i64: 2000, 64>}, {transform_indices = @transform_11, window_bounds = array<i64: 2000, 32>}, {transform_indices = @transform_12, window_bounds = array<i64: 2000, 32>}]} {
    %get3A = arith.constant 0 : index
    %get3A_0 = arith.constant 0 : index
    %get3A_1 = vector.load %arg1[%get3A, %get3A_0] : memref<2000x64xf32, #tpu.memory_space<vmem>>, vector<2000x64xf32>
    %get3A_2 = arith.constant 0 : index
    %get3A_3 = arith.constant 0 : index
    %get3A_4 = arith.constant 0 : index
    %get3A_5 = vector.load %arg2[%get3A_2, %get3A_3, %get3A_4] : memref<2x2000x32xf32, #tpu.memory_space<vmem>>, vector<1x2000x32xf32>
    %get3A_6 = vector.shape_cast %get3A_5 : vector<1x2000x32xf32> to vector<2000x32xf32>
    %get3A_7 = arith.constant 1 : index
    %get3A_8 = arith.constant 0 : index
    %get3A_9 = arith.constant 0 : index
    %get3A_10 = vector.load %arg2[%get3A_7, %get3A_8, %get3A_9] : memref<2x2000x32xf32, #tpu.memory_space<vmem>>, vector<1x2000x32xf32>
    %get3A_11 = vector.shape_cast %get3A_10 : vector<1x2000x32xf32> to vector<2000x32xf32>
    %add3A = arith.addf %get3A_6, %get3A_11 : vector<2000x32xf32>
    %get3A_12 = arith.constant 0 : index
    %get3A_13 = arith.constant 0 : index
    %get3A_14 = vector.load %arg3[%get3A_12, %get3A_13] : memref<2000x1xf32, #tpu.memory_space<vmem>>, vector<2000x1xf32>
    %squeeze3A = vector.shape_cast %get3A_14 : vector<2000x1xf32> to vector<2000xf32>
    %max3A = arith.constant 1.000000e+00 : f32
    %max3A_15 = vector.broadcast %max3A : f32 to vector<2000xf32>
    %max3A_16 = arith.maximumf %squeeze3A, %max3A_15 : vector<2000xf32>
    %div3A = arith.constant 1.000000e+00 : f32
    %div3A_17 = vector.broadcast %div3A : f32 to vector<2000xf32>
    %div3A_18 = arith.divf %div3A_17, %max3A_16 : vector<2000xf32>
    %broadcast_in_dim3A = vector.shape_cast %div3A_18 : vector<2000xf32> to vector<2000x1xf32>
    %mul3A = vector.broadcast %broadcast_in_dim3A : vector<2000x1xf32> to vector<2000x32xf32>
    %mul3A_19 = arith.mulf %add3A, %mul3A : vector<2000x32xf32>
    %get3A_20 = arith.constant 0 : index
    %get3A_21 = arith.constant 0 : index
    %get3A_22 = vector.load %arg4[%get3A_20, %get3A_21] : memref<64x64xf32, #tpu.memory_space<vmem>>, vector<64x64xf32>
    %dot_general3A = arith.constant dense<0.000000e+00> : vector<2000x64xf32>
    %dot_general3A_23 = tpu.matmul %get3A_1, %get3A_22, %dot_general3A {dimension_numbers = #tpu.dot_dimension_numbers<[1], [0], [0], [1], [0, 0, 1, 1], [], []>, transpose_lhs_hint = false} : vector<2000x64xf32>, vector<64x64xf32>, vector<2000x64xf32> -> vector<2000x64xf32>
    %get3A_24 = arith.constant 0 : index
    %get3A_25 = arith.constant 0 : index
    %get3A_26 = vector.load %arg5[%get3A_24, %get3A_25] : memref<32x64xf32, #tpu.memory_space<vmem>>, vector<32x64xf32>
    %dot_general3A_27 = arith.constant dense<0.000000e+00> : vector<2000x64xf32>
    %dot_general3A_28 = tpu.matmul %mul3A_19, %get3A_26, %dot_general3A_27 {dimension_numbers = #tpu.dot_dimension_numbers<[1], [0], [0], [1], [0, 0, 1, 1], [], []>, transpose_lhs_hint = false} : vector<2000x32xf32>, vector<32x64xf32>, vector<2000x64xf32> -> vector<2000x64xf32>
    %add3A_29 = arith.addf %dot_general3A_23, %dot_general3A_28 : vector<2000x64xf32>
    %get3A_30 = arith.constant 0 : index
    %get3A_31 = arith.constant 0 : index
    %get3A_32 = vector.load %arg6[%get3A_30, %get3A_31] : memref<1x64xf32, #tpu.memory_space<vmem>>, vector<1x64xf32>
    %add3A_33 = vector.broadcast %get3A_32 : vector<1x64xf32> to vector<2000x64xf32>
    %add3A_34 = arith.addf %add3A_29, %add3A_33 : vector<2000x64xf32>
    %logistic3A = arith.negf %add3A_34 : vector<2000x64xf32>
    %logistic3A_35 = math.exp %logistic3A : vector<2000x64xf32>
    %logistic3A_36 = arith.constant 1.000000e+00 : f32
    %logistic3A_37 = vector.broadcast %logistic3A_36 : f32 to vector<2000x64xf32>
    %logistic3A_38 = arith.addf %logistic3A_37, %logistic3A_35 : vector<2000x64xf32>
    %logistic3A_39 = arith.divf %logistic3A_37, %logistic3A_38 : vector<2000x64xf32>
    %mul3A_40 = arith.mulf %add3A_34, %logistic3A_39 : vector<2000x64xf32>
    %get3A_41 = arith.constant 0 : index
    %get3A_42 = arith.constant 0 : index
    %get3A_43 = vector.load %arg7[%get3A_41, %get3A_42] : memref<64x64xf32, #tpu.memory_space<vmem>>, vector<64x64xf32>
    %dot_general3A_44 = arith.constant dense<0.000000e+00> : vector<2000x64xf32>
    %dot_general3A_45 = tpu.matmul %mul3A_40, %get3A_43, %dot_general3A_44 {dimension_numbers = #tpu.dot_dimension_numbers<[1], [0], [0], [1], [0, 0, 1, 1], [], []>, transpose_lhs_hint = false} : vector<2000x64xf32>, vector<64x64xf32>, vector<2000x64xf32> -> vector<2000x64xf32>
    %add3A_46 = arith.addf %get3A_1, %dot_general3A_45 : vector<2000x64xf32>
    %get3A_47 = arith.constant 0 : index
    %get3A_48 = arith.constant 0 : index
    %get3A_49 = vector.load %arg8[%get3A_47, %get3A_48] : memref<1x64xf32, #tpu.memory_space<vmem>>, vector<1x64xf32>
    %add3A_50 = vector.broadcast %get3A_49 : vector<1x64xf32> to vector<2000x64xf32>
    %add3A_51 = arith.addf %add3A_46, %add3A_50 : vector<2000x64xf32>
    %swap3A = arith.constant 0 : index
    %swap3A_52 = arith.constant 0 : index
    %swap3A_53 = vector.load %arg11[%swap3A, %swap3A_52] : memref<2000x64xf32, #tpu.memory_space<vmem>>, vector<2000x64xf32>
    tpu.vector_store %arg11[%swap3A, %swap3A_52], %add3A_51 {strides = array<i32>} : memref<2000x64xf32, #tpu.memory_space<vmem>>, vector<2000x64xf32>,
    %get3A_54 = arith.constant 0 : index
    %get3A_55 = arith.constant 0 : index
    %get3A_56 = vector.load %arg9[%get3A_54, %get3A_55] : memref<64x32xf32, #tpu.memory_space<vmem>>, vector<64x32xf32>
    %dot_general3A_57 = arith.constant dense<0.000000e+00> : vector<2000x32xf32>
    %dot_general3A_58 = tpu.matmul %add3A_51, %get3A_56, %dot_general3A_57 {dimension_numbers = #tpu.dot_dimension_numbers<[1], [0], [0], [1], [0, 0, 1, 1], [], []>, transpose_lhs_hint = false} : vector<2000x64xf32>, vector<64x32xf32>, vector<2000x32xf32> -> vector<2000x32xf32>
    %swap3A_59 = arith.constant 0 : index
    %swap3A_60 = arith.constant 0 : index
    %swap3A_61 = vector.load %arg12[%swap3A_59, %swap3A_60] : memref<2000x32xf32, #tpu.memory_space<vmem>>, vector<2000x32xf32>
    tpu.vector_store %arg12[%swap3A_59, %swap3A_60], %dot_general3A_58 {strides = array<i32>} : memref<2000x32xf32, #tpu.memory_space<vmem>>, vector<2000x32xf32>,
    %get3A_62 = arith.constant 0 : index
    %get3A_63 = arith.constant 0 : index
    %get3A_64 = vector.load %arg10[%get3A_62, %get3A_63] : memref<64x32xf32, #tpu.memory_space<vmem>>, vector<64x32xf32>
    %dot_general3A_65 = arith.constant dense<0.000000e+00> : vector<2000x32xf32>
    %dot_general3A_66 = tpu.matmul %add3A_51, %get3A_64, %dot_general3A_65 {dimension_numbers = #tpu.dot_dimension_numbers<[1], [0], [0], [1], [0, 0, 1, 1], [], []>, transpose_lhs_hint = false} : vector<2000x64xf32>, vector<64x32xf32>, vector<2000x32xf32> -> vector<2000x32xf32>
    %swap3A_67 = arith.constant 0 : index
    %swap3A_68 = arith.constant 0 : index
    %swap3A_69 = vector.load %arg13[%swap3A_67, %swap3A_68] : memref<2000x32xf32, #tpu.memory_space<vmem>>, vector<2000x32xf32>
    tpu.vector_store %arg13[%swap3A_67, %swap3A_68], %dot_general3A_66 {strides = array<i32>} : memref<2000x32xf32, #tpu.memory_space<vmem>>, vector<2000x32xf32>,
    return
  }
  func.func @transform_0(%arg0: i32) -> (i32, i32) {
    %c0_i32 = arith.constant 0 : i32
    %c0_i32_0 = arith.constant 0 : i32
    return %arg0, %c0_i32 : i32, i32
  }
  func.func @transform_1(%arg0: i32) -> (i32, i32, i32) {
    %c0_i32 = arith.constant 0 : i32
    %c0_i32_0 = arith.constant 0 : i32
    %c0_i32_1 = arith.constant 0 : i32
    return %c0_i32, %arg0, %c0_i32_0 : i32, i32, i32
  }
  func.func @transform_2(%arg0: i32) -> (i32, i32) {
    %c0_i32 = arith.constant 0 : i32
    %c0_i32_0 = arith.constant 0 : i32
    return %arg0, %c0_i32 : i32, i32
  }
  func.func @transform_3(%arg0: i32) -> (i32, i32) {
    %c0_i32 = arith.constant 0 : i32
    %c0_i32_0 = arith.constant 0 : i32
    %c0_i32_1 = arith.constant 0 : i32
    return %c0_i32, %c0_i32_0 : i32, i32
  }
  func.func @transform_4(%arg0: i32) -> (i32, i32) {
    %c0_i32 = arith.constant 0 : i32
    %c0_i32_0 = arith.constant 0 : i32
    %c0_i32_1 = arith.constant 0 : i32
    return %c0_i32, %c0_i32_0 : i32, i32
  }
  func.func @transform_5(%arg0: i32) -> (i32, i32) {
    %c0_i32 = arith.constant 0 : i32
    %c0_i32_0 = arith.constant 0 : i32
    %c0_i32_1 = arith.constant 0 : i32
    return %c0_i32, %c0_i32_0 : i32, i32
  }
  func.func @transform_6(%arg0: i32) -> (i32, i32) {
    %c0_i32 = arith.constant 0 : i32
    %c0_i32_0 = arith.constant 0 : i32
    %c0_i32_1 = arith.constant 0 : i32
    return %c0_i32, %c0_i32_0 : i32, i32
  }
  func.func @transform_7(%arg0: i32) -> (i32, i32) {
    %c0_i32 = arith.constant 0 : i32
    %c0_i32_0 = arith.constant 0 : i32
    %c0_i32_1 = arith.constant 0 : i32
    return %c0_i32, %c0_i32_0 : i32, i32
  }
  func.func @transform_8(%arg0: i32) -> (i32, i32) {
    %c0_i32 = arith.constant 0 : i32
    %c0_i32_0 = arith.constant 0 : i32
    %c0_i32_1 = arith.constant 0 : i32
    return %c0_i32, %c0_i32_0 : i32, i32
  }
  func.func @transform_9(%arg0: i32) -> (i32, i32) {
    %c0_i32 = arith.constant 0 : i32
    %c0_i32_0 = arith.constant 0 : i32
    %c0_i32_1 = arith.constant 0 : i32
    return %c0_i32, %c0_i32_0 : i32, i32
  }
  func.func @transform_10(%arg0: i32) -> (i32, i32) {
    %c0_i32 = arith.constant 0 : i32
    %c0_i32_0 = arith.constant 0 : i32
    return %arg0, %c0_i32 : i32, i32
  }
  func.func @transform_11(%arg0: i32) -> (i32, i32) {
    %c0_i32 = arith.constant 0 : i32
    %c0_i32_0 = arith.constant 0 : i32
    return %arg0, %c0_i32 : i32, i32
  }
  func.func @transform_12(%arg0: i32) -> (i32, i32) {
    %c0_i32 = arith.constant 0 : i32
    %c0_i32_0 = arith.constant 0 : i32
    return %arg0, %c0_i32 : i32, i32
  }
}

module attributes {stable_mosaic.version = 14 : i64} {
  func.func @body(%arg0: i32, %arg1: memref<2000x64xf32, #tpu.memory_space<vmem>>, %arg2: memref<2x2000x32xf32, #tpu.memory_space<vmem>>, %arg3: memref<2000x1xf32, #tpu.memory_space<vmem>>, %arg4: memref<64x64xf32, #tpu.memory_space<vmem>>, %arg5: memref<32x64xf32, #tpu.memory_space<vmem>>, %arg6: memref<1x64xf32, #tpu.memory_space<vmem>>, %arg7: memref<64x64xf32, #tpu.memory_space<vmem>>, %arg8: memref<1x64xf32, #tpu.memory_space<vmem>>, %arg9: memref<2000x64xf32, #tpu.memory_space<vmem>>) attributes {dimension_semantics = [#tpu.dimension_semantics<arbitrary>], iteration_bounds = array<i64: 25>, scalar_prefetch = 0 : i64, scratch_operands = 0 : i64, tpu.core_type = #tpu.core_type<tc>, window_params = [{transform_indices = @transform_0, window_bounds = array<i64: 2000, 64>}, {transform_indices = @transform_1, window_bounds = array<i64: 2, 2000, 32>}, {transform_indices = @transform_2, window_bounds = array<i64: 2000, 1>}, {pipeline_mode = #tpu.pipeline_mode<synchronous>, transform_indices = @transform_3, window_bounds = array<i64: 64, 64>}, {pipeline_mode = #tpu.pipeline_mode<synchronous>, transform_indices = @transform_4, window_bounds = array<i64: 32, 64>}, {pipeline_mode = #tpu.pipeline_mode<synchronous>, transform_indices = @transform_5, window_bounds = array<i64: 1, 64>}, {pipeline_mode = #tpu.pipeline_mode<synchronous>, transform_indices = @transform_6, window_bounds = array<i64: 64, 64>}, {pipeline_mode = #tpu.pipeline_mode<synchronous>, transform_indices = @transform_7, window_bounds = array<i64: 1, 64>}, {transform_indices = @transform_8, window_bounds = array<i64: 2000, 64>}]} {
    %get3A = arith.constant 0 : index
    %get3A_0 = arith.constant 0 : index
    %get3A_1 = vector.load %arg1[%get3A, %get3A_0] : memref<2000x64xf32, #tpu.memory_space<vmem>>, vector<2000x64xf32>
    %get3A_2 = arith.constant 0 : index
    %get3A_3 = arith.constant 0 : index
    %get3A_4 = arith.constant 0 : index
    %get3A_5 = vector.load %arg2[%get3A_2, %get3A_3, %get3A_4] : memref<2x2000x32xf32, #tpu.memory_space<vmem>>, vector<1x2000x32xf32>
    %get3A_6 = vector.shape_cast %get3A_5 : vector<1x2000x32xf32> to vector<2000x32xf32>
    %get3A_7 = arith.constant 1 : index
    %get3A_8 = arith.constant 0 : index
    %get3A_9 = arith.constant 0 : index
    %get3A_10 = vector.load %arg2[%get3A_7, %get3A_8, %get3A_9] : memref<2x2000x32xf32, #tpu.memory_space<vmem>>, vector<1x2000x32xf32>
    %get3A_11 = vector.shape_cast %get3A_10 : vector<1x2000x32xf32> to vector<2000x32xf32>
    %add3A = arith.addf %get3A_6, %get3A_11 : vector<2000x32xf32>
    %get3A_12 = arith.constant 0 : index
    %get3A_13 = arith.constant 0 : index
    %get3A_14 = vector.load %arg3[%get3A_12, %get3A_13] : memref<2000x1xf32, #tpu.memory_space<vmem>>, vector<2000x1xf32>
    %squeeze3A = vector.shape_cast %get3A_14 : vector<2000x1xf32> to vector<2000xf32>
    %max3A = arith.constant 1.000000e+00 : f32
    %max3A_15 = vector.broadcast %max3A : f32 to vector<2000xf32>
    %max3A_16 = arith.maximumf %squeeze3A, %max3A_15 : vector<2000xf32>
    %div3A = arith.constant 1.000000e+00 : f32
    %div3A_17 = vector.broadcast %div3A : f32 to vector<2000xf32>
    %div3A_18 = arith.divf %div3A_17, %max3A_16 : vector<2000xf32>
    %broadcast_in_dim3A = vector.shape_cast %div3A_18 : vector<2000xf32> to vector<2000x1xf32>
    %mul3A = vector.broadcast %broadcast_in_dim3A : vector<2000x1xf32> to vector<2000x32xf32>
    %mul3A_19 = arith.mulf %add3A, %mul3A : vector<2000x32xf32>
    %get3A_20 = arith.constant 0 : index
    %get3A_21 = arith.constant 0 : index
    %get3A_22 = vector.load %arg4[%get3A_20, %get3A_21] : memref<64x64xf32, #tpu.memory_space<vmem>>, vector<64x64xf32>
    %dot_general3A = arith.constant dense<0.000000e+00> : vector<2000x64xf32>
    %dot_general3A_23 = tpu.matmul %get3A_1, %get3A_22, %dot_general3A {dimension_numbers = #tpu.dot_dimension_numbers<[1], [0], [0], [1], [0, 0, 1, 1], [], []>, transpose_lhs_hint = false} : vector<2000x64xf32>, vector<64x64xf32>, vector<2000x64xf32> -> vector<2000x64xf32>
    %get3A_24 = arith.constant 0 : index
    %get3A_25 = arith.constant 0 : index
    %get3A_26 = vector.load %arg5[%get3A_24, %get3A_25] : memref<32x64xf32, #tpu.memory_space<vmem>>, vector<32x64xf32>
    %dot_general3A_27 = arith.constant dense<0.000000e+00> : vector<2000x64xf32>
    %dot_general3A_28 = tpu.matmul %mul3A_19, %get3A_26, %dot_general3A_27 {dimension_numbers = #tpu.dot_dimension_numbers<[1], [0], [0], [1], [0, 0, 1, 1], [], []>, transpose_lhs_hint = false} : vector<2000x32xf32>, vector<32x64xf32>, vector<2000x64xf32> -> vector<2000x64xf32>
    %add3A_29 = arith.addf %dot_general3A_23, %dot_general3A_28 : vector<2000x64xf32>
    %get3A_30 = arith.constant 0 : index
    %get3A_31 = arith.constant 0 : index
    %get3A_32 = vector.load %arg6[%get3A_30, %get3A_31] : memref<1x64xf32, #tpu.memory_space<vmem>>, vector<1x64xf32>
    %add3A_33 = vector.broadcast %get3A_32 : vector<1x64xf32> to vector<2000x64xf32>
    %add3A_34 = arith.addf %add3A_29, %add3A_33 : vector<2000x64xf32>
    %logistic3A = arith.negf %add3A_34 : vector<2000x64xf32>
    %logistic3A_35 = math.exp %logistic3A : vector<2000x64xf32>
    %logistic3A_36 = arith.constant 1.000000e+00 : f32
    %logistic3A_37 = vector.broadcast %logistic3A_36 : f32 to vector<2000x64xf32>
    %logistic3A_38 = arith.addf %logistic3A_37, %logistic3A_35 : vector<2000x64xf32>
    %logistic3A_39 = arith.divf %logistic3A_37, %logistic3A_38 : vector<2000x64xf32>
    %mul3A_40 = arith.mulf %add3A_34, %logistic3A_39 : vector<2000x64xf32>
    %get3A_41 = arith.constant 0 : index
    %get3A_42 = arith.constant 0 : index
    %get3A_43 = vector.load %arg7[%get3A_41, %get3A_42] : memref<64x64xf32, #tpu.memory_space<vmem>>, vector<64x64xf32>
    %dot_general3A_44 = arith.constant dense<0.000000e+00> : vector<2000x64xf32>
    %dot_general3A_45 = tpu.matmul %mul3A_40, %get3A_43, %dot_general3A_44 {dimension_numbers = #tpu.dot_dimension_numbers<[1], [0], [0], [1], [0, 0, 1, 1], [], []>, transpose_lhs_hint = false} : vector<2000x64xf32>, vector<64x64xf32>, vector<2000x64xf32> -> vector<2000x64xf32>
    %add3A_46 = arith.addf %get3A_1, %dot_general3A_45 : vector<2000x64xf32>
    %get3A_47 = arith.constant 0 : index
    %get3A_48 = arith.constant 0 : index
    %get3A_49 = vector.load %arg8[%get3A_47, %get3A_48] : memref<1x64xf32, #tpu.memory_space<vmem>>, vector<1x64xf32>
    %add3A_50 = vector.broadcast %get3A_49 : vector<1x64xf32> to vector<2000x64xf32>
    %add3A_51 = arith.addf %add3A_46, %add3A_50 : vector<2000x64xf32>
    %swap3A = arith.constant 0 : index
    %swap3A_52 = arith.constant 0 : index
    %swap3A_53 = vector.load %arg9[%swap3A, %swap3A_52] : memref<2000x64xf32, #tpu.memory_space<vmem>>, vector<2000x64xf32>
    tpu.vector_store %arg9[%swap3A, %swap3A_52], %add3A_51 {strides = array<i32>} : memref<2000x64xf32, #tpu.memory_space<vmem>>, vector<2000x64xf32>,
    return
  }
  func.func @transform_0(%arg0: i32) -> (i32, i32) {
    %c0_i32 = arith.constant 0 : i32
    %c0_i32_0 = arith.constant 0 : i32
    return %arg0, %c0_i32 : i32, i32
  }
  func.func @transform_1(%arg0: i32) -> (i32, i32, i32) {
    %c0_i32 = arith.constant 0 : i32
    %c0_i32_0 = arith.constant 0 : i32
    %c0_i32_1 = arith.constant 0 : i32
    return %c0_i32, %arg0, %c0_i32_0 : i32, i32, i32
  }
  func.func @transform_2(%arg0: i32) -> (i32, i32) {
    %c0_i32 = arith.constant 0 : i32
    %c0_i32_0 = arith.constant 0 : i32
    return %arg0, %c0_i32 : i32, i32
  }
  func.func @transform_3(%arg0: i32) -> (i32, i32) {
    %c0_i32 = arith.constant 0 : i32
    %c0_i32_0 = arith.constant 0 : i32
    %c0_i32_1 = arith.constant 0 : i32
    return %c0_i32, %c0_i32_0 : i32, i32
  }
  func.func @transform_4(%arg0: i32) -> (i32, i32) {
    %c0_i32 = arith.constant 0 : i32
    %c0_i32_0 = arith.constant 0 : i32
    %c0_i32_1 = arith.constant 0 : i32
    return %c0_i32, %c0_i32_0 : i32, i32
  }
  func.func @transform_5(%arg0: i32) -> (i32, i32) {
    %c0_i32 = arith.constant 0 : i32
    %c0_i32_0 = arith.constant 0 : i32
    %c0_i32_1 = arith.constant 0 : i32
    return %c0_i32, %c0_i32_0 : i32, i32
  }
  func.func @transform_6(%arg0: i32) -> (i32, i32) {
    %c0_i32 = arith.constant 0 : i32
    %c0_i32_0 = arith.constant 0 : i32
    %c0_i32_1 = arith.constant 0 : i32
    return %c0_i32, %c0_i32_0 : i32, i32
  }
  func.func @transform_7(%arg0: i32) -> (i32, i32) {
    %c0_i32 = arith.constant 0 : i32
    %c0_i32_0 = arith.constant 0 : i32
    %c0_i32_1 = arith.constant 0 : i32
    return %c0_i32, %c0_i32_0 : i32, i32
  }
  func.func @transform_8(%arg0: i32) -> (i32, i32) {
    %c0_i32 = arith.constant 0 : i32
    %c0_i32_0 = arith.constant 0 : i32
    return %arg0, %c0_i32 : i32, i32
  }
}

module attributes {stable_mosaic.version = 14 : i64} {
  func.func @body(%arg0: i32, %arg1: memref<1x1x2000xi32, #tpu.memory_space<vmem>>, %arg2: memref<2000x64xf32, #tpu.memory_space<vmem>>, %arg3: memref<64x16xf32, #tpu.memory_space<vmem>>, %arg4: memref<1x16xf32, #tpu.memory_space<vmem>>, %arg5: memref<16x1xf32, #tpu.memory_space<vmem>>, %arg6: memref<1x1xf32, #tpu.memory_space<vmem>>, %arg7: memref<64x1xf32, #tpu.memory_space<vmem>>, %arg8: memref<64x64xf32, #tpu.memory_space<vmem>>, %arg9: memref<64x1xf32, #tpu.memory_space<vmem>>) attributes {dimension_semantics = [#tpu.dimension_semantics<arbitrary>], iteration_bounds = array<i64: 25>, scalar_prefetch = 0 : i64, scratch_operands = 2 : i64, tpu.core_type = #tpu.core_type<tc>, window_params = [{transform_indices = @transform_0, window_bounds = array<i64: 1, 1, 2000>}, {transform_indices = @transform_1, window_bounds = array<i64: 2000, 64>}, {pipeline_mode = #tpu.pipeline_mode<synchronous>, transform_indices = @transform_2, window_bounds = array<i64: 64, 16>}, {pipeline_mode = #tpu.pipeline_mode<synchronous>, transform_indices = @transform_3, window_bounds = array<i64: 1, 16>}, {pipeline_mode = #tpu.pipeline_mode<synchronous>, transform_indices = @transform_4, window_bounds = array<i64: 16, 1>}, {pipeline_mode = #tpu.pipeline_mode<synchronous>, transform_indices = @transform_5, window_bounds = array<i64: 1, 1>}, {pipeline_mode = #tpu.pipeline_mode<synchronous>, transform_indices = @transform_6, window_bounds = array<i64: 64, 1>}]} {
    %eq3A = arith.constant 0 : i32
    %eq3A_0 = arith.cmpi eq, %arg0, %eq3A : i32
    %convert_element_type3A = arith.extui %eq3A_0 : i1 to i32
    %cond3A = arith.constant 0 : i32
    %cond3A_1 = arith.cmpi ne, %convert_element_type3A, %cond3A : i32
    scf.if %cond3A_1 {
      %broadcast_in_dim3A_33 = arith.constant 0.000000e+00 : f32
      %broadcast_in_dim3A_34 = vector.broadcast %broadcast_in_dim3A_33 : f32 to vector<64x64xf32>
      %swap3A_35 = arith.constant 0 : index
      %swap3A_36 = arith.constant 0 : index
      %swap3A_37 = vector.load %arg8[%swap3A_35, %swap3A_36] : memref<64x64xf32, #tpu.memory_space<vmem>>, vector<64x64xf32>
      tpu.vector_store %arg8[%swap3A_35, %swap3A_36], %broadcast_in_dim3A_34 {strides = array<i32>} : memref<64x64xf32, #tpu.memory_space<vmem>>, vector<64x64xf32>,
      %broadcast_in_dim3A_38 = arith.constant 0.000000e+00 : f32
      %broadcast_in_dim3A_39 = vector.broadcast %broadcast_in_dim3A_38 : f32 to vector<64x1xf32>
      %swap3A_40 = arith.constant 0 : index
      %swap3A_41 = arith.constant 0 : index
      %swap3A_42 = vector.load %arg9[%swap3A_40, %swap3A_41] : memref<64x1xf32, #tpu.memory_space<vmem>>, vector<64x1xf32>
      tpu.vector_store %arg9[%swap3A_40, %swap3A_41], %broadcast_in_dim3A_39 {strides = array<i32>} : memref<64x1xf32, #tpu.memory_space<vmem>>, vector<64x1xf32>,
    } else {
    }
    %get3A = arith.constant 0 : index
    %get3A_2 = arith.constant 0 : index
    %get3A_3 = arith.constant 0 : index
    %get3A_4 = vector.load %arg1[%get3A, %get3A_2, %get3A_3] : memref<1x1x2000xi32, #tpu.memory_space<vmem>>, vector<1x1x2000xi32>
    %get3A_5 = vector.shape_cast %get3A_4 : vector<1x1x2000xi32> to vector<2000xi32>
    %broadcast_in_dim3A = vector.shape_cast %get3A_5 : vector<2000xi32> to vector<2000x1xi32>
    %iota3A = tpu.iota {dimensions = array<i32: 1>} : vector<2000x64xi32>
    %eq3A_6 = vector.broadcast %broadcast_in_dim3A : vector<2000x1xi32> to vector<2000x64xi32>
    %eq3A_7 = arith.cmpi eq, %eq3A_6, %iota3A : vector<2000x64xi32>
    %convert_element_type3A_8 = arith.extui %eq3A_7 : vector<2000x64xi1> to vector<2000x64xi32>
    %convert_element_type3A_9 = arith.sitofp %convert_element_type3A_8 : vector<2000x64xi32> to vector<2000x64xf32>
    %get3A_10 = arith.constant 0 : index
    %get3A_11 = arith.constant 0 : index
    %get3A_12 = vector.load %arg8[%get3A_10, %get3A_11] : memref<64x64xf32, #tpu.memory_space<vmem>>, vector<64x64xf32>
    %get3A_13 = arith.constant 0 : index
    %get3A_14 = arith.constant 0 : index
    %get3A_15 = vector.load %arg2[%get3A_13, %get3A_14] : memref<2000x64xf32, #tpu.memory_space<vmem>>, vector<2000x64xf32>
    %dot_general3A = arith.constant dense<0.000000e+00> : vector<64x64xf32>
    %dot_general3A_16 = tpu.matmul %convert_element_type3A_9, %get3A_15, %dot_general3A {dimension_numbers = #tpu.dot_dimension_numbers<[0], [0], [1], [1], [0, 1, 1, 1], [], []>, transpose_lhs_hint = false} : vector<2000x64xf32>, vector<2000x64xf32>, vector<64x64xf32> -> vector<64x64xf32>
    %add3A = arith.addf %get3A_12, %dot_general3A_16 : vector<64x64xf32>
    %swap3A = arith.constant 0 : index
    %swap3A_17 = arith.constant 0 : index
    %swap3A_18 = vector.load %arg8[%swap3A, %swap3A_17] : memref<64x64xf32, #tpu.memory_space<vmem>>, vector<64x64xf32>
    tpu.vector_store %arg8[%swap3A, %swap3A_17], %add3A {strides = array<i32>} : memref<64x64xf32, #tpu.memory_space<vmem>>, vector<64x64xf32>,
    %get3A_19 = arith.constant 0 : index
    %get3A_20 = arith.constant 0 : index
    %get3A_21 = vector.load %arg9[%get3A_19, %get3A_20] : memref<64x1xf32, #tpu.memory_space<vmem>>, vector<64x1xf32>
    %reduce_sum3A = arith.constant dense<0.000000e+00> : vector<64xf32>
    %reduce_sum3A_22 = vector.multi_reduction <add>, %convert_element_type3A_9, %reduce_sum3A [0] : vector<2000x64xf32> to vector<64xf32>
    %broadcast_in_dim3A_23 = vector.shape_cast %reduce_sum3A_22 : vector<64xf32> to vector<64x1xf32>
    %add3A_24 = arith.addf %get3A_21, %broadcast_in_dim3A_23 : vector<64x1xf32>
    %swap3A_25 = arith.constant 0 : index
    %swap3A_26 = arith.constant 0 : index
    %swap3A_27 = vector.load %arg9[%swap3A_25, %swap3A_26] : memref<64x1xf32, #tpu.memory_space<vmem>>, vector<64x1xf32>
    tpu.vector_store %arg9[%swap3A_25, %swap3A_26], %add3A_24 {strides = array<i32>} : memref<64x1xf32, #tpu.memory_space<vmem>>, vector<64x1xf32>,
    %eq3A_28 = arith.constant 24 : i32
    %eq3A_29 = arith.cmpi eq, %arg0, %eq3A_28 : i32
    %convert_element_type3A_30 = arith.extui %eq3A_29 : i1 to i32
    %cond3A_31 = arith.constant 0 : i32
    %cond3A_32 = arith.cmpi ne, %convert_element_type3A_30, %cond3A_31 : i32
    scf.if %cond3A_32 {
      %get3A_33 = arith.constant 0 : index
      %get3A_34 = arith.constant 0 : index
      %get3A_35 = vector.load %arg8[%get3A_33, %get3A_34] : memref<64x64xf32, #tpu.memory_space<vmem>>, vector<64x64xf32>
      %get3A_36 = arith.constant 0 : index
      %get3A_37 = arith.constant 0 : index
      %get3A_38 = vector.load %arg9[%get3A_36, %get3A_37] : memref<64x1xf32, #tpu.memory_space<vmem>>, vector<64x1xf32>
      %max3A = arith.constant 1.000000e+00 : f32
      %max3A_39 = vector.broadcast %max3A : f32 to vector<64x1xf32>
      %max3A_40 = arith.maximumf %get3A_38, %max3A_39 : vector<64x1xf32>
      %div3A = vector.broadcast %max3A_40 : vector<64x1xf32> to vector<64x64xf32>
      %div3A_41 = arith.divf %get3A_35, %div3A : vector<64x64xf32>
      %get3A_42 = arith.constant 0 : index
      %get3A_43 = arith.constant 0 : index
      %get3A_44 = vector.load %arg3[%get3A_42, %get3A_43] : memref<64x16xf32, #tpu.memory_space<vmem>>, vector<64x16xf32>
      %dot_general3A_45 = arith.constant dense<0.000000e+00> : vector<64x16xf32>
      %dot_general3A_46 = tpu.matmul %div3A_41, %get3A_44, %dot_general3A_45 {dimension_numbers = #tpu.dot_dimension_numbers<[1], [0], [0], [1], [0, 0, 1, 1], [], []>, transpose_lhs_hint = false} : vector<64x64xf32>, vector<64x16xf32>, vector<64x16xf32> -> vector<64x16xf32>
      %get3A_47 = arith.constant 0 : index
      %get3A_48 = arith.constant 0 : index
      %get3A_49 = vector.load %arg4[%get3A_47, %get3A_48] : memref<1x16xf32, #tpu.memory_space<vmem>>, vector<1x16xf32>
      %add3A_50 = vector.broadcast %get3A_49 : vector<1x16xf32> to vector<64x16xf32>
      %add3A_51 = arith.addf %dot_general3A_46, %add3A_50 : vector<64x16xf32>
      %logistic3A = arith.negf %add3A_51 : vector<64x16xf32>
      %logistic3A_52 = math.exp %logistic3A : vector<64x16xf32>
      %logistic3A_53 = arith.constant 1.000000e+00 : f32
      %logistic3A_54 = vector.broadcast %logistic3A_53 : f32 to vector<64x16xf32>
      %logistic3A_55 = arith.addf %logistic3A_54, %logistic3A_52 : vector<64x16xf32>
      %logistic3A_56 = arith.divf %logistic3A_54, %logistic3A_55 : vector<64x16xf32>
      %mul3A = arith.mulf %add3A_51, %logistic3A_56 : vector<64x16xf32>
      %get3A_57 = arith.constant 0 : index
      %get3A_58 = arith.constant 0 : index
      %get3A_59 = vector.load %arg5[%get3A_57, %get3A_58] : memref<16x1xf32, #tpu.memory_space<vmem>>, vector<16x1xf32>
      %dot_general3A_60 = arith.constant dense<0.000000e+00> : vector<64x1xf32>
      %dot_general3A_61 = tpu.matmul %mul3A, %get3A_59, %dot_general3A_60 {dimension_numbers = #tpu.dot_dimension_numbers<[1], [0], [0], [1], [0, 0, 1, 1], [], []>, transpose_lhs_hint = false} : vector<64x16xf32>, vector<16x1xf32>, vector<64x1xf32> -> vector<64x1xf32>
      %get3A_62 = arith.constant 0 : index
      %get3A_63 = arith.constant 0 : index
      %get3A_64 = vector.load %arg6[%get3A_62, %get3A_63] : memref<1x1xf32, #tpu.memory_space<vmem>>, vector<1x1xf32>
      %add3A_65 = vector.broadcast %get3A_64 : vector<1x1xf32> to vector<64x1xf32>
      %add3A_66 = arith.addf %dot_general3A_61, %add3A_65 : vector<64x1xf32>
      %swap3A_67 = arith.constant 0 : index
      %swap3A_68 = arith.constant 0 : index
      %swap3A_69 = vector.load %arg7[%swap3A_67, %swap3A_68] : memref<64x1xf32, #tpu.memory_space<vmem>>, vector<64x1xf32>
      tpu.vector_store %arg7[%swap3A_67, %swap3A_68], %add3A_66 {strides = array<i32>} : memref<64x1xf32, #tpu.memory_space<vmem>>, vector<64x1xf32>,
    } else {
    }
    return
  }
  func.func @transform_0(%arg0: i32) -> (i32, i32, i32) {
    %c0_i32 = arith.constant 0 : i32
    %c0_i32_0 = arith.constant 0 : i32
    %c0_i32_1 = arith.constant 0 : i32
    return %arg0, %c0_i32, %c0_i32_0 : i32, i32, i32
  }
  func.func @transform_1(%arg0: i32) -> (i32, i32) {
    %c0_i32 = arith.constant 0 : i32
    %c0_i32_0 = arith.constant 0 : i32
    return %arg0, %c0_i32 : i32, i32
  }
  func.func @transform_2(%arg0: i32) -> (i32, i32) {
    %c0_i32 = arith.constant 0 : i32
    %c0_i32_0 = arith.constant 0 : i32
    %c0_i32_1 = arith.constant 0 : i32
    return %c0_i32, %c0_i32_0 : i32, i32
  }
  func.func @transform_3(%arg0: i32) -> (i32, i32) {
    %c0_i32 = arith.constant 0 : i32
    %c0_i32_0 = arith.constant 0 : i32
    %c0_i32_1 = arith.constant 0 : i32
    return %c0_i32, %c0_i32_0 : i32, i32
  }
  func.func @transform_4(%arg0: i32) -> (i32, i32) {
    %c0_i32 = arith.constant 0 : i32
    %c0_i32_0 = arith.constant 0 : i32
    %c0_i32_1 = arith.constant 0 : i32
    return %c0_i32, %c0_i32_0 : i32, i32
  }
  func.func @transform_5(%arg0: i32) -> (i32, i32) {
    %c0_i32 = arith.constant 0 : i32
    %c0_i32_0 = arith.constant 0 : i32
    %c0_i32_1 = arith.constant 0 : i32
    return %c0_i32, %c0_i32_0 : i32, i32
  }
  func.func @transform_6(%arg0: i32) -> (i32, i32) {
    %c0_i32 = arith.constant 0 : i32
    %c0_i32_0 = arith.constant 0 : i32
    %c0_i32_1 = arith.constant 0 : i32
    return %c0_i32, %c0_i32_0 : i32, i32
  }
}

</mosaic_0001>

<sc_bundles>
// kernel: kernel.17.cloned.1.call-start
scs
__scs_entry_jumppad:
0x0: {  	(pc) =	sbr.rel $0x88, $3  }
0x1: {  	(tag) =	ssettag $0x0;
	lr =	simm.s32 $0x1  }
0x2: {  	[smem:$0x3F8C] =	sst lr;
	_ =	strace $0xD0000000  }
0x3: {  	_ = 	snop  }
0x4: {  	_ = 	snop  }
0x5: {  	_ = 	snop  }
0x6: {  	_ = 	snop  }
0x7: {  	_ = 	snop  }
__scs_overlays_trampoline_lowered:
0x8: {  	[smem:$0x3F9B] =	sst s0  }
0x9: {  	[smem:$0x3F9C] =	sst s1  }
0xa: {  	[smem:$0x3F9D] =	sst s2  }
0xb: {  	[smem:$0x3F9E] =	sst s3  }
0xc: {  	[smem:$0x3F9F] =	sst s4  }
0xd: {  	[smem:$0x3FA0] =	sst s5  }
0xe: {  	[smem:$0x3FA1] =	sst s6  }
0xf: {  	[smem:$0x3FA2] =	sst s7  }
0x10: {  	[smem:$0x3FA3] =	sst s8  }
0x11: {  	[smem:$0x3FA4] =	sst s9;
	s0 =	simm.s32 @!p0 $0x0  }
0x12: {  	s1 =	sld [smem:$0x3F8A];
	s0 =	simm.s32 @p0 $0x1  }
0x13: {  	[smem:$0x3FA5] =	sst s0;
	s0 =	simm.s32 @!p1 $0x0  }
0x14: {  	s2 =	sld [smem:$0x3F89];
	s0 =	simm.s32 @p1 $0x1  }
0x15: {  	[smem:$0x3FA6] =	sst s0;
	s0 =	simm.s32 @!p2 $0x0  }
0x16: {  	s3 =	sld [smem:$0x3FDB];
	s0 =	simm.s32 @p2 $0x1  }
0x17: {  	s4 =	simm.s32 $0x1BF5;
	[smem:$0x3FA8] =	sst s0  }
0x18: {  	s0 =	sld [smem:$0x3F8B];
	_ =	swait.ge [sflag:s4], $0x0  }
0x19: {  	s7 =	sld [smem:$0x3F8C]  }
0x1a: {  	s8 =	sadd.s32 $0xFFFFE003, lr  }
0x1b: {  	s9 =	sadd.s32 $0xFFFFFEF7, lr;
	s5 =	simm.s32 $0xFFFFFFFF;
	p2 =	slt.u32 s8, $0xFFFFF086  }
0x1c: {  	p1 =	slt.u32 s9, $0xF7A;
	s5 =	simm.s32 @!p2 $0x0  }
0x1d: {  	s5 =	simm.s32 @p1 $0x1;
	p0 =	seq.s32 s7, s2  }
0x1e: {  	s7 =	smul.u32 @!p0 $0xF7A, s2;
	p2 =	seq.s32 @!p0 s5, $0x0  }
0x1f: {  	s9 =	smul.u32 $0xF7A, s1;
	s8 =	simm.s32 @!p0 $0x1BF5;
	p2 =	por !p2, p0  }
0x20: {  	[sflag:s8] =	ssyncset.s32 @!p0 $0xFFFFF086;
	s6 =	sadd.s32 @!p0 s3, s7;
	s7 =	simm.s32 @!p0 $0x108  }
0x21: {  	s3 =	sadd.s32 s3, s9;
	s6 =	sadd.s32 @!p0 $0x88, s6;
	s7 =	simm.s32 @p2 $0x1082  }
0x22: {  	[simem:s7], [sflag:s8] =	dma.local @!p0 [hbm:s6], $0xF7A  }
0x23: {  	s9 =	sor.u32 $0xD0000000, s2;
	s6 =	simm.s32 $0x108;
	_ =	swait.ge @!p0 [sflag:s8], $0x0  }
0x24: {  	s3 =	sadd.s32 $0x88, s3;
	s6 =	simm.s32 @!p1 $0x1082;
	[sflag:s4] =	ssyncset.s32 $0xFFFFF086  }
0x25: {  	[simem:s6], [sflag:s4] =	dma.local [hbm:s3], $0xF7A  }
0x26: {  	[smem:$0x3F8C] =	sst s1;
	(tag) =	ssettag s2;
	_ =	strace s9  }
0x27: {  	s1 =	sld [smem:$0x3F9C]  }
0x28: {  	s2 =	sld [smem:$0x3F9D]  }
0x29: {  	s4 =	sld [smem:$0x3F9F]  }
0x2a: {  	p0 =	seq.s32 s5, $0x0;
	s5 =	sld [smem:$0x3FA0]  }
0x2b: {  	s6 =	sld [smem:$0x3FA1]  }
0x2c: {  	s7 =	sld [smem:$0x3FA2]  }
0x2d: {  	s3 =	simm.s32 $0x108;
	s8 =	sld [smem:$0x3FA3]  }
0x2e: {  	s3 =	simm.s32 @!p0 $0x1082;
	s9 =	sld [smem:$0x3FA4]  }
0x2f: {  	lr =	sadd.s32 s0, s3;
	s0 =	sld [smem:$0x3F9B]  }
0x30: {  	s3 =	sld [smem:$0x3F9E]  }
0x31: {  	[smem:$0x3FA7] =	sst s10  }
0x32: {  	s10 =	sld [smem:$0x3FA5];
	_ =	sdelay $0x3  }
0x33: {  	p0 =	seq.s32 s10, $0x1;
	s10 =	sld [smem:$0x3FA7];
	_ =	sdelay $0x3  }
0x34: {  	[smem:$0x3FA7] =	sst s10  }
0x35: {  	s10 =	sld [smem:$0x3FA6];
	_ =	sdelay $0x3  }
0x36: {  	p1 =	seq.s32 s10, $0x1;
	s10 =	sld [smem:$0x3FA7];
	_ =	sdelay $0x3  }
0x37: {  	[smem:$0x3FA7] =	sst s10  }
0x38: {  	s10 =	sld [smem:$0x3FA8]  }
0x39: {  	_ = 	snop;
	(pc) =	sbr.ind lr, $3  }
0x3a: {  	_ = 	snop  }
0x3b: {  	_ = 	snop  }
0x3c: {  	p2 =	seq.s32 s10, $0x1;
	s10 =	sld [smem:$0x3FA7]  }
0x3d: {  	_ =	shalt  }
0x3e: {  	_ =	shalt  }
0x3f: {  	_ =	shalt  }
0x40: {  	_ =	shalt  }
0x41: {  	_ =	shalt  }
0x42: {  	_ =	shalt  }
0x43: {  	_ =	shalt  }
0x44: {  	_ =	shalt  }
0x45: {  	_ =	shalt  }
0x46: {  	_ =	shalt  }
0x47: {  	_ =	shalt  }
0x48: {  	_ =	shalt  }
0x49: {  	_ =	shalt  }
0x4a: {  	_ =	shalt  }
0x4b: {  	_ =	shalt  }
0x4c: {  	_ =	shalt  }
0x4d: {  	_ =	shalt  }
0x4e: {  	_ =	shalt  }
0x4f: {  	_ =	shalt  }
0x50: {  	_ =	shalt  }
0x51: {  	_ =	shalt  }
0x52: {  	_ =	shalt  }
0x53: {  	_ =	shalt  }
0x54: {  	_ =	shalt  }
0x55: {  	_ =	shalt  }
0x56: {  	_ =	shalt  }
0x57: {  	_ =	shalt  }
0x58: {  	_ =	shalt  }
0x59: {  	_ =	shalt  }
0x5a: {  	_ =	shalt  }
0x5b: {  	_ =	shalt  }
0x5c: {  	_ =	shalt  }
0x5d: {  	_ =	shalt  }
0x5e: {  	_ =	shalt  }
0x5f: {  	_ =	shalt  }
0x60: {  	_ =	shalt  }
0x61: {  	_ =	shalt  }
0x62: {  	_ =	shalt  }
0x63: {  	_ =	shalt  }
0x64: {  	_ =	shalt  }
0x65: {  	_ =	shalt  }
0x66: {  	_ =	shalt  }
0x67: {  	_ =	shalt  }
0x68: {  	_ =	shalt  }
0x69: {  	_ =	shalt  }
0x6a: {  	_ =	shalt  }
0x6b: {  	_ =	shalt  }
0x6c: {  	_ =	shalt  }
0x6d: {  	_ =	shalt  }
0x6e: {  	_ =	shalt  }
0x6f: {  	_ =	shalt  }
0x70: {  	_ =	shalt  }
0x71: {  	_ =	shalt  }
0x72: {  	_ =	shalt  }
0x73: {  	_ =	shalt  }
0x74: {  	_ =	shalt  }
0x75: {  	_ =	shalt  }
0x76: {  	_ =	shalt  }
0x77: {  	_ =	shalt  }
0x78: {  	_ =	shalt  }
0x79: {  	_ =	shalt  }
0x7a: {  	_ =	shalt  }
0x7b: {  	_ =	shalt  }
0x7c: {  	_ =	shalt  }
0x7d: {  	_ =	shalt  }
0x7e: {  	_ =	shalt  }
0x7f: {  	_ =	shalt  }
0x80: {  	_ =	shalt  }
0x81: {  	_ =	shalt  }
0x82: {  	_ =	shalt  }
0x83: {  	_ =	shalt  }
0x84: {  	_ =	shalt  }
0x85: {  	_ =	shalt  }
0x86: {  	_ =	shalt  }
0x87: {  	_ =	shalt  }
.Lfunc_end0:
.L_simem_size_0:
called_computation_lowered:
.L_overlay_start_0:
0x88: {  	s2 =	sld [smem:$0x3FD9]  }
0x89: {  	s3 =	sld [smem:$0x3FFE];
	_ =	sdelay $0x1  }
0x8a: {  	s1 =	srdreg.scid  }
0x8b: {  	s0 =	sand.u32 $0x1, s1  }
0x8c: {  	s17 =	sshll.u32 s0, $0xA;
	s2 =	sadd.s32 s3, s2  }
0x8d: {  	s2 =	sadd.s32 s2, s17  }
0x8e: {  	[smem:$0x3FB3] =	sst s2  }
0x8f: {  	_ = 	snop  }
0x90: {  	(tm) =	ssettm $0x1  }
0x91: {  	s18 =	sld [smem:$0x3FFB];
	_ =	sdelay $0x3  }
0x92: {  	_ =	strace s18  }
0x93: {  	s2 =	sld [smem:$0x3FFC];
	_ =	sdelay $0x3  }
0x94: {  	_ =	strace s2  }
0x95: {  	s2 =	sld [smem:$0x3FFD];
	_ =	sdelay $0x3  }
0x96: {  	_ =	strace s2  }
0x97: {  	_ =	strace $0x8FFFFFFF  }
0x98: {  	s19 =	sld [smem:$0x3FDB];
	_ =	sdelay $0x1  }
0x99: {  	s20 =	simm.s32 $_scs_section_size  }
0x9a: {  	s4 =	simm.s32 $_size__tile_overlayer_lowered;
	s5 =	simm.s32 $_tile_overlayer_lowered  }
0x9b: {  	s6 =	simm.s32 $0x1BFF;
	s21 =	sshll.u32 s5, $0x1;
	s3 =	sadd.s32 s20, s19  }
0x9c: {  	s22 =	simm.s32 $0x0;
	s4 =	sshll.u32 s4, $0x1;
	s5 =	sadd.s32 s21, s3  }
0x9d: {  	[timem:s22], [sflag:s6] =	dma.local [hbm:s5], s4  }
0x9e: {  	_ =	swait.ge [sflag:s6], s4  }
0x9f: {  	s4 =	ssub.s32 $0x0, s4;
	[sflag:s6] =	ssyncset.done $0x0  }
0xa0: {  	[sflag:s6] =	ssyncadd.s32 s4;
	_ =	sdelay $0x1  }
0xa1: {  	s23 =	simm.s32 $0x1B8B  }
0xa2: {  	_ =	swait.ge [sflag:s23], $0x1  }
0xa3: {  	[sflag:s23] =	ssyncset.done $0x0  }
0xa4: {  	[sflag:s23] =	ssyncadd.s32 $0xFFFFFFFF  }
0xa5: {  	s4 =	sld [smem:$0x0]  }
0xa6: {  	s5 =	sand.u32 $0xFFFFFFFE, s1  }
0xa7: {  	p0 =	sne.s32 s1, s5  }
0xa8: {  	s5 =	sshll.u32 @p0 s5, $0xE  }
0xa9: {  	s5 =	sadd.s32 @p0 $0x11B8D, s5;
	s6 =	sshll.u32 @p0 s4, $0x11  }
0xaa: {  	s5 =	sor.u32 @p0 s6, s5  }
0xab: {  	[sflag:s5] =	ssyncadd.remote.s32 @p0 $0x1;
	_ =	sdelay $0x1  }
0xac: {  	s5 =	simm.s32 @p0 $0x1B8D  }
0xad: {  	_ =	swait.eq @p0 [sflag:s5], $0x1  }
0xae: {  	[sflag:s5] =	ssyncadd.s32 @p0 $0xFFFFFFFF  }
0xaf: {  	s6 =	sshll.u32 @!p0 s1, $0xE  }
0xb0: {  	s6 =	sor.u32 @!p0 $0x4000, s6;
	s5 =	simm.s32 @!p0 $0x1B8D  }
0xb1: {  	s4 =	sshll.u32 @!p0 s4, $0x11;
	s6 =	sadd.s32 @!p0 $0x11B8D, s6;
	_ =	swait.eq @!p0 [sflag:s5], $0x1  }
0xb2: {  	s4 =	sor.u32 @!p0 s4, s6;
	[sflag:s5] =	ssyncadd.s32 @!p0 $0xFFFFFFFF  }
0xb3: {  	s25 =	simm.s32 $0x1B8E;
	s24 =	sld [smem:$0x3FFE];
	[sflag:s4] =	ssyncadd.remote.s32 @!p0 $0x1  }
0xb4: {  	s26 =	simm.s32 $execute0_lowered;
	[smem:$0x3FD2] =	sst s25  }
0xb5: {  	s5 =	sshll.u32 s26, $0x1;
	_ =	strace $0x80000049;
	[dreg:$0x1] =	wrdreg $0xFFFFFFFF  }
0xb6: {  	s28 =	simm.s32 $_size_execute0_lowered;
	s3 =	sadd.s32 s3, s5;
	[dreg:$0x0] =	wrdreg $0x0  }
0xb7: {  	s5 =	sshll.u32 s28, $0x1;
	[dreg:$0x2] =	wrdreg s3  }
0xb8: {  	[dreg:$0x3] =	wrdreg s5  }
0xb9: {  	[dreg:$0x4] =	wrdreg $0xC0  }
0xba: {  	_ =	task [dreg:s22], $0x5FFFF  }
0xbb: {  	[dreg:$0x1] =	wrdreg $0xFFFFFFFF  }
0xbc: {  	[dreg:$0x0] =	wrdreg $0x60  }
0xbd: {  	[dreg:$0x2] =	wrdreg s24  }
0xbe: {  	[dreg:$0x3] =	wrdreg $0x42680  }
0xbf: {  	[dreg:$0x4] =	wrdreg $0x9  }
0xc0: {  	_ =	task.clear_ibuf [dreg:s22], $0x5FFFF;
	_ =	strace $0x90000049  }
0xc1: {  	s29 =	simm.s32 $0x9;
	_ =	strace $0x8000004B  }
0xc2: {  	_ =	swait.ge [sflag:s29], $0x1  }
0xc3: {  	[sflag:s29] =	ssyncadd.s32 $0xFFFFFFFF  }
0xc4: {  	_ =	strace $0x9000004B  }
0xc5: {  	_ =	sfence  }
0xc6: {  	s30 =	sld [smem:$0x0];
	_ =	sdelay $0x2  }
0xc7: {  	s31 =	sshll.u32 s1, $0xD;
	s1 =	sshrl.u32 s1, $0x2  }
0xc8: {  	s4 =	sand.u32 $0x4000, s31;
	s1 =	sadd.s32 s1, s30  }
0xc9: {  	s0 =	sor.u32 s4, s0;
	s1 =	sshll.u32 s1, $0x11  }
0xca: {  	s0 =	sor.u32 s1, s0  }
0xcb: {  	s0 =	sadd.s32 $0x8F2B, s0  }
0xcc: {  	[sflag:s0] =	ssyncadd.remote.s32 $0x1  }
0xcd: {  	_ =	sfence.sel $0xFFFF  }
0xce: {  	[dreg:$0x0] =	wrdreg $0xFFFFFFFF;
	(pc) =	sbr.abs _section_cstart, $3  }
0xcf: {  	[dreg:$0x1] =	wrdreg $0xFFFFFFFF  }
0xd0: {  	_ =	task.clear_ibuf [dreg:s22], $0x2FFFF;
	_ =	strace $0x9FFFFFFF  }
0xd1: {  	(tm) =	ssettm $0x7FFFFFFF  }
tec
execute0_lowered:
.L_overlay_start_1:
0x0: {  	(tag) =	ssettag $0x1  }
0x1: {  	s6 =	rddreg [dreg:$0x0]  }
0x2: {  	s2 =	rddreg [dreg:$0x1]  }
0x3: {  	s0 =	rddreg [dreg:$0x2];
	s1 =	stileid.u32  }
0x4: {  	s5 =	srdreg.scid;
	s4 =	smul.u32 $0x186A, s1  }
0x5: {  	s3 =	simm.s32 $0x0;
	s7 =	sand.u32 $0x1, s5;
	s8 =	smul.u32 $0xC350, s1  }
0x6: {  	[smem:$0x7FF] =	sst s3;
	s31 =	sshll.u32 s1, $0x6;
	s5 =	smul.u32 $0xC3500, s7  }
0x7: {  	_ =	strace $0x8000004A;
	s11 =	ssub.s32 $0x2, s7;
	s12 =	smul.u32 $0xC35, s7  }
0x8: {  	s9 =	sadd.s32 s4, s6;
	s4 =	sadd.s32 $0xB9000, s6;
	s30 =	sshrl.u32 s11, $0x1  }
0x9: {  	s13 =	sadd.s32 s8, s2;
	s10 =	sadd.s32 s8, s5;
	s5 =	sadd.s32 $0xB7600, s6  }
0xa: {  	s11 =	ssub.s32 s11, s30;
	s9 =	sadd.s32 s12, s9;
	s12 =	simm.s32 $0x3E8  }
0xb: {  	s10 =	sshrl.u32 s10, $0x3;
	s8 =	smax.u32 s11, $0x1;
	s9 =	sadd.s32 $0x6DA00, s9  }
0xc: {  	s11 =	simm.s32 $0x1;
	s10 =	sadd.s32 s10, s6;
	s6 =	sor.u32 $0x1C01, s31  }
0xd: {  	s7 =	sadd.s32 $0xB9800, s10;
	s10 =	sshrl.u32 s13, $0x3;
	s13 =	simm.s32 $0x0  }
.LBB2_1:
0xe: {  	[spmem:s10], [sflag:s6] =	dma.local [hbm:s5], $0x186A  }
0xf: {  	_ =	swait.ge [sflag:s11], $0x186A  }
0x10: {  	[sflag:s11] =	ssyncset.done $0x0  }
0x11: {  	[sflag:s11] =	ssyncadd.s32 $0xFFFFE796  }
0x12: {  	[tilespmem:s12], [sflag:$0x1] =	stream.linear.gather [hbm4b:s4+s3], $0x3E80, $0x38;
	[tilespmem:$0x105B8] =	vst v63  }
0x13: {  	_ =	swait.ge [sflag:s11], $0x3E80  }
0x14: {  	[sflag:s11] =	ssyncset.done $0x0  }
0x15: {  	[sflag:s11] =	ssyncadd.s32 $0xFFFFC180  }
0x16: {  	s14 =	sadd.s32 $0x0, s9;
	[bflag:$0x0] =	sbarrier.arrive $0xFFFF  }
0x17: {  	[tilespmem:s3], [sflag:$0x1] =	stream.linear.gather [hbm4b:s14+s3], $0x3E8, $0x38;
	[tilespmem:$0x105B8] =	vst v63  }
0x18: {  	_ =	swait.ge [sflag:s11], $0x3E8  }
0x19: {  	[sflag:s11] =	ssyncset.done $0x0  }
0x1a: {  	[sflag:s11] =	ssyncadd.s32 $0xFFFFFC18  }
0x1b: {  	[spmem:s2] =	stream.indirect.scatter.add.f32 [tilespmem:s12], [sflag:$0x1], $0x10, s3, s12, $0xb8;
	[tilespmem:$0x105B8] =	vst v63  }
0x1c: {  	_ =	swait.ge [sflag:s11], $0x3E80  }
0x1d: {  	s15 =	simm.s32 $0xFA;
	s14 =	simm.s32 $0x7D;
	[sflag:s11] =	ssyncset.done $0x0  }
.LBB2_2:
0x1e: {  	s16 =	sadd.s32 s14, s9  }
0x1f: {  	[sflag:s11] =	ssyncadd.s32 $0xFFFFC180;
	s14 =	smov.u32 s15;
	s17 =	sadd.s32 $0x7D, s15  }
0x20: {  	[tilespmem:s3], [sflag:$0x1] =	stream.linear.gather [hbm4b:s16+s3], $0x3E8, $0x38;
	[tilespmem:$0x105B8] =	vst v63  }
0x21: {  	p0 =	sne.s32 s15, $0xBB8;
	_ =	swait.ge [sflag:s11], $0x3E8  }
.Ltmp0:
0x22: {  	[sflag:s11] =	ssyncset.done $0x0;
	(pc) =	sbr.rel @p0 .LBB2_2-.Ltmp0, $4  }
0x23: {  	[sflag:s11] =	ssyncadd.s32 $0xFFFFFC18  }
0x24: {  	[spmem:s2] =	stream.indirect.scatter.add.f32 [tilespmem:s12], [sflag:$0x1], $0x10, s3, s12, $0xb8;
	[tilespmem:$0x105B8] =	vst v63  }
0x25: {  	_ =	swait.ge [sflag:s11], $0x3E80  }
0x26: {  	s15 =	smov.u32 s17;
	[sflag:s11] =	ssyncset.done $0x0  }
0x27: {  	s14 =	sadd.s32 s14, s9;
	[sflag:s11] =	ssyncadd.s32 $0xFFFFC180  }
0x28: {  	[tilespmem:s3], [sflag:$0x1] =	stream.linear.gather [hbm4b:s14+s3], $0x3E8, $0x38;
	[tilespmem:$0x105B8] =	vst v63  }
0x29: {  	_ =	swait.ge [sflag:s11], $0x3E8  }
0x2a: {  	[sflag:s11] =	ssyncset.done $0x0  }
0x2b: {  	[sflag:s11] =	ssyncadd.s32 $0xFFFFFC18  }
0x2c: {  	[spmem:s2] =	stream.indirect.scatter.add.f32 [tilespmem:s12], [sflag:$0x1], $0x10, s3, s12, $0xb8;
	[tilespmem:$0x105B8] =	vst v63  }
0x2d: {  	_ =	swait.ge [sflag:s11], $0x3E80  }
0x2e: {  	s13 =	sadd.s32 $0x1, s13;
	[sflag:s11] =	ssyncset.done $0x0  }
0x2f: {  	p0 =	sne.s32 s13, s8;
	[sflag:s11] =	ssyncadd.s32 $0xFFFFC180  }
.Ltmp1:
0x30: {  	[bflag:$0x0] =	sbarrier.arrive $0xFFFF;
	(pc) =	sbr.rel @p0 .LBB2_1-.Ltmp1, $4  }
0x31: {  	[hbm:s7], [sflag:s6] =	dma.local [spmem:s10], $0x186A  }
0x32: {  	_ =	swait.ge [sflag:s11], $0x186A  }
0x33: {  	[sflag:s11] =	ssyncset.done $0x0  }
0x34: {  	[sflag:s11] =	ssyncadd.s32 $0xFFFFE796  }
0x35: {  	_ =	sfence.sel $0x180000  }
0x36: {  	[bflag:$0x0] =	sbarrier.arrive $0xFFFF  }
0x37: {  	p0 =	sne.s32 s1, $0x0;
	_ =	strace $0x9000004A  }
0x38: {  	s0 =	sadd.s32 @!p0 $0x100000, s0;
	[bflag:$0x2] =	sbarrier.arrive $0xFFFF  }
0x39: {  	[sflag:s0] =	ssyncadd.tile.s32 @!p0 $0x1;
	_ =	shalt  }
.Lfunc_end2:
_tile_overlayer_lowered:
.L_overlay_start_2:
0x3a: {  	(tag) =	ssettag $0x2  }
0x3b: {  	s0 =	rddreg [dreg:$0x0];
	s2 =	stileid.u32  }
0x3c: {  	s1 =	rddreg [dreg:$0x1];
	p0 =	sne.s32 s2, $0x0  }
0x3d: {  	s3 =	rddreg [dreg:$0x2];
	[bflag:$0x3] =	sbarrier.arrive $0xFFFF;
	s2 =	simm.s32 @!p0 $0x1C01  }
0x3e: {  	[timem:s3], [sflag:s2] =	dma.local @!p0 [hbm:s0], s1  }
0x3f: {  	s0 =	simm.s32 @!p0 $0x1  }
0x40: {  	_ =	swait.ge @!p0 [sflag:s0], s1  }
0x41: {  	s1 =	ssub.s32 @!p0 $0x0, s1;
	[sflag:s0] =	ssyncset.done @!p0 $0x0  }
0x42: {  	[sflag:s0] =	ssyncadd.s32 @!p0 s1  }
0x43: {  	[bflag:$0x3] =	sbarrier.arrive $0xFFFF  }
0x44: {  	_ =	shalt  }

// kernel: kernel.20.cloned.1.call-start
scs
__scs_entry_jumppad:
0x0: {  	(pc) =	sbr.rel $0x88, $3  }
0x1: {  	(tag) =	ssettag $0x0;
	lr =	simm.s32 $0x1  }
0x2: {  	[smem:$0x3F8C] =	sst lr;
	_ =	strace $0xD0000000  }
0x3: {  	_ = 	snop  }
0x4: {  	_ = 	snop  }
0x5: {  	_ = 	snop  }
0x6: {  	_ = 	snop  }
0x7: {  	_ = 	snop  }
__scs_overlays_trampoline_lowered:
0x8: {  	[smem:$0x3F9B] =	sst s0  }
0x9: {  	[smem:$0x3F9C] =	sst s1  }
0xa: {  	[smem:$0x3F9D] =	sst s2  }
0xb: {  	[smem:$0x3F9E] =	sst s3  }
0xc: {  	[smem:$0x3F9F] =	sst s4  }
0xd: {  	[smem:$0x3FA0] =	sst s5  }
0xe: {  	[smem:$0x3FA1] =	sst s6  }
0xf: {  	[smem:$0x3FA2] =	sst s7  }
0x10: {  	[smem:$0x3FA3] =	sst s8  }
0x11: {  	[smem:$0x3FA4] =	sst s9;
	s0 =	simm.s32 @!p0 $0x0  }
0x12: {  	s1 =	sld [smem:$0x3F8A];
	s0 =	simm.s32 @p0 $0x1  }
0x13: {  	[smem:$0x3FA5] =	sst s0;
	s0 =	simm.s32 @!p1 $0x0  }
0x14: {  	s2 =	sld [smem:$0x3F89];
	s0 =	simm.s32 @p1 $0x1  }
0x15: {  	[smem:$0x3FA6] =	sst s0;
	s0 =	simm.s32 @!p2 $0x0  }
0x16: {  	s3 =	sld [smem:$0x3FDB];
	s0 =	simm.s32 @p2 $0x1  }
0x17: {  	s4 =	simm.s32 $0x1BF5;
	[smem:$0x3FA8] =	sst s0  }
0x18: {  	s0 =	sld [smem:$0x3F8B];
	_ =	swait.ge [sflag:s4], $0x0  }
0x19: {  	s7 =	sld [smem:$0x3F8C]  }
0x1a: {  	s8 =	sadd.s32 $0xFFFFE003, lr  }
0x1b: {  	s9 =	sadd.s32 $0xFFFFFEF7, lr;
	s5 =	simm.s32 $0xFFFFFFFF;
	p2 =	slt.u32 s8, $0xFFFFF086  }
0x1c: {  	p1 =	slt.u32 s9, $0xF7A;
	s5 =	simm.s32 @!p2 $0x0  }
0x1d: {  	s5 =	simm.s32 @p1 $0x1;
	p0 =	seq.s32 s7, s2  }
0x1e: {  	s7 =	smul.u32 @!p0 $0xF7A, s2;
	p2 =	seq.s32 @!p0 s5, $0x0  }
0x1f: {  	s9 =	smul.u32 $0xF7A, s1;
	s8 =	simm.s32 @!p0 $0x1BF5;
	p2 =	por !p2, p0  }
0x20: {  	[sflag:s8] =	ssyncset.s32 @!p0 $0xFFFFF086;
	s6 =	sadd.s32 @!p0 s3, s7;
	s7 =	simm.s32 @!p0 $0x108  }
0x21: {  	s3 =	sadd.s32 s3, s9;
	s6 =	sadd.s32 @!p0 $0x88, s6;
	s7 =	simm.s32 @p2 $0x1082  }
0x22: {  	[simem:s7], [sflag:s8] =	dma.local @!p0 [hbm:s6], $0xF7A  }
0x23: {  	s9 =	sor.u32 $0xD0000000, s2;
	s6 =	simm.s32 $0x108;
	_ =	swait.ge @!p0 [sflag:s8], $0x0  }
0x24: {  	s3 =	sadd.s32 $0x88, s3;
	s6 =	simm.s32 @!p1 $0x1082;
	[sflag:s4] =	ssyncset.s32 $0xFFFFF086  }
0x25: {  	[simem:s6], [sflag:s4] =	dma.local [hbm:s3], $0xF7A  }
0x26: {  	[smem:$0x3F8C] =	sst s1;
	(tag) =	ssettag s2;
	_ =	strace s9  }
0x27: {  	s1 =	sld [smem:$0x3F9C]  }
0x28: {  	s2 =	sld [smem:$0x3F9D]  }
0x29: {  	s4 =	sld [smem:$0x3F9F]  }
0x2a: {  	p0 =	seq.s32 s5, $0x0;
	s5 =	sld [smem:$0x3FA0]  }
0x2b: {  	s6 =	sld [smem:$0x3FA1]  }
0x2c: {  	s7 =	sld [smem:$0x3FA2]  }
0x2d: {  	s3 =	simm.s32 $0x108;
	s8 =	sld [smem:$0x3FA3]  }
0x2e: {  	s3 =	simm.s32 @!p0 $0x1082;
	s9 =	sld [smem:$0x3FA4]  }
0x2f: {  	lr =	sadd.s32 s0, s3;
	s0 =	sld [smem:$0x3F9B]  }
0x30: {  	s3 =	sld [smem:$0x3F9E]  }
0x31: {  	[smem:$0x3FA7] =	sst s10  }
0x32: {  	s10 =	sld [smem:$0x3FA5];
	_ =	sdelay $0x3  }
0x33: {  	p0 =	seq.s32 s10, $0x1;
	s10 =	sld [smem:$0x3FA7];
	_ =	sdelay $0x3  }
0x34: {  	[smem:$0x3FA7] =	sst s10  }
0x35: {  	s10 =	sld [smem:$0x3FA6];
	_ =	sdelay $0x3  }
0x36: {  	p1 =	seq.s32 s10, $0x1;
	s10 =	sld [smem:$0x3FA7];
	_ =	sdelay $0x3  }
0x37: {  	[smem:$0x3FA7] =	sst s10  }
0x38: {  	s10 =	sld [smem:$0x3FA8]  }
0x39: {  	_ = 	snop;
	(pc) =	sbr.ind lr, $3  }
0x3a: {  	_ = 	snop  }
0x3b: {  	_ = 	snop  }
0x3c: {  	p2 =	seq.s32 s10, $0x1;
	s10 =	sld [smem:$0x3FA7]  }
0x3d: {  	_ =	shalt  }
0x3e: {  	_ =	shalt  }
0x3f: {  	_ =	shalt  }
0x40: {  	_ =	shalt  }
0x41: {  	_ =	shalt  }
0x42: {  	_ =	shalt  }
0x43: {  	_ =	shalt  }
0x44: {  	_ =	shalt  }
0x45: {  	_ =	shalt  }
0x46: {  	_ =	shalt  }
0x47: {  	_ =	shalt  }
0x48: {  	_ =	shalt  }
0x49: {  	_ =	shalt  }
0x4a: {  	_ =	shalt  }
0x4b: {  	_ =	shalt  }
0x4c: {  	_ =	shalt  }
0x4d: {  	_ =	shalt  }
0x4e: {  	_ =	shalt  }
0x4f: {  	_ =	shalt  }
0x50: {  	_ =	shalt  }
0x51: {  	_ =	shalt  }
0x52: {  	_ =	shalt  }
0x53: {  	_ =	shalt  }
0x54: {  	_ =	shalt  }
0x55: {  	_ =	shalt  }
0x56: {  	_ =	shalt  }
0x57: {  	_ =	shalt  }
0x58: {  	_ =	shalt  }
0x59: {  	_ =	shalt  }
0x5a: {  	_ =	shalt  }
0x5b: {  	_ =	shalt  }
0x5c: {  	_ =	shalt  }
0x5d: {  	_ =	shalt  }
0x5e: {  	_ =	shalt  }
0x5f: {  	_ =	shalt  }
0x60: {  	_ =	shalt  }
0x61: {  	_ =	shalt  }
0x62: {  	_ =	shalt  }
0x63: {  	_ =	shalt  }
0x64: {  	_ =	shalt  }
0x65: {  	_ =	shalt  }
0x66: {  	_ =	shalt  }
0x67: {  	_ =	shalt  }
0x68: {  	_ =	shalt  }
0x69: {  	_ =	shalt  }
0x6a: {  	_ =	shalt  }
0x6b: {  	_ =	shalt  }
0x6c: {  	_ =	shalt  }
0x6d: {  	_ =	shalt  }
0x6e: {  	_ =	shalt  }
0x6f: {  	_ =	shalt  }
0x70: {  	_ =	shalt  }
0x71: {  	_ =	shalt  }
0x72: {  	_ =	shalt  }
0x73: {  	_ =	shalt  }
0x74: {  	_ =	shalt  }
0x75: {  	_ =	shalt  }
0x76: {  	_ =	shalt  }
0x77: {  	_ =	shalt  }
0x78: {  	_ =	shalt  }
0x79: {  	_ =	shalt  }
0x7a: {  	_ =	shalt  }
0x7b: {  	_ =	shalt  }
0x7c: {  	_ =	shalt  }
0x7d: {  	_ =	shalt  }
0x7e: {  	_ =	shalt  }
0x7f: {  	_ =	shalt  }
0x80: {  	_ =	shalt  }
0x81: {  	_ =	shalt  }
0x82: {  	_ =	shalt  }
0x83: {  	_ =	shalt  }
0x84: {  	_ =	shalt  }
0x85: {  	_ =	shalt  }
0x86: {  	_ =	shalt  }
0x87: {  	_ =	shalt  }
.Lfunc_end0:
.L_simem_size_0:
called_computation.1_lowered:
.L_overlay_start_0:
0x88: {  	s2 =	sld [smem:$0x3FD9]  }
0x89: {  	s3 =	sld [smem:$0x3FFE];
	_ =	sdelay $0x1  }
0x8a: {  	s1 =	srdreg.scid  }
0x8b: {  	s0 =	sand.u32 $0x1, s1  }
0x8c: {  	s16 =	sshll.u32 s0, $0xA;
	s2 =	sadd.s32 s3, s2  }
0x8d: {  	s2 =	sadd.s32 s2, s16  }
0x8e: {  	[smem:$0x3FB3] =	sst s2  }
0x8f: {  	_ = 	snop  }
0x90: {  	(tm) =	ssettm $0x1  }
0x91: {  	s17 =	sld [smem:$0x3FFB];
	_ =	sdelay $0x3  }
0x92: {  	_ =	strace s17  }
0x93: {  	s2 =	sld [smem:$0x3FFC];
	_ =	sdelay $0x3  }
0x94: {  	_ =	strace s2  }
0x95: {  	s2 =	sld [smem:$0x3FFD];
	_ =	sdelay $0x3  }
0x96: {  	_ =	strace s2  }
0x97: {  	_ =	strace $0x8FFFFFFF  }
0x98: {  	s18 =	sld [smem:$0x3FDB];
	_ =	sdelay $0x1  }
0x99: {  	s19 =	simm.s32 $_scs_section_size  }
0x9a: {  	s4 =	simm.s32 $_size__tile_overlayer_lowered;
	s5 =	simm.s32 $_tile_overlayer_lowered  }
0x9b: {  	s22 =	simm.s32 $0x1BFF;
	s21 =	sshll.u32 s5, $0x1;
	s2 =	sadd.s32 s19, s18  }
0x9c: {  	s6 =	simm.s32 $0x0;
	s20 =	sshll.u32 s4, $0x1;
	s4 =	sadd.s32 s21, s2  }
0x9d: {  	[timem:s6], [sflag:s22] =	dma.local [hbm:s4], s20  }
0x9e: {  	_ =	swait.ge [sflag:s22], s20  }
0x9f: {  	s3 =	ssub.s32 $0x0, s20;
	[sflag:s22] =	ssyncset.done $0x0  }
0xa0: {  	[sflag:s22] =	ssyncadd.s32 s3;
	_ =	sdelay $0x1  }
0xa1: {  	s23 =	simm.s32 $0x1B8B  }
0xa2: {  	_ =	swait.ge [sflag:s23], $0x1  }
0xa3: {  	[sflag:s23] =	ssyncset.done $0x0  }
0xa4: {  	s25 =	simm.s32 $0x1B8E;
	s24 =	sld [smem:$0x3FFE];
	[sflag:s23] =	ssyncadd.s32 $0xFFFFFFFF  }
0xa5: {  	s26 =	simm.s32 $execute0_lowered;
	[smem:$0x3FD2] =	sst s25  }
0xa6: {  	s4 =	sshll.u32 s26, $0x1;
	_ =	strace $0x80000046;
	[dreg:$0x1] =	wrdreg $0xFFFFFFFF  }
0xa7: {  	s28 =	simm.s32 $_size_execute0_lowered;
	s2 =	sadd.s32 s2, s4;
	[dreg:$0x0] =	wrdreg $0x0  }
0xa8: {  	s4 =	sshll.u32 s28, $0x1;
	[dreg:$0x2] =	wrdreg s2  }
0xa9: {  	[dreg:$0x3] =	wrdreg s4  }
0xaa: {  	[dreg:$0x4] =	wrdreg $0xC0  }
0xab: {  	_ =	task [dreg:s6], $0x5FFFF  }
0xac: {  	[dreg:$0x1] =	wrdreg $0xFFFFFFFF  }
0xad: {  	[dreg:$0x0] =	wrdreg $0x60  }
0xae: {  	[dreg:$0x2] =	wrdreg s24  }
0xaf: {  	[dreg:$0x3] =	wrdreg $0xA  }
0xb0: {  	_ =	task.clear_ibuf [dreg:s6], $0x4FFFF;
	_ =	strace $0x90000046  }
0xb1: {  	s29 =	simm.s32 $0xA;
	_ =	strace $0x80000048  }
0xb2: {  	_ =	swait.ge [sflag:s29], $0x1  }
0xb3: {  	[sflag:s29] =	ssyncadd.s32 $0xFFFFFFFF  }
0xb4: {  	_ =	strace $0x90000048  }
0xb5: {  	_ =	sfence  }
0xb6: {  	s30 =	sld [smem:$0x0];
	_ =	sdelay $0x2  }
0xb7: {  	s31 =	sshll.u32 s1, $0xD;
	s1 =	sshrl.u32 s1, $0x2  }
0xb8: {  	s3 =	sand.u32 $0x4000, s31;
	s1 =	sadd.s32 s1, s30  }
0xb9: {  	s0 =	sor.u32 s3, s0;
	s1 =	sshll.u32 s1, $0x11  }
0xba: {  	s0 =	sor.u32 s1, s0  }
0xbb: {  	s0 =	sadd.s32 $0x8F2B, s0  }
0xbc: {  	[sflag:s0] =	ssyncadd.remote.s32 $0x1  }
0xbd: {  	_ =	sfence.sel $0xFFFF  }
0xbe: {  	[dreg:$0x0] =	wrdreg $0xFFFFFFFF;
	(pc) =	sbr.abs _section_cstart, $3  }
0xbf: {  	[dreg:$0x1] =	wrdreg $0xFFFFFFFF  }
0xc0: {  	_ =	task.clear_ibuf [dreg:s6], $0x2FFFF;
	_ =	strace $0x9FFFFFFF  }
0xc1: {  	(tm) =	ssettm $0x7FFFFFFF  }
tec
execute0_lowered:
.L_overlay_start_1:
0x0: {  	(tag) =	ssettag $0x1  }
0x1: {  	s5 =	rddreg [dreg:$0x0]  }
0x2: {  	s2 =	simm.s32 $0x0;
	s0 =	stileid.u32;
	s4 =	srdreg.scid  }
0x3: {  	s17 =	simm.s32 $0x3F0;
	s18 =	simm.s32 $0x84E0;
	s19 =	simm.s32 $0x1F8  }
0x4: {  	s20 =	simm.s32 $0x4660;
	s21 =	simm.s32 $0x5E8;
	s22 =	simm.s32 $0xC360  }
0x5: {  	s28 =	simm.s32 $0x0;
	[smem:$0x7FF] =	sst s2;
	s7 =	smul.u32 $0x30D40, s0  }
0x6: {  	s3 =	sadd.s32 $0x3CC00, s5;
	s10 =	sand.u32 $0x1, s4;
	s15 =	smul.u32 $0x189C, s0  }
0x7: {  	s6 =	sshll.u32 s0, $0x1;
	s4 =	sadd.s32 $0xBE00, s5;
	s16 =	smul.u32 $0x186A0, s10  }
0x8: {  	s11 =	sadd.s32 $0x9EC00, s5;
	s6 =	sor.u32 s10, s6;
	s29 =	smul.u32 $0xC4E, s10  }
0x9: {  	s12 =	sadd.s32 $0x86200, s5;
	s8 =	ssub.s32 $0x2, s10;
	s9 =	smul.u32 $0x6270, s6  }
0xa: {  	_ =	strace $0x80000047;
	s13 =	sshrl.u32 s8, $0x1;
	s6 =	smul.u32 $0xC4E, s6  }
0xb: {  	s14 =	sadd.s32 s7, s5;
	s30 =	sadd.s32 s15, s11;
	s31 =	sadd.s32 s15, s12  }
0xc: {  	s15 =	simm.s32 $0x1F4;
	s13 =	ssub.s32 s8, s13;
	s14 =	sadd.s32 s16, s14  }
0xd: {  	s10 =	sadd.s32 s29, s30;
	s16 =	simm.s32 $0x7E0;
	s23 =	sadd.s32 $0x1F8, s9  }
0xe: {  	s1 =	sadd.s32 s11, s6;
	s25 =	sadd.s32 s12, s6;
	s9 =	smax.u32 s13, $0x1  }
.Ltmp0:
0xf: {  	s13 =	sadd.s32 $0x6271D0, s14;
	[dreg:$0x2] =	wrdreg s1;
	(pc) =	sbr.rel .LBB2_1-.Ltmp0, $4  }
0x10: {  	s24 =	sshrl.u32 s23, $0x3;
	[dreg:$0x3] =	wrdreg s25;
	s23 =	simm.s32 $0x1  }
0x11: {  	s25 =	simm.s32 $0x2;
	s26 =	sadd.s32 s11, s24;
	s8 =	sadd.s32 s12, s24  }
0x12: {  	s11 =	sadd.s32 s29, s31;
	s12 =	sadd.s32 $0x319DD0, s14;
	s14 =	simm.s32 $0x5  }
0x13: {  	s24 =	simm.s32 $0x3;
	[dreg:$0x4] =	wrdreg s26;
	s26 =	simm.s32 $0x4  }
.LBB2_4:
0x14: {  	s28 =	sadd.s32 $0x1, s28  }
0x15: {  	p0 =	sne.s32 s28, s9  }
.Ltmp1:
0x16: {  	_ = 	snop;
	(pc) =	sbr.rel @!p0 .LBB2_5-.Ltmp1, $1  }
0x17: {  	_ =	sdelay $0x3  }
.LBB2_1:
0x18: {  	s0 =	rddreg [dreg:$0x2]  }
0x19: {  	[tilespmem:s2], [sflag:$0x5] =	stream.linear.gather [hbm4b:s0+s2], $0x1F8, $0x38;
	[tilespmem:$0x101E0] =	vst v63  }
0x1a: {  	_ =	swait.ge [sflag:s14], $0x1F8  }
0x1b: {  	[sflag:s14] =	ssyncset.done $0x0  }
0x1c: {  	[sflag:s14] =	ssyncadd.s32 $0xFFFFFE08  }
0x1d: {  	[tilespmem:s16], [sflag:$0x1] =	stream.indirect.gather [hbm4b:s3+s15], $0x20, s2, s15, $0xb8;
	[tilespmem:$0x101E0] =	vst v63  }
0x1e: {  	s6 =	rddreg [dreg:$0x3]  }
0x1f: {  	[tilespmem:s17], [sflag:$0x5] =	stream.linear.gather [hbm4b:s6+s2], $0x1F8, $0x38;
	[tilespmem:$0x101E0] =	vst v63  }
0x20: {  	_ =	swait.ge [sflag:s14], $0x1F8  }
0x21: {  	[sflag:s14] =	ssyncset.done $0x0  }
0x22: {  	[sflag:s14] =	ssyncadd.s32 $0xFFFFFE08  }
0x23: {  	[tilespmem:s18], [sflag:$0x3] =	stream.indirect.gather [hbm4b:s4+s15], $0x20, s17, s15, $0xb8;
	[tilespmem:$0x101E0] =	vst v63  }
0x24: {  	s7 =	rddreg [dreg:$0x4]  }
0x25: {  	[tilespmem:s19], [sflag:$0x5] =	stream.linear.gather [hbm4b:s7+s2], $0x1F8, $0x38;
	[tilespmem:$0x101E0] =	vst v63  }
0x26: {  	_ =	swait.ge [sflag:s14], $0x1F8  }
0x27: {  	[sflag:s14] =	ssyncset.done $0x0  }
0x28: {  	[sflag:s14] =	ssyncadd.s32 $0xFFFFFE08  }
0x29: {  	[tilespmem:s20], [sflag:$0x2] =	stream.indirect.gather [hbm4b:s3+s15], $0x20, s19, s15, $0xb8;
	[tilespmem:$0x101E0] =	vst v63  }
0x2a: {  	_ = 	snop  }
0x2b: {  	[tilespmem:s21], [sflag:$0x5] =	stream.linear.gather [hbm4b:s8+s2], $0x1F8, $0x38;
	[tilespmem:$0x101E0] =	vst v63  }
0x2c: {  	_ =	swait.ge [sflag:s14], $0x1F8  }
0x2d: {  	s29 =	smov.u32 s13;
	[sflag:s14] =	ssyncset.done $0x0  }
0x2e: {  	s30 =	smov.u32 s12;
	s31 =	simm.s32 $0x0;
	[sflag:s14] =	ssyncadd.s32 $0xFFFFFE08  }
0x2f: {  	[tilespmem:s22], [sflag:$0x4] =	stream.indirect.gather [hbm4b:s4+s15], $0x20, s21, s15, $0xb8;
	[tilespmem:$0x101E0] =	vst v63  }
.LBB2_2:
0x30: {  	_ =	swait.ge [sflag:s23], $0x3E80  }
0x31: {  	[sflag:s23] =	ssyncset.done $0x0  }
0x32: {  	s0 =	sadd.s32 $0xFFFFF830, s30;
	[sflag:s23] =	ssyncadd.s32 $0xFFFFC180  }
0x33: {  	[hbm4b:s0+s2] =	stream.linear.scatter [tilespmem:s16], [sflag:$0x5], $0x3E80, $0x38;
	[tilespmem:$0x101E0] =	vst v63  }
0x34: {  	_ =	swait.ge [sflag:s14], $0x3E80  }
0x35: {  	[sflag:s14] =	ssyncset.done $0x0  }
0x36: {  	[sflag:s14] =	ssyncadd.s32 $0xFFFFC180  }
0x37: {  	_ =	swait.ge [sflag:s24], $0x3E80  }
0x38: {  	[sflag:s24] =	ssyncset.done $0x0  }
0x39: {  	s7 =	sadd.s32 $0xFFFFF830, s29;
	[sflag:s24] =	ssyncadd.s32 $0xFFFFC180  }
0x3a: {  	[hbm4b:s7+s2] =	stream.linear.scatter [tilespmem:s18], [sflag:$0x5], $0x3E80, $0x38;
	[tilespmem:$0x101E0] =	vst v63  }
0x3b: {  	p0 =	seq.s32 s31, $0xBD0;
	_ =	swait.ge [sflag:s14], $0x3E80  }
0x3c: {  	s0 =	sadd.s32 @!p0 s31, s10;
	[sflag:s14] =	ssyncset.done $0x0  }
0x3d: {  	s1 =	simm.s32 @!p0 $0x0;
	s0 =	sadd.s32 @!p0 $0x7E, s0;
	[sflag:s14] =	ssyncadd.s32 $0xFFFFC180  }
0x3e: {  	[tilespmem:s1], [sflag:$0x5] =	stream.linear.gather @!p0 [hbm4b:s0+s1], $0x1F8, $0x38;
	[tilespmem:$0x101E0] =	vst v63  }
0x3f: {  	s0 =	simm.s32 @!p0 $0x5  }
0x40: {  	_ =	swait.ge @!p0 [sflag:s0], $0x1F8  }
0x41: {  	[sflag:s0] =	ssyncset.done @!p0 $0x0  }
0x42: {  	s5 =	simm.s32 @!p0 $0x1F4;
	s6 =	simm.s32 @!p0 $0x7E0;
	[sflag:s0] =	ssyncadd.s32 @!p0 $0xFFFFFE08  }
0x43: {  	[tilespmem:s6], [sflag:$0x1] =	stream.indirect.gather @!p0 [hbm4b:s3+s5], $0x20, s1, s5, $0xb8;
	[tilespmem:$0x101E0] =	vst v63  }
0x44: {  	s6 =	sadd.s32 @!p0 s31, s11  }
0x45: {  	s7 =	simm.s32 @!p0 $0x3F0;
	s6 =	sadd.s32 @!p0 $0x7E, s6  }
0x46: {  	[tilespmem:s7], [sflag:$0x5] =	stream.linear.gather @!p0 [hbm4b:s6+s1], $0x1F8, $0x38;
	[tilespmem:$0x101E0] =	vst v63  }
0x47: {  	_ =	swait.ge @!p0 [sflag:s0], $0x1F8  }
0x48: {  	[sflag:s0] =	ssyncset.done @!p0 $0x0  }
0x49: {  	[sflag:s0] =	ssyncadd.s32 @!p0 $0xFFFFFE08;
	s0 =	simm.s32 @!p0 $0x84E0  }
0x4a: {  	[tilespmem:s0], [sflag:$0x3] =	stream.indirect.gather @!p0 [hbm4b:s4+s5], $0x20, s7, s5, $0xb8;
	[tilespmem:$0x101E0] =	vst v63  }
0x4b: {  	_ =	swait.ge [sflag:s25], $0x3E80  }
0x4c: {  	[sflag:s25] =	ssyncset.done $0x0  }
0x4d: {  	[sflag:s25] =	ssyncadd.s32 $0xFFFFC180  }
0x4e: {  	[hbm4b:s30+s2] =	stream.linear.scatter [tilespmem:s20], [sflag:$0x5], $0x3E80, $0x38;
	[tilespmem:$0x101E0] =	vst v63  }
0x4f: {  	_ =	swait.ge [sflag:s14], $0x3E80  }
0x50: {  	[sflag:s14] =	ssyncset.done $0x0  }
0x51: {  	[sflag:s14] =	ssyncadd.s32 $0xFFFFC180  }
0x52: {  	_ =	swait.ge [sflag:s26], $0x3E80  }
0x53: {  	[sflag:s26] =	ssyncset.done $0x0  }
.Ltmp2:
0x54: {  	[sflag:s26] =	ssyncadd.s32 $0xFFFFC180;
	(pc) =	sbr.rel @p0 .LBB2_4-.Ltmp2, $4  }
0x55: {  	[hbm4b:s29+s2] =	stream.linear.scatter [tilespmem:s22], [sflag:$0x5], $0x3E80, $0x38;
	[tilespmem:$0x101E0] =	vst v63  }
0x56: {  	_ =	swait.ge [sflag:s14], $0x3E80  }
0x57: {  	[sflag:s14] =	ssyncset.done $0x0  }
0x58: {  	[sflag:s14] =	ssyncadd.s32 $0xFFFFC180  }
0x59: {  	s0 =	sadd.s32 s31, s10  }
0x5a: {  	s0 =	sadd.s32 $0xBD, s0  }
0x5b: {  	[tilespmem:s19], [sflag:$0x5] =	stream.linear.gather [hbm4b:s0+s2], $0x1F8, $0x38;
	[tilespmem:$0x101E0] =	vst v63  }
0x5c: {  	_ =	swait.ge [sflag:s14], $0x1F8  }
0x5d: {  	[sflag:s14] =	ssyncset.done $0x0  }
0x5e: {  	s7 =	sadd.s32 s31, s11;
	[sflag:s14] =	ssyncadd.s32 $0xFFFFFE08  }
0x5f: {  	[tilespmem:s20], [sflag:$0x2] =	stream.indirect.gather [hbm4b:s3+s15], $0x20, s19, s15, $0xb8;
	[tilespmem:$0x101E0] =	vst v63  }
0x60: {  	s0 =	sadd.s32 $0xBD, s7  }
0x61: {  	[tilespmem:s21], [sflag:$0x5] =	stream.linear.gather [hbm4b:s0+s2], $0x1F8, $0x38;
	[tilespmem:$0x101E0] =	vst v63  }
.Ltmp3:
0x62: {  	_ = 	snop;
	(pc) =	sbr.rel .LBB2_2-.Ltmp3, $4  }
0x63: {  	_ =	swait.ge [sflag:s14], $0x1F8  }
0x64: {  	s31 =	sadd.s32 $0x7E, s31;
	[sflag:s14] =	ssyncset.done $0x0  }
0x65: {  	s30 =	sadd.s32 $0xFA0, s30;
	s29 =	sadd.s32 $0xFA0, s29;
	[sflag:s14] =	ssyncadd.s32 $0xFFFFFE08  }
0x66: {  	[tilespmem:s22], [sflag:$0x4] =	stream.indirect.gather [hbm4b:s4+s15], $0x20, s21, s15, $0xb8;
	[tilespmem:$0x101E0] =	vst v63  }
.LBB2_5:
0x67: {  	_ =	sfence.sel $0x180000  }
0x68: {  	[bflag:$0x0] =	sbarrier.arrive $0xFFFF  }
0x69: {  	_ =	strace $0x90000047  }
0x6a: {  	s0 =	stileid.u32;
	[bflag:$0x2] =	sbarrier.arrive $0xFFFF  }
0x6b: {  	p0 =	sne.s32 s0, $0x0;
	s0 =	rddreg [dreg:$0x1]  }
0x6c: {  	s0 =	sadd.s32 @!p0 $0x100000, s0  }
0x6d: {  	[sflag:s0] =	ssyncadd.tile.s32 @!p0 $0x1;
	_ =	shalt  }
.Lfunc_end2:
_tile_overlayer_lowered:
.L_overlay_start_2:
0x6e: {  	(tag) =	ssettag $0x2  }
0x6f: {  	s0 =	rddreg [dreg:$0x0];
	s2 =	stileid.u32  }
0x70: {  	s1 =	rddreg [dreg:$0x1];
	p0 =	sne.s32 s2, $0x0  }
0x71: {  	s3 =	rddreg [dreg:$0x2];
	[bflag:$0x3] =	sbarrier.arrive $0xFFFF;
	s2 =	simm.s32 @!p0 $0x1C05  }
0x72: {  	[timem:s3], [sflag:s2] =	dma.local @!p0 [hbm:s0], s1  }
0x73: {  	s0 =	simm.s32 @!p0 $0x5  }
0x74: {  	_ =	swait.ge @!p0 [sflag:s0], s1  }
0x75: {  	s1 =	ssub.s32 @!p0 $0x0, s1;
	[sflag:s0] =	ssyncset.done @!p0 $0x0  }
0x76: {  	[sflag:s0] =	ssyncadd.s32 @!p0 s1  }
0x77: {  	[bflag:$0x3] =	sbarrier.arrive $0xFFFF  }
0x78: {  	_ =	shalt  }

// kernel: kernel.23.cloned.1.call-start
scs
__scs_entry_jumppad:
0x0: {  	(pc) =	sbr.rel $0x88, $3  }
0x1: {  	(tag) =	ssettag $0x0;
	lr =	simm.s32 $0x1  }
0x2: {  	[smem:$0x3F8C] =	sst lr;
	_ =	strace $0xD0000000  }
0x3: {  	_ = 	snop  }
0x4: {  	_ = 	snop  }
0x5: {  	_ = 	snop  }
0x6: {  	_ = 	snop  }
0x7: {  	_ = 	snop  }
__scs_overlays_trampoline_lowered:
0x8: {  	[smem:$0x3F9B] =	sst s0  }
0x9: {  	[smem:$0x3F9C] =	sst s1  }
0xa: {  	[smem:$0x3F9D] =	sst s2  }
0xb: {  	[smem:$0x3F9E] =	sst s3  }
0xc: {  	[smem:$0x3F9F] =	sst s4  }
0xd: {  	[smem:$0x3FA0] =	sst s5  }
0xe: {  	[smem:$0x3FA1] =	sst s6  }
0xf: {  	[smem:$0x3FA2] =	sst s7  }
0x10: {  	[smem:$0x3FA3] =	sst s8  }
0x11: {  	[smem:$0x3FA4] =	sst s9;
	s0 =	simm.s32 @!p0 $0x0  }
0x12: {  	s1 =	sld [smem:$0x3F8A];
	s0 =	simm.s32 @p0 $0x1  }
0x13: {  	[smem:$0x3FA5] =	sst s0;
	s0 =	simm.s32 @!p1 $0x0  }
0x14: {  	s2 =	sld [smem:$0x3F89];
	s0 =	simm.s32 @p1 $0x1  }
0x15: {  	[smem:$0x3FA6] =	sst s0;
	s0 =	simm.s32 @!p2 $0x0  }
0x16: {  	s3 =	sld [smem:$0x3FDB];
	s0 =	simm.s32 @p2 $0x1  }
0x17: {  	s4 =	simm.s32 $0x1BF5;
	[smem:$0x3FA8] =	sst s0  }
0x18: {  	s0 =	sld [smem:$0x3F8B];
	_ =	swait.ge [sflag:s4], $0x0  }
0x19: {  	s7 =	sld [smem:$0x3F8C]  }
0x1a: {  	s8 =	sadd.s32 $0xFFFFE003, lr  }
0x1b: {  	s9 =	sadd.s32 $0xFFFFFEF7, lr;
	s5 =	simm.s32 $0xFFFFFFFF;
	p2 =	slt.u32 s8, $0xFFFFF086  }
0x1c: {  	p1 =	slt.u32 s9, $0xF7A;
	s5 =	simm.s32 @!p2 $0x0  }
0x1d: {  	s5 =	simm.s32 @p1 $0x1;
	p0 =	seq.s32 s7, s2  }
0x1e: {  	s7 =	smul.u32 @!p0 $0xF7A, s2;
	p2 =	seq.s32 @!p0 s5, $0x0  }
0x1f: {  	s9 =	smul.u32 $0xF7A, s1;
	s8 =	simm.s32 @!p0 $0x1BF5;
	p2 =	por !p2, p0  }
0x20: {  	[sflag:s8] =	ssyncset.s32 @!p0 $0xFFFFF086;
	s6 =	sadd.s32 @!p0 s3, s7;
	s7 =	simm.s32 @!p0 $0x108  }
0x21: {  	s3 =	sadd.s32 s3, s9;
	s6 =	sadd.s32 @!p0 $0x88, s6;
	s7 =	simm.s32 @p2 $0x1082  }
0x22: {  	[simem:s7], [sflag:s8] =	dma.local @!p0 [hbm:s6], $0xF7A  }
0x23: {  	s9 =	sor.u32 $0xD0000000, s2;
	s6 =	simm.s32 $0x108;
	_ =	swait.ge @!p0 [sflag:s8], $0x0  }
0x24: {  	s3 =	sadd.s32 $0x88, s3;
	s6 =	simm.s32 @!p1 $0x1082;
	[sflag:s4] =	ssyncset.s32 $0xFFFFF086  }
0x25: {  	[simem:s6], [sflag:s4] =	dma.local [hbm:s3], $0xF7A  }
0x26: {  	[smem:$0x3F8C] =	sst s1;
	(tag) =	ssettag s2;
	_ =	strace s9  }
0x27: {  	s1 =	sld [smem:$0x3F9C]  }
0x28: {  	s2 =	sld [smem:$0x3F9D]  }
0x29: {  	s4 =	sld [smem:$0x3F9F]  }
0x2a: {  	p0 =	seq.s32 s5, $0x0;
	s5 =	sld [smem:$0x3FA0]  }
0x2b: {  	s6 =	sld [smem:$0x3FA1]  }
0x2c: {  	s7 =	sld [smem:$0x3FA2]  }
0x2d: {  	s3 =	simm.s32 $0x108;
	s8 =	sld [smem:$0x3FA3]  }
0x2e: {  	s3 =	simm.s32 @!p0 $0x1082;
	s9 =	sld [smem:$0x3FA4]  }
0x2f: {  	lr =	sadd.s32 s0, s3;
	s0 =	sld [smem:$0x3F9B]  }
0x30: {  	s3 =	sld [smem:$0x3F9E]  }
0x31: {  	[smem:$0x3FA7] =	sst s10  }
0x32: {  	s10 =	sld [smem:$0x3FA5];
	_ =	sdelay $0x3  }
0x33: {  	p0 =	seq.s32 s10, $0x1;
	s10 =	sld [smem:$0x3FA7];
	_ =	sdelay $0x3  }
0x34: {  	[smem:$0x3FA7] =	sst s10  }
0x35: {  	s10 =	sld [smem:$0x3FA6];
	_ =	sdelay $0x3  }
0x36: {  	p1 =	seq.s32 s10, $0x1;
	s10 =	sld [smem:$0x3FA7];
	_ =	sdelay $0x3  }
0x37: {  	[smem:$0x3FA7] =	sst s10  }
0x38: {  	s10 =	sld [smem:$0x3FA8]  }
0x39: {  	_ = 	snop;
	(pc) =	sbr.ind lr, $3  }
0x3a: {  	_ = 	snop  }
0x3b: {  	_ = 	snop  }
0x3c: {  	p2 =	seq.s32 s10, $0x1;
	s10 =	sld [smem:$0x3FA7]  }
0x3d: {  	_ =	shalt  }
0x3e: {  	_ =	shalt  }
0x3f: {  	_ =	shalt  }
0x40: {  	_ =	shalt  }
0x41: {  	_ =	shalt  }
0x42: {  	_ =	shalt  }
0x43: {  	_ =	shalt  }
0x44: {  	_ =	shalt  }
0x45: {  	_ =	shalt  }
0x46: {  	_ =	shalt  }
0x47: {  	_ =	shalt  }
0x48: {  	_ =	shalt  }
0x49: {  	_ =	shalt  }
0x4a: {  	_ =	shalt  }
0x4b: {  	_ =	shalt  }
0x4c: {  	_ =	shalt  }
0x4d: {  	_ =	shalt  }
0x4e: {  	_ =	shalt  }
0x4f: {  	_ =	shalt  }
0x50: {  	_ =	shalt  }
0x51: {  	_ =	shalt  }
0x52: {  	_ =	shalt  }
0x53: {  	_ =	shalt  }
0x54: {  	_ =	shalt  }
0x55: {  	_ =	shalt  }
0x56: {  	_ =	shalt  }
0x57: {  	_ =	shalt  }
0x58: {  	_ =	shalt  }
0x59: {  	_ =	shalt  }
0x5a: {  	_ =	shalt  }
0x5b: {  	_ =	shalt  }
0x5c: {  	_ =	shalt  }
0x5d: {  	_ =	shalt  }
0x5e: {  	_ =	shalt  }
0x5f: {  	_ =	shalt  }
0x60: {  	_ =	shalt  }
0x61: {  	_ =	shalt  }
0x62: {  	_ =	shalt  }
0x63: {  	_ =	shalt  }
0x64: {  	_ =	shalt  }
0x65: {  	_ =	shalt  }
0x66: {  	_ =	shalt  }
0x67: {  	_ =	shalt  }
0x68: {  	_ =	shalt  }
0x69: {  	_ =	shalt  }
0x6a: {  	_ =	shalt  }
0x6b: {  	_ =	shalt  }
0x6c: {  	_ =	shalt  }
0x6d: {  	_ =	shalt  }
0x6e: {  	_ =	shalt  }
0x6f: {  	_ =	shalt  }
0x70: {  	_ =	shalt  }
0x71: {  	_ =	shalt  }
0x72: {  	_ =	shalt  }
0x73: {  	_ =	shalt  }
0x74: {  	_ =	shalt  }
0x75: {  	_ =	shalt  }
0x76: {  	_ =	shalt  }
0x77: {  	_ =	shalt  }
0x78: {  	_ =	shalt  }
0x79: {  	_ =	shalt  }
0x7a: {  	_ =	shalt  }
0x7b: {  	_ =	shalt  }
0x7c: {  	_ =	shalt  }
0x7d: {  	_ =	shalt  }
0x7e: {  	_ =	shalt  }
0x7f: {  	_ =	shalt  }
0x80: {  	_ =	shalt  }
0x81: {  	_ =	shalt  }
0x82: {  	_ =	shalt  }
0x83: {  	_ =	shalt  }
0x84: {  	_ =	shalt  }
0x85: {  	_ =	shalt  }
0x86: {  	_ =	shalt  }
0x87: {  	_ =	shalt  }
.Lfunc_end0:
.L_simem_size_0:
called_computation.2_lowered:
.L_overlay_start_0:
0x88: {  	s2 =	sld [smem:$0x3FD9]  }
0x89: {  	s3 =	sld [smem:$0x3FFE];
	_ =	sdelay $0x1  }
0x8a: {  	s1 =	srdreg.scid  }
0x8b: {  	s0 =	sand.u32 $0x1, s1  }
0x8c: {  	s17 =	sshll.u32 s0, $0xA;
	s2 =	sadd.s32 s3, s2  }
0x8d: {  	s2 =	sadd.s32 s2, s17  }
0x8e: {  	[smem:$0x3FB3] =	sst s2  }
0x8f: {  	_ = 	snop  }
0x90: {  	(tm) =	ssettm $0x1  }
0x91: {  	s18 =	sld [smem:$0x3FFB];
	_ =	sdelay $0x3  }
0x92: {  	_ =	strace s18  }
0x93: {  	s2 =	sld [smem:$0x3FFC];
	_ =	sdelay $0x3  }
0x94: {  	_ =	strace s2  }
0x95: {  	s2 =	sld [smem:$0x3FFD];
	_ =	sdelay $0x3  }
0x96: {  	_ =	strace s2  }
0x97: {  	_ =	strace $0x8FFFFFFF  }
0x98: {  	s19 =	sld [smem:$0x3FDB];
	_ =	sdelay $0x1  }
0x99: {  	s20 =	simm.s32 $_scs_section_size  }
0x9a: {  	s4 =	simm.s32 $_size__tile_overlayer_lowered;
	s5 =	simm.s32 $_tile_overlayer_lowered  }
0x9b: {  	s6 =	simm.s32 $0x1BFF;
	s21 =	sshll.u32 s5, $0x1;
	s3 =	sadd.s32 s20, s19  }
0x9c: {  	s22 =	simm.s32 $0x0;
	s4 =	sshll.u32 s4, $0x1;
	s5 =	sadd.s32 s21, s3  }
0x9d: {  	[timem:s22], [sflag:s6] =	dma.local [hbm:s5], s4  }
0x9e: {  	_ =	swait.ge [sflag:s6], s4  }
0x9f: {  	s4 =	ssub.s32 $0x0, s4;
	[sflag:s6] =	ssyncset.done $0x0  }
0xa0: {  	[sflag:s6] =	ssyncadd.s32 s4;
	_ =	sdelay $0x1  }
0xa1: {  	s23 =	simm.s32 $0x1B8B  }
0xa2: {  	_ =	swait.ge [sflag:s23], $0x1  }
0xa3: {  	[sflag:s23] =	ssyncset.done $0x0  }
0xa4: {  	[sflag:s23] =	ssyncadd.s32 $0xFFFFFFFF  }
0xa5: {  	s4 =	sld [smem:$0x0]  }
0xa6: {  	s5 =	sand.u32 $0xFFFFFFFE, s1  }
0xa7: {  	p0 =	sne.s32 s1, s5  }
0xa8: {  	s5 =	sshll.u32 @p0 s5, $0xE  }
0xa9: {  	s5 =	sadd.s32 @p0 $0x11B8D, s5;
	s6 =	sshll.u32 @p0 s4, $0x11  }
0xaa: {  	s5 =	sor.u32 @p0 s6, s5  }
0xab: {  	[sflag:s5] =	ssyncadd.remote.s32 @p0 $0x1;
	_ =	sdelay $0x1  }
0xac: {  	s5 =	simm.s32 @p0 $0x1B8D  }
0xad: {  	_ =	swait.eq @p0 [sflag:s5], $0x1  }
0xae: {  	[sflag:s5] =	ssyncadd.s32 @p0 $0xFFFFFFFF  }
0xaf: {  	s6 =	sshll.u32 @!p0 s1, $0xE  }
0xb0: {  	s6 =	sor.u32 @!p0 $0x4000, s6;
	s5 =	simm.s32 @!p0 $0x1B8D  }
0xb1: {  	s4 =	sshll.u32 @!p0 s4, $0x11;
	s6 =	sadd.s32 @!p0 $0x11B8D, s6;
	_ =	swait.eq @!p0 [sflag:s5], $0x1  }
0xb2: {  	s4 =	sor.u32 @!p0 s4, s6;
	[sflag:s5] =	ssyncadd.s32 @!p0 $0xFFFFFFFF  }
0xb3: {  	s25 =	simm.s32 $0x1B8E;
	s24 =	sld [smem:$0x3FFE];
	[sflag:s4] =	ssyncadd.remote.s32 @!p0 $0x1  }
0xb4: {  	s26 =	simm.s32 $execute0_lowered;
	[smem:$0x3FD2] =	sst s25  }
0xb5: {  	s5 =	sshll.u32 s26, $0x1;
	_ =	strace $0x8000004C;
	[dreg:$0x1] =	wrdreg $0xFFFFFFFF  }
0xb6: {  	s28 =	simm.s32 $_size_execute0_lowered;
	s3 =	sadd.s32 s3, s5;
	[dreg:$0x0] =	wrdreg $0x0  }
0xb7: {  	s5 =	sshll.u32 s28, $0x1;
	[dreg:$0x2] =	wrdreg s3  }
0xb8: {  	[dreg:$0x3] =	wrdreg s5  }
0xb9: {  	[dreg:$0x4] =	wrdreg $0xC0  }
0xba: {  	_ =	task [dreg:s22], $0x5FFFF  }
0xbb: {  	[dreg:$0x1] =	wrdreg $0xFFFFFFFF  }
0xbc: {  	[dreg:$0x0] =	wrdreg $0x60  }
0xbd: {  	[dreg:$0x2] =	wrdreg s24  }
0xbe: {  	[dreg:$0x3] =	wrdreg $0x40800  }
0xbf: {  	[dreg:$0x4] =	wrdreg $0xA  }
0xc0: {  	_ =	task.clear_ibuf [dreg:s22], $0x5FFFF;
	_ =	strace $0x9000004C  }
0xc1: {  	s29 =	simm.s32 $0xA;
	_ =	strace $0x8000004E  }
0xc2: {  	_ =	swait.ge [sflag:s29], $0x1  }
0xc3: {  	[sflag:s29] =	ssyncadd.s32 $0xFFFFFFFF  }
0xc4: {  	_ =	strace $0x9000004E  }
0xc5: {  	_ =	sfence  }
0xc6: {  	s30 =	sld [smem:$0x0];
	_ =	sdelay $0x2  }
0xc7: {  	s31 =	sshll.u32 s1, $0xD;
	s1 =	sshrl.u32 s1, $0x2  }
0xc8: {  	s4 =	sand.u32 $0x4000, s31;
	s1 =	sadd.s32 s1, s30  }
0xc9: {  	s0 =	sor.u32 s4, s0;
	s1 =	sshll.u32 s1, $0x11  }
0xca: {  	s0 =	sor.u32 s1, s0  }
0xcb: {  	s0 =	sadd.s32 $0x8F2B, s0  }
0xcc: {  	[sflag:s0] =	ssyncadd.remote.s32 $0x1  }
0xcd: {  	_ =	sfence.sel $0xFFFF  }
0xce: {  	[dreg:$0x0] =	wrdreg $0xFFFFFFFF;
	(pc) =	sbr.abs _section_cstart, $3  }
0xcf: {  	[dreg:$0x1] =	wrdreg $0xFFFFFFFF  }
0xd0: {  	_ =	task.clear_ibuf [dreg:s22], $0x2FFFF;
	_ =	strace $0x9FFFFFFF  }
0xd1: {  	(tm) =	ssettm $0x7FFFFFFF  }
tec
execute0_lowered:
.L_overlay_start_1:
0x0: {  	(tag) =	ssettag $0x1  }
0x1: {  	s5 =	rddreg [dreg:$0x0]  }
0x2: {  	s2 =	rddreg [dreg:$0x1]  }
0x3: {  	s0 =	rddreg [dreg:$0x2];
	s3 =	simm.s32 $0x0;
	s1 =	stileid.u32  }
0x4: {  	s4 =	srdreg.scid;
	s19 =	simm.s32 $0x2140;
	s6 =	smul.u32 $0x186A0, s1  }
0x5: {  	s20 =	simm.s32 $0x1;
	s21 =	simm.s32 $0x3;
	s28 =	smul.u32 $0xC8, s1  }
0x6: {  	s22 =	simm.s32 $0xFA;
	s10 =	sand.u32 $0x1, s4;
	s18 =	smul.u32 $0x30D40, s1  }
0x7: {  	s23 =	simm.s32 $0x2;
	[smem:$0x7FF] =	sst s3;
	s7 =	smul.u32 $0x186A00, s10  }
0x8: {  	s11 =	sadd.s32 $0x933E00, s5;
	s8 =	sshll.u32 s1, $0x1;
	s17 =	smul.u32 $0x64, s10  }
0x9: {  	s12 =	sadd.s32 $0xF4E00, s5;
	s8 =	sor.u32 s10, s8;
	s30 =	smul.u32 $0x186A0, s10  }
0xa: {  	s4 =	sadd.s32 $0xBE00, s5;
	s26 =	sshll.u32 s1, $0x6;
	s13 =	smul.u32 $0x64, s8  }
0xb: {  	_ =	strace $0x8000004D;
	s9 =	ssub.s32 $0x2, s10;
	s25 =	smul.u32 $0xC80, s8  }
0xc: {  	s24 =	sshrl.u32 s9, $0x1;
	s8 =	smul.u32 $0x186A0, s8;
	s16 =	sadd.s32 s6, s2  }
0xd: {  	s31 =	sadd.s32 s18, s11;
	s18 =	simm.s32 $0x100;
	s7 =	sadd.s32 s6, s7  }
0xe: {  	s15 =	ssub.s32 s9, s24;
	s17 =	sadd.s32 s17, s28;
	s24 =	simm.s32 $0x4  }
0xf: {  	s7 =	sshrl.u32 s7, $0x3;
	s6 =	sadd.s32 s12, s25;
	s13 =	sor.u32 $0x1, s13  }
0x10: {  	s17 =	sshll.u32 s17, $0x5;
	s25 =	simm.s32 $0x0;
	s14 =	sadd.s32 s7, s5  }
0x11: {  	s5 =	sor.u32 $0x1C05, s26;
	s7 =	sadd.s32 s11, s8;
	s29 =	sshll.u32 s13, $0x5  }
0x12: {  	s13 =	smul.u32 $0x3E8, s13;
	s17 =	sadd.s32 s17, s12;
	s8 =	sadd.s32 s12, s29  }
0x13: {  	s10 =	sadd.s32 $0x10DE00, s14;
	s12 =	sadd.s32 s30, s31;
	s14 =	sadd.s32 $0x40, s17  }
0x14: {  	s9 =	sadd.s32 s11, s13;
	s11 =	smax.u32 s15, $0x1;
	s13 =	sadd.s32 $0x60, s17  }
0x15: {  	s15 =	sshrl.u32 s16, $0x3;
	s16 =	simm.s32 $0x5;
	s17 =	simm.s32 $0x200  }
.LBB2_1:
0x16: {  	[spmem:s15], [sflag:s5] =	dma.local [hbm:s4], $0x30D4  }
0x17: {  	_ =	swait.ge [sflag:s16], $0x30D4  }
0x18: {  	[sflag:s16] =	ssyncset.done $0x0  }
0x19: {  	[sflag:s16] =	ssyncadd.s32 $0xFFFFCF2C  }
0x1a: {  	[bflag:$0x0] =	sbarrier.arrive $0xFFFF  }
0x1b: {  	[tilespmem:s3], [sflag:$0x1] =	stream.linear.gather [hbm4b:s6+s3], $0x100, $0x38;
	[tilespmem:$0x1C720] =	vst v63  }
0x1c: {  	_ = 	snop  }
0x1d: {  	[tilespmem:s17], [sflag:$0x3] =	stream.linear.gather [hbm4b:s7+s3], $0x1F40, $0x38;
	[tilespmem:$0x1C720] =	vst v63  }
0x1e: {  	_ = 	snop  }
0x1f: {  	[tilespmem:s18], [sflag:$0x2] =	stream.linear.gather [hbm4b:s8+s3], $0x100, $0x38;
	[tilespmem:$0x1C720] =	vst v63  }
0x20: {  	_ = 	snop  }
0x21: {  	[tilespmem:s19], [sflag:$0x4] =	stream.linear.gather [hbm4b:s9+s3], $0x1F40, $0x38;
	[tilespmem:$0x1C720] =	vst v63  }
0x22: {  	_ =	swait.ge [sflag:s20], $0x100  }
0x23: {  	[sflag:s20] =	ssyncset.done $0x0  }
0x24: {  	[sflag:s20] =	ssyncadd.s32 $0xFFFFFF00  }
0x25: {  	_ =	swait.ge [sflag:s21], $0x1F40  }
0x26: {  	[sflag:s21] =	ssyncset.done $0x0  }
0x27: {  	[sflag:s21] =	ssyncadd.s32 $0xFFFFE0C0  }
0x28: {  	[spmem:s2] =	stream.indirect.scatter.add.f32 [tilespmem:s17], [sflag:$0x5], $0x20, s3, s22, $0xb8;
	[tilespmem:$0x1C720] =	vst v63  }
0x29: {  	_ =	swait.ge [sflag:s16], $0x1F40  }
0x2a: {  	[sflag:s16] =	ssyncset.done $0x0  }
0x2b: {  	s28 =	sadd.s32 $0x0, s12;
	[sflag:s16] =	ssyncadd.s32 $0xFFFFE0C0  }
0x2c: {  	[tilespmem:s3], [sflag:$0x1] =	stream.linear.gather [hbm4b:s14+s3], $0x100, $0x38;
	[tilespmem:$0x1C720] =	vst v63  }
0x2d: {  	s26 =	sadd.s32 $0x7D0, s28  }
0x2e: {  	[tilespmem:s17], [sflag:$0x3] =	stream.linear.gather [hbm4b:s26+s3], $0x1F40, $0x38;
	[tilespmem:$0x1C720] =	vst v63  }
0x2f: {  	_ =	swait.ge [sflag:s23], $0x100  }
0x30: {  	[sflag:s23] =	ssyncset.done $0x0  }
0x31: {  	[sflag:s23] =	ssyncadd.s32 $0xFFFFFF00  }
0x32: {  	_ =	swait.ge [sflag:s24], $0x1F40  }
0x33: {  	[sflag:s24] =	ssyncset.done $0x0  }
0x34: {  	[sflag:s24] =	ssyncadd.s32 $0xFFFFE0C0  }
0x35: {  	[spmem:s2] =	stream.indirect.scatter.add.f32 [tilespmem:s19], [sflag:$0x5], $0x20, s18, s22, $0xb8;
	[tilespmem:$0x1C720] =	vst v63  }
0x36: {  	_ =	swait.ge [sflag:s16], $0x1F40  }
0x37: {  	s29 =	sadd.s32 $0x40, s14;
	s30 =	sadd.s32 $0xBB8, s28;
	[sflag:s16] =	ssyncset.done $0x0  }
0x38: {  	s28 =	sadd.s32 $0x40, s13;
	s26 =	simm.s32 $0x7D0;
	[sflag:s16] =	ssyncadd.s32 $0xFFFFE0C0  }
0x39: {  	[tilespmem:s18], [sflag:$0x2] =	stream.linear.gather [hbm4b:s13+s3], $0x100, $0x38;
	[tilespmem:$0x1C720] =	vst v63  }
.LBB2_2:
0x3a: {  	[tilespmem:s19], [sflag:$0x4] =	stream.linear.gather [hbm4b:s30+s3], $0x1F40, $0x38;
	[tilespmem:$0x1C720] =	vst v63  }
0x3b: {  	s30 =	smov.u32 s26  }
0x3c: {  	p0 =	sne.s32 s26, $0x17700;
	s26 =	sadd.s32 $0x7D0, s26;
	_ =	swait.ge [sflag:s20], $0x100  }
0x3d: {  	[sflag:s20] =	ssyncset.done $0x0  }
0x3e: {  	[sflag:s20] =	ssyncadd.s32 $0xFFFFFF00  }
0x3f: {  	_ =	swait.ge [sflag:s21], $0x1F40  }
0x40: {  	[sflag:s21] =	ssyncset.done $0x0  }
0x41: {  	[sflag:s21] =	ssyncadd.s32 $0xFFFFE0C0  }
0x42: {  	[spmem:s2] =	stream.indirect.scatter.add.f32 [tilespmem:s17], [sflag:$0x5], $0x20, s3, s22, $0xb8;
	[tilespmem:$0x1C720] =	vst v63  }
0x43: {  	_ =	swait.ge [sflag:s16], $0x1F40  }
0x44: {  	[sflag:s16] =	ssyncset.done $0x0  }
0x45: {  	s30 =	sadd.s32 s30, s12;
	[sflag:s16] =	ssyncadd.s32 $0xFFFFE0C0  }
0x46: {  	[tilespmem:s3], [sflag:$0x1] =	stream.linear.gather [hbm4b:s29+s3], $0x100, $0x38;
	[tilespmem:$0x1C720] =	vst v63  }
0x47: {  	s31 =	sadd.s32 $0x7D0, s30  }
0x48: {  	[tilespmem:s17], [sflag:$0x3] =	stream.linear.gather [hbm4b:s31+s3], $0x1F40, $0x38;
	[tilespmem:$0x1C720] =	vst v63  }
0x49: {  	_ =	swait.ge [sflag:s23], $0x100  }
0x4a: {  	[sflag:s23] =	ssyncset.done $0x0  }
0x4b: {  	[sflag:s23] =	ssyncadd.s32 $0xFFFFFF00  }
0x4c: {  	_ =	swait.ge [sflag:s24], $0x1F40  }
0x4d: {  	[sflag:s24] =	ssyncset.done $0x0  }
0x4e: {  	[sflag:s24] =	ssyncadd.s32 $0xFFFFE0C0  }
0x4f: {  	[spmem:s2] =	stream.indirect.scatter.add.f32 [tilespmem:s19], [sflag:$0x5], $0x20, s18, s22, $0xb8;
	[tilespmem:$0x1C720] =	vst v63  }
.Ltmp0:
0x50: {  	_ =	swait.ge [sflag:s16], $0x1F40;
	(pc) =	sbr.rel @p0 .LBB2_2-.Ltmp0, $4  }
0x51: {  	[sflag:s16] =	ssyncset.done $0x0  }
0x52: {  	[sflag:s16] =	ssyncadd.s32 $0xFFFFE0C0  }
0x53: {  	[tilespmem:s18], [sflag:$0x2] =	stream.linear.gather [hbm4b:s28+s3], $0x100, $0x38;
	[tilespmem:$0x1C720] =	vst v63  }
0x54: {  	s30 =	sadd.s32 $0xBB8, s30;
	s29 =	sadd.s32 $0x40, s29;
	s28 =	sadd.s32 $0x40, s28  }
0x55: {  	[tilespmem:s19], [sflag:$0x4] =	stream.linear.gather [hbm4b:s30+s3], $0x1F40, $0x38;
	[tilespmem:$0x1C720] =	vst v63  }
0x56: {  	_ =	swait.ge [sflag:s20], $0x100  }
0x57: {  	[sflag:s20] =	ssyncset.done $0x0  }
0x58: {  	[sflag:s20] =	ssyncadd.s32 $0xFFFFFF00  }
0x59: {  	_ =	swait.ge [sflag:s21], $0x1F40  }
0x5a: {  	[sflag:s21] =	ssyncset.done $0x0  }
0x5b: {  	[sflag:s21] =	ssyncadd.s32 $0xFFFFE0C0  }
0x5c: {  	[spmem:s2] =	stream.indirect.scatter.add.f32 [tilespmem:s17], [sflag:$0x5], $0x20, s3, s22, $0xb8;
	[tilespmem:$0x1C720] =	vst v63  }
0x5d: {  	_ =	swait.ge [sflag:s16], $0x1F40  }
0x5e: {  	[sflag:s16] =	ssyncset.done $0x0  }
0x5f: {  	[sflag:s16] =	ssyncadd.s32 $0xFFFFE0C0  }
0x60: {  	_ =	swait.ge [sflag:s23], $0x100  }
0x61: {  	[sflag:s23] =	ssyncset.done $0x0  }
0x62: {  	[sflag:s23] =	ssyncadd.s32 $0xFFFFFF00  }
0x63: {  	_ =	swait.ge [sflag:s24], $0x1F40  }
0x64: {  	[sflag:s24] =	ssyncset.done $0x0  }
0x65: {  	[sflag:s24] =	ssyncadd.s32 $0xFFFFE0C0  }
0x66: {  	[spmem:s2] =	stream.indirect.scatter.add.f32 [tilespmem:s19], [sflag:$0x5], $0x20, s18, s22, $0xb8;
	[tilespmem:$0x1C720] =	vst v63  }
0x67: {  	_ =	swait.ge [sflag:s16], $0x1F40  }
0x68: {  	s25 =	sadd.s32 $0x1, s25;
	[sflag:s16] =	ssyncset.done $0x0  }
0x69: {  	p0 =	sne.s32 s25, s11;
	[sflag:s16] =	ssyncadd.s32 $0xFFFFE0C0  }
.Ltmp1:
0x6a: {  	[bflag:$0x0] =	sbarrier.arrive $0xFFFF;
	(pc) =	sbr.rel @p0 .LBB2_1-.Ltmp1, $4  }
0x6b: {  	[hbm:s10], [sflag:s5] =	dma.local [spmem:s15], $0x30D4  }
0x6c: {  	_ =	swait.ge [sflag:s16], $0x30D4  }
0x6d: {  	[sflag:s16] =	ssyncset.done $0x0  }
0x6e: {  	[sflag:s16] =	ssyncadd.s32 $0xFFFFCF2C  }
0x6f: {  	_ =	sfence.sel $0x180000  }
0x70: {  	[bflag:$0x0] =	sbarrier.arrive $0xFFFF  }
0x71: {  	p0 =	sne.s32 s1, $0x0;
	_ =	strace $0x9000004D  }
0x72: {  	s0 =	sadd.s32 @!p0 $0x100000, s0;
	[bflag:$0x2] =	sbarrier.arrive $0xFFFF  }
0x73: {  	[sflag:s0] =	ssyncadd.tile.s32 @!p0 $0x1;
	_ =	shalt  }
.Lfunc_end2:
_tile_overlayer_lowered:
.L_overlay_start_2:
0x74: {  	(tag) =	ssettag $0x2  }
0x75: {  	s0 =	rddreg [dreg:$0x0];
	s2 =	stileid.u32  }
0x76: {  	s1 =	rddreg [dreg:$0x1];
	p0 =	sne.s32 s2, $0x0  }
0x77: {  	s3 =	rddreg [dreg:$0x2];
	[bflag:$0x3] =	sbarrier.arrive $0xFFFF;
	s2 =	simm.s32 @!p0 $0x1C05  }
0x78: {  	[timem:s3], [sflag:s2] =	dma.local @!p0 [hbm:s0], s1  }
0x79: {  	s0 =	simm.s32 @!p0 $0x5  }
0x7a: {  	_ =	swait.ge @!p0 [sflag:s0], s1  }
0x7b: {  	s1 =	ssub.s32 @!p0 $0x0, s1;
	[sflag:s0] =	ssyncset.done @!p0 $0x0  }
0x7c: {  	[sflag:s0] =	ssyncadd.s32 @!p0 s1  }
0x7d: {  	[bflag:$0x3] =	sbarrier.arrive $0xFFFF  }
0x7e: {  	_ =	shalt  }

// kernel: kernel.26.cloned.1.call-start
scs
__scs_entry_jumppad:
0x0: {  	(pc) =	sbr.rel $0x88, $3  }
0x1: {  	(tag) =	ssettag $0x0;
	lr =	simm.s32 $0x1  }
0x2: {  	[smem:$0x3F8C] =	sst lr;
	_ =	strace $0xD0000000  }
0x3: {  	_ = 	snop  }
0x4: {  	_ = 	snop  }
0x5: {  	_ = 	snop  }
0x6: {  	_ = 	snop  }
0x7: {  	_ = 	snop  }
__scs_overlays_trampoline_lowered:
0x8: {  	[smem:$0x3F9B] =	sst s0  }
0x9: {  	[smem:$0x3F9C] =	sst s1  }
0xa: {  	[smem:$0x3F9D] =	sst s2  }
0xb: {  	[smem:$0x3F9E] =	sst s3  }
0xc: {  	[smem:$0x3F9F] =	sst s4  }
0xd: {  	[smem:$0x3FA0] =	sst s5  }
0xe: {  	[smem:$0x3FA1] =	sst s6  }
0xf: {  	[smem:$0x3FA2] =	sst s7  }
0x10: {  	[smem:$0x3FA3] =	sst s8  }
0x11: {  	[smem:$0x3FA4] =	sst s9;
	s0 =	simm.s32 @!p0 $0x0  }
0x12: {  	s1 =	sld [smem:$0x3F8A];
	s0 =	simm.s32 @p0 $0x1  }
0x13: {  	[smem:$0x3FA5] =	sst s0;
	s0 =	simm.s32 @!p1 $0x0  }
0x14: {  	s2 =	sld [smem:$0x3F89];
	s0 =	simm.s32 @p1 $0x1  }
0x15: {  	[smem:$0x3FA6] =	sst s0;
	s0 =	simm.s32 @!p2 $0x0  }
0x16: {  	s3 =	sld [smem:$0x3FDB];
	s0 =	simm.s32 @p2 $0x1  }
0x17: {  	s4 =	simm.s32 $0x1BF5;
	[smem:$0x3FA8] =	sst s0  }
0x18: {  	s0 =	sld [smem:$0x3F8B];
	_ =	swait.ge [sflag:s4], $0x0  }
0x19: {  	s7 =	sld [smem:$0x3F8C]  }
0x1a: {  	s8 =	sadd.s32 $0xFFFFE003, lr  }
0x1b: {  	s9 =	sadd.s32 $0xFFFFFEF7, lr;
	s5 =	simm.s32 $0xFFFFFFFF;
	p2 =	slt.u32 s8, $0xFFFFF086  }
0x1c: {  	p1 =	slt.u32 s9, $0xF7A;
	s5 =	simm.s32 @!p2 $0x0  }
0x1d: {  	s5 =	simm.s32 @p1 $0x1;
	p0 =	seq.s32 s7, s2  }
0x1e: {  	s7 =	smul.u32 @!p0 $0xF7A, s2;
	p2 =	seq.s32 @!p0 s5, $0x0  }
0x1f: {  	s9 =	smul.u32 $0xF7A, s1;
	s8 =	simm.s32 @!p0 $0x1BF5;
	p2 =	por !p2, p0  }
0x20: {  	[sflag:s8] =	ssyncset.s32 @!p0 $0xFFFFF086;
	s6 =	sadd.s32 @!p0 s3, s7;
	s7 =	simm.s32 @!p0 $0x108  }
0x21: {  	s3 =	sadd.s32 s3, s9;
	s6 =	sadd.s32 @!p0 $0x88, s6;
	s7 =	simm.s32 @p2 $0x1082  }
0x22: {  	[simem:s7], [sflag:s8] =	dma.local @!p0 [hbm:s6], $0xF7A  }
0x23: {  	s9 =	sor.u32 $0xD0000000, s2;
	s6 =	simm.s32 $0x108;
	_ =	swait.ge @!p0 [sflag:s8], $0x0  }
0x24: {  	s3 =	sadd.s32 $0x88, s3;
	s6 =	simm.s32 @!p1 $0x1082;
	[sflag:s4] =	ssyncset.s32 $0xFFFFF086  }
0x25: {  	[simem:s6], [sflag:s4] =	dma.local [hbm:s3], $0xF7A  }
0x26: {  	[smem:$0x3F8C] =	sst s1;
	(tag) =	ssettag s2;
	_ =	strace s9  }
0x27: {  	s1 =	sld [smem:$0x3F9C]  }
0x28: {  	s2 =	sld [smem:$0x3F9D]  }
0x29: {  	s4 =	sld [smem:$0x3F9F]  }
0x2a: {  	p0 =	seq.s32 s5, $0x0;
	s5 =	sld [smem:$0x3FA0]  }
0x2b: {  	s6 =	sld [smem:$0x3FA1]  }
0x2c: {  	s7 =	sld [smem:$0x3FA2]  }
0x2d: {  	s3 =	simm.s32 $0x108;
	s8 =	sld [smem:$0x3FA3]  }
0x2e: {  	s3 =	simm.s32 @!p0 $0x1082;
	s9 =	sld [smem:$0x3FA4]  }
0x2f: {  	lr =	sadd.s32 s0, s3;
	s0 =	sld [smem:$0x3F9B]  }
0x30: {  	s3 =	sld [smem:$0x3F9E]  }
0x31: {  	[smem:$0x3FA7] =	sst s10  }
0x32: {  	s10 =	sld [smem:$0x3FA5];
	_ =	sdelay $0x3  }
0x33: {  	p0 =	seq.s32 s10, $0x1;
	s10 =	sld [smem:$0x3FA7];
	_ =	sdelay $0x3  }
0x34: {  	[smem:$0x3FA7] =	sst s10  }
0x35: {  	s10 =	sld [smem:$0x3FA6];
	_ =	sdelay $0x3  }
0x36: {  	p1 =	seq.s32 s10, $0x1;
	s10 =	sld [smem:$0x3FA7];
	_ =	sdelay $0x3  }
0x37: {  	[smem:$0x3FA7] =	sst s10  }
0x38: {  	s10 =	sld [smem:$0x3FA8]  }
0x39: {  	_ = 	snop;
	(pc) =	sbr.ind lr, $3  }
0x3a: {  	_ = 	snop  }
0x3b: {  	_ = 	snop  }
0x3c: {  	p2 =	seq.s32 s10, $0x1;
	s10 =	sld [smem:$0x3FA7]  }
0x3d: {  	_ =	shalt  }
0x3e: {  	_ =	shalt  }
0x3f: {  	_ =	shalt  }
0x40: {  	_ =	shalt  }
0x41: {  	_ =	shalt  }
0x42: {  	_ =	shalt  }
0x43: {  	_ =	shalt  }
0x44: {  	_ =	shalt  }
0x45: {  	_ =	shalt  }
0x46: {  	_ =	shalt  }
0x47: {  	_ =	shalt  }
0x48: {  	_ =	shalt  }
0x49: {  	_ =	shalt  }
0x4a: {  	_ =	shalt  }
0x4b: {  	_ =	shalt  }
0x4c: {  	_ =	shalt  }
0x4d: {  	_ =	shalt  }
0x4e: {  	_ =	shalt  }
0x4f: {  	_ =	shalt  }
0x50: {  	_ =	shalt  }
0x51: {  	_ =	shalt  }
0x52: {  	_ =	shalt  }
0x53: {  	_ =	shalt  }
0x54: {  	_ =	shalt  }
0x55: {  	_ =	shalt  }
0x56: {  	_ =	shalt  }
0x57: {  	_ =	shalt  }
0x58: {  	_ =	shalt  }
0x59: {  	_ =	shalt  }
0x5a: {  	_ =	shalt  }
0x5b: {  	_ =	shalt  }
0x5c: {  	_ =	shalt  }
0x5d: {  	_ =	shalt  }
0x5e: {  	_ =	shalt  }
0x5f: {  	_ =	shalt  }
0x60: {  	_ =	shalt  }
0x61: {  	_ =	shalt  }
0x62: {  	_ =	shalt  }
0x63: {  	_ =	shalt  }
0x64: {  	_ =	shalt  }
0x65: {  	_ =	shalt  }
0x66: {  	_ =	shalt  }
0x67: {  	_ =	shalt  }
0x68: {  	_ =	shalt  }
0x69: {  	_ =	shalt  }
0x6a: {  	_ =	shalt  }
0x6b: {  	_ =	shalt  }
0x6c: {  	_ =	shalt  }
0x6d: {  	_ =	shalt  }
0x6e: {  	_ =	shalt  }
0x6f: {  	_ =	shalt  }
0x70: {  	_ =	shalt  }
0x71: {  	_ =	shalt  }
0x72: {  	_ =	shalt  }
0x73: {  	_ =	shalt  }
0x74: {  	_ =	shalt  }
0x75: {  	_ =	shalt  }
0x76: {  	_ =	shalt  }
0x77: {  	_ =	shalt  }
0x78: {  	_ =	shalt  }
0x79: {  	_ =	shalt  }
0x7a: {  	_ =	shalt  }
0x7b: {  	_ =	shalt  }
0x7c: {  	_ =	shalt  }
0x7d: {  	_ =	shalt  }
0x7e: {  	_ =	shalt  }
0x7f: {  	_ =	shalt  }
0x80: {  	_ =	shalt  }
0x81: {  	_ =	shalt  }
0x82: {  	_ =	shalt  }
0x83: {  	_ =	shalt  }
0x84: {  	_ =	shalt  }
0x85: {  	_ =	shalt  }
0x86: {  	_ =	shalt  }
0x87: {  	_ =	shalt  }
.Lfunc_end0:
.L_simem_size_0:
called_computation.3_lowered:
.L_overlay_start_0:
0x88: {  	s2 =	sld [smem:$0x3FD9]  }
0x89: {  	s3 =	sld [smem:$0x3FFE];
	_ =	sdelay $0x1  }
0x8a: {  	s1 =	srdreg.scid  }
0x8b: {  	s0 =	sand.u32 $0x1, s1  }
0x8c: {  	s16 =	sshll.u32 s0, $0xA;
	s2 =	sadd.s32 s3, s2  }
0x8d: {  	s2 =	sadd.s32 s2, s16  }
0x8e: {  	[smem:$0x3FB3] =	sst s2  }
0x8f: {  	_ = 	snop  }
0x90: {  	(tm) =	ssettm $0x1  }
0x91: {  	s17 =	sld [smem:$0x3FFB];
	_ =	sdelay $0x3  }
0x92: {  	_ =	strace s17  }
0x93: {  	s2 =	sld [smem:$0x3FFC];
	_ =	sdelay $0x3  }
0x94: {  	_ =	strace s2  }
0x95: {  	s2 =	sld [smem:$0x3FFD];
	_ =	sdelay $0x3  }
0x96: {  	_ =	strace s2  }
0x97: {  	_ =	strace $0x8FFFFFFF  }
0x98: {  	s18 =	sld [smem:$0x3FDB];
	_ =	sdelay $0x1  }
0x99: {  	s19 =	simm.s32 $_scs_section_size  }
0x9a: {  	s4 =	simm.s32 $_size__tile_overlayer_lowered;
	s5 =	simm.s32 $_tile_overlayer_lowered  }
0x9b: {  	s22 =	simm.s32 $0x1BFF;
	s21 =	sshll.u32 s5, $0x1;
	s2 =	sadd.s32 s19, s18  }
0x9c: {  	s6 =	simm.s32 $0x0;
	s20 =	sshll.u32 s4, $0x1;
	s4 =	sadd.s32 s21, s2  }
0x9d: {  	[timem:s6], [sflag:s22] =	dma.local [hbm:s4], s20  }
0x9e: {  	_ =	swait.ge [sflag:s22], s20  }
0x9f: {  	s3 =	ssub.s32 $0x0, s20;
	[sflag:s22] =	ssyncset.done $0x0  }
0xa0: {  	[sflag:s22] =	ssyncadd.s32 s3;
	_ =	sdelay $0x1  }
0xa1: {  	s23 =	simm.s32 $0x1B8B  }
0xa2: {  	_ =	swait.ge [sflag:s23], $0x1  }
0xa3: {  	[sflag:s23] =	ssyncset.done $0x0  }
0xa4: {  	s25 =	simm.s32 $0x1B8E;
	s24 =	sld [smem:$0x3FFE];
	[sflag:s23] =	ssyncadd.s32 $0xFFFFFFFF  }
0xa5: {  	s26 =	simm.s32 $execute0_lowered;
	[smem:$0x3FD2] =	sst s25  }
0xa6: {  	s4 =	sshll.u32 s26, $0x1;
	_ =	strace $0x8000004F;
	[dreg:$0x1] =	wrdreg $0xFFFFFFFF  }
0xa7: {  	s28 =	simm.s32 $_size_execute0_lowered;
	s2 =	sadd.s32 s2, s4;
	[dreg:$0x0] =	wrdreg $0x0  }
0xa8: {  	s4 =	sshll.u32 s28, $0x1;
	[dreg:$0x2] =	wrdreg s2  }
0xa9: {  	[dreg:$0x3] =	wrdreg s4  }
0xaa: {  	[dreg:$0x4] =	wrdreg $0xC0  }
0xab: {  	_ =	task [dreg:s6], $0x5FFFF  }
0xac: {  	[dreg:$0x1] =	wrdreg $0xFFFFFFFF  }
0xad: {  	[dreg:$0x0] =	wrdreg $0x60  }
0xae: {  	[dreg:$0x2] =	wrdreg s24  }
0xaf: {  	[dreg:$0x3] =	wrdreg $0x9  }
0xb0: {  	_ =	task.clear_ibuf [dreg:s6], $0x4FFFF;
	_ =	strace $0x9000004F  }
0xb1: {  	s29 =	simm.s32 $0x9;
	_ =	strace $0x80000051  }
0xb2: {  	_ =	swait.ge [sflag:s29], $0x1  }
0xb3: {  	[sflag:s29] =	ssyncadd.s32 $0xFFFFFFFF  }
0xb4: {  	_ =	strace $0x90000051  }
0xb5: {  	_ =	sfence  }
0xb6: {  	s30 =	sld [smem:$0x0];
	_ =	sdelay $0x2  }
0xb7: {  	s31 =	sshll.u32 s1, $0xD;
	s1 =	sshrl.u32 s1, $0x2  }
0xb8: {  	s3 =	sand.u32 $0x4000, s31;
	s1 =	sadd.s32 s1, s30  }
0xb9: {  	s0 =	sor.u32 s3, s0;
	s1 =	sshll.u32 s1, $0x11  }
0xba: {  	s0 =	sor.u32 s1, s0  }
0xbb: {  	s0 =	sadd.s32 $0x8F2B, s0  }
0xbc: {  	[sflag:s0] =	ssyncadd.remote.s32 $0x1  }
0xbd: {  	_ =	sfence.sel $0xFFFF  }
0xbe: {  	[dreg:$0x0] =	wrdreg $0xFFFFFFFF;
	(pc) =	sbr.abs _section_cstart, $3  }
0xbf: {  	[dreg:$0x1] =	wrdreg $0xFFFFFFFF  }
0xc0: {  	_ =	task.clear_ibuf [dreg:s6], $0x2FFFF;
	_ =	strace $0x9FFFFFFF  }
0xc1: {  	(tm) =	ssettm $0x7FFFFFFF  }
tec
execute0_lowered:
.L_overlay_start_1:
0x0: {  	(tag) =	ssettag $0x1  }
0x1: {  	s5 =	rddreg [dreg:$0x0]  }
0x2: {  	s2 =	simm.s32 $0x0;
	s0 =	stileid.u32;
	s4 =	srdreg.scid  }
0x3: {  	s17 =	simm.s32 $0x3F0;
	s18 =	simm.s32 $0x84E0;
	s19 =	simm.s32 $0x1F8  }
0x4: {  	s20 =	simm.s32 $0x4660;
	s21 =	simm.s32 $0x5E8;
	s22 =	simm.s32 $0xC360  }
0x5: {  	s28 =	simm.s32 $0x0;
	[smem:$0x7FF] =	sst s2;
	s7 =	smul.u32 $0x30D40, s0  }
0x6: {  	s3 =	sadd.s32 $0xF800, s5;
	s10 =	sand.u32 $0x1, s4;
	s15 =	smul.u32 $0x189C, s0  }
0x7: {  	s6 =	sshll.u32 s0, $0x1;
	s4 =	sadd.s32 $0xB7600, s5;
	s16 =	smul.u32 $0x186A0, s10  }
0x8: {  	s11 =	sadd.s32 $0x9EC00, s5;
	s6 =	sor.u32 s10, s6;
	s29 =	smul.u32 $0xC4E, s10  }
0x9: {  	s12 =	sadd.s32 $0x86200, s5;
	s8 =	ssub.s32 $0x2, s10;
	s9 =	smul.u32 $0x6270, s6  }
0xa: {  	_ =	strace $0x80000050;
	s13 =	sshrl.u32 s8, $0x1;
	s6 =	smul.u32 $0xC4E, s6  }
0xb: {  	s14 =	sadd.s32 s7, s5;
	s30 =	sadd.s32 s15, s11;
	s31 =	sadd.s32 s15, s12  }
0xc: {  	s15 =	simm.s32 $0x1F4;
	s13 =	ssub.s32 s8, s13;
	s14 =	sadd.s32 s16, s14  }
0xd: {  	s10 =	sadd.s32 s29, s30;
	s16 =	simm.s32 $0x7E0;
	s23 =	sadd.s32 $0x1F8, s9  }
0xe: {  	s1 =	sadd.s32 s11, s6;
	s25 =	sadd.s32 s12, s6;
	s9 =	smax.u32 s13, $0x1  }
.Ltmp0:
0xf: {  	s13 =	sadd.s32 $0xC419D0, s14;
	[dreg:$0x2] =	wrdreg s1;
	(pc) =	sbr.rel .LBB2_1-.Ltmp0, $4  }
0x10: {  	s24 =	sshrl.u32 s23, $0x3;
	[dreg:$0x3] =	wrdreg s25;
	s23 =	simm.s32 $0x1  }
0x11: {  	s25 =	simm.s32 $0x2;
	s26 =	sadd.s32 s11, s24;
	s8 =	sadd.s32 s12, s24  }
0x12: {  	s11 =	sadd.s32 s29, s31;
	s12 =	sadd.s32 $0x10E5D0, s14;
	s14 =	simm.s32 $0x5  }
0x13: {  	s24 =	simm.s32 $0x3;
	[dreg:$0x4] =	wrdreg s26;
	s26 =	simm.s32 $0x4  }
.LBB2_4:
0x14: {  	s28 =	sadd.s32 $0x1, s28  }
0x15: {  	p0 =	sne.s32 s28, s9  }
.Ltmp1:
0x16: {  	_ = 	snop;
	(pc) =	sbr.rel @!p0 .LBB2_5-.Ltmp1, $1  }
0x17: {  	_ =	sdelay $0x3  }
.LBB2_1:
0x18: {  	s0 =	rddreg [dreg:$0x2]  }
0x19: {  	[tilespmem:s2], [sflag:$0x5] =	stream.linear.gather [hbm4b:s0+s2], $0x1F8, $0x38;
	[tilespmem:$0x101E0] =	vst v63  }
0x1a: {  	_ =	swait.ge [sflag:s14], $0x1F8  }
0x1b: {  	[sflag:s14] =	ssyncset.done $0x0  }
0x1c: {  	[sflag:s14] =	ssyncadd.s32 $0xFFFFFE08  }
0x1d: {  	[tilespmem:s16], [sflag:$0x1] =	stream.indirect.gather [hbm4b:s3+s15], $0x20, s2, s15, $0xb8;
	[tilespmem:$0x101E0] =	vst v63  }
0x1e: {  	s6 =	rddreg [dreg:$0x3]  }
0x1f: {  	[tilespmem:s17], [sflag:$0x5] =	stream.linear.gather [hbm4b:s6+s2], $0x1F8, $0x38;
	[tilespmem:$0x101E0] =	vst v63  }
0x20: {  	_ =	swait.ge [sflag:s14], $0x1F8  }
0x21: {  	[sflag:s14] =	ssyncset.done $0x0  }
0x22: {  	[sflag:s14] =	ssyncadd.s32 $0xFFFFFE08  }
0x23: {  	[tilespmem:s18], [sflag:$0x3] =	stream.indirect.gather [hbm4b:s4+s15], $0x20, s17, s15, $0xb8;
	[tilespmem:$0x101E0] =	vst v63  }
0x24: {  	s7 =	rddreg [dreg:$0x4]  }
0x25: {  	[tilespmem:s19], [sflag:$0x5] =	stream.linear.gather [hbm4b:s7+s2], $0x1F8, $0x38;
	[tilespmem:$0x101E0] =	vst v63  }
0x26: {  	_ =	swait.ge [sflag:s14], $0x1F8  }
0x27: {  	[sflag:s14] =	ssyncset.done $0x0  }
0x28: {  	[sflag:s14] =	ssyncadd.s32 $0xFFFFFE08  }
0x29: {  	[tilespmem:s20], [sflag:$0x2] =	stream.indirect.gather [hbm4b:s3+s15], $0x20, s19, s15, $0xb8;
	[tilespmem:$0x101E0] =	vst v63  }
0x2a: {  	_ = 	snop  }
0x2b: {  	[tilespmem:s21], [sflag:$0x5] =	stream.linear.gather [hbm4b:s8+s2], $0x1F8, $0x38;
	[tilespmem:$0x101E0] =	vst v63  }
0x2c: {  	_ =	swait.ge [sflag:s14], $0x1F8  }
0x2d: {  	s29 =	smov.u32 s13;
	[sflag:s14] =	ssyncset.done $0x0  }
0x2e: {  	s30 =	smov.u32 s12;
	s31 =	simm.s32 $0x0;
	[sflag:s14] =	ssyncadd.s32 $0xFFFFFE08  }
0x2f: {  	[tilespmem:s22], [sflag:$0x4] =	stream.indirect.gather [hbm4b:s4+s15], $0x20, s21, s15, $0xb8;
	[tilespmem:$0x101E0] =	vst v63  }
.LBB2_2:
0x30: {  	_ =	swait.ge [sflag:s23], $0x3E80  }
0x31: {  	[sflag:s23] =	ssyncset.done $0x0  }
0x32: {  	s0 =	sadd.s32 $0xFFFFF830, s30;
	[sflag:s23] =	ssyncadd.s32 $0xFFFFC180  }
0x33: {  	[hbm4b:s0+s2] =	stream.linear.scatter [tilespmem:s16], [sflag:$0x5], $0x3E80, $0x38;
	[tilespmem:$0x101E0] =	vst v63  }
0x34: {  	_ =	swait.ge [sflag:s14], $0x3E80  }
0x35: {  	[sflag:s14] =	ssyncset.done $0x0  }
0x36: {  	[sflag:s14] =	ssyncadd.s32 $0xFFFFC180  }
0x37: {  	_ =	swait.ge [sflag:s24], $0x3E80  }
0x38: {  	[sflag:s24] =	ssyncset.done $0x0  }
0x39: {  	s7 =	sadd.s32 $0xFFFFF830, s29;
	[sflag:s24] =	ssyncadd.s32 $0xFFFFC180  }
0x3a: {  	[hbm4b:s7+s2] =	stream.linear.scatter [tilespmem:s18], [sflag:$0x5], $0x3E80, $0x38;
	[tilespmem:$0x101E0] =	vst v63  }
0x3b: {  	p0 =	seq.s32 s31, $0xBD0;
	_ =	swait.ge [sflag:s14], $0x3E80  }
0x3c: {  	s0 =	sadd.s32 @!p0 s31, s10;
	[sflag:s14] =	ssyncset.done $0x0  }
0x3d: {  	s1 =	simm.s32 @!p0 $0x0;
	s0 =	sadd.s32 @!p0 $0x7E, s0;
	[sflag:s14] =	ssyncadd.s32 $0xFFFFC180  }
0x3e: {  	[tilespmem:s1], [sflag:$0x5] =	stream.linear.gather @!p0 [hbm4b:s0+s1], $0x1F8, $0x38;
	[tilespmem:$0x101E0] =	vst v63  }
0x3f: {  	s0 =	simm.s32 @!p0 $0x5  }
0x40: {  	_ =	swait.ge @!p0 [sflag:s0], $0x1F8  }
0x41: {  	[sflag:s0] =	ssyncset.done @!p0 $0x0  }
0x42: {  	s5 =	simm.s32 @!p0 $0x1F4;
	s6 =	simm.s32 @!p0 $0x7E0;
	[sflag:s0] =	ssyncadd.s32 @!p0 $0xFFFFFE08  }
0x43: {  	[tilespmem:s6], [sflag:$0x1] =	stream.indirect.gather @!p0 [hbm4b:s3+s5], $0x20, s1, s5, $0xb8;
	[tilespmem:$0x101E0] =	vst v63  }
0x44: {  	s6 =	sadd.s32 @!p0 s31, s11  }
0x45: {  	s7 =	simm.s32 @!p0 $0x3F0;
	s6 =	sadd.s32 @!p0 $0x7E, s6  }
0x46: {  	[tilespmem:s7], [sflag:$0x5] =	stream.linear.gather @!p0 [hbm4b:s6+s1], $0x1F8, $0x38;
	[tilespmem:$0x101E0] =	vst v63  }
0x47: {  	_ =	swait.ge @!p0 [sflag:s0], $0x1F8  }
0x48: {  	[sflag:s0] =	ssyncset.done @!p0 $0x0  }
0x49: {  	[sflag:s0] =	ssyncadd.s32 @!p0 $0xFFFFFE08;
	s0 =	simm.s32 @!p0 $0x84E0  }
0x4a: {  	[tilespmem:s0], [sflag:$0x3] =	stream.indirect.gather @!p0 [hbm4b:s4+s5], $0x20, s7, s5, $0xb8;
	[tilespmem:$0x101E0] =	vst v63  }
0x4b: {  	_ =	swait.ge [sflag:s25], $0x3E80  }
0x4c: {  	[sflag:s25] =	ssyncset.done $0x0  }
0x4d: {  	[sflag:s25] =	ssyncadd.s32 $0xFFFFC180  }
0x4e: {  	[hbm4b:s30+s2] =	stream.linear.scatter [tilespmem:s20], [sflag:$0x5], $0x3E80, $0x38;
	[tilespmem:$0x101E0] =	vst v63  }
0x4f: {  	_ =	swait.ge [sflag:s14], $0x3E80  }
0x50: {  	[sflag:s14] =	ssyncset.done $0x0  }
0x51: {  	[sflag:s14] =	ssyncadd.s32 $0xFFFFC180  }
0x52: {  	_ =	swait.ge [sflag:s26], $0x3E80  }
0x53: {  	[sflag:s26] =	ssyncset.done $0x0  }
.Ltmp2:
0x54: {  	[sflag:s26] =	ssyncadd.s32 $0xFFFFC180;
	(pc) =	sbr.rel @p0 .LBB2_4-.Ltmp2, $4  }
0x55: {  	[hbm4b:s29+s2] =	stream.linear.scatter [tilespmem:s22], [sflag:$0x5], $0x3E80, $0x38;
	[tilespmem:$0x101E0] =	vst v63  }
0x56: {  	_ =	swait.ge [sflag:s14], $0x3E80  }
0x57: {  	[sflag:s14] =	ssyncset.done $0x0  }
0x58: {  	[sflag:s14] =	ssyncadd.s32 $0xFFFFC180  }
0x59: {  	s0 =	sadd.s32 s31, s10  }
0x5a: {  	s0 =	sadd.s32 $0xBD, s0  }
0x5b: {  	[tilespmem:s19], [sflag:$0x5] =	stream.linear.gather [hbm4b:s0+s2], $0x1F8, $0x38;
	[tilespmem:$0x101E0] =	vst v63  }
0x5c: {  	_ =	swait.ge [sflag:s14], $0x1F8  }
0x5d: {  	[sflag:s14] =	ssyncset.done $0x0  }
0x5e: {  	s7 =	sadd.s32 s31, s11;
	[sflag:s14] =	ssyncadd.s32 $0xFFFFFE08  }
0x5f: {  	[tilespmem:s20], [sflag:$0x2] =	stream.indirect.gather [hbm4b:s3+s15], $0x20, s19, s15, $0xb8;
	[tilespmem:$0x101E0] =	vst v63  }
0x60: {  	s0 =	sadd.s32 $0xBD, s7  }
0x61: {  	[tilespmem:s21], [sflag:$0x5] =	stream.linear.gather [hbm4b:s0+s2], $0x1F8, $0x38;
	[tilespmem:$0x101E0] =	vst v63  }
.Ltmp3:
0x62: {  	_ = 	snop;
	(pc) =	sbr.rel .LBB2_2-.Ltmp3, $4  }
0x63: {  	_ =	swait.ge [sflag:s14], $0x1F8  }
0x64: {  	s31 =	sadd.s32 $0x7E, s31;
	[sflag:s14] =	ssyncset.done $0x0  }
0x65: {  	s30 =	sadd.s32 $0xFA0, s30;
	s29 =	sadd.s32 $0xFA0, s29;
	[sflag:s14] =	ssyncadd.s32 $0xFFFFFE08  }
0x66: {  	[tilespmem:s22], [sflag:$0x4] =	stream.indirect.gather [hbm4b:s4+s15], $0x20, s21, s15, $0xb8;
	[tilespmem:$0x101E0] =	vst v63  }
.LBB2_5:
0x67: {  	_ =	sfence.sel $0x180000  }
0x68: {  	[bflag:$0x0] =	sbarrier.arrive $0xFFFF  }
0x69: {  	_ =	strace $0x90000050  }
0x6a: {  	s0 =	stileid.u32;
	[bflag:$0x2] =	sbarrier.arrive $0xFFFF  }
0x6b: {  	p0 =	sne.s32 s0, $0x0;
	s0 =	rddreg [dreg:$0x1]  }
0x6c: {  	s0 =	sadd.s32 @!p0 $0x100000, s0  }
0x6d: {  	[sflag:s0] =	ssyncadd.tile.s32 @!p0 $0x1;
	_ =	shalt  }
.Lfunc_end2:
_tile_overlayer_lowered:
.L_overlay_start_2:
0x6e: {  	(tag) =	ssettag $0x2  }
0x6f: {  	s0 =	rddreg [dreg:$0x0];
	s2 =	stileid.u32  }
0x70: {  	s1 =	rddreg [dreg:$0x1];
	p0 =	sne.s32 s2, $0x0  }
0x71: {  	s3 =	rddreg [dreg:$0x2];
	[bflag:$0x3] =	sbarrier.arrive $0xFFFF;
	s2 =	simm.s32 @!p0 $0x1C05  }
0x72: {  	[timem:s3], [sflag:s2] =	dma.local @!p0 [hbm:s0], s1  }
0x73: {  	s0 =	simm.s32 @!p0 $0x5  }
0x74: {  	_ =	swait.ge @!p0 [sflag:s0], s1  }
0x75: {  	s1 =	ssub.s32 @!p0 $0x0, s1;
	[sflag:s0] =	ssyncset.done @!p0 $0x0  }
0x76: {  	[sflag:s0] =	ssyncadd.s32 @!p0 s1  }
0x77: {  	[bflag:$0x3] =	sbarrier.arrive $0xFFFF  }
0x78: {  	_ =	shalt  }

// kernel: kernel.29.cloned.1.call-start
scs
__scs_entry_jumppad:
0x0: {  	(pc) =	sbr.rel $0x88, $3  }
0x1: {  	(tag) =	ssettag $0x0;
	lr =	simm.s32 $0x1  }
0x2: {  	[smem:$0x3F8C] =	sst lr;
	_ =	strace $0xD0000000  }
0x3: {  	_ = 	snop  }
0x4: {  	_ = 	snop  }
0x5: {  	_ = 	snop  }
0x6: {  	_ = 	snop  }
0x7: {  	_ = 	snop  }
__scs_overlays_trampoline_lowered:
0x8: {  	[smem:$0x3F9B] =	sst s0  }
0x9: {  	[smem:$0x3F9C] =	sst s1  }
0xa: {  	[smem:$0x3F9D] =	sst s2  }
0xb: {  	[smem:$0x3F9E] =	sst s3  }
0xc: {  	[smem:$0x3F9F] =	sst s4  }
0xd: {  	[smem:$0x3FA0] =	sst s5  }
0xe: {  	[smem:$0x3FA1] =	sst s6  }
0xf: {  	[smem:$0x3FA2] =	sst s7  }
0x10: {  	[smem:$0x3FA3] =	sst s8  }
0x11: {  	[smem:$0x3FA4] =	sst s9;
	s0 =	simm.s32 @!p0 $0x0  }
0x12: {  	s1 =	sld [smem:$0x3F8A];
	s0 =	simm.s32 @p0 $0x1  }
0x13: {  	[smem:$0x3FA5] =	sst s0;
	s0 =	simm.s32 @!p1 $0x0  }
0x14: {  	s2 =	sld [smem:$0x3F89];
	s0 =	simm.s32 @p1 $0x1  }
0x15: {  	[smem:$0x3FA6] =	sst s0;
	s0 =	simm.s32 @!p2 $0x0  }
0x16: {  	s3 =	sld [smem:$0x3FDB];
	s0 =	simm.s32 @p2 $0x1  }
0x17: {  	s4 =	simm.s32 $0x1BF5;
	[smem:$0x3FA8] =	sst s0  }
0x18: {  	s0 =	sld [smem:$0x3F8B];
	_ =	swait.ge [sflag:s4], $0x0  }
0x19: {  	s7 =	sld [smem:$0x3F8C]  }
0x1a: {  	s8 =	sadd.s32 $0xFFFFE003, lr  }
0x1b: {  	s9 =	sadd.s32 $0xFFFFFEF7, lr;
	s5 =	simm.s32 $0xFFFFFFFF;
	p2 =	slt.u32 s8, $0xFFFFF086  }
0x1c: {  	p1 =	slt.u32 s9, $0xF7A;
	s5 =	simm.s32 @!p2 $0x0  }
0x1d: {  	s5 =	simm.s32 @p1 $0x1;
	p0 =	seq.s32 s7, s2  }
0x1e: {  	s7 =	smul.u32 @!p0 $0xF7A, s2;
	p2 =	seq.s32 @!p0 s5, $0x0  }
0x1f: {  	s9 =	smul.u32 $0xF7A, s1;
	s8 =	simm.s32 @!p0 $0x1BF5;
	p2 =	por !p2, p0  }
0x20: {  	[sflag:s8] =	ssyncset.s32 @!p0 $0xFFFFF086;
	s6 =	sadd.s32 @!p0 s3, s7;
	s7 =	simm.s32 @!p0 $0x108  }
0x21: {  	s3 =	sadd.s32 s3, s9;
	s6 =	sadd.s32 @!p0 $0x88, s6;
	s7 =	simm.s32 @p2 $0x1082  }
0x22: {  	[simem:s7], [sflag:s8] =	dma.local @!p0 [hbm:s6], $0xF7A  }
0x23: {  	s9 =	sor.u32 $0xD0000000, s2;
	s6 =	simm.s32 $0x108;
	_ =	swait.ge @!p0 [sflag:s8], $0x0  }
0x24: {  	s3 =	sadd.s32 $0x88, s3;
	s6 =	simm.s32 @!p1 $0x1082;
	[sflag:s4] =	ssyncset.s32 $0xFFFFF086  }
0x25: {  	[simem:s6], [sflag:s4] =	dma.local [hbm:s3], $0xF7A  }
0x26: {  	[smem:$0x3F8C] =	sst s1;
	(tag) =	ssettag s2;
	_ =	strace s9  }
0x27: {  	s1 =	sld [smem:$0x3F9C]  }
0x28: {  	s2 =	sld [smem:$0x3F9D]  }
0x29: {  	s4 =	sld [smem:$0x3F9F]  }
0x2a: {  	p0 =	seq.s32 s5, $0x0;
	s5 =	sld [smem:$0x3FA0]  }
0x2b: {  	s6 =	sld [smem:$0x3FA1]  }
0x2c: {  	s7 =	sld [smem:$0x3FA2]  }
0x2d: {  	s3 =	simm.s32 $0x108;
	s8 =	sld [smem:$0x3FA3]  }
0x2e: {  	s3 =	simm.s32 @!p0 $0x1082;
	s9 =	sld [smem:$0x3FA4]  }
0x2f: {  	lr =	sadd.s32 s0, s3;
	s0 =	sld [smem:$0x3F9B]  }
0x30: {  	s3 =	sld [smem:$0x3F9E]  }
0x31: {  	[smem:$0x3FA7] =	sst s10  }
0x32: {  	s10 =	sld [smem:$0x3FA5];
	_ =	sdelay $0x3  }
0x33: {  	p0 =	seq.s32 s10, $0x1;
	s10 =	sld [smem:$0x3FA7];
	_ =	sdelay $0x3  }
0x34: {  	[smem:$0x3FA7] =	sst s10  }
0x35: {  	s10 =	sld [smem:$0x3FA6];
	_ =	sdelay $0x3  }
0x36: {  	p1 =	seq.s32 s10, $0x1;
	s10 =	sld [smem:$0x3FA7];
	_ =	sdelay $0x3  }
0x37: {  	[smem:$0x3FA7] =	sst s10  }
0x38: {  	s10 =	sld [smem:$0x3FA8]  }
0x39: {  	_ = 	snop;
	(pc) =	sbr.ind lr, $3  }
0x3a: {  	_ = 	snop  }
0x3b: {  	_ = 	snop  }
0x3c: {  	p2 =	seq.s32 s10, $0x1;
	s10 =	sld [smem:$0x3FA7]  }
0x3d: {  	_ =	shalt  }
0x3e: {  	_ =	shalt  }
0x3f: {  	_ =	shalt  }
0x40: {  	_ =	shalt  }
0x41: {  	_ =	shalt  }
0x42: {  	_ =	shalt  }
0x43: {  	_ =	shalt  }
0x44: {  	_ =	shalt  }
0x45: {  	_ =	shalt  }
0x46: {  	_ =	shalt  }
0x47: {  	_ =	shalt  }
0x48: {  	_ =	shalt  }
0x49: {  	_ =	shalt  }
0x4a: {  	_ =	shalt  }
0x4b: {  	_ =	shalt  }
0x4c: {  	_ =	shalt  }
0x4d: {  	_ =	shalt  }
0x4e: {  	_ =	shalt  }
0x4f: {  	_ =	shalt  }
0x50: {  	_ =	shalt  }
0x51: {  	_ =	shalt  }
0x52: {  	_ =	shalt  }
0x53: {  	_ =	shalt  }
0x54: {  	_ =	shalt  }
0x55: {  	_ =	shalt  }
0x56: {  	_ =	shalt  }
0x57: {  	_ =	shalt  }
0x58: {  	_ =	shalt  }
0x59: {  	_ =	shalt  }
0x5a: {  	_ =	shalt  }
0x5b: {  	_ =	shalt  }
0x5c: {  	_ =	shalt  }
0x5d: {  	_ =	shalt  }
0x5e: {  	_ =	shalt  }
0x5f: {  	_ =	shalt  }
0x60: {  	_ =	shalt  }
0x61: {  	_ =	shalt  }
0x62: {  	_ =	shalt  }
0x63: {  	_ =	shalt  }
0x64: {  	_ =	shalt  }
0x65: {  	_ =	shalt  }
0x66: {  	_ =	shalt  }
0x67: {  	_ =	shalt  }
0x68: {  	_ =	shalt  }
0x69: {  	_ =	shalt  }
0x6a: {  	_ =	shalt  }
0x6b: {  	_ =	shalt  }
0x6c: {  	_ =	shalt  }
0x6d: {  	_ =	shalt  }
0x6e: {  	_ =	shalt  }
0x6f: {  	_ =	shalt  }
0x70: {  	_ =	shalt  }
0x71: {  	_ =	shalt  }
0x72: {  	_ =	shalt  }
0x73: {  	_ =	shalt  }
0x74: {  	_ =	shalt  }
0x75: {  	_ =	shalt  }
0x76: {  	_ =	shalt  }
0x77: {  	_ =	shalt  }
0x78: {  	_ =	shalt  }
0x79: {  	_ =	shalt  }
0x7a: {  	_ =	shalt  }
0x7b: {  	_ =	shalt  }
0x7c: {  	_ =	shalt  }
0x7d: {  	_ =	shalt  }
0x7e: {  	_ =	shalt  }
0x7f: {  	_ =	shalt  }
0x80: {  	_ =	shalt  }
0x81: {  	_ =	shalt  }
0x82: {  	_ =	shalt  }
0x83: {  	_ =	shalt  }
0x84: {  	_ =	shalt  }
0x85: {  	_ =	shalt  }
0x86: {  	_ =	shalt  }
0x87: {  	_ =	shalt  }
.Lfunc_end0:
.L_simem_size_0:
called_computation.4_lowered:
.L_overlay_start_0:
0x88: {  	s2 =	sld [smem:$0x3FD9]  }
0x89: {  	s3 =	sld [smem:$0x3FFE];
	_ =	sdelay $0x1  }
0x8a: {  	s1 =	srdreg.scid  }
0x8b: {  	s0 =	sand.u32 $0x1, s1  }
0x8c: {  	s16 =	sshll.u32 s0, $0xA;
	s2 =	sadd.s32 s3, s2  }
0x8d: {  	s2 =	sadd.s32 s2, s16  }
0x8e: {  	[smem:$0x3FB3] =	sst s2  }
0x8f: {  	_ = 	snop  }
0x90: {  	(tm) =	ssettm $0x1  }
0x91: {  	s17 =	sld [smem:$0x3FFB];
	_ =	sdelay $0x3  }
0x92: {  	_ =	strace s17  }
0x93: {  	s2 =	sld [smem:$0x3FFC];
	_ =	sdelay $0x3  }
0x94: {  	_ =	strace s2  }
0x95: {  	s2 =	sld [smem:$0x3FFD];
	_ =	sdelay $0x3  }
0x96: {  	_ =	strace s2  }
0x97: {  	_ =	strace $0x8FFFFFFF  }
0x98: {  	s18 =	sld [smem:$0x3FDB];
	_ =	sdelay $0x1  }
0x99: {  	s19 =	simm.s32 $_scs_section_size  }
0x9a: {  	s4 =	simm.s32 $_size__tile_overlayer_lowered;
	s5 =	simm.s32 $_tile_overlayer_lowered  }
0x9b: {  	s22 =	simm.s32 $0x1BFF;
	s21 =	sshll.u32 s5, $0x1;
	s2 =	sadd.s32 s19, s18  }
0x9c: {  	s6 =	simm.s32 $0x0;
	s20 =	sshll.u32 s4, $0x1;
	s4 =	sadd.s32 s21, s2  }
0x9d: {  	[timem:s6], [sflag:s22] =	dma.local [hbm:s4], s20  }
0x9e: {  	_ =	swait.ge [sflag:s22], s20  }
0x9f: {  	s3 =	ssub.s32 $0x0, s20;
	[sflag:s22] =	ssyncset.done $0x0  }
0xa0: {  	[sflag:s22] =	ssyncadd.s32 s3;
	_ =	sdelay $0x1  }
0xa1: {  	s23 =	simm.s32 $0x1B8B  }
0xa2: {  	_ =	swait.ge [sflag:s23], $0x1  }
0xa3: {  	[sflag:s23] =	ssyncset.done $0x0  }
0xa4: {  	s25 =	simm.s32 $0x1B8E;
	s24 =	sld [smem:$0x3FFE];
	[sflag:s23] =	ssyncadd.s32 $0xFFFFFFFF  }
0xa5: {  	s26 =	simm.s32 $execute0_lowered;
	[smem:$0x3FD2] =	sst s25  }
0xa6: {  	s4 =	sshll.u32 s26, $0x1;
	_ =	strace $0x80000052;
	[dreg:$0x1] =	wrdreg $0xFFFFFFFF  }
0xa7: {  	s28 =	simm.s32 $_size_execute0_lowered;
	s2 =	sadd.s32 s2, s4;
	[dreg:$0x0] =	wrdreg $0x0  }
0xa8: {  	s4 =	sshll.u32 s28, $0x1;
	[dreg:$0x2] =	wrdreg s2  }
0xa9: {  	[dreg:$0x3] =	wrdreg s4  }
0xaa: {  	[dreg:$0x4] =	wrdreg $0xC0  }
0xab: {  	_ =	task [dreg:s6], $0x5FFFF  }
0xac: {  	[dreg:$0x1] =	wrdreg $0xFFFFFFFF  }
0xad: {  	[dreg:$0x0] =	wrdreg $0x60  }
0xae: {  	[dreg:$0x2] =	wrdreg s24  }
0xaf: {  	[dreg:$0x3] =	wrdreg $0x40800  }
0xb0: {  	[dreg:$0x4] =	wrdreg $0x9  }
0xb1: {  	_ =	task.clear_ibuf [dreg:s6], $0x5FFFF;
	_ =	strace $0x90000052  }
0xb2: {  	s29 =	simm.s32 $0x9;
	_ =	strace $0x80000054  }
0xb3: {  	_ =	swait.ge [sflag:s29], $0x1  }
0xb4: {  	[sflag:s29] =	ssyncadd.s32 $0xFFFFFFFF  }
0xb5: {  	_ =	strace $0x90000054  }
0xb6: {  	_ =	sfence  }
0xb7: {  	s30 =	sld [smem:$0x0];
	_ =	sdelay $0x2  }
0xb8: {  	s31 =	sshll.u32 s1, $0xD;
	s1 =	sshrl.u32 s1, $0x2  }
0xb9: {  	s3 =	sand.u32 $0x4000, s31;
	s1 =	sadd.s32 s1, s30  }
0xba: {  	s0 =	sor.u32 s3, s0;
	s1 =	sshll.u32 s1, $0x11  }
0xbb: {  	s0 =	sor.u32 s1, s0  }
0xbc: {  	s0 =	sadd.s32 $0x8F2B, s0  }
0xbd: {  	[sflag:s0] =	ssyncadd.remote.s32 $0x1  }
0xbe: {  	_ =	sfence.sel $0xFFFF  }
0xbf: {  	[dreg:$0x0] =	wrdreg $0xFFFFFFFF;
	(pc) =	sbr.abs _section_cstart, $3  }
0xc0: {  	[dreg:$0x1] =	wrdreg $0xFFFFFFFF  }
0xc1: {  	_ =	task.clear_ibuf [dreg:s6], $0x2FFFF;
	_ =	strace $0x9FFFFFFF  }
0xc2: {  	(tm) =	ssettm $0x7FFFFFFF  }
0xc3: {  	_ =	shalt  }
tec
execute0_lowered:
.L_overlay_start_1:
0x0: {  	(tag) =	ssettag $0x1  }
0x1: {  	s5 =	rddreg [dreg:$0x0]  }
0x2: {  	s2 =	rddreg [dreg:$0x1]  }
0x3: {  	s0 =	rddreg [dreg:$0x2];
	s3 =	simm.s32 $0x0;
	s1 =	stileid.u32  }
0x4: {  	s4 =	srdreg.scid;
	s19 =	simm.s32 $0x2140;
	s6 =	smul.u32 $0x186A0, s1  }
0x5: {  	s20 =	simm.s32 $0x1;
	s21 =	simm.s32 $0x3;
	s28 =	smul.u32 $0xC8, s1  }
0x6: {  	s22 =	simm.s32 $0xFA;
	s10 =	sand.u32 $0x1, s4;
	s18 =	smul.u32 $0x30D40, s1  }
0x7: {  	s23 =	simm.s32 $0x2;
	[smem:$0x7FF] =	sst s3;
	s7 =	smul.u32 $0x186A00, s10  }
0x8: {  	s11 =	sadd.s32 $0xF4E600, s5;
	s8 =	sshll.u32 s1, $0x1;
	s17 =	smul.u32 $0x64, s10  }
0x9: {  	s12 =	sadd.s32 $0xF4E00, s5;
	s8 =	sor.u32 s10, s8;
	s30 =	smul.u32 $0x186A0, s10  }
0xa: {  	s4 =	sadd.s32 $0xBE00, s5;
	s26 =	sshll.u32 s1, $0x6;
	s13 =	smul.u32 $0x64, s8  }
0xb: {  	_ =	strace $0x80000053;
	s9 =	ssub.s32 $0x2, s10;
	s25 =	smul.u32 $0xC80, s8  }
0xc: {  	s24 =	sshrl.u32 s9, $0x1;
	s8 =	smul.u32 $0x186A0, s8;
	s16 =	sadd.s32 s6, s2  }
0xd: {  	s31 =	sadd.s32 s18, s11;
	s18 =	simm.s32 $0x100;
	s7 =	sadd.s32 s6, s7  }
0xe: {  	s15 =	ssub.s32 s9, s24;
	s17 =	sadd.s32 s17, s28;
	s24 =	simm.s32 $0x4  }
0xf: {  	s7 =	sshrl.u32 s7, $0x3;
	s6 =	sadd.s32 s12, s25;
	s13 =	sor.u32 $0x1, s13  }
0x10: {  	s17 =	sshll.u32 s17, $0x5;
	s25 =	simm.s32 $0x0;
	s14 =	sadd.s32 s7, s5  }
0x11: {  	s5 =	sor.u32 $0x1C05, s26;
	s7 =	sadd.s32 s11, s8;
	s29 =	sshll.u32 s13, $0x5  }
0x12: {  	s13 =	smul.u32 $0x3E8, s13;
	s17 =	sadd.s32 s17, s12;
	s8 =	sadd.s32 s12, s29  }
0x13: {  	s10 =	sadd.s32 $0xF800, s14;
	s12 =	sadd.s32 s30, s31;
	s14 =	sadd.s32 $0x40, s17  }
0x14: {  	s9 =	sadd.s32 s11, s13;
	s11 =	smax.u32 s15, $0x1;
	s13 =	sadd.s32 $0x60, s17  }
0x15: {  	s15 =	sshrl.u32 s16, $0x3;
	s16 =	simm.s32 $0x5;
	s17 =	simm.s32 $0x200  }
.LBB2_1:
0x16: {  	[spmem:s15], [sflag:s5] =	dma.local [hbm:s4], $0x30D4  }
0x17: {  	_ =	swait.ge [sflag:s16], $0x30D4  }
0x18: {  	[sflag:s16] =	ssyncset.done $0x0  }
0x19: {  	[sflag:s16] =	ssyncadd.s32 $0xFFFFCF2C  }
0x1a: {  	[bflag:$0x0] =	sbarrier.arrive $0xFFFF  }
0x1b: {  	[tilespmem:s3], [sflag:$0x1] =	stream.linear.gather [hbm4b:s6+s3], $0x100, $0x38;
	[tilespmem:$0x1C720] =	vst v63  }
0x1c: {  	_ = 	snop  }
0x1d: {  	[tilespmem:s17], [sflag:$0x3] =	stream.linear.gather [hbm4b:s7+s3], $0x1F40, $0x38;
	[tilespmem:$0x1C720] =	vst v63  }
0x1e: {  	_ = 	snop  }
0x1f: {  	[tilespmem:s18], [sflag:$0x2] =	stream.linear.gather [hbm4b:s8+s3], $0x100, $0x38;
	[tilespmem:$0x1C720] =	vst v63  }
0x20: {  	_ = 	snop  }
0x21: {  	[tilespmem:s19], [sflag:$0x4] =	stream.linear.gather [hbm4b:s9+s3], $0x1F40, $0x38;
	[tilespmem:$0x1C720] =	vst v63  }
0x22: {  	_ =	swait.ge [sflag:s20], $0x100  }
0x23: {  	[sflag:s20] =	ssyncset.done $0x0  }
0x24: {  	[sflag:s20] =	ssyncadd.s32 $0xFFFFFF00  }
0x25: {  	_ =	swait.ge [sflag:s21], $0x1F40  }
0x26: {  	[sflag:s21] =	ssyncset.done $0x0  }
0x27: {  	[sflag:s21] =	ssyncadd.s32 $0xFFFFE0C0  }
0x28: {  	[spmem:s2] =	stream.indirect.scatter.add.f32 [tilespmem:s17], [sflag:$0x5], $0x20, s3, s22, $0xb8;
	[tilespmem:$0x1C720] =	vst v63  }
0x29: {  	_ =	swait.ge [sflag:s16], $0x1F40  }
0x2a: {  	[sflag:s16] =	ssyncset.done $0x0  }
0x2b: {  	s28 =	sadd.s32 $0x0, s12;
	[sflag:s16] =	ssyncadd.s32 $0xFFFFE0C0  }
0x2c: {  	[tilespmem:s3], [sflag:$0x1] =	stream.linear.gather [hbm4b:s14+s3], $0x100, $0x38;
	[tilespmem:$0x1C720] =	vst v63  }
0x2d: {  	s26 =	sadd.s32 $0x7D0, s28  }
0x2e: {  	[tilespmem:s17], [sflag:$0x3] =	stream.linear.gather [hbm4b:s26+s3], $0x1F40, $0x38;
	[tilespmem:$0x1C720] =	vst v63  }
0x2f: {  	_ =	swait.ge [sflag:s23], $0x100  }
0x30: {  	[sflag:s23] =	ssyncset.done $0x0  }
0x31: {  	[sflag:s23] =	ssyncadd.s32 $0xFFFFFF00  }
0x32: {  	_ =	swait.ge [sflag:s24], $0x1F40  }
0x33: {  	[sflag:s24] =	ssyncset.done $0x0  }
0x34: {  	[sflag:s24] =	ssyncadd.s32 $0xFFFFE0C0  }
0x35: {  	[spmem:s2] =	stream.indirect.scatter.add.f32 [tilespmem:s19], [sflag:$0x5], $0x20, s18, s22, $0xb8;
	[tilespmem:$0x1C720] =	vst v63  }
0x36: {  	_ =	swait.ge [sflag:s16], $0x1F40  }
0x37: {  	s29 =	sadd.s32 $0x40, s14;
	s30 =	sadd.s32 $0xBB8, s28;
	[sflag:s16] =	ssyncset.done $0x0  }
0x38: {  	s28 =	sadd.s32 $0x40, s13;
	s26 =	simm.s32 $0x7D0;
	[sflag:s16] =	ssyncadd.s32 $0xFFFFE0C0  }
0x39: {  	[tilespmem:s18], [sflag:$0x2] =	stream.linear.gather [hbm4b:s13+s3], $0x100, $0x38;
	[tilespmem:$0x1C720] =	vst v63  }
.LBB2_2:
0x3a: {  	[tilespmem:s19], [sflag:$0x4] =	stream.linear.gather [hbm4b:s30+s3], $0x1F40, $0x38;
	[tilespmem:$0x1C720] =	vst v63  }
0x3b: {  	s30 =	smov.u32 s26  }
0x3c: {  	p0 =	sne.s32 s26, $0x17700;
	s26 =	sadd.s32 $0x7D0, s26;
	_ =	swait.ge [sflag:s20], $0x100  }
0x3d: {  	[sflag:s20] =	ssyncset.done $0x0  }
0x3e: {  	[sflag:s20] =	ssyncadd.s32 $0xFFFFFF00  }
0x3f: {  	_ =	swait.ge [sflag:s21], $0x1F40  }
0x40: {  	[sflag:s21] =	ssyncset.done $0x0  }
0x41: {  	[sflag:s21] =	ssyncadd.s32 $0xFFFFE0C0  }
0x42: {  	[spmem:s2] =	stream.indirect.scatter.add.f32 [tilespmem:s17], [sflag:$0x5], $0x20, s3, s22, $0xb8;
	[tilespmem:$0x1C720] =	vst v63  }
0x43: {  	_ =	swait.ge [sflag:s16], $0x1F40  }
0x44: {  	[sflag:s16] =	ssyncset.done $0x0  }
0x45: {  	s30 =	sadd.s32 s30, s12;
	[sflag:s16] =	ssyncadd.s32 $0xFFFFE0C0  }
0x46: {  	[tilespmem:s3], [sflag:$0x1] =	stream.linear.gather [hbm4b:s29+s3], $0x100, $0x38;
	[tilespmem:$0x1C720] =	vst v63  }
0x47: {  	s31 =	sadd.s32 $0x7D0, s30  }
0x48: {  	[tilespmem:s17], [sflag:$0x3] =	stream.linear.gather [hbm4b:s31+s3], $0x1F40, $0x38;
	[tilespmem:$0x1C720] =	vst v63  }
0x49: {  	_ =	swait.ge [sflag:s23], $0x100  }
0x4a: {  	[sflag:s23] =	ssyncset.done $0x0  }
0x4b: {  	[sflag:s23] =	ssyncadd.s32 $0xFFFFFF00  }
0x4c: {  	_ =	swait.ge [sflag:s24], $0x1F40  }
0x4d: {  	[sflag:s24] =	ssyncset.done $0x0  }
0x4e: {  	[sflag:s24] =	ssyncadd.s32 $0xFFFFE0C0  }
0x4f: {  	[spmem:s2] =	stream.indirect.scatter.add.f32 [tilespmem:s19], [sflag:$0x5], $0x20, s18, s22, $0xb8;
	[tilespmem:$0x1C720] =	vst v63  }
.Ltmp0:
0x50: {  	_ =	swait.ge [sflag:s16], $0x1F40;
	(pc) =	sbr.rel @p0 .LBB2_2-.Ltmp0, $4  }
0x51: {  	[sflag:s16] =	ssyncset.done $0x0  }
0x52: {  	[sflag:s16] =	ssyncadd.s32 $0xFFFFE0C0  }
0x53: {  	[tilespmem:s18], [sflag:$0x2] =	stream.linear.gather [hbm4b:s28+s3], $0x100, $0x38;
	[tilespmem:$0x1C720] =	vst v63  }
0x54: {  	s30 =	sadd.s32 $0xBB8, s30;
	s29 =	sadd.s32 $0x40, s29;
	s28 =	sadd.s32 $0x40, s28  }
0x55: {  	[tilespmem:s19], [sflag:$0x4] =	stream.linear.gather [hbm4b:s30+s3], $0x1F40, $0x38;
	[tilespmem:$0x1C720] =	vst v63  }
0x56: {  	_ =	swait.ge [sflag:s20], $0x100  }
0x57: {  	[sflag:s20] =	ssyncset.done $0x0  }
0x58: {  	[sflag:s20] =	ssyncadd.s32 $0xFFFFFF00  }
0x59: {  	_ =	swait.ge [sflag:s21], $0x1F40  }
0x5a: {  	[sflag:s21] =	ssyncset.done $0x0  }
0x5b: {  	[sflag:s21] =	ssyncadd.s32 $0xFFFFE0C0  }
0x5c: {  	[spmem:s2] =	stream.indirect.scatter.add.f32 [tilespmem:s17], [sflag:$0x5], $0x20, s3, s22, $0xb8;
	[tilespmem:$0x1C720] =	vst v63  }
0x5d: {  	_ =	swait.ge [sflag:s16], $0x1F40  }
0x5e: {  	[sflag:s16] =	ssyncset.done $0x0  }
0x5f: {  	[sflag:s16] =	ssyncadd.s32 $0xFFFFE0C0  }
0x60: {  	_ =	swait.ge [sflag:s23], $0x100  }
0x61: {  	[sflag:s23] =	ssyncset.done $0x0  }
0x62: {  	[sflag:s23] =	ssyncadd.s32 $0xFFFFFF00  }
0x63: {  	_ =	swait.ge [sflag:s24], $0x1F40  }
0x64: {  	[sflag:s24] =	ssyncset.done $0x0  }
0x65: {  	[sflag:s24] =	ssyncadd.s32 $0xFFFFE0C0  }
0x66: {  	[spmem:s2] =	stream.indirect.scatter.add.f32 [tilespmem:s19], [sflag:$0x5], $0x20, s18, s22, $0xb8;
	[tilespmem:$0x1C720] =	vst v63  }
0x67: {  	_ =	swait.ge [sflag:s16], $0x1F40  }
0x68: {  	s25 =	sadd.s32 $0x1, s25;
	[sflag:s16] =	ssyncset.done $0x0  }
0x69: {  	p0 =	sne.s32 s25, s11;
	[sflag:s16] =	ssyncadd.s32 $0xFFFFE0C0  }
.Ltmp1:
0x6a: {  	[bflag:$0x0] =	sbarrier.arrive $0xFFFF;
	(pc) =	sbr.rel @p0 .LBB2_1-.Ltmp1, $4  }
0x6b: {  	[hbm:s10], [sflag:s5] =	dma.local [spmem:s15], $0x30D4  }
0x6c: {  	_ =	swait.ge [sflag:s16], $0x30D4  }
0x6d: {  	[sflag:s16] =	ssyncset.done $0x0  }
0x6e: {  	[sflag:s16] =	ssyncadd.s32 $0xFFFFCF2C  }
0x6f: {  	_ =	sfence.sel $0x180000  }
0x70: {  	[bflag:$0x0] =	sbarrier.arrive $0xFFFF  }
0x71: {  	p0 =	sne.s32 s1, $0x0;
	_ =	strace $0x90000053  }
0x72: {  	s0 =	sadd.s32 @!p0 $0x100000, s0;
	[bflag:$0x2] =	sbarrier.arrive $0xFFFF  }
0x73: {  	[sflag:s0] =	ssyncadd.tile.s32 @!p0 $0x1;
	_ =	shalt  }
.Lfunc_end2:
_tile_overlayer_lowered:
.L_overlay_start_2:
0x74: {  	(tag) =	ssettag $0x2  }
0x75: {  	s0 =	rddreg [dreg:$0x0];
	s2 =	stileid.u32  }
0x76: {  	s1 =	rddreg [dreg:$0x1];
	p0 =	sne.s32 s2, $0x0  }
0x77: {  	s3 =	rddreg [dreg:$0x2];
	[bflag:$0x3] =	sbarrier.arrive $0xFFFF;
	s2 =	simm.s32 @!p0 $0x1C05  }
0x78: {  	[timem:s3], [sflag:s2] =	dma.local @!p0 [hbm:s0], s1  }
0x79: {  	s0 =	simm.s32 @!p0 $0x5  }
0x7a: {  	_ =	swait.ge @!p0 [sflag:s0], s1  }
0x7b: {  	s1 =	ssub.s32 @!p0 $0x0, s1;
	[sflag:s0] =	ssyncset.done @!p0 $0x0  }
0x7c: {  	[sflag:s0] =	ssyncadd.s32 @!p0 s1  }
0x7d: {  	[bflag:$0x3] =	sbarrier.arrive $0xFFFF  }
0x7e: {  	_ =	shalt  }

// kernel: kernel.32.cloned.1.call-start
scs
__scs_entry_jumppad:
0x0: {  	(pc) =	sbr.rel $0x88, $3  }
0x1: {  	(tag) =	ssettag $0x0;
	lr =	simm.s32 $0x1  }
0x2: {  	[smem:$0x3F8C] =	sst lr;
	_ =	strace $0xD0000000  }
0x3: {  	_ = 	snop  }
0x4: {  	_ = 	snop  }
0x5: {  	_ = 	snop  }
0x6: {  	_ = 	snop  }
0x7: {  	_ = 	snop  }
__scs_overlays_trampoline_lowered:
0x8: {  	[smem:$0x3F9B] =	sst s0  }
0x9: {  	[smem:$0x3F9C] =	sst s1  }
0xa: {  	[smem:$0x3F9D] =	sst s2  }
0xb: {  	[smem:$0x3F9E] =	sst s3  }
0xc: {  	[smem:$0x3F9F] =	sst s4  }
0xd: {  	[smem:$0x3FA0] =	sst s5  }
0xe: {  	[smem:$0x3FA1] =	sst s6  }
0xf: {  	[smem:$0x3FA2] =	sst s7  }
0x10: {  	[smem:$0x3FA3] =	sst s8  }
0x11: {  	[smem:$0x3FA4] =	sst s9;
	s0 =	simm.s32 @!p0 $0x0  }
0x12: {  	s1 =	sld [smem:$0x3F8A];
	s0 =	simm.s32 @p0 $0x1  }
0x13: {  	[smem:$0x3FA5] =	sst s0;
	s0 =	simm.s32 @!p1 $0x0  }
0x14: {  	s2 =	sld [smem:$0x3F89];
	s0 =	simm.s32 @p1 $0x1  }
0x15: {  	[smem:$0x3FA6] =	sst s0;
	s0 =	simm.s32 @!p2 $0x0  }
0x16: {  	s3 =	sld [smem:$0x3FDB];
	s0 =	simm.s32 @p2 $0x1  }
0x17: {  	s4 =	simm.s32 $0x1BF5;
	[smem:$0x3FA8] =	sst s0  }
0x18: {  	s0 =	sld [smem:$0x3F8B];
	_ =	swait.ge [sflag:s4], $0x0  }
0x19: {  	s7 =	sld [smem:$0x3F8C]  }
0x1a: {  	s8 =	sadd.s32 $0xFFFFE003, lr  }
0x1b: {  	s9 =	sadd.s32 $0xFFFFFEF7, lr;
	s5 =	simm.s32 $0xFFFFFFFF;
	p2 =	slt.u32 s8, $0xFFFFF086  }
0x1c: {  	p1 =	slt.u32 s9, $0xF7A;
	s5 =	simm.s32 @!p2 $0x0  }
0x1d: {  	s5 =	simm.s32 @p1 $0x1;
	p0 =	seq.s32 s7, s2  }
0x1e: {  	s7 =	smul.u32 @!p0 $0xF7A, s2;
	p2 =	seq.s32 @!p0 s5, $0x0  }
0x1f: {  	s9 =	smul.u32 $0xF7A, s1;
	s8 =	simm.s32 @!p0 $0x1BF5;
	p2 =	por !p2, p0  }
0x20: {  	[sflag:s8] =	ssyncset.s32 @!p0 $0xFFFFF086;
	s6 =	sadd.s32 @!p0 s3, s7;
	s7 =	simm.s32 @!p0 $0x108  }
0x21: {  	s3 =	sadd.s32 s3, s9;
	s6 =	sadd.s32 @!p0 $0x88, s6;
	s7 =	simm.s32 @p2 $0x1082  }
0x22: {  	[simem:s7], [sflag:s8] =	dma.local @!p0 [hbm:s6], $0xF7A  }
0x23: {  	s9 =	sor.u32 $0xD0000000, s2;
	s6 =	simm.s32 $0x108;
	_ =	swait.ge @!p0 [sflag:s8], $0x0  }
0x24: {  	s3 =	sadd.s32 $0x88, s3;
	s6 =	simm.s32 @!p1 $0x1082;
	[sflag:s4] =	ssyncset.s32 $0xFFFFF086  }
0x25: {  	[simem:s6], [sflag:s4] =	dma.local [hbm:s3], $0xF7A  }
0x26: {  	[smem:$0x3F8C] =	sst s1;
	(tag) =	ssettag s2;
	_ =	strace s9  }
0x27: {  	s1 =	sld [smem:$0x3F9C]  }
0x28: {  	s2 =	sld [smem:$0x3F9D]  }
0x29: {  	s4 =	sld [smem:$0x3F9F]  }
0x2a: {  	p0 =	seq.s32 s5, $0x0;
	s5 =	sld [smem:$0x3FA0]  }
0x2b: {  	s6 =	sld [smem:$0x3FA1]  }
0x2c: {  	s7 =	sld [smem:$0x3FA2]  }
0x2d: {  	s3 =	simm.s32 $0x108;
	s8 =	sld [smem:$0x3FA3]  }
0x2e: {  	s3 =	simm.s32 @!p0 $0x1082;
	s9 =	sld [smem:$0x3FA4]  }
0x2f: {  	lr =	sadd.s32 s0, s3;
	s0 =	sld [smem:$0x3F9B]  }
0x30: {  	s3 =	sld [smem:$0x3F9E]  }
0x31: {  	[smem:$0x3FA7] =	sst s10  }
0x32: {  	s10 =	sld [smem:$0x3FA5];
	_ =	sdelay $0x3  }
0x33: {  	p0 =	seq.s32 s10, $0x1;
	s10 =	sld [smem:$0x3FA7];
	_ =	sdelay $0x3  }
0x34: {  	[smem:$0x3FA7] =	sst s10  }
0x35: {  	s10 =	sld [smem:$0x3FA6];
	_ =	sdelay $0x3  }
0x36: {  	p1 =	seq.s32 s10, $0x1;
	s10 =	sld [smem:$0x3FA7];
	_ =	sdelay $0x3  }
0x37: {  	[smem:$0x3FA7] =	sst s10  }
0x38: {  	s10 =	sld [smem:$0x3FA8]  }
0x39: {  	_ = 	snop;
	(pc) =	sbr.ind lr, $3  }
0x3a: {  	_ = 	snop  }
0x3b: {  	_ = 	snop  }
0x3c: {  	p2 =	seq.s32 s10, $0x1;
	s10 =	sld [smem:$0x3FA7]  }
0x3d: {  	_ =	shalt  }
0x3e: {  	_ =	shalt  }
0x3f: {  	_ =	shalt  }
0x40: {  	_ =	shalt  }
0x41: {  	_ =	shalt  }
0x42: {  	_ =	shalt  }
0x43: {  	_ =	shalt  }
0x44: {  	_ =	shalt  }
0x45: {  	_ =	shalt  }
0x46: {  	_ =	shalt  }
0x47: {  	_ =	shalt  }
0x48: {  	_ =	shalt  }
0x49: {  	_ =	shalt  }
0x4a: {  	_ =	shalt  }
0x4b: {  	_ =	shalt  }
0x4c: {  	_ =	shalt  }
0x4d: {  	_ =	shalt  }
0x4e: {  	_ =	shalt  }
0x4f: {  	_ =	shalt  }
0x50: {  	_ =	shalt  }
0x51: {  	_ =	shalt  }
0x52: {  	_ =	shalt  }
0x53: {  	_ =	shalt  }
0x54: {  	_ =	shalt  }
0x55: {  	_ =	shalt  }
0x56: {  	_ =	shalt  }
0x57: {  	_ =	shalt  }
0x58: {  	_ =	shalt  }
0x59: {  	_ =	shalt  }
0x5a: {  	_ =	shalt  }
0x5b: {  	_ =	shalt  }
0x5c: {  	_ =	shalt  }
0x5d: {  	_ =	shalt  }
0x5e: {  	_ =	shalt  }
0x5f: {  	_ =	shalt  }
0x60: {  	_ =	shalt  }
0x61: {  	_ =	shalt  }
0x62: {  	_ =	shalt  }
0x63: {  	_ =	shalt  }
0x64: {  	_ =	shalt  }
0x65: {  	_ =	shalt  }
0x66: {  	_ =	shalt  }
0x67: {  	_ =	shalt  }
0x68: {  	_ =	shalt  }
0x69: {  	_ =	shalt  }
0x6a: {  	_ =	shalt  }
0x6b: {  	_ =	shalt  }
0x6c: {  	_ =	shalt  }
0x6d: {  	_ =	shalt  }
0x6e: {  	_ =	shalt  }
0x6f: {  	_ =	shalt  }
0x70: {  	_ =	shalt  }
0x71: {  	_ =	shalt  }
0x72: {  	_ =	shalt  }
0x73: {  	_ =	shalt  }
0x74: {  	_ =	shalt  }
0x75: {  	_ =	shalt  }
0x76: {  	_ =	shalt  }
0x77: {  	_ =	shalt  }
0x78: {  	_ =	shalt  }
0x79: {  	_ =	shalt  }
0x7a: {  	_ =	shalt  }
0x7b: {  	_ =	shalt  }
0x7c: {  	_ =	shalt  }
0x7d: {  	_ =	shalt  }
0x7e: {  	_ =	shalt  }
0x7f: {  	_ =	shalt  }
0x80: {  	_ =	shalt  }
0x81: {  	_ =	shalt  }
0x82: {  	_ =	shalt  }
0x83: {  	_ =	shalt  }
0x84: {  	_ =	shalt  }
0x85: {  	_ =	shalt  }
0x86: {  	_ =	shalt  }
0x87: {  	_ =	shalt  }
.Lfunc_end0:
.L_simem_size_0:
called_computation.5_lowered:
.L_overlay_start_0:
0x88: {  	s2 =	sld [smem:$0x3FD9]  }
0x89: {  	s3 =	sld [smem:$0x3FFE];
	_ =	sdelay $0x1  }
0x8a: {  	s1 =	srdreg.scid  }
0x8b: {  	s0 =	sand.u32 $0x1, s1  }
0x8c: {  	s16 =	sshll.u32 s0, $0xA;
	s2 =	sadd.s32 s3, s2  }
0x8d: {  	s2 =	sadd.s32 s2, s16  }
0x8e: {  	[smem:$0x3FB3] =	sst s2  }
0x8f: {  	_ = 	snop  }
0x90: {  	(tm) =	ssettm $0x1  }
0x91: {  	s17 =	sld [smem:$0x3FFB];
	_ =	sdelay $0x3  }
0x92: {  	_ =	strace s17  }
0x93: {  	s2 =	sld [smem:$0x3FFC];
	_ =	sdelay $0x3  }
0x94: {  	_ =	strace s2  }
0x95: {  	s2 =	sld [smem:$0x3FFD];
	_ =	sdelay $0x3  }
0x96: {  	_ =	strace s2  }
0x97: {  	_ =	strace $0x8FFFFFFF  }
0x98: {  	s18 =	sld [smem:$0x3FDB];
	_ =	sdelay $0x1  }
0x99: {  	s19 =	simm.s32 $_scs_section_size  }
0x9a: {  	s4 =	simm.s32 $_size__tile_overlayer_lowered;
	s5 =	simm.s32 $_tile_overlayer_lowered  }
0x9b: {  	s22 =	simm.s32 $0x1BFF;
	s21 =	sshll.u32 s5, $0x1;
	s2 =	sadd.s32 s19, s18  }
0x9c: {  	s6 =	simm.s32 $0x0;
	s20 =	sshll.u32 s4, $0x1;
	s4 =	sadd.s32 s21, s2  }
0x9d: {  	[timem:s6], [sflag:s22] =	dma.local [hbm:s4], s20  }
0x9e: {  	_ =	swait.ge [sflag:s22], s20  }
0x9f: {  	s3 =	ssub.s32 $0x0, s20;
	[sflag:s22] =	ssyncset.done $0x0  }
0xa0: {  	[sflag:s22] =	ssyncadd.s32 s3;
	_ =	sdelay $0x1  }
0xa1: {  	s23 =	simm.s32 $0x1B8B  }
0xa2: {  	_ =	swait.ge [sflag:s23], $0x1  }
0xa3: {  	[sflag:s23] =	ssyncset.done $0x0  }
0xa4: {  	s25 =	simm.s32 $0x1B8E;
	s24 =	sld [smem:$0x3FFE];
	[sflag:s23] =	ssyncadd.s32 $0xFFFFFFFF  }
0xa5: {  	s26 =	simm.s32 $execute0_lowered;
	[smem:$0x3FD2] =	sst s25  }
0xa6: {  	s4 =	sshll.u32 s26, $0x1;
	_ =	strace $0x80000055;
	[dreg:$0x1] =	wrdreg $0xFFFFFFFF  }
0xa7: {  	s28 =	simm.s32 $_size_execute0_lowered;
	s2 =	sadd.s32 s2, s4;
	[dreg:$0x0] =	wrdreg $0x0  }
0xa8: {  	s4 =	sshll.u32 s28, $0x1;
	[dreg:$0x2] =	wrdreg s2  }
0xa9: {  	[dreg:$0x3] =	wrdreg s4  }
0xaa: {  	[dreg:$0x4] =	wrdreg $0xC0  }
0xab: {  	_ =	task [dreg:s6], $0x5FFFF  }
0xac: {  	[dreg:$0x1] =	wrdreg $0xFFFFFFFF  }
0xad: {  	[dreg:$0x0] =	wrdreg $0x60  }
0xae: {  	[dreg:$0x2] =	wrdreg s24  }
0xaf: {  	[dreg:$0x3] =	wrdreg $0x9  }
0xb0: {  	_ =	task.clear_ibuf [dreg:s6], $0x4FFFF;
	_ =	strace $0x90000055  }
0xb1: {  	s29 =	simm.s32 $0x9;
	_ =	strace $0x80000057  }
0xb2: {  	_ =	swait.ge [sflag:s29], $0x1  }
0xb3: {  	[sflag:s29] =	ssyncadd.s32 $0xFFFFFFFF  }
0xb4: {  	_ =	strace $0x90000057  }
0xb5: {  	_ =	sfence  }
0xb6: {  	s30 =	sld [smem:$0x0];
	_ =	sdelay $0x2  }
0xb7: {  	s31 =	sshll.u32 s1, $0xD;
	s1 =	sshrl.u32 s1, $0x2  }
0xb8: {  	s3 =	sand.u32 $0x4000, s31;
	s1 =	sadd.s32 s1, s30  }
0xb9: {  	s0 =	sor.u32 s3, s0;
	s1 =	sshll.u32 s1, $0x11  }
0xba: {  	s0 =	sor.u32 s1, s0  }
0xbb: {  	s0 =	sadd.s32 $0x8F2B, s0  }
0xbc: {  	[sflag:s0] =	ssyncadd.remote.s32 $0x1  }
0xbd: {  	_ =	sfence.sel $0xFFFF  }
0xbe: {  	[dreg:$0x0] =	wrdreg $0xFFFFFFFF;
	(pc) =	sbr.abs _section_cstart, $3  }
0xbf: {  	[dreg:$0x1] =	wrdreg $0xFFFFFFFF  }
0xc0: {  	_ =	task.clear_ibuf [dreg:s6], $0x2FFFF;
	_ =	strace $0x9FFFFFFF  }
0xc1: {  	(tm) =	ssettm $0x7FFFFFFF  }
tec
execute0_lowered:
.L_overlay_start_1:
0x0: {  	(tag) =	ssettag $0x1  }
0x1: {  	s5 =	rddreg [dreg:$0x0]  }
0x2: {  	s2 =	simm.s32 $0x0;
	s0 =	stileid.u32;
	s4 =	srdreg.scid  }
0x3: {  	s17 =	simm.s32 $0x3F0;
	s18 =	simm.s32 $0x84E0;
	s19 =	simm.s32 $0x1F8  }
0x4: {  	s20 =	simm.s32 $0x4660;
	s21 =	simm.s32 $0x5E8;
	s22 =	simm.s32 $0xC360  }
0x5: {  	s28 =	simm.s32 $0x0;
	[smem:$0x7FF] =	sst s2;
	s7 =	smul.u32 $0x30D40, s0  }
0x6: {  	s3 =	sadd.s32 $0xF800, s5;
	s10 =	sand.u32 $0x1, s4;
	s15 =	smul.u32 $0x189C, s0  }
0x7: {  	s6 =	sshll.u32 s0, $0x1;
	s4 =	sadd.s32 $0xB7600, s5;
	s16 =	smul.u32 $0x186A0, s10  }
0x8: {  	s11 =	sadd.s32 $0x9EC00, s5;
	s6 =	sor.u32 s10, s6;
	s29 =	smul.u32 $0xC4E, s10  }
0x9: {  	s12 =	sadd.s32 $0x86200, s5;
	s8 =	ssub.s32 $0x2, s10;
	s9 =	smul.u32 $0x6270, s6  }
0xa: {  	_ =	strace $0x80000056;
	s13 =	sshrl.u32 s8, $0x1;
	s6 =	smul.u32 $0xC4E, s6  }
0xb: {  	s14 =	sadd.s32 s7, s5;
	s30 =	sadd.s32 s15, s11;
	s31 =	sadd.s32 s15, s12  }
0xc: {  	s15 =	simm.s32 $0x1F4;
	s13 =	ssub.s32 s8, s13;
	s14 =	sadd.s32 s16, s14  }
0xd: {  	s10 =	sadd.s32 s29, s30;
	s16 =	simm.s32 $0x7E0;
	s23 =	sadd.s32 $0x1F8, s9  }
0xe: {  	s1 =	sadd.s32 s11, s6;
	s25 =	sadd.s32 s12, s6;
	s9 =	smax.u32 s13, $0x1  }
.Ltmp0:
0xf: {  	s13 =	sadd.s32 $0x8713D0, s14;
	[dreg:$0x2] =	wrdreg s1;
	(pc) =	sbr.rel .LBB2_1-.Ltmp0, $4  }
0x10: {  	s24 =	sshrl.u32 s23, $0x3;
	[dreg:$0x3] =	wrdreg s25;
	s23 =	simm.s32 $0x1  }
0x11: {  	s25 =	simm.s32 $0x2;
	s26 =	sadd.s32 s11, s24;
	s8 =	sadd.s32 s12, s24  }
0x12: {  	s11 =	sadd.s32 s29, s31;
	s12 =	sadd.s32 $0x10E5D0, s14;
	s14 =	simm.s32 $0x5  }
0x13: {  	s24 =	simm.s32 $0x3;
	[dreg:$0x4] =	wrdreg s26;
	s26 =	simm.s32 $0x4  }
.LBB2_4:
0x14: {  	s28 =	sadd.s32 $0x1, s28  }
0x15: {  	p0 =	sne.s32 s28, s9  }
.Ltmp1:
0x16: {  	_ = 	snop;
	(pc) =	sbr.rel @!p0 .LBB2_5-.Ltmp1, $1  }
0x17: {  	_ =	sdelay $0x3  }
.LBB2_1:
0x18: {  	s0 =	rddreg [dreg:$0x2]  }
0x19: {  	[tilespmem:s2], [sflag:$0x5] =	stream.linear.gather [hbm4b:s0+s2], $0x1F8, $0x38;
	[tilespmem:$0x101E0] =	vst v63  }
0x1a: {  	_ =	swait.ge [sflag:s14], $0x1F8  }
0x1b: {  	[sflag:s14] =	ssyncset.done $0x0  }
0x1c: {  	[sflag:s14] =	ssyncadd.s32 $0xFFFFFE08  }
0x1d: {  	[tilespmem:s16], [sflag:$0x1] =	stream.indirect.gather [hbm4b:s3+s15], $0x20, s2, s15, $0xb8;
	[tilespmem:$0x101E0] =	vst v63  }
0x1e: {  	s6 =	rddreg [dreg:$0x3]  }
0x1f: {  	[tilespmem:s17], [sflag:$0x5] =	stream.linear.gather [hbm4b:s6+s2], $0x1F8, $0x38;
	[tilespmem:$0x101E0] =	vst v63  }
0x20: {  	_ =	swait.ge [sflag:s14], $0x1F8  }
0x21: {  	[sflag:s14] =	ssyncset.done $0x0  }
0x22: {  	[sflag:s14] =	ssyncadd.s32 $0xFFFFFE08  }
0x23: {  	[tilespmem:s18], [sflag:$0x3] =	stream.indirect.gather [hbm4b:s4+s15], $0x20, s17, s15, $0xb8;
	[tilespmem:$0x101E0] =	vst v63  }
0x24: {  	s7 =	rddreg [dreg:$0x4]  }
0x25: {  	[tilespmem:s19], [sflag:$0x5] =	stream.linear.gather [hbm4b:s7+s2], $0x1F8, $0x38;
	[tilespmem:$0x101E0] =	vst v63  }
0x26: {  	_ =	swait.ge [sflag:s14], $0x1F8  }
0x27: {  	[sflag:s14] =	ssyncset.done $0x0  }
0x28: {  	[sflag:s14] =	ssyncadd.s32 $0xFFFFFE08  }
0x29: {  	[tilespmem:s20], [sflag:$0x2] =	stream.indirect.gather [hbm4b:s3+s15], $0x20, s19, s15, $0xb8;
	[tilespmem:$0x101E0] =	vst v63  }
0x2a: {  	_ = 	snop  }
0x2b: {  	[tilespmem:s21], [sflag:$0x5] =	stream.linear.gather [hbm4b:s8+s2], $0x1F8, $0x38;
	[tilespmem:$0x101E0] =	vst v63  }
0x2c: {  	_ =	swait.ge [sflag:s14], $0x1F8  }
0x2d: {  	s29 =	smov.u32 s13;
	[sflag:s14] =	ssyncset.done $0x0  }
0x2e: {  	s30 =	smov.u32 s12;
	s31 =	simm.s32 $0x0;
	[sflag:s14] =	ssyncadd.s32 $0xFFFFFE08  }
0x2f: {  	[tilespmem:s22], [sflag:$0x4] =	stream.indirect.gather [hbm4b:s4+s15], $0x20, s21, s15, $0xb8;
	[tilespmem:$0x101E0] =	vst v63  }
.LBB2_2:
0x30: {  	_ =	swait.ge [sflag:s23], $0x3E80  }
0x31: {  	[sflag:s23] =	ssyncset.done $0x0  }
0x32: {  	s0 =	sadd.s32 $0xFFFFF830, s30;
	[sflag:s23] =	ssyncadd.s32 $0xFFFFC180  }
0x33: {  	[hbm4b:s0+s2] =	stream.linear.scatter [tilespmem:s16], [sflag:$0x5], $0x3E80, $0x38;
	[tilespmem:$0x101E0] =	vst v63  }
0x34: {  	_ =	swait.ge [sflag:s14], $0x3E80  }
0x35: {  	[sflag:s14] =	ssyncset.done $0x0  }
0x36: {  	[sflag:s14] =	ssyncadd.s32 $0xFFFFC180  }
0x37: {  	_ =	swait.ge [sflag:s24], $0x3E80  }
0x38: {  	[sflag:s24] =	ssyncset.done $0x0  }
0x39: {  	s7 =	sadd.s32 $0xFFFFF830, s29;
	[sflag:s24] =	ssyncadd.s32 $0xFFFFC180  }
0x3a: {  	[hbm4b:s7+s2] =	stream.linear.scatter [tilespmem:s18], [sflag:$0x5], $0x3E80, $0x38;
	[tilespmem:$0x101E0] =	vst v63  }
0x3b: {  	p0 =	seq.s32 s31, $0xBD0;
	_ =	swait.ge [sflag:s14], $0x3E80  }
0x3c: {  	s0 =	sadd.s32 @!p0 s31, s10;
	[sflag:s14] =	ssyncset.done $0x0  }
0x3d: {  	s1 =	simm.s32 @!p0 $0x0;
	s0 =	sadd.s32 @!p0 $0x7E, s0;
	[sflag:s14] =	ssyncadd.s32 $0xFFFFC180  }
0x3e: {  	[tilespmem:s1], [sflag:$0x5] =	stream.linear.gather @!p0 [hbm4b:s0+s1], $0x1F8, $0x38;
	[tilespmem:$0x101E0] =	vst v63  }
0x3f: {  	s0 =	simm.s32 @!p0 $0x5  }
0x40: {  	_ =	swait.ge @!p0 [sflag:s0], $0x1F8  }
0x41: {  	[sflag:s0] =	ssyncset.done @!p0 $0x0  }
0x42: {  	s5 =	simm.s32 @!p0 $0x1F4;
	s6 =	simm.s32 @!p0 $0x7E0;
	[sflag:s0] =	ssyncadd.s32 @!p0 $0xFFFFFE08  }
0x43: {  	[tilespmem:s6], [sflag:$0x1] =	stream.indirect.gather @!p0 [hbm4b:s3+s5], $0x20, s1, s5, $0xb8;
	[tilespmem:$0x101E0] =	vst v63  }
0x44: {  	s6 =	sadd.s32 @!p0 s31, s11  }
0x45: {  	s7 =	simm.s32 @!p0 $0x3F0;
	s6 =	sadd.s32 @!p0 $0x7E, s6  }
0x46: {  	[tilespmem:s7], [sflag:$0x5] =	stream.linear.gather @!p0 [hbm4b:s6+s1], $0x1F8, $0x38;
	[tilespmem:$0x101E0] =	vst v63  }
0x47: {  	_ =	swait.ge @!p0 [sflag:s0], $0x1F8  }
0x48: {  	[sflag:s0] =	ssyncset.done @!p0 $0x0  }
0x49: {  	[sflag:s0] =	ssyncadd.s32 @!p0 $0xFFFFFE08;
	s0 =	simm.s32 @!p0 $0x84E0  }
0x4a: {  	[tilespmem:s0], [sflag:$0x3] =	stream.indirect.gather @!p0 [hbm4b:s4+s5], $0x20, s7, s5, $0xb8;
	[tilespmem:$0x101E0] =	vst v63  }
0x4b: {  	_ =	swait.ge [sflag:s25], $0x3E80  }
0x4c: {  	[sflag:s25] =	ssyncset.done $0x0  }
0x4d: {  	[sflag:s25] =	ssyncadd.s32 $0xFFFFC180  }
0x4e: {  	[hbm4b:s30+s2] =	stream.linear.scatter [tilespmem:s20], [sflag:$0x5], $0x3E80, $0x38;
	[tilespmem:$0x101E0] =	vst v63  }
0x4f: {  	_ =	swait.ge [sflag:s14], $0x3E80  }
0x50: {  	[sflag:s14] =	ssyncset.done $0x0  }
0x51: {  	[sflag:s14] =	ssyncadd.s32 $0xFFFFC180  }
0x52: {  	_ =	swait.ge [sflag:s26], $0x3E80  }
0x53: {  	[sflag:s26] =	ssyncset.done $0x0  }
.Ltmp2:
0x54: {  	[sflag:s26] =	ssyncadd.s32 $0xFFFFC180;
	(pc) =	sbr.rel @p0 .LBB2_4-.Ltmp2, $4  }
0x55: {  	[hbm4b:s29+s2] =	stream.linear.scatter [tilespmem:s22], [sflag:$0x5], $0x3E80, $0x38;
	[tilespmem:$0x101E0] =	vst v63  }
0x56: {  	_ =	swait.ge [sflag:s14], $0x3E80  }
0x57: {  	[sflag:s14] =	ssyncset.done $0x0  }
0x58: {  	[sflag:s14] =	ssyncadd.s32 $0xFFFFC180  }
0x59: {  	s0 =	sadd.s32 s31, s10  }
0x5a: {  	s0 =	sadd.s32 $0xBD, s0  }
0x5b: {  	[tilespmem:s19], [sflag:$0x5] =	stream.linear.gather [hbm4b:s0+s2], $0x1F8, $0x38;
	[tilespmem:$0x101E0] =	vst v63  }
0x5c: {  	_ =	swait.ge [sflag:s14], $0x1F8  }
0x5d: {  	[sflag:s14] =	ssyncset.done $0x0  }
0x5e: {  	s7 =	sadd.s32 s31, s11;
	[sflag:s14] =	ssyncadd.s32 $0xFFFFFE08  }
0x5f: {  	[tilespmem:s20], [sflag:$0x2] =	stream.indirect.gather [hbm4b:s3+s15], $0x20, s19, s15, $0xb8;
	[tilespmem:$0x101E0] =	vst v63  }
0x60: {  	s0 =	sadd.s32 $0xBD, s7  }
0x61: {  	[tilespmem:s21], [sflag:$0x5] =	stream.linear.gather [hbm4b:s0+s2], $0x1F8, $0x38;
	[tilespmem:$0x101E0] =	vst v63  }
.Ltmp3:
0x62: {  	_ = 	snop;
	(pc) =	sbr.rel .LBB2_2-.Ltmp3, $4  }
0x63: {  	_ =	swait.ge [sflag:s14], $0x1F8  }
0x64: {  	s31 =	sadd.s32 $0x7E, s31;
	[sflag:s14] =	ssyncset.done $0x0  }
0x65: {  	s30 =	sadd.s32 $0xFA0, s30;
	s29 =	sadd.s32 $0xFA0, s29;
	[sflag:s14] =	ssyncadd.s32 $0xFFFFFE08  }
0x66: {  	[tilespmem:s22], [sflag:$0x4] =	stream.indirect.gather [hbm4b:s4+s15], $0x20, s21, s15, $0xb8;
	[tilespmem:$0x101E0] =	vst v63  }
.LBB2_5:
0x67: {  	_ =	sfence.sel $0x180000  }
0x68: {  	[bflag:$0x0] =	sbarrier.arrive $0xFFFF  }
0x69: {  	_ =	strace $0x90000056  }
0x6a: {  	s0 =	stileid.u32;
	[bflag:$0x2] =	sbarrier.arrive $0xFFFF  }
0x6b: {  	p0 =	sne.s32 s0, $0x0;
	s0 =	rddreg [dreg:$0x1]  }
0x6c: {  	s0 =	sadd.s32 @!p0 $0x100000, s0  }
0x6d: {  	[sflag:s0] =	ssyncadd.tile.s32 @!p0 $0x1;
	_ =	shalt  }
.Lfunc_end2:
_tile_overlayer_lowered:
.L_overlay_start_2:
0x6e: {  	(tag) =	ssettag $0x2  }
0x6f: {  	s0 =	rddreg [dreg:$0x0];
	s2 =	stileid.u32  }
0x70: {  	s1 =	rddreg [dreg:$0x1];
	p0 =	sne.s32 s2, $0x0  }
0x71: {  	s3 =	rddreg [dreg:$0x2];
	[bflag:$0x3] =	sbarrier.arrive $0xFFFF;
	s2 =	simm.s32 @!p0 $0x1C05  }
0x72: {  	[timem:s3], [sflag:s2] =	dma.local @!p0 [hbm:s0], s1  }
0x73: {  	s0 =	simm.s32 @!p0 $0x5  }
0x74: {  	_ =	swait.ge @!p0 [sflag:s0], s1  }
0x75: {  	s1 =	ssub.s32 @!p0 $0x0, s1;
	[sflag:s0] =	ssyncset.done @!p0 $0x0  }
0x76: {  	[sflag:s0] =	ssyncadd.s32 @!p0 s1  }
0x77: {  	[bflag:$0x3] =	sbarrier.arrive $0xFFFF  }
0x78: {  	_ =	shalt  }

// kernel: kernel.35.cloned.1.call-start
scs
__scs_entry_jumppad:
0x0: {  	(pc) =	sbr.rel $0x88, $3  }
0x1: {  	(tag) =	ssettag $0x0;
	lr =	simm.s32 $0x1  }
0x2: {  	[smem:$0x3F8C] =	sst lr;
	_ =	strace $0xD0000000  }
0x3: {  	_ = 	snop  }
0x4: {  	_ = 	snop  }
0x5: {  	_ = 	snop  }
0x6: {  	_ = 	snop  }
0x7: {  	_ = 	snop  }
__scs_overlays_trampoline_lowered:
0x8: {  	[smem:$0x3F9B] =	sst s0  }
0x9: {  	[smem:$0x3F9C] =	sst s1  }
0xa: {  	[smem:$0x3F9D] =	sst s2  }
0xb: {  	[smem:$0x3F9E] =	sst s3  }
0xc: {  	[smem:$0x3F9F] =	sst s4  }
0xd: {  	[smem:$0x3FA0] =	sst s5  }
0xe: {  	[smem:$0x3FA1] =	sst s6  }
0xf: {  	[smem:$0x3FA2] =	sst s7  }
0x10: {  	[smem:$0x3FA3] =	sst s8  }
0x11: {  	[smem:$0x3FA4] =	sst s9;
	s0 =	simm.s32 @!p0 $0x0  }
0x12: {  	s1 =	sld [smem:$0x3F8A];
	s0 =	simm.s32 @p0 $0x1  }
0x13: {  	[smem:$0x3FA5] =	sst s0;
	s0 =	simm.s32 @!p1 $0x0  }
0x14: {  	s2 =	sld [smem:$0x3F89];
	s0 =	simm.s32 @p1 $0x1  }
0x15: {  	[smem:$0x3FA6] =	sst s0;
	s0 =	simm.s32 @!p2 $0x0  }
0x16: {  	s3 =	sld [smem:$0x3FDB];
	s0 =	simm.s32 @p2 $0x1  }
0x17: {  	s4 =	simm.s32 $0x1BF5;
	[smem:$0x3FA8] =	sst s0  }
0x18: {  	s0 =	sld [smem:$0x3F8B];
	_ =	swait.ge [sflag:s4], $0x0  }
0x19: {  	s7 =	sld [smem:$0x3F8C]  }
0x1a: {  	s8 =	sadd.s32 $0xFFFFE003, lr  }
0x1b: {  	s9 =	sadd.s32 $0xFFFFFEF7, lr;
	s5 =	simm.s32 $0xFFFFFFFF;
	p2 =	slt.u32 s8, $0xFFFFF086  }
0x1c: {  	p1 =	slt.u32 s9, $0xF7A;
	s5 =	simm.s32 @!p2 $0x0  }
0x1d: {  	s5 =	simm.s32 @p1 $0x1;
	p0 =	seq.s32 s7, s2  }
0x1e: {  	s7 =	smul.u32 @!p0 $0xF7A, s2;
	p2 =	seq.s32 @!p0 s5, $0x0  }
0x1f: {  	s9 =	smul.u32 $0xF7A, s1;
	s8 =	simm.s32 @!p0 $0x1BF5;
	p2 =	por !p2, p0  }
0x20: {  	[sflag:s8] =	ssyncset.s32 @!p0 $0xFFFFF086;
	s6 =	sadd.s32 @!p0 s3, s7;
	s7 =	simm.s32 @!p0 $0x108  }
0x21: {  	s3 =	sadd.s32 s3, s9;
	s6 =	sadd.s32 @!p0 $0x88, s6;
	s7 =	simm.s32 @p2 $0x1082  }
0x22: {  	[simem:s7], [sflag:s8] =	dma.local @!p0 [hbm:s6], $0xF7A  }
0x23: {  	s9 =	sor.u32 $0xD0000000, s2;
	s6 =	simm.s32 $0x108;
	_ =	swait.ge @!p0 [sflag:s8], $0x0  }
0x24: {  	s3 =	sadd.s32 $0x88, s3;
	s6 =	simm.s32 @!p1 $0x1082;
	[sflag:s4] =	ssyncset.s32 $0xFFFFF086  }
0x25: {  	[simem:s6], [sflag:s4] =	dma.local [hbm:s3], $0xF7A  }
0x26: {  	[smem:$0x3F8C] =	sst s1;
	(tag) =	ssettag s2;
	_ =	strace s9  }
0x27: {  	s1 =	sld [smem:$0x3F9C]  }
0x28: {  	s2 =	sld [smem:$0x3F9D]  }
0x29: {  	s4 =	sld [smem:$0x3F9F]  }
0x2a: {  	p0 =	seq.s32 s5, $0x0;
	s5 =	sld [smem:$0x3FA0]  }
0x2b: {  	s6 =	sld [smem:$0x3FA1]  }
0x2c: {  	s7 =	sld [smem:$0x3FA2]  }
0x2d: {  	s3 =	simm.s32 $0x108;
	s8 =	sld [smem:$0x3FA3]  }
0x2e: {  	s3 =	simm.s32 @!p0 $0x1082;
	s9 =	sld [smem:$0x3FA4]  }
0x2f: {  	lr =	sadd.s32 s0, s3;
	s0 =	sld [smem:$0x3F9B]  }
0x30: {  	s3 =	sld [smem:$0x3F9E]  }
0x31: {  	[smem:$0x3FA7] =	sst s10  }
0x32: {  	s10 =	sld [smem:$0x3FA5];
	_ =	sdelay $0x3  }
0x33: {  	p0 =	seq.s32 s10, $0x1;
	s10 =	sld [smem:$0x3FA7];
	_ =	sdelay $0x3  }
0x34: {  	[smem:$0x3FA7] =	sst s10  }
0x35: {  	s10 =	sld [smem:$0x3FA6];
	_ =	sdelay $0x3  }
0x36: {  	p1 =	seq.s32 s10, $0x1;
	s10 =	sld [smem:$0x3FA7];
	_ =	sdelay $0x3  }
0x37: {  	[smem:$0x3FA7] =	sst s10  }
0x38: {  	s10 =	sld [smem:$0x3FA8]  }
0x39: {  	_ = 	snop;
	(pc) =	sbr.ind lr, $3  }
0x3a: {  	_ = 	snop  }
0x3b: {  	_ = 	snop  }
0x3c: {  	p2 =	seq.s32 s10, $0x1;
	s10 =	sld [smem:$0x3FA7]  }
0x3d: {  	_ =	shalt  }
0x3e: {  	_ =	shalt  }
0x3f: {  	_ =	shalt  }
0x40: {  	_ =	shalt  }
0x41: {  	_ =	shalt  }
0x42: {  	_ =	shalt  }
0x43: {  	_ =	shalt  }
0x44: {  	_ =	shalt  }
0x45: {  	_ =	shalt  }
0x46: {  	_ =	shalt  }
0x47: {  	_ =	shalt  }
0x48: {  	_ =	shalt  }
0x49: {  	_ =	shalt  }
0x4a: {  	_ =	shalt  }
0x4b: {  	_ =	shalt  }
0x4c: {  	_ =	shalt  }
0x4d: {  	_ =	shalt  }
0x4e: {  	_ =	shalt  }
0x4f: {  	_ =	shalt  }
0x50: {  	_ =	shalt  }
0x51: {  	_ =	shalt  }
0x52: {  	_ =	shalt  }
0x53: {  	_ =	shalt  }
0x54: {  	_ =	shalt  }
0x55: {  	_ =	shalt  }
0x56: {  	_ =	shalt  }
0x57: {  	_ =	shalt  }
0x58: {  	_ =	shalt  }
0x59: {  	_ =	shalt  }
0x5a: {  	_ =	shalt  }
0x5b: {  	_ =	shalt  }
0x5c: {  	_ =	shalt  }
0x5d: {  	_ =	shalt  }
0x5e: {  	_ =	shalt  }
0x5f: {  	_ =	shalt  }
0x60: {  	_ =	shalt  }
0x61: {  	_ =	shalt  }
0x62: {  	_ =	shalt  }
0x63: {  	_ =	shalt  }
0x64: {  	_ =	shalt  }
0x65: {  	_ =	shalt  }
0x66: {  	_ =	shalt  }
0x67: {  	_ =	shalt  }
0x68: {  	_ =	shalt  }
0x69: {  	_ =	shalt  }
0x6a: {  	_ =	shalt  }
0x6b: {  	_ =	shalt  }
0x6c: {  	_ =	shalt  }
0x6d: {  	_ =	shalt  }
0x6e: {  	_ =	shalt  }
0x6f: {  	_ =	shalt  }
0x70: {  	_ =	shalt  }
0x71: {  	_ =	shalt  }
0x72: {  	_ =	shalt  }
0x73: {  	_ =	shalt  }
0x74: {  	_ =	shalt  }
0x75: {  	_ =	shalt  }
0x76: {  	_ =	shalt  }
0x77: {  	_ =	shalt  }
0x78: {  	_ =	shalt  }
0x79: {  	_ =	shalt  }
0x7a: {  	_ =	shalt  }
0x7b: {  	_ =	shalt  }
0x7c: {  	_ =	shalt  }
0x7d: {  	_ =	shalt  }
0x7e: {  	_ =	shalt  }
0x7f: {  	_ =	shalt  }
0x80: {  	_ =	shalt  }
0x81: {  	_ =	shalt  }
0x82: {  	_ =	shalt  }
0x83: {  	_ =	shalt  }
0x84: {  	_ =	shalt  }
0x85: {  	_ =	shalt  }
0x86: {  	_ =	shalt  }
0x87: {  	_ =	shalt  }
.Lfunc_end0:
.L_simem_size_0:
called_computation.6_lowered:
.L_overlay_start_0:
0x88: {  	s2 =	sld [smem:$0x3FD9]  }
0x89: {  	s3 =	sld [smem:$0x3FFE];
	_ =	sdelay $0x1  }
0x8a: {  	s1 =	srdreg.scid  }
0x8b: {  	s0 =	sand.u32 $0x1, s1  }
0x8c: {  	s16 =	sshll.u32 s0, $0xA;
	s2 =	sadd.s32 s3, s2  }
0x8d: {  	s2 =	sadd.s32 s2, s16  }
0x8e: {  	[smem:$0x3FB3] =	sst s2  }
0x8f: {  	_ = 	snop  }
0x90: {  	(tm) =	ssettm $0x1  }
0x91: {  	s17 =	sld [smem:$0x3FFB];
	_ =	sdelay $0x3  }
0x92: {  	_ =	strace s17  }
0x93: {  	s2 =	sld [smem:$0x3FFC];
	_ =	sdelay $0x3  }
0x94: {  	_ =	strace s2  }
0x95: {  	s2 =	sld [smem:$0x3FFD];
	_ =	sdelay $0x3  }
0x96: {  	_ =	strace s2  }
0x97: {  	_ =	strace $0x8FFFFFFF  }
0x98: {  	s18 =	sld [smem:$0x3FDB];
	_ =	sdelay $0x1  }
0x99: {  	s19 =	simm.s32 $_scs_section_size  }
0x9a: {  	s4 =	simm.s32 $_size__tile_overlayer_lowered;
	s5 =	simm.s32 $_tile_overlayer_lowered  }
0x9b: {  	s22 =	simm.s32 $0x1BFF;
	s21 =	sshll.u32 s5, $0x1;
	s2 =	sadd.s32 s19, s18  }
0x9c: {  	s6 =	simm.s32 $0x0;
	s20 =	sshll.u32 s4, $0x1;
	s4 =	sadd.s32 s21, s2  }
0x9d: {  	[timem:s6], [sflag:s22] =	dma.local [hbm:s4], s20  }
0x9e: {  	_ =	swait.ge [sflag:s22], s20  }
0x9f: {  	s3 =	ssub.s32 $0x0, s20;
	[sflag:s22] =	ssyncset.done $0x0  }
0xa0: {  	[sflag:s22] =	ssyncadd.s32 s3;
	_ =	sdelay $0x1  }
0xa1: {  	s23 =	simm.s32 $0x1B8B  }
0xa2: {  	_ =	swait.ge [sflag:s23], $0x1  }
0xa3: {  	[sflag:s23] =	ssyncset.done $0x0  }
0xa4: {  	s25 =	simm.s32 $0x1B8E;
	s24 =	sld [smem:$0x3FFE];
	[sflag:s23] =	ssyncadd.s32 $0xFFFFFFFF  }
0xa5: {  	s26 =	simm.s32 $execute0_lowered;
	[smem:$0x3FD2] =	sst s25  }
0xa6: {  	s4 =	sshll.u32 s26, $0x1;
	_ =	strace $0x80000058;
	[dreg:$0x1] =	wrdreg $0xFFFFFFFF  }
0xa7: {  	s28 =	simm.s32 $_size_execute0_lowered;
	s2 =	sadd.s32 s2, s4;
	[dreg:$0x0] =	wrdreg $0x0  }
0xa8: {  	s4 =	sshll.u32 s28, $0x1;
	[dreg:$0x2] =	wrdreg s2  }
0xa9: {  	[dreg:$0x3] =	wrdreg s4  }
0xaa: {  	[dreg:$0x4] =	wrdreg $0xC0  }
0xab: {  	_ =	task [dreg:s6], $0x5FFFF  }
0xac: {  	[dreg:$0x1] =	wrdreg $0xFFFFFFFF  }
0xad: {  	[dreg:$0x0] =	wrdreg $0x60  }
0xae: {  	[dreg:$0x2] =	wrdreg s24  }
0xaf: {  	[dreg:$0x3] =	wrdreg $0x40800  }
0xb0: {  	[dreg:$0x4] =	wrdreg $0x9  }
0xb1: {  	_ =	task.clear_ibuf [dreg:s6], $0x5FFFF;
	_ =	strace $0x90000058  }
0xb2: {  	s29 =	simm.s32 $0x9;
	_ =	strace $0x8000005A  }
0xb3: {  	_ =	swait.ge [sflag:s29], $0x1  }
0xb4: {  	[sflag:s29] =	ssyncadd.s32 $0xFFFFFFFF  }
0xb5: {  	_ =	strace $0x9000005A  }
0xb6: {  	_ =	sfence  }
0xb7: {  	s30 =	sld [smem:$0x0];
	_ =	sdelay $0x2  }
0xb8: {  	s31 =	sshll.u32 s1, $0xD;
	s1 =	sshrl.u32 s1, $0x2  }
0xb9: {  	s3 =	sand.u32 $0x4000, s31;
	s1 =	sadd.s32 s1, s30  }
0xba: {  	s0 =	sor.u32 s3, s0;
	s1 =	sshll.u32 s1, $0x11  }
0xbb: {  	s0 =	sor.u32 s1, s0  }
0xbc: {  	s0 =	sadd.s32 $0x8F2B, s0  }
0xbd: {  	[sflag:s0] =	ssyncadd.remote.s32 $0x1  }
0xbe: {  	_ =	sfence.sel $0xFFFF  }
0xbf: {  	[dreg:$0x0] =	wrdreg $0xFFFFFFFF;
	(pc) =	sbr.abs _section_cstart, $3  }
0xc0: {  	[dreg:$0x1] =	wrdreg $0xFFFFFFFF  }
0xc1: {  	_ =	task.clear_ibuf [dreg:s6], $0x2FFFF;
	_ =	strace $0x9FFFFFFF  }
0xc2: {  	(tm) =	ssettm $0x7FFFFFFF  }
0xc3: {  	_ =	shalt  }
tec
execute0_lowered:
.L_overlay_start_1:
0x0: {  	(tag) =	ssettag $0x1  }
0x1: {  	s5 =	rddreg [dreg:$0x0]  }
0x2: {  	s2 =	rddreg [dreg:$0x1]  }
0x3: {  	s0 =	rddreg [dreg:$0x2];
	s3 =	simm.s32 $0x0;
	s1 =	stileid.u32  }
0x4: {  	s4 =	srdreg.scid;
	s19 =	simm.s32 $0x2140;
	s6 =	smul.u32 $0x186A0, s1  }
0x5: {  	s20 =	simm.s32 $0x1;
	s21 =	simm.s32 $0x3;
	s28 =	smul.u32 $0xC8, s1  }
0x6: {  	s22 =	simm.s32 $0xFA;
	s10 =	sand.u32 $0x1, s4;
	s18 =	smul.u32 $0x30D40, s1  }
0x7: {  	s23 =	simm.s32 $0x2;
	[smem:$0x7FF] =	sst s3;
	s7 =	smul.u32 $0x186A00, s10  }
0x8: {  	s11 =	sadd.s32 $0xB7E000, s5;
	s8 =	sshll.u32 s1, $0x1;
	s17 =	smul.u32 $0x64, s10  }
0x9: {  	s12 =	sadd.s32 $0xF4E00, s5;
	s8 =	sor.u32 s10, s8;
	s30 =	smul.u32 $0x186A0, s10  }
0xa: {  	s4 =	sadd.s32 $0xBE00, s5;
	s26 =	sshll.u32 s1, $0x6;
	s13 =	smul.u32 $0x64, s8  }
0xb: {  	_ =	strace $0x80000059;
	s9 =	ssub.s32 $0x2, s10;
	s25 =	smul.u32 $0xC80, s8  }
0xc: {  	s24 =	sshrl.u32 s9, $0x1;
	s8 =	smul.u32 $0x186A0, s8;
	s16 =	sadd.s32 s6, s2  }
0xd: {  	s31 =	sadd.s32 s18, s11;
	s18 =	simm.s32 $0x100;
	s7 =	sadd.s32 s6, s7  }
0xe: {  	s15 =	ssub.s32 s9, s24;
	s17 =	sadd.s32 s17, s28;
	s24 =	simm.s32 $0x4  }
0xf: {  	s7 =	sshrl.u32 s7, $0x3;
	s6 =	sadd.s32 s12, s25;
	s13 =	sor.u32 $0x1, s13  }
0x10: {  	s17 =	sshll.u32 s17, $0x5;
	s25 =	simm.s32 $0x0;
	s14 =	sadd.s32 s7, s5  }
0x11: {  	s5 =	sor.u32 $0x1C05, s26;
	s7 =	sadd.s32 s11, s8;
	s29 =	sshll.u32 s13, $0x5  }
0x12: {  	s13 =	smul.u32 $0x3E8, s13;
	s17 =	sadd.s32 s17, s12;
	s8 =	sadd.s32 s12, s29  }
0x13: {  	s10 =	sadd.s32 $0xF800, s14;
	s12 =	sadd.s32 s30, s31;
	s14 =	sadd.s32 $0x40, s17  }
0x14: {  	s9 =	sadd.s32 s11, s13;
	s11 =	smax.u32 s15, $0x1;
	s13 =	sadd.s32 $0x60, s17  }
0x15: {  	s15 =	sshrl.u32 s16, $0x3;
	s16 =	simm.s32 $0x5;
	s17 =	simm.s32 $0x200  }
.LBB2_1:
0x16: {  	[spmem:s15], [sflag:s5] =	dma.local [hbm:s4], $0x30D4  }
0x17: {  	_ =	swait.ge [sflag:s16], $0x30D4  }
0x18: {  	[sflag:s16] =	ssyncset.done $0x0  }
0x19: {  	[sflag:s16] =	ssyncadd.s32 $0xFFFFCF2C  }
0x1a: {  	[bflag:$0x0] =	sbarrier.arrive $0xFFFF  }
0x1b: {  	[tilespmem:s3], [sflag:$0x1] =	stream.linear.gather [hbm4b:s6+s3], $0x100, $0x38;
	[tilespmem:$0x1C720] =	vst v63  }
0x1c: {  	_ = 	snop  }
0x1d: {  	[tilespmem:s17], [sflag:$0x3] =	stream.linear.gather [hbm4b:s7+s3], $0x1F40, $0x38;
	[tilespmem:$0x1C720] =	vst v63  }
0x1e: {  	_ = 	snop  }
0x1f: {  	[tilespmem:s18], [sflag:$0x2] =	stream.linear.gather [hbm4b:s8+s3], $0x100, $0x38;
	[tilespmem:$0x1C720] =	vst v63  }
0x20: {  	_ = 	snop  }
0x21: {  	[tilespmem:s19], [sflag:$0x4] =	stream.linear.gather [hbm4b:s9+s3], $0x1F40, $0x38;
	[tilespmem:$0x1C720] =	vst v63  }
0x22: {  	_ =	swait.ge [sflag:s20], $0x100  }
0x23: {  	[sflag:s20] =	ssyncset.done $0x0  }
0x24: {  	[sflag:s20] =	ssyncadd.s32 $0xFFFFFF00  }
0x25: {  	_ =	swait.ge [sflag:s21], $0x1F40  }
0x26: {  	[sflag:s21] =	ssyncset.done $0x0  }
0x27: {  	[sflag:s21] =	ssyncadd.s32 $0xFFFFE0C0  }
0x28: {  	[spmem:s2] =	stream.indirect.scatter.add.f32 [tilespmem:s17], [sflag:$0x5], $0x20, s3, s22, $0xb8;
	[tilespmem:$0x1C720] =	vst v63  }
0x29: {  	_ =	swait.ge [sflag:s16], $0x1F40  }
0x2a: {  	[sflag:s16] =	ssyncset.done $0x0  }
0x2b: {  	s28 =	sadd.s32 $0x0, s12;
	[sflag:s16] =	ssyncadd.s32 $0xFFFFE0C0  }
0x2c: {  	[tilespmem:s3], [sflag:$0x1] =	stream.linear.gather [hbm4b:s14+s3], $0x100, $0x38;
	[tilespmem:$0x1C720] =	vst v63  }
0x2d: {  	s26 =	sadd.s32 $0x7D0, s28  }
0x2e: {  	[tilespmem:s17], [sflag:$0x3] =	stream.linear.gather [hbm4b:s26+s3], $0x1F40, $0x38;
	[tilespmem:$0x1C720] =	vst v63  }
0x2f: {  	_ =	swait.ge [sflag:s23], $0x100  }
0x30: {  	[sflag:s23] =	ssyncset.done $0x0  }
0x31: {  	[sflag:s23] =	ssyncadd.s32 $0xFFFFFF00  }
0x32: {  	_ =	swait.ge [sflag:s24], $0x1F40  }
0x33: {  	[sflag:s24] =	ssyncset.done $0x0  }
0x34: {  	[sflag:s24] =	ssyncadd.s32 $0xFFFFE0C0  }
0x35: {  	[spmem:s2] =	stream.indirect.scatter.add.f32 [tilespmem:s19], [sflag:$0x5], $0x20, s18, s22, $0xb8;
	[tilespmem:$0x1C720] =	vst v63  }
0x36: {  	_ =	swait.ge [sflag:s16], $0x1F40  }
0x37: {  	s29 =	sadd.s32 $0x40, s14;
	s30 =	sadd.s32 $0xBB8, s28;
	[sflag:s16] =	ssyncset.done $0x0  }
0x38: {  	s28 =	sadd.s32 $0x40, s13;
	s26 =	simm.s32 $0x7D0;
	[sflag:s16] =	ssyncadd.s32 $0xFFFFE0C0  }
0x39: {  	[tilespmem:s18], [sflag:$0x2] =	stream.linear.gather [hbm4b:s13+s3], $0x100, $0x38;
	[tilespmem:$0x1C720] =	vst v63  }
.LBB2_2:
0x3a: {  	[tilespmem:s19], [sflag:$0x4] =	stream.linear.gather [hbm4b:s30+s3], $0x1F40, $0x38;
	[tilespmem:$0x1C720] =	vst v63  }
0x3b: {  	s30 =	smov.u32 s26  }
0x3c: {  	p0 =	sne.s32 s26, $0x17700;
	s26 =	sadd.s32 $0x7D0, s26;
	_ =	swait.ge [sflag:s20], $0x100  }
0x3d: {  	[sflag:s20] =	ssyncset.done $0x0  }
0x3e: {  	[sflag:s20] =	ssyncadd.s32 $0xFFFFFF00  }
0x3f: {  	_ =	swait.ge [sflag:s21], $0x1F40  }
0x40: {  	[sflag:s21] =	ssyncset.done $0x0  }
0x41: {  	[sflag:s21] =	ssyncadd.s32 $0xFFFFE0C0  }
0x42: {  	[spmem:s2] =	stream.indirect.scatter.add.f32 [tilespmem:s17], [sflag:$0x5], $0x20, s3, s22, $0xb8;
	[tilespmem:$0x1C720] =	vst v63  }
0x43: {  	_ =	swait.ge [sflag:s16], $0x1F40  }
0x44: {  	[sflag:s16] =	ssyncset.done $0x0  }
0x45: {  	s30 =	sadd.s32 s30, s12;
	[sflag:s16] =	ssyncadd.s32 $0xFFFFE0C0  }
0x46: {  	[tilespmem:s3], [sflag:$0x1] =	stream.linear.gather [hbm4b:s29+s3], $0x100, $0x38;
	[tilespmem:$0x1C720] =	vst v63  }
0x47: {  	s31 =	sadd.s32 $0x7D0, s30  }
0x48: {  	[tilespmem:s17], [sflag:$0x3] =	stream.linear.gather [hbm4b:s31+s3], $0x1F40, $0x38;
	[tilespmem:$0x1C720] =	vst v63  }
0x49: {  	_ =	swait.ge [sflag:s23], $0x100  }
0x4a: {  	[sflag:s23] =	ssyncset.done $0x0  }
0x4b: {  	[sflag:s23] =	ssyncadd.s32 $0xFFFFFF00  }
0x4c: {  	_ =	swait.ge [sflag:s24], $0x1F40  }
0x4d: {  	[sflag:s24] =	ssyncset.done $0x0  }
0x4e: {  	[sflag:s24] =	ssyncadd.s32 $0xFFFFE0C0  }
0x4f: {  	[spmem:s2] =	stream.indirect.scatter.add.f32 [tilespmem:s19], [sflag:$0x5], $0x20, s18, s22, $0xb8;
	[tilespmem:$0x1C720] =	vst v63  }
.Ltmp0:
0x50: {  	_ =	swait.ge [sflag:s16], $0x1F40;
	(pc) =	sbr.rel @p0 .LBB2_2-.Ltmp0, $4  }
0x51: {  	[sflag:s16] =	ssyncset.done $0x0  }
0x52: {  	[sflag:s16] =	ssyncadd.s32 $0xFFFFE0C0  }
0x53: {  	[tilespmem:s18], [sflag:$0x2] =	stream.linear.gather [hbm4b:s28+s3], $0x100, $0x38;
	[tilespmem:$0x1C720] =	vst v63  }
0x54: {  	s30 =	sadd.s32 $0xBB8, s30;
	s29 =	sadd.s32 $0x40, s29;
	s28 =	sadd.s32 $0x40, s28  }
0x55: {  	[tilespmem:s19], [sflag:$0x4] =	stream.linear.gather [hbm4b:s30+s3], $0x1F40, $0x38;
	[tilespmem:$0x1C720] =	vst v63  }
0x56: {  	_ =	swait.ge [sflag:s20], $0x100  }
0x57: {  	[sflag:s20] =	ssyncset.done $0x0  }
0x58: {  	[sflag:s20] =	ssyncadd.s32 $0xFFFFFF00  }
0x59: {  	_ =	swait.ge [sflag:s21], $0x1F40  }
0x5a: {  	[sflag:s21] =	ssyncset.done $0x0  }
0x5b: {  	[sflag:s21] =	ssyncadd.s32 $0xFFFFE0C0  }
0x5c: {  	[spmem:s2] =	stream.indirect.scatter.add.f32 [tilespmem:s17], [sflag:$0x5], $0x20, s3, s22, $0xb8;
	[tilespmem:$0x1C720] =	vst v63  }
0x5d: {  	_ =	swait.ge [sflag:s16], $0x1F40  }
0x5e: {  	[sflag:s16] =	ssyncset.done $0x0  }
0x5f: {  	[sflag:s16] =	ssyncadd.s32 $0xFFFFE0C0  }
0x60: {  	_ =	swait.ge [sflag:s23], $0x100  }
0x61: {  	[sflag:s23] =	ssyncset.done $0x0  }
0x62: {  	[sflag:s23] =	ssyncadd.s32 $0xFFFFFF00  }
0x63: {  	_ =	swait.ge [sflag:s24], $0x1F40  }
0x64: {  	[sflag:s24] =	ssyncset.done $0x0  }
0x65: {  	[sflag:s24] =	ssyncadd.s32 $0xFFFFE0C0  }
0x66: {  	[spmem:s2] =	stream.indirect.scatter.add.f32 [tilespmem:s19], [sflag:$0x5], $0x20, s18, s22, $0xb8;
	[tilespmem:$0x1C720] =	vst v63  }
0x67: {  	_ =	swait.ge [sflag:s16], $0x1F40  }
0x68: {  	s25 =	sadd.s32 $0x1, s25;
	[sflag:s16] =	ssyncset.done $0x0  }
0x69: {  	p0 =	sne.s32 s25, s11;
	[sflag:s16] =	ssyncadd.s32 $0xFFFFE0C0  }
.Ltmp1:
0x6a: {  	[bflag:$0x0] =	sbarrier.arrive $0xFFFF;
	(pc) =	sbr.rel @p0 .LBB2_1-.Ltmp1, $4  }
0x6b: {  	[hbm:s10], [sflag:s5] =	dma.local [spmem:s15], $0x30D4  }
0x6c: {  	_ =	swait.ge [sflag:s16], $0x30D4  }
0x6d: {  	[sflag:s16] =	ssyncset.done $0x0  }
0x6e: {  	[sflag:s16] =	ssyncadd.s32 $0xFFFFCF2C  }
0x6f: {  	_ =	sfence.sel $0x180000  }
0x70: {  	[bflag:$0x0] =	sbarrier.arrive $0xFFFF  }
0x71: {  	p0 =	sne.s32 s1, $0x0;
	_ =	strace $0x90000059  }
0x72: {  	s0 =	sadd.s32 @!p0 $0x100000, s0;
	[bflag:$0x2] =	sbarrier.arrive $0xFFFF  }
0x73: {  	[sflag:s0] =	ssyncadd.tile.s32 @!p0 $0x1;
	_ =	shalt  }
.Lfunc_end2:
_tile_overlayer_lowered:
.L_overlay_start_2:
0x74: {  	(tag) =	ssettag $0x2  }
0x75: {  	s0 =	rddreg [dreg:$0x0];
	s2 =	stileid.u32  }
0x76: {  	s1 =	rddreg [dreg:$0x1];
	p0 =	sne.s32 s2, $0x0  }
0x77: {  	s3 =	rddreg [dreg:$0x2];
	[bflag:$0x3] =	sbarrier.arrive $0xFFFF;
	s2 =	simm.s32 @!p0 $0x1C05  }
0x78: {  	[timem:s3], [sflag:s2] =	dma.local @!p0 [hbm:s0], s1  }
0x79: {  	s0 =	simm.s32 @!p0 $0x5  }
0x7a: {  	_ =	swait.ge @!p0 [sflag:s0], s1  }
0x7b: {  	s1 =	ssub.s32 @!p0 $0x0, s1;
	[sflag:s0] =	ssyncset.done @!p0 $0x0  }
0x7c: {  	[sflag:s0] =	ssyncadd.s32 @!p0 s1  }
0x7d: {  	[bflag:$0x3] =	sbarrier.arrive $0xFFFF  }
0x7e: {  	_ =	shalt  }

</sc_bundles>
